<compile_context>
chip_gen: v7x
topology: tpu7x:2x2x1
jax: 0.10.2.dev20260603
libtpu: 0.0.44.dev20260713+nightly
codegen_flags: <defaults>
</compile_context>

<pallas_src>
import functools

import jax
import jax.numpy as jnp
from jax import lax
from jax.experimental import pallas as pl
from jax.experimental.pallas import tpu as pltpu
from jax.experimental.pallas import tpu_sc as plsc

_NW = 32
_CHUNKS = 16
_CW = 128
_PER_W = _CHUNKS * _CW


def _sc_body(flat_hbm, fidx_hbm, msk_hbm, tgt_hbm, out_hbm,
             idx_v, val_v, msk_v, tgt_v, acc_v, sem):
    wid = lax.axis_index("s") * 2 + lax.axis_index("c")

    pltpu.sync_copy(fidx_hbm.at[wid], idx_v)
    pltpu.sync_copy(msk_hbm.at[wid], msk_v)
    pltpu.sync_copy(tgt_hbm.at[wid], tgt_v)

    copies = [
        pltpu.async_copy(flat_hbm.at[idx_v.at[j]], val_v.at[j], sem)
        for j in range(_CHUNKS)
    ]
    for c in copies:
        c.wait()

    accd = jnp.zeros((16,), jnp.float32)
    accm = jnp.zeros((16,), jnp.float32)
    for j in range(_CHUNKS):
        for l in range(_CW // 16):
            v = val_v[j, pl.ds(l * 16, 16)]
            t = tgt_v[j, pl.ds(l * 16, 16)]
            m = msk_v[j, pl.ds(l * 16, 16)]
            accd += jnp.abs(v - t) * m
            accm += m
    acc_v[0, :] = accd
    acc_v[1, :] = accm
    pltpu.sync_copy(acc_v, out_hbm.at[wid])


@jax.jit
def _run(flat, fidx, mskr, tgtr):
    mesh = plsc.VectorSubcoreMesh(core_axis_name="c", subcore_axis_name="s")
    k = pl.kernel(
        _sc_body,
        mesh=mesh,
        out_type=jax.ShapeDtypeStruct((_NW, 2, 16), jnp.float32),
        scratch_types=[
            pltpu.VMEM((_CHUNKS, _CW), jnp.int32),
            pltpu.VMEM((_CHUNKS, _CW), jnp.float32),
            pltpu.VMEM((_CHUNKS, _CW), jnp.float32),
            pltpu.VMEM((_CHUNKS, _CW), jnp.float32),
            pltpu.VMEM((2, 16), jnp.float32),
            pltpu.SemaphoreType.DMA,
        ],
    )
    return k(flat, fidx, mskr, tgtr)


def kernel(output, mask, index, target):
    B, C, H, W = output.shape
    HW = H * W
    K = index.shape[1]
    KP = 512

    flat = (output.reshape(B, C, H // 8, 8, W // 128, 128)
            .transpose(0, 1, 2, 4, 3, 5)
            .reshape(B * C * HW))

    idx_p = jnp.pad(index, ((0, 0), (0, KP - K)))
    msk_p = jnp.pad(mask, ((0, 0), (0, KP - K))).astype(jnp.float32)
    tgt_p = jnp.pad(target, ((0, 0), (0, KP - K), (0, 0)))

    scram = ((idx_p & -2048) | ((idx_p & 128) << 3)
             | ((idx_p & 1792) >> 1) | (idx_p & 127))

    base = (jnp.arange(B, dtype=jnp.int32) * (C * HW))[:, None]
    f0 = scram + base
    fidx = jnp.stack([f0, f0 + HW], axis=-1)
    msk2 = jnp.broadcast_to(msk_p[:, :, None], (B, KP, C))

    fidx = fidx.reshape(_NW, _CHUNKS, _CW)
    mskr = msk2.reshape(_NW, _CHUNKS, _CW)
    tgtr = tgt_p.reshape(_NW, _CHUNKS, _CW)

    out = _run(flat, fidx, mskr, tgtr)
    num = out[:, 0, :].sum()
    den = out[:, 1, :].sum()
    return num / (den + 0.0001)

# --- scband reference (transcript-rebuilt; emitter-appended) ---
"""Pipeline reference for scband-reg-l1-loss-11982958756172 (READ-ONLY COPY).

The authoritative reference and input builder live on the scoring server;
editing this copy changes nothing except your own understanding.
"""

import jax, jax.numpy as jnp
import numpy as np


def setup_inputs(seed: int = 0) -> dict:
    key = jax.random.key(seed)
    k1, k2, k3, k4 = jax.random.split(key, 4)
    output = jax.random.normal(k1, (64, 2, 256, 256), dtype=jnp.float32)
    mask = jax.random.randint(k2, (64, 500), 0, 2, dtype=jnp.int32)
    index = jax.random.randint(k3, (64, 500), 0, 65536, dtype=jnp.int32)
    target = jax.random.normal(k4, (64, 500, 2), dtype=jnp.float32)
    return {"output": output, "mask": mask, "index": index, "target": target}


def gather_feature(fmap, index):
    # fmap: [B, HW, C]; index: [B, K] -> pred: [B, K, C]
    idx = index[:, :, None]  # [B, K, 1], broadcast over channel dim
    return jnp.take_along_axis(fmap, idx, axis=1)


def reference(output, mask, index, target):
    B, C, H, W = output.shape
    # use_transform=True: view(B, C, H*W) then permute(0, 2, 1) -> [B, HW, C]
    fmap = jnp.transpose(output.reshape(B, C, H * W), (0, 2, 1))
    pred = gather_feature(fmap, index)  # [B, K, C]
    m = jnp.broadcast_to(mask[:, :, None].astype(jnp.float32), pred.shape)  # [B, K, C]
    loss = jnp.sum(jnp.abs(pred * m - target * m))
    loss = loss / (jnp.sum(m) + 0.0001)
    return loss

if __name__ == "__main__":
    import jax
    _d = setup_inputs()
    print(jax.jit(kernel)(*tuple(_d.values())))

</pallas_src>

<mosaic_0001>
#map = affine_map<(d0, d1) -> (0)>
#map1 = affine_map<(d0, d1) -> (0, 0, 0)>
module attributes {stable_mosaic.version = 14 : i64} {
  func.func @_sc_body(%arg0: i32, %arg1: i32, %arg2: memref<8388608xf32, #tpu.memory_space<hbm>>, %arg3: memref<32x16x128xi32, #tpu.memory_space<hbm>>, %arg4: memref<32x16x128xf32, #tpu.memory_space<hbm>>, %arg5: memref<32x16x128xf32, #tpu.memory_space<hbm>>, %arg6: memref<32x2x16xf32, #tpu.memory_space<hbm>>, %arg7: memref<16x128xi32, #tpu.memory_space<vmem>>, %arg8: memref<16x128xf32, #tpu.memory_space<vmem>>, %arg9: memref<16x128xf32, #tpu.memory_space<vmem>>, %arg10: memref<16x128xf32, #tpu.memory_space<vmem>>, %arg11: memref<2x16xf32, #tpu.memory_space<vmem>>, %arg12: memref<!tpu.dma_semaphore, #tpu.memory_space<semaphore_mem>>) attributes {dimension_semantics = [#tpu.dimension_semantics<core_parallel>, #tpu.dimension_semantics<subcore_parallel>], iteration_bounds = array<i64: 2, 16>, scalar_prefetch = 0 : i64, scratch_operands = 6 : i64, tpu.core_type = #tpu.core_type<sc_vector_subcore>, window_params = [{transform_indices = #map}, {transform_indices = #map1}, {transform_indices = #map1}, {transform_indices = #map1}, {transform_indices = #map1}]} {
    %mul3A = arith.constant 2 : i32
    %mul3A_0 = arith.muli %arg1, %mul3A : i32
    %add3A = arith.addi %mul3A_0, %arg0 : i32
    "tpu.region"() ({
      %run_scoped3A = tpu.sem_alloc : memref<!tpu.dma_semaphore, #tpu.memory_space<semaphore_mem>>
      %dma_start3A_2890 = arith.constant 0 : i32
      %dma_start3A_2891 = arith.constant 0 : i32
      %dma_start3A_2892 = tpu.memref_slice %arg3[%add3A, %dma_start3A_2890, %dma_start3A_2891] : memref<32x16x128xi32, #tpu.memory_space<hbm>> -> memref<1x16x128xi32, #tpu.memory_space<hbm>>
      %dma_start3A_2893 = tpu.memref_squeeze %dma_start3A_2892 : memref<1x16x128xi32, #tpu.memory_space<hbm>> -> memref<16x128xi32, #tpu.memory_space<hbm>>
      %dma_start3A_2894 = arith.constant 0 : i32
      %dma_start3A_2895 = arith.constant 0 : i32
      %dma_start3A_2896 = tpu.memref_slice %arg3[%add3A, %dma_start3A_2894, %dma_start3A_2895] : memref<32x16x128xi32, #tpu.memory_space<hbm>> -> memref<1x16x128xi32, #tpu.memory_space<hbm>>
      %dma_start3A_2897 = tpu.memref_squeeze %dma_start3A_2896 : memref<1x16x128xi32, #tpu.memory_space<hbm>> -> memref<16x128xi32, #tpu.memory_space<hbm>>
      tpu.enqueue_dma source(%dma_start3A_2897 : memref<16x128xi32, #tpu.memory_space<hbm>>) target(%arg7 : memref<16x128xi32, #tpu.memory_space<vmem>>) target_semaphore(%run_scoped3A : memref<!tpu.dma_semaphore, #tpu.memory_space<semaphore_mem>>)
      %dma_wait3A_2898 = arith.constant 0 : i32
      %dma_wait3A_2899 = arith.constant 0 : i32
      %dma_wait3A_2900 = tpu.memref_slice %arg3[%add3A, %dma_wait3A_2898, %dma_wait3A_2899] : memref<32x16x128xi32, #tpu.memory_space<hbm>> -> memref<1x16x128xi32, #tpu.memory_space<hbm>>
      %dma_wait3A_2901 = tpu.memref_squeeze %dma_wait3A_2900 : memref<1x16x128xi32, #tpu.memory_space<hbm>> -> memref<16x128xi32, #tpu.memory_space<hbm>>
      %dma_wait3A_2902 = arith.constant 0 : i32
      %dma_wait3A_2903 = arith.constant 0 : i32
      %dma_wait3A_2904 = tpu.memref_slice %arg3[%add3A, %dma_wait3A_2902, %dma_wait3A_2903] : memref<32x16x128xi32, #tpu.memory_space<hbm>> -> memref<1x16x128xi32, #tpu.memory_space<hbm>>
      %dma_wait3A_2905 = tpu.memref_squeeze %dma_wait3A_2904 : memref<1x16x128xi32, #tpu.memory_space<hbm>> -> memref<16x128xi32, #tpu.memory_space<hbm>>
      tpu.wait_dma2 semaphore(%run_scoped3A : memref<!tpu.dma_semaphore, #tpu.memory_space<semaphore_mem>>) src(%dma_wait3A_2905 : memref<16x128xi32, #tpu.memory_space<hbm>>) dst(%arg7 : memref<16x128xi32, #tpu.memory_space<vmem>>)
      tpu.yield
    }) : () -> ()
    "tpu.region"() ({
      %run_scoped3A = tpu.sem_alloc : memref<!tpu.dma_semaphore, #tpu.memory_space<semaphore_mem>>
      %dma_start3A_2890 = arith.constant 0 : i32
      %dma_start3A_2891 = arith.constant 0 : i32
      %dma_start3A_2892 = tpu.memref_slice %arg4[%add3A, %dma_start3A_2890, %dma_start3A_2891] : memref<32x16x128xf32, #tpu.memory_space<hbm>> -> memref<1x16x128xf32, #tpu.memory_space<hbm>>
      %dma_start3A_2893 = tpu.memref_squeeze %dma_start3A_2892 : memref<1x16x128xf32, #tpu.memory_space<hbm>> -> memref<16x128xf32, #tpu.memory_space<hbm>>
      %dma_start3A_2894 = arith.constant 0 : i32
      %dma_start3A_2895 = arith.constant 0 : i32
      %dma_start3A_2896 = tpu.memref_slice %arg4[%add3A, %dma_start3A_2894, %dma_start3A_2895] : memref<32x16x128xf32, #tpu.memory_space<hbm>> -> memref<1x16x128xf32, #tpu.memory_space<hbm>>
      %dma_start3A_2897 = tpu.memref_squeeze %dma_start3A_2896 : memref<1x16x128xf32, #tpu.memory_space<hbm>> -> memref<16x128xf32, #tpu.memory_space<hbm>>
      tpu.enqueue_dma source(%dma_start3A_2897 : memref<16x128xf32, #tpu.memory_space<hbm>>) target(%arg9 : memref<16x128xf32, #tpu.memory_space<vmem>>) target_semaphore(%run_scoped3A : memref<!tpu.dma_semaphore, #tpu.memory_space<semaphore_mem>>)
      %dma_wait3A_2898 = arith.constant 0 : i32
      %dma_wait3A_2899 = arith.constant 0 : i32
      %dma_wait3A_2900 = tpu.memref_slice %arg4[%add3A, %dma_wait3A_2898, %dma_wait3A_2899] : memref<32x16x128xf32, #tpu.memory_space<hbm>> -> memref<1x16x128xf32, #tpu.memory_space<hbm>>
      %dma_wait3A_2901 = tpu.memref_squeeze %dma_wait3A_2900 : memref<1x16x128xf32, #tpu.memory_space<hbm>> -> memref<16x128xf32, #tpu.memory_space<hbm>>
      %dma_wait3A_2902 = arith.constant 0 : i32
      %dma_wait3A_2903 = arith.constant 0 : i32
      %dma_wait3A_2904 = tpu.memref_slice %arg4[%add3A, %dma_wait3A_2902, %dma_wait3A_2903] : memref<32x16x128xf32, #tpu.memory_space<hbm>> -> memref<1x16x128xf32, #tpu.memory_space<hbm>>
      %dma_wait3A_2905 = tpu.memref_squeeze %dma_wait3A_2904 : memref<1x16x128xf32, #tpu.memory_space<hbm>> -> memref<16x128xf32, #tpu.memory_space<hbm>>
      tpu.wait_dma2 semaphore(%run_scoped3A : memref<!tpu.dma_semaphore, #tpu.memory_space<semaphore_mem>>) src(%dma_wait3A_2905 : memref<16x128xf32, #tpu.memory_space<hbm>>) dst(%arg9 : memref<16x128xf32, #tpu.memory_space<vmem>>)
      tpu.yield
    }) : () -> ()
    "tpu.region"() ({
      %run_scoped3A = tpu.sem_alloc : memref<!tpu.dma_semaphore, #tpu.memory_space<semaphore_mem>>
      %dma_start3A_2890 = arith.constant 0 : i32
      %dma_start3A_2891 = arith.constant 0 : i32
      %dma_start3A_2892 = tpu.memref_slice %arg5[%add3A, %dma_start3A_2890, %dma_start3A_2891] : memref<32x16x128xf32, #tpu.memory_space<hbm>> -> memref<1x16x128xf32, #tpu.memory_space<hbm>>
      %dma_start3A_2893 = tpu.memref_squeeze %dma_start3A_2892 : memref<1x16x128xf32, #tpu.memory_space<hbm>> -> memref<16x128xf32, #tpu.memory_space<hbm>>
      %dma_start3A_2894 = arith.constant 0 : i32
      %dma_start3A_2895 = arith.constant 0 : i32
      %dma_start3A_2896 = tpu.memref_slice %arg5[%add3A, %dma_start3A_2894, %dma_start3A_2895] : memref<32x16x128xf32, #tpu.memory_space<hbm>> -> memref<1x16x128xf32, #tpu.memory_space<hbm>>
      %dma_start3A_2897 = tpu.memref_squeeze %dma_start3A_2896 : memref<1x16x128xf32, #tpu.memory_space<hbm>> -> memref<16x128xf32, #tpu.memory_space<hbm>>
      tpu.enqueue_dma source(%dma_start3A_2897 : memref<16x128xf32, #tpu.memory_space<hbm>>) target(%arg10 : memref<16x128xf32, #tpu.memory_space<vmem>>) target_semaphore(%run_scoped3A : memref<!tpu.dma_semaphore, #tpu.memory_space<semaphore_mem>>)
      %dma_wait3A_2898 = arith.constant 0 : i32
      %dma_wait3A_2899 = arith.constant 0 : i32
      %dma_wait3A_2900 = tpu.memref_slice %arg5[%add3A, %dma_wait3A_2898, %dma_wait3A_2899] : memref<32x16x128xf32, #tpu.memory_space<hbm>> -> memref<1x16x128xf32, #tpu.memory_space<hbm>>
      %dma_wait3A_2901 = tpu.memref_squeeze %dma_wait3A_2900 : memref<1x16x128xf32, #tpu.memory_space<hbm>> -> memref<16x128xf32, #tpu.memory_space<hbm>>
      %dma_wait3A_2902 = arith.constant 0 : i32
      %dma_wait3A_2903 = arith.constant 0 : i32
      %dma_wait3A_2904 = tpu.memref_slice %arg5[%add3A, %dma_wait3A_2902, %dma_wait3A_2903] : memref<32x16x128xf32, #tpu.memory_space<hbm>> -> memref<1x16x128xf32, #tpu.memory_space<hbm>>
      %dma_wait3A_2905 = tpu.memref_squeeze %dma_wait3A_2904 : memref<1x16x128xf32, #tpu.memory_space<hbm>> -> memref<16x128xf32, #tpu.memory_space<hbm>>
      tpu.wait_dma2 semaphore(%run_scoped3A : memref<!tpu.dma_semaphore, #tpu.memory_space<semaphore_mem>>) src(%dma_wait3A_2905 : memref<16x128xf32, #tpu.memory_space<hbm>>) dst(%arg10 : memref<16x128xf32, #tpu.memory_space<vmem>>)
      tpu.yield
    }) : () -> ()
    %dma_start3A = arith.constant 0 : i32
    %dma_start3A_1 = arith.constant 0 : i32
    %dma_start3A_2 = arith.constant 0 : i32
    %dma_start3A_3 = tpu.memref_slice %arg8[%dma_start3A_1, %dma_start3A_2] : memref<16x128xf32, #tpu.memory_space<vmem>> -> memref<1x128xf32, #tpu.memory_space<vmem>>
    %dma_start3A_4 = tpu.memref_squeeze %dma_start3A_3 : memref<1x128xf32, #tpu.memory_space<vmem>> -> memref<128xf32, #tpu.memory_space<vmem>>
    %dma_start3A_5 = arith.constant 0 : i32
    %dma_start3A_6 = tpu.memref_slice %arg7[%dma_start3A, %dma_start3A_5] : memref<16x128xi32, #tpu.memory_space<vmem>> -> memref<1x128xi32, #tpu.memory_space<vmem>>
    %dma_start3A_7 = tpu.memref_squeeze %dma_start3A_6 : memref<1x128xi32, #tpu.memory_space<vmem>> -> memref<128xi32, #tpu.memory_space<vmem>>
    %dma_start3A_8 = arith.constant 0 : i32
    %dma_start3A_9 = tpu.memref_slice %arg2[%dma_start3A_8] : memref<8388608xf32, #tpu.memory_space<hbm>> -> memref<8388608xf32, #tpu.memory_space<hbm>>
    tpu.enqueue_indirect_dma source(%dma_start3A_9 : memref<8388608xf32, #tpu.memory_space<hbm>>) target(%dma_start3A_4 : memref<128xf32, #tpu.memory_space<vmem>>) offsets(%dma_start3A_7 : memref<128xi32, #tpu.memory_space<vmem>>) semaphore(%arg12 : memref<!tpu.dma_semaphore, #tpu.memory_space<semaphore_mem>>)
    %dma_start3A_10 = arith.constant 1 : i32
    %dma_start3A_11 = arith.constant 1 : i32
    %dma_start3A_12 = arith.constant 0 : i32
    %dma_start3A_13 = tpu.memref_slice %arg8[%dma_start3A_11, %dma_start3A_12] : memref<16x128xf32, #tpu.memory_space<vmem>> -> memref<1x128xf32, #tpu.memory_space<vmem>>
    %dma_start3A_14 = tpu.memref_squeeze %dma_start3A_13 : memref<1x128xf32, #tpu.memory_space<vmem>> -> memref<128xf32, #tpu.memory_space<vmem>>
    %dma_start3A_15 = arith.constant 0 : i32
    %dma_start3A_16 = tpu.memref_slice %arg7[%dma_start3A_10, %dma_start3A_15] : memref<16x128xi32, #tpu.memory_space<vmem>> -> memref<1x128xi32, #tpu.memory_space<vmem>>
    %dma_start3A_17 = tpu.memref_squeeze %dma_start3A_16 : memref<1x128xi32, #tpu.memory_space<vmem>> -> memref<128xi32, #tpu.memory_space<vmem>>
    %dma_start3A_18 = arith.constant 0 : i32
    %dma_start3A_19 = tpu.memref_slice %arg2[%dma_start3A_18] : memref<8388608xf32, #tpu.memory_space<hbm>> -> memref<8388608xf32, #tpu.memory_space<hbm>>
    tpu.enqueue_indirect_dma source(%dma_start3A_19 : memref<8388608xf32, #tpu.memory_space<hbm>>) target(%dma_start3A_14 : memref<128xf32, #tpu.memory_space<vmem>>) offsets(%dma_start3A_17 : memref<128xi32, #tpu.memory_space<vmem>>) semaphore(%arg12 : memref<!tpu.dma_semaphore, #tpu.memory_space<semaphore_mem>>)
    %dma_start3A_20 = arith.constant 2 : i32
    %dma_start3A_21 = arith.constant 2 : i32
    %dma_start3A_22 = arith.constant 0 : i32
    %dma_start3A_23 = tpu.memref_slice %arg8[%dma_start3A_21, %dma_start3A_22] : memref<16x128xf32, #tpu.memory_space<vmem>> -> memref<1x128xf32, #tpu.memory_space<vmem>>
    %dma_start3A_24 = tpu.memref_squeeze %dma_start3A_23 : memref<1x128xf32, #tpu.memory_space<vmem>> -> memref<128xf32, #tpu.memory_space<vmem>>
    %dma_start3A_25 = arith.constant 0 : i32
    %dma_start3A_26 = tpu.memref_slice %arg7[%dma_start3A_20, %dma_start3A_25] : memref<16x128xi32, #tpu.memory_space<vmem>> -> memref<1x128xi32, #tpu.memory_space<vmem>>
    %dma_start3A_27 = tpu.memref_squeeze %dma_start3A_26 : memref<1x128xi32, #tpu.memory_space<vmem>> -> memref<128xi32, #tpu.memory_space<vmem>>
    %dma_start3A_28 = arith.constant 0 : i32
    %dma_start3A_29 = tpu.memref_slice %arg2[%dma_start3A_28] : memref<8388608xf32, #tpu.memory_space<hbm>> -> memref<8388608xf32, #tpu.memory_space<hbm>>
    tpu.enqueue_indirect_dma source(%dma_start3A_29 : memref<8388608xf32, #tpu.memory_space<hbm>>) target(%dma_start3A_24 : memref<128xf32, #tpu.memory_space<vmem>>) offsets(%dma_start3A_27 : memref<128xi32, #tpu.memory_space<vmem>>) semaphore(%arg12 : memref<!tpu.dma_semaphore, #tpu.memory_space<semaphore_mem>>)
    %dma_start3A_30 = arith.constant 3 : i32
    %dma_start3A_31 = arith.constant 3 : i32
    %dma_start3A_32 = arith.constant 0 : i32
    %dma_start3A_33 = tpu.memref_slice %arg8[%dma_start3A_31, %dma_start3A_32] : memref<16x128xf32, #tpu.memory_space<vmem>> -> memref<1x128xf32, #tpu.memory_space<vmem>>
    %dma_start3A_34 = tpu.memref_squeeze %dma_start3A_33 : memref<1x128xf32, #tpu.memory_space<vmem>> -> memref<128xf32, #tpu.memory_space<vmem>>
    %dma_start3A_35 = arith.constant 0 : i32
    %dma_start3A_36 = tpu.memref_slice %arg7[%dma_start3A_30, %dma_start3A_35] : memref<16x128xi32, #tpu.memory_space<vmem>> -> memref<1x128xi32, #tpu.memory_space<vmem>>
    %dma_start3A_37 = tpu.memref_squeeze %dma_start3A_36 : memref<1x128xi32, #tpu.memory_space<vmem>> -> memref<128xi32, #tpu.memory_space<vmem>>
    %dma_start3A_38 = arith.constant 0 : i32
    %dma_start3A_39 = tpu.memref_slice %arg2[%dma_start3A_38] : memref<8388608xf32, #tpu.memory_space<hbm>> -> memref<8388608xf32, #tpu.memory_space<hbm>>
    tpu.enqueue_indirect_dma source(%dma_start3A_39 : memref<8388608xf32, #tpu.memory_space<hbm>>) target(%dma_start3A_34 : memref<128xf32, #tpu.memory_space<vmem>>) offsets(%dma_start3A_37 : memref<128xi32, #tpu.memory_space<vmem>>) semaphore(%arg12 : memref<!tpu.dma_semaphore, #tpu.memory_space<semaphore_mem>>)
    %dma_start3A_40 = arith.constant 4 : i32
    %dma_start3A_41 = arith.constant 4 : i32
    %dma_start3A_42 = arith.constant 0 : i32
    %dma_start3A_43 = tpu.memref_slice %arg8[%dma_start3A_41, %dma_start3A_42] : memref<16x128xf32, #tpu.memory_space<vmem>> -> memref<1x128xf32, #tpu.memory_space<vmem>>
    %dma_start3A_44 = tpu.memref_squeeze %dma_start3A_43 : memref<1x128xf32, #tpu.memory_space<vmem>> -> memref<128xf32, #tpu.memory_space<vmem>>
    %dma_start3A_45 = arith.constant 0 : i32
    %dma_start3A_46 = tpu.memref_slice %arg7[%dma_start3A_40, %dma_start3A_45] : memref<16x128xi32, #tpu.memory_space<vmem>> -> memref<1x128xi32, #tpu.memory_space<vmem>>
    %dma_start3A_47 = tpu.memref_squeeze %dma_start3A_46 : memref<1x128xi32, #tpu.memory_space<vmem>> -> memref<128xi32, #tpu.memory_space<vmem>>
    %dma_start3A_48 = arith.constant 0 : i32
    %dma_start3A_49 = tpu.memref_slice %arg2[%dma_start3A_48] : memref<8388608xf32, #tpu.memory_space<hbm>> -> memref<8388608xf32, #tpu.memory_space<hbm>>
    tpu.enqueue_indirect_dma source(%dma_start3A_49 : memref<8388608xf32, #tpu.memory_space<hbm>>) target(%dma_start3A_44 : memref<128xf32, #tpu.memory_space<vmem>>) offsets(%dma_start3A_47 : memref<128xi32, #tpu.memory_space<vmem>>) semaphore(%arg12 : memref<!tpu.dma_semaphore, #tpu.memory_space<semaphore_mem>>)
    %dma_start3A_50 = arith.constant 5 : i32
    %dma_start3A_51 = arith.constant 5 : i32
    %dma_start3A_52 = arith.constant 0 : i32
    %dma_start3A_53 = tpu.memref_slice %arg8[%dma_start3A_51, %dma_start3A_52] : memref<16x128xf32, #tpu.memory_space<vmem>> -> memref<1x128xf32, #tpu.memory_space<vmem>>
    %dma_start3A_54 = tpu.memref_squeeze %dma_start3A_53 : memref<1x128xf32, #tpu.memory_space<vmem>> -> memref<128xf32, #tpu.memory_space<vmem>>
    %dma_start3A_55 = arith.constant 0 : i32
    %dma_start3A_56 = tpu.memref_slice %arg7[%dma_start3A_50, %dma_start3A_55] : memref<16x128xi32, #tpu.memory_space<vmem>> -> memref<1x128xi32, #tpu.memory_space<vmem>>
    %dma_start3A_57 = tpu.memref_squeeze %dma_start3A_56 : memref<1x128xi32, #tpu.memory_space<vmem>> -> memref<128xi32, #tpu.memory_space<vmem>>
    %dma_start3A_58 = arith.constant 0 : i32
    %dma_start3A_59 = tpu.memref_slice %arg2[%dma_start3A_58] : memref<8388608xf32, #tpu.memory_space<hbm>> -> memref<8388608xf32, #tpu.memory_space<hbm>>
    tpu.enqueue_indirect_dma source(%dma_start3A_59 : memref<8388608xf32, #tpu.memory_space<hbm>>) target(%dma_start3A_54 : memref<128xf32, #tpu.memory_space<vmem>>) offsets(%dma_start3A_57 : memref<128xi32, #tpu.memory_space<vmem>>) semaphore(%arg12 : memref<!tpu.dma_semaphore, #tpu.memory_space<semaphore_mem>>)
    %dma_start3A_60 = arith.constant 6 : i32
    %dma_start3A_61 = arith.constant 6 : i32
    %dma_start3A_62 = arith.constant 0 : i32
    %dma_start3A_63 = tpu.memref_slice %arg8[%dma_start3A_61, %dma_start3A_62] : memref<16x128xf32, #tpu.memory_space<vmem>> -> memref<1x128xf32, #tpu.memory_space<vmem>>
    %dma_start3A_64 = tpu.memref_squeeze %dma_start3A_63 : memref<1x128xf32, #tpu.memory_space<vmem>> -> memref<128xf32, #tpu.memory_space<vmem>>
    %dma_start3A_65 = arith.constant 0 : i32
    %dma_start3A_66 = tpu.memref_slice %arg7[%dma_start3A_60, %dma_start3A_65] : memref<16x128xi32, #tpu.memory_space<vmem>> -> memref<1x128xi32, #tpu.memory_space<vmem>>
    %dma_start3A_67 = tpu.memref_squeeze %dma_start3A_66 : memref<1x128xi32, #tpu.memory_space<vmem>> -> memref<128xi32, #tpu.memory_space<vmem>>
    %dma_start3A_68 = arith.constant 0 : i32
    %dma_start3A_69 = tpu.memref_slice %arg2[%dma_start3A_68] : memref<8388608xf32, #tpu.memory_space<hbm>> -> memref<8388608xf32, #tpu.memory_space<hbm>>
    tpu.enqueue_indirect_dma source(%dma_start3A_69 : memref<8388608xf32, #tpu.memory_space<hbm>>) target(%dma_start3A_64 : memref<128xf32, #tpu.memory_space<vmem>>) offsets(%dma_start3A_67 : memref<128xi32, #tpu.memory_space<vmem>>) semaphore(%arg12 : memref<!tpu.dma_semaphore, #tpu.memory_space<semaphore_mem>>)
    %dma_start3A_70 = arith.constant 7 : i32
    %dma_start3A_71 = arith.constant 7 : i32
    %dma_start3A_72 = arith.constant 0 : i32
    %dma_start3A_73 = tpu.memref_slice %arg8[%dma_start3A_71, %dma_start3A_72] : memref<16x128xf32, #tpu.memory_space<vmem>> -> memref<1x128xf32, #tpu.memory_space<vmem>>
    %dma_start3A_74 = tpu.memref_squeeze %dma_start3A_73 : memref<1x128xf32, #tpu.memory_space<vmem>> -> memref<128xf32, #tpu.memory_space<vmem>>
    %dma_start3A_75 = arith.constant 0 : i32
    %dma_start3A_76 = tpu.memref_slice %arg7[%dma_start3A_70, %dma_start3A_75] : memref<16x128xi32, #tpu.memory_space<vmem>> -> memref<1x128xi32, #tpu.memory_space<vmem>>
    %dma_start3A_77 = tpu.memref_squeeze %dma_start3A_76 : memref<1x128xi32, #tpu.memory_space<vmem>> -> memref<128xi32, #tpu.memory_space<vmem>>
    %dma_start3A_78 = arith.constant 0 : i32
    %dma_start3A_79 = tpu.memref_slice %arg2[%dma_start3A_78] : memref<8388608xf32, #tpu.memory_space<hbm>> -> memref<8388608xf32, #tpu.memory_space<hbm>>
    tpu.enqueue_indirect_dma source(%dma_start3A_79 : memref<8388608xf32, #tpu.memory_space<hbm>>) target(%dma_start3A_74 : memref<128xf32, #tpu.memory_space<vmem>>) offsets(%dma_start3A_77 : memref<128xi32, #tpu.memory_space<vmem>>) semaphore(%arg12 : memref<!tpu.dma_semaphore, #tpu.memory_space<semaphore_mem>>)
    %dma_start3A_80 = arith.constant 8 : i32
    %dma_start3A_81 = arith.constant 8 : i32
    %dma_start3A_82 = arith.constant 0 : i32
    %dma_start3A_83 = tpu.memref_slice %arg8[%dma_start3A_81, %dma_start3A_82] : memref<16x128xf32, #tpu.memory_space<vmem>> -> memref<1x128xf32, #tpu.memory_space<vmem>>
    %dma_start3A_84 = tpu.memref_squeeze %dma_start3A_83 : memref<1x128xf32, #tpu.memory_space<vmem>> -> memref<128xf32, #tpu.memory_space<vmem>>
    %dma_start3A_85 = arith.constant 0 : i32
    %dma_start3A_86 = tpu.memref_slice %arg7[%dma_start3A_80, %dma_start3A_85] : memref<16x128xi32, #tpu.memory_space<vmem>> -> memref<1x128xi32, #tpu.memory_space<vmem>>
    %dma_start3A_87 = tpu.memref_squeeze %dma_start3A_86 : memref<1x128xi32, #tpu.memory_space<vmem>> -> memref<128xi32, #tpu.memory_space<vmem>>
    %dma_start3A_88 = arith.constant 0 : i32
    %dma_start3A_89 = tpu.memref_slice %arg2[%dma_start3A_88] : memref<8388608xf32, #tpu.memory_space<hbm>> -> memref<8388608xf32, #tpu.memory_space<hbm>>
    tpu.enqueue_indirect_dma source(%dma_start3A_89 : memref<8388608xf32, #tpu.memory_space<hbm>>) target(%dma_start3A_84 : memref<128xf32, #tpu.memory_space<vmem>>) offsets(%dma_start3A_87 : memref<128xi32, #tpu.memory_space<vmem>>) semaphore(%arg12 : memref<!tpu.dma_semaphore, #tpu.memory_space<semaphore_mem>>)
    %dma_start3A_90 = arith.constant 9 : i32
    %dma_start3A_91 = arith.constant 9 : i32
    %dma_start3A_92 = arith.constant 0 : i32
    %dma_start3A_93 = tpu.memref_slice %arg8[%dma_start3A_91, %dma_start3A_92] : memref<16x128xf32, #tpu.memory_space<vmem>> -> memref<1x128xf32, #tpu.memory_space<vmem>>
    %dma_start3A_94 = tpu.memref_squeeze %dma_start3A_93 : memref<1x128xf32, #tpu.memory_space<vmem>> -> memref<128xf32, #tpu.memory_space<vmem>>
    %dma_start3A_95 = arith.constant 0 : i32
    %dma_start3A_96 = tpu.memref_slice %arg7[%dma_start3A_90, %dma_start3A_95] : memref<16x128xi32, #tpu.memory_space<vmem>> -> memref<1x128xi32, #tpu.memory_space<vmem>>
    %dma_start3A_97 = tpu.memref_squeeze %dma_start3A_96 : memref<1x128xi32, #tpu.memory_space<vmem>> -> memref<128xi32, #tpu.memory_space<vmem>>
    %dma_start3A_98 = arith.constant 0 : i32
    %dma_start3A_99 = tpu.memref_slice %arg2[%dma_start3A_98] : memref<8388608xf32, #tpu.memory_space<hbm>> -> memref<8388608xf32, #tpu.memory_space<hbm>>
    tpu.enqueue_indirect_dma source(%dma_start3A_99 : memref<8388608xf32, #tpu.memory_space<hbm>>) target(%dma_start3A_94 : memref<128xf32, #tpu.memory_space<vmem>>) offsets(%dma_start3A_97 : memref<128xi32, #tpu.memory_space<vmem>>) semaphore(%arg12 : memref<!tpu.dma_semaphore, #tpu.memory_space<semaphore_mem>>)
    %dma_start3A_100 = arith.constant 10 : i32
    %dma_start3A_101 = arith.constant 10 : i32
    %dma_start3A_102 = arith.constant 0 : i32
    %dma_start3A_103 = tpu.memref_slice %arg8[%dma_start3A_101, %dma_start3A_102] : memref<16x128xf32, #tpu.memory_space<vmem>> -> memref<1x128xf32, #tpu.memory_space<vmem>>
    %dma_start3A_104 = tpu.memref_squeeze %dma_start3A_103 : memref<1x128xf32, #tpu.memory_space<vmem>> -> memref<128xf32, #tpu.memory_space<vmem>>
    %dma_start3A_105 = arith.constant 0 : i32
    %dma_start3A_106 = tpu.memref_slice %arg7[%dma_start3A_100, %dma_start3A_105] : memref<16x128xi32, #tpu.memory_space<vmem>> -> memref<1x128xi32, #tpu.memory_space<vmem>>
    %dma_start3A_107 = tpu.memref_squeeze %dma_start3A_106 : memref<1x128xi32, #tpu.memory_space<vmem>> -> memref<128xi32, #tpu.memory_space<vmem>>
    %dma_start3A_108 = arith.constant 0 : i32
    %dma_start3A_109 = tpu.memref_slice %arg2[%dma_start3A_108] : memref<8388608xf32, #tpu.memory_space<hbm>> -> memref<8388608xf32, #tpu.memory_space<hbm>>
    tpu.enqueue_indirect_dma source(%dma_start3A_109 : memref<8388608xf32, #tpu.memory_space<hbm>>) target(%dma_start3A_104 : memref<128xf32, #tpu.memory_space<vmem>>) offsets(%dma_start3A_107 : memref<128xi32, #tpu.memory_space<vmem>>) semaphore(%arg12 : memref<!tpu.dma_semaphore, #tpu.memory_space<semaphore_mem>>)
    %dma_start3A_110 = arith.constant 11 : i32
    %dma_start3A_111 = arith.constant 11 : i32
    %dma_start3A_112 = arith.constant 0 : i32
    %dma_start3A_113 = tpu.memref_slice %arg8[%dma_start3A_111, %dma_start3A_112] : memref<16x128xf32, #tpu.memory_space<vmem>> -> memref<1x128xf32, #tpu.memory_space<vmem>>
    %dma_start3A_114 = tpu.memref_squeeze %dma_start3A_113 : memref<1x128xf32, #tpu.memory_space<vmem>> -> memref<128xf32, #tpu.memory_space<vmem>>
    %dma_start3A_115 = arith.constant 0 : i32
    %dma_start3A_116 = tpu.memref_slice %arg7[%dma_start3A_110, %dma_start3A_115] : memref<16x128xi32, #tpu.memory_space<vmem>> -> memref<1x128xi32, #tpu.memory_space<vmem>>
    %dma_start3A_117 = tpu.memref_squeeze %dma_start3A_116 : memref<1x128xi32, #tpu.memory_space<vmem>> -> memref<128xi32, #tpu.memory_space<vmem>>
    %dma_start3A_118 = arith.constant 0 : i32
    %dma_start3A_119 = tpu.memref_slice %arg2[%dma_start3A_118] : memref<8388608xf32, #tpu.memory_space<hbm>> -> memref<8388608xf32, #tpu.memory_space<hbm>>
    tpu.enqueue_indirect_dma source(%dma_start3A_119 : memref<8388608xf32, #tpu.memory_space<hbm>>) target(%dma_start3A_114 : memref<128xf32, #tpu.memory_space<vmem>>) offsets(%dma_start3A_117 : memref<128xi32, #tpu.memory_space<vmem>>) semaphore(%arg12 : memref<!tpu.dma_semaphore, #tpu.memory_space<semaphore_mem>>)
    %dma_start3A_120 = arith.constant 12 : i32
    %dma_start3A_121 = arith.constant 12 : i32
    %dma_start3A_122 = arith.constant 0 : i32
    %dma_start3A_123 = tpu.memref_slice %arg8[%dma_start3A_121, %dma_start3A_122] : memref<16x128xf32, #tpu.memory_space<vmem>> -> memref<1x128xf32, #tpu.memory_space<vmem>>
    %dma_start3A_124 = tpu.memref_squeeze %dma_start3A_123 : memref<1x128xf32, #tpu.memory_space<vmem>> -> memref<128xf32, #tpu.memory_space<vmem>>
    %dma_start3A_125 = arith.constant 0 : i32
    %dma_start3A_126 = tpu.memref_slice %arg7[%dma_start3A_120, %dma_start3A_125] : memref<16x128xi32, #tpu.memory_space<vmem>> -> memref<1x128xi32, #tpu.memory_space<vmem>>
    %dma_start3A_127 = tpu.memref_squeeze %dma_start3A_126 : memref<1x128xi32, #tpu.memory_space<vmem>> -> memref<128xi32, #tpu.memory_space<vmem>>
    %dma_start3A_128 = arith.constant 0 : i32
    %dma_start3A_129 = tpu.memref_slice %arg2[%dma_start3A_128] : memref<8388608xf32, #tpu.memory_space<hbm>> -> memref<8388608xf32, #tpu.memory_space<hbm>>
    tpu.enqueue_indirect_dma source(%dma_start3A_129 : memref<8388608xf32, #tpu.memory_space<hbm>>) target(%dma_start3A_124 : memref<128xf32, #tpu.memory_space<vmem>>) offsets(%dma_start3A_127 : memref<128xi32, #tpu.memory_space<vmem>>) semaphore(%arg12 : memref<!tpu.dma_semaphore, #tpu.memory_space<semaphore_mem>>)
    %dma_start3A_130 = arith.constant 13 : i32
    %dma_start3A_131 = arith.constant 13 : i32
    %dma_start3A_132 = arith.constant 0 : i32
    %dma_start3A_133 = tpu.memref_slice %arg8[%dma_start3A_131, %dma_start3A_132] : memref<16x128xf32, #tpu.memory_space<vmem>> -> memref<1x128xf32, #tpu.memory_space<vmem>>
    %dma_start3A_134 = tpu.memref_squeeze %dma_start3A_133 : memref<1x128xf32, #tpu.memory_space<vmem>> -> memref<128xf32, #tpu.memory_space<vmem>>
    %dma_start3A_135 = arith.constant 0 : i32
    %dma_start3A_136 = tpu.memref_slice %arg7[%dma_start3A_130, %dma_start3A_135] : memref<16x128xi32, #tpu.memory_space<vmem>> -> memref<1x128xi32, #tpu.memory_space<vmem>>
    %dma_start3A_137 = tpu.memref_squeeze %dma_start3A_136 : memref<1x128xi32, #tpu.memory_space<vmem>> -> memref<128xi32, #tpu.memory_space<vmem>>
    %dma_start3A_138 = arith.constant 0 : i32
    %dma_start3A_139 = tpu.memref_slice %arg2[%dma_start3A_138] : memref<8388608xf32, #tpu.memory_space<hbm>> -> memref<8388608xf32, #tpu.memory_space<hbm>>
    tpu.enqueue_indirect_dma source(%dma_start3A_139 : memref<8388608xf32, #tpu.memory_space<hbm>>) target(%dma_start3A_134 : memref<128xf32, #tpu.memory_space<vmem>>) offsets(%dma_start3A_137 : memref<128xi32, #tpu.memory_space<vmem>>) semaphore(%arg12 : memref<!tpu.dma_semaphore, #tpu.memory_space<semaphore_mem>>)
    %dma_start3A_140 = arith.constant 14 : i32
    %dma_start3A_141 = arith.constant 14 : i32
    %dma_start3A_142 = arith.constant 0 : i32
    %dma_start3A_143 = tpu.memref_slice %arg8[%dma_start3A_141, %dma_start3A_142] : memref<16x128xf32, #tpu.memory_space<vmem>> -> memref<1x128xf32, #tpu.memory_space<vmem>>
    %dma_start3A_144 = tpu.memref_squeeze %dma_start3A_143 : memref<1x128xf32, #tpu.memory_space<vmem>> -> memref<128xf32, #tpu.memory_space<vmem>>
    %dma_start3A_145 = arith.constant 0 : i32
    %dma_start3A_146 = tpu.memref_slice %arg7[%dma_start3A_140, %dma_start3A_145] : memref<16x128xi32, #tpu.memory_space<vmem>> -> memref<1x128xi32, #tpu.memory_space<vmem>>
    %dma_start3A_147 = tpu.memref_squeeze %dma_start3A_146 : memref<1x128xi32, #tpu.memory_space<vmem>> -> memref<128xi32, #tpu.memory_space<vmem>>
    %dma_start3A_148 = arith.constant 0 : i32
    %dma_start3A_149 = tpu.memref_slice %arg2[%dma_start3A_148] : memref<8388608xf32, #tpu.memory_space<hbm>> -> memref<8388608xf32, #tpu.memory_space<hbm>>
    tpu.enqueue_indirect_dma source(%dma_start3A_149 : memref<8388608xf32, #tpu.memory_space<hbm>>) target(%dma_start3A_144 : memref<128xf32, #tpu.memory_space<vmem>>) offsets(%dma_start3A_147 : memref<128xi32, #tpu.memory_space<vmem>>) semaphore(%arg12 : memref<!tpu.dma_semaphore, #tpu.memory_space<semaphore_mem>>)
    %dma_start3A_150 = arith.constant 15 : i32
    %dma_start3A_151 = arith.constant 15 : i32
    %dma_start3A_152 = arith.constant 0 : i32
    %dma_start3A_153 = tpu.memref_slice %arg8[%dma_start3A_151, %dma_start3A_152] : memref<16x128xf32, #tpu.memory_space<vmem>> -> memref<1x128xf32, #tpu.memory_space<vmem>>
    %dma_start3A_154 = tpu.memref_squeeze %dma_start3A_153 : memref<1x128xf32, #tpu.memory_space<vmem>> -> memref<128xf32, #tpu.memory_space<vmem>>
    %dma_start3A_155 = arith.constant 0 : i32
    %dma_start3A_156 = tpu.memref_slice %arg7[%dma_start3A_150, %dma_start3A_155] : memref<16x128xi32, #tpu.memory_space<vmem>> -> memref<1x128xi32, #tpu.memory_space<vmem>>
    %dma_start3A_157 = tpu.memref_squeeze %dma_start3A_156 : memref<1x128xi32, #tpu.memory_space<vmem>> -> memref<128xi32, #tpu.memory_space<vmem>>
    %dma_start3A_158 = arith.constant 0 : i32
    %dma_start3A_159 = tpu.memref_slice %arg2[%dma_start3A_158] : memref<8388608xf32, #tpu.memory_space<hbm>> -> memref<8388608xf32, #tpu.memory_space<hbm>>
    tpu.enqueue_indirect_dma source(%dma_start3A_159 : memref<8388608xf32, #tpu.memory_space<hbm>>) target(%dma_start3A_154 : memref<128xf32, #tpu.memory_space<vmem>>) offsets(%dma_start3A_157 : memref<128xi32, #tpu.memory_space<vmem>>) semaphore(%arg12 : memref<!tpu.dma_semaphore, #tpu.memory_space<semaphore_mem>>)
    %dma_wait3A = arith.constant 0 : i32
    %dma_wait3A_160 = arith.constant 0 : i32
    %dma_wait3A_161 = arith.constant 0 : i32
    %dma_wait3A_162 = tpu.memref_slice %arg8[%dma_wait3A_160, %dma_wait3A_161] : memref<16x128xf32, #tpu.memory_space<vmem>> -> memref<1x128xf32, #tpu.memory_space<vmem>>
    %dma_wait3A_163 = tpu.memref_squeeze %dma_wait3A_162 : memref<1x128xf32, #tpu.memory_space<vmem>> -> memref<128xf32, #tpu.memory_space<vmem>>
    %dma_wait3A_164 = arith.constant 0 : i32
    %dma_wait3A_165 = tpu.memref_slice %arg7[%dma_wait3A, %dma_wait3A_164] : memref<16x128xi32, #tpu.memory_space<vmem>> -> memref<1x128xi32, #tpu.memory_space<vmem>>
    %dma_wait3A_166 = tpu.memref_squeeze %dma_wait3A_165 : memref<1x128xi32, #tpu.memory_space<vmem>> -> memref<128xi32, #tpu.memory_space<vmem>>
    %dma_wait3A_167 = arith.constant 0 : i32
    %dma_wait3A_168 = tpu.memref_slice %arg2[%dma_wait3A_167] : memref<8388608xf32, #tpu.memory_space<hbm>> -> memref<8388608xf32, #tpu.memory_space<hbm>>
    tpu.wait_indirect_dma semaphore(%arg12 : memref<!tpu.dma_semaphore, #tpu.memory_space<semaphore_mem>>) src(%dma_wait3A_168 : memref<8388608xf32, #tpu.memory_space<hbm>>) dst(%dma_wait3A_163 : memref<128xf32, #tpu.memory_space<vmem>>)
    %dma_wait3A_169 = arith.constant 1 : i32
    %dma_wait3A_170 = arith.constant 1 : i32
    %dma_wait3A_171 = arith.constant 0 : i32
    %dma_wait3A_172 = tpu.memref_slice %arg8[%dma_wait3A_170, %dma_wait3A_171] : memref<16x128xf32, #tpu.memory_space<vmem>> -> memref<1x128xf32, #tpu.memory_space<vmem>>
    %dma_wait3A_173 = tpu.memref_squeeze %dma_wait3A_172 : memref<1x128xf32, #tpu.memory_space<vmem>> -> memref<128xf32, #tpu.memory_space<vmem>>
    %dma_wait3A_174 = arith.constant 0 : i32
    %dma_wait3A_175 = tpu.memref_slice %arg7[%dma_wait3A_169, %dma_wait3A_174] : memref<16x128xi32, #tpu.memory_space<vmem>> -> memref<1x128xi32, #tpu.memory_space<vmem>>
    %dma_wait3A_176 = tpu.memref_squeeze %dma_wait3A_175 : memref<1x128xi32, #tpu.memory_space<vmem>> -> memref<128xi32, #tpu.memory_space<vmem>>
    %dma_wait3A_177 = arith.constant 0 : i32
    %dma_wait3A_178 = tpu.memref_slice %arg2[%dma_wait3A_177] : memref<8388608xf32, #tpu.memory_space<hbm>> -> memref<8388608xf32, #tpu.memory_space<hbm>>
    tpu.wait_indirect_dma semaphore(%arg12 : memref<!tpu.dma_semaphore, #tpu.memory_space<semaphore_mem>>) src(%dma_wait3A_178 : memref<8388608xf32, #tpu.memory_space<hbm>>) dst(%dma_wait3A_173 : memref<128xf32, #tpu.memory_space<vmem>>)
    %dma_wait3A_179 = arith.constant 2 : i32
    %dma_wait3A_180 = arith.constant 2 : i32
    %dma_wait3A_181 = arith.constant 0 : i32
    %dma_wait3A_182 = tpu.memref_slice %arg8[%dma_wait3A_180, %dma_wait3A_181] : memref<16x128xf32, #tpu.memory_space<vmem>> -> memref<1x128xf32, #tpu.memory_space<vmem>>
    %dma_wait3A_183 = tpu.memref_squeeze %dma_wait3A_182 : memref<1x128xf32, #tpu.memory_space<vmem>> -> memref<128xf32, #tpu.memory_space<vmem>>
    %dma_wait3A_184 = arith.constant 0 : i32
    %dma_wait3A_185 = tpu.memref_slice %arg7[%dma_wait3A_179, %dma_wait3A_184] : memref<16x128xi32, #tpu.memory_space<vmem>> -> memref<1x128xi32, #tpu.memory_space<vmem>>
    %dma_wait3A_186 = tpu.memref_squeeze %dma_wait3A_185 : memref<1x128xi32, #tpu.memory_space<vmem>> -> memref<128xi32, #tpu.memory_space<vmem>>
    %dma_wait3A_187 = arith.constant 0 : i32
    %dma_wait3A_188 = tpu.memref_slice %arg2[%dma_wait3A_187] : memref<8388608xf32, #tpu.memory_space<hbm>> -> memref<8388608xf32, #tpu.memory_space<hbm>>
    tpu.wait_indirect_dma semaphore(%arg12 : memref<!tpu.dma_semaphore, #tpu.memory_space<semaphore_mem>>) src(%dma_wait3A_188 : memref<8388608xf32, #tpu.memory_space<hbm>>) dst(%dma_wait3A_183 : memref<128xf32, #tpu.memory_space<vmem>>)
    %dma_wait3A_189 = arith.constant 3 : i32
    %dma_wait3A_190 = arith.constant 3 : i32
    %dma_wait3A_191 = arith.constant 0 : i32
    %dma_wait3A_192 = tpu.memref_slice %arg8[%dma_wait3A_190, %dma_wait3A_191] : memref<16x128xf32, #tpu.memory_space<vmem>> -> memref<1x128xf32, #tpu.memory_space<vmem>>
    %dma_wait3A_193 = tpu.memref_squeeze %dma_wait3A_192 : memref<1x128xf32, #tpu.memory_space<vmem>> -> memref<128xf32, #tpu.memory_space<vmem>>
    %dma_wait3A_194 = arith.constant 0 : i32
    %dma_wait3A_195 = tpu.memref_slice %arg7[%dma_wait3A_189, %dma_wait3A_194] : memref<16x128xi32, #tpu.memory_space<vmem>> -> memref<1x128xi32, #tpu.memory_space<vmem>>
    %dma_wait3A_196 = tpu.memref_squeeze %dma_wait3A_195 : memref<1x128xi32, #tpu.memory_space<vmem>> -> memref<128xi32, #tpu.memory_space<vmem>>
    %dma_wait3A_197 = arith.constant 0 : i32
    %dma_wait3A_198 = tpu.memref_slice %arg2[%dma_wait3A_197] : memref<8388608xf32, #tpu.memory_space<hbm>> -> memref<8388608xf32, #tpu.memory_space<hbm>>
    tpu.wait_indirect_dma semaphore(%arg12 : memref<!tpu.dma_semaphore, #tpu.memory_space<semaphore_mem>>) src(%dma_wait3A_198 : memref<8388608xf32, #tpu.memory_space<hbm>>) dst(%dma_wait3A_193 : memref<128xf32, #tpu.memory_space<vmem>>)
    %dma_wait3A_199 = arith.constant 4 : i32
    %dma_wait3A_200 = arith.constant 4 : i32
    %dma_wait3A_201 = arith.constant 0 : i32
    %dma_wait3A_202 = tpu.memref_slice %arg8[%dma_wait3A_200, %dma_wait3A_201] : memref<16x128xf32, #tpu.memory_space<vmem>> -> memref<1x128xf32, #tpu.memory_space<vmem>>
    %dma_wait3A_203 = tpu.memref_squeeze %dma_wait3A_202 : memref<1x128xf32, #tpu.memory_space<vmem>> -> memref<128xf32, #tpu.memory_space<vmem>>
    %dma_wait3A_204 = arith.constant 0 : i32
    %dma_wait3A_205 = tpu.memref_slice %arg7[%dma_wait3A_199, %dma_wait3A_204] : memref<16x128xi32, #tpu.memory_space<vmem>> -> memref<1x128xi32, #tpu.memory_space<vmem>>
    %dma_wait3A_206 = tpu.memref_squeeze %dma_wait3A_205 : memref<1x128xi32, #tpu.memory_space<vmem>> -> memref<128xi32, #tpu.memory_space<vmem>>
    %dma_wait3A_207 = arith.constant 0 : i32
    %dma_wait3A_208 = tpu.memref_slice %arg2[%dma_wait3A_207] : memref<8388608xf32, #tpu.memory_space<hbm>> -> memref<8388608xf32, #tpu.memory_space<hbm>>
    tpu.wait_indirect_dma semaphore(%arg12 : memref<!tpu.dma_semaphore, #tpu.memory_space<semaphore_mem>>) src(%dma_wait3A_208 : memref<8388608xf32, #tpu.memory_space<hbm>>) dst(%dma_wait3A_203 : memref<128xf32, #tpu.memory_space<vmem>>)
    %dma_wait3A_209 = arith.constant 5 : i32
    %dma_wait3A_210 = arith.constant 5 : i32
    %dma_wait3A_211 = arith.constant 0 : i32
    %dma_wait3A_212 = tpu.memref_slice %arg8[%dma_wait3A_210, %dma_wait3A_211] : memref<16x128xf32, #tpu.memory_space<vmem>> -> memref<1x128xf32, #tpu.memory_space<vmem>>
    %dma_wait3A_213 = tpu.memref_squeeze %dma_wait3A_212 : memref<1x128xf32, #tpu.memory_space<vmem>> -> memref<128xf32, #tpu.memory_space<vmem>>
    %dma_wait3A_214 = arith.constant 0 : i32
    %dma_wait3A_215 = tpu.memref_slice %arg7[%dma_wait3A_209, %dma_wait3A_214] : memref<16x128xi32, #tpu.memory_space<vmem>> -> memref<1x128xi32, #tpu.memory_space<vmem>>
    %dma_wait3A_216 = tpu.memref_squeeze %dma_wait3A_215 : memref<1x128xi32, #tpu.memory_space<vmem>> -> memref<128xi32, #tpu.memory_space<vmem>>
    %dma_wait3A_217 = arith.constant 0 : i32
    %dma_wait3A_218 = tpu.memref_slice %arg2[%dma_wait3A_217] : memref<8388608xf32, #tpu.memory_space<hbm>> -> memref<8388608xf32, #tpu.memory_space<hbm>>
    tpu.wait_indirect_dma semaphore(%arg12 : memref<!tpu.dma_semaphore, #tpu.memory_space<semaphore_mem>>) src(%dma_wait3A_218 : memref<8388608xf32, #tpu.memory_space<hbm>>) dst(%dma_wait3A_213 : memref<128xf32, #tpu.memory_space<vmem>>)
    %dma_wait3A_219 = arith.constant 6 : i32
    %dma_wait3A_220 = arith.constant 6 : i32
    %dma_wait3A_221 = arith.constant 0 : i32
    %dma_wait3A_222 = tpu.memref_slice %arg8[%dma_wait3A_220, %dma_wait3A_221] : memref<16x128xf32, #tpu.memory_space<vmem>> -> memref<1x128xf32, #tpu.memory_space<vmem>>
    %dma_wait3A_223 = tpu.memref_squeeze %dma_wait3A_222 : memref<1x128xf32, #tpu.memory_space<vmem>> -> memref<128xf32, #tpu.memory_space<vmem>>
    %dma_wait3A_224 = arith.constant 0 : i32
    %dma_wait3A_225 = tpu.memref_slice %arg7[%dma_wait3A_219, %dma_wait3A_224] : memref<16x128xi32, #tpu.memory_space<vmem>> -> memref<1x128xi32, #tpu.memory_space<vmem>>
    %dma_wait3A_226 = tpu.memref_squeeze %dma_wait3A_225 : memref<1x128xi32, #tpu.memory_space<vmem>> -> memref<128xi32, #tpu.memory_space<vmem>>
    %dma_wait3A_227 = arith.constant 0 : i32
    %dma_wait3A_228 = tpu.memref_slice %arg2[%dma_wait3A_227] : memref<8388608xf32, #tpu.memory_space<hbm>> -> memref<8388608xf32, #tpu.memory_space<hbm>>
    tpu.wait_indirect_dma semaphore(%arg12 : memref<!tpu.dma_semaphore, #tpu.memory_space<semaphore_mem>>) src(%dma_wait3A_228 : memref<8388608xf32, #tpu.memory_space<hbm>>) dst(%dma_wait3A_223 : memref<128xf32, #tpu.memory_space<vmem>>)
    %dma_wait3A_229 = arith.constant 7 : i32
    %dma_wait3A_230 = arith.constant 7 : i32
    %dma_wait3A_231 = arith.constant 0 : i32
    %dma_wait3A_232 = tpu.memref_slice %arg8[%dma_wait3A_230, %dma_wait3A_231] : memref<16x128xf32, #tpu.memory_space<vmem>> -> memref<1x128xf32, #tpu.memory_space<vmem>>
    %dma_wait3A_233 = tpu.memref_squeeze %dma_wait3A_232 : memref<1x128xf32, #tpu.memory_space<vmem>> -> memref<128xf32, #tpu.memory_space<vmem>>
    %dma_wait3A_234 = arith.constant 0 : i32
    %dma_wait3A_235 = tpu.memref_slice %arg7[%dma_wait3A_229, %dma_wait3A_234] : memref<16x128xi32, #tpu.memory_space<vmem>> -> memref<1x128xi32, #tpu.memory_space<vmem>>
    %dma_wait3A_236 = tpu.memref_squeeze %dma_wait3A_235 : memref<1x128xi32, #tpu.memory_space<vmem>> -> memref<128xi32, #tpu.memory_space<vmem>>
    %dma_wait3A_237 = arith.constant 0 : i32
    %dma_wait3A_238 = tpu.memref_slice %arg2[%dma_wait3A_237] : memref<8388608xf32, #tpu.memory_space<hbm>> -> memref<8388608xf32, #tpu.memory_space<hbm>>
    tpu.wait_indirect_dma semaphore(%arg12 : memref<!tpu.dma_semaphore, #tpu.memory_space<semaphore_mem>>) src(%dma_wait3A_238 : memref<8388608xf32, #tpu.memory_space<hbm>>) dst(%dma_wait3A_233 : memref<128xf32, #tpu.memory_space<vmem>>)
    %dma_wait3A_239 = arith.constant 8 : i32
    %dma_wait3A_240 = arith.constant 8 : i32
    %dma_wait3A_241 = arith.constant 0 : i32
    %dma_wait3A_242 = tpu.memref_slice %arg8[%dma_wait3A_240, %dma_wait3A_241] : memref<16x128xf32, #tpu.memory_space<vmem>> -> memref<1x128xf32, #tpu.memory_space<vmem>>
    %dma_wait3A_243 = tpu.memref_squeeze %dma_wait3A_242 : memref<1x128xf32, #tpu.memory_space<vmem>> -> memref<128xf32, #tpu.memory_space<vmem>>
    %dma_wait3A_244 = arith.constant 0 : i32
    %dma_wait3A_245 = tpu.memref_slice %arg7[%dma_wait3A_239, %dma_wait3A_244] : memref<16x128xi32, #tpu.memory_space<vmem>> -> memref<1x128xi32, #tpu.memory_space<vmem>>
    %dma_wait3A_246 = tpu.memref_squeeze %dma_wait3A_245 : memref<1x128xi32, #tpu.memory_space<vmem>> -> memref<128xi32, #tpu.memory_space<vmem>>
    %dma_wait3A_247 = arith.constant 0 : i32
    %dma_wait3A_248 = tpu.memref_slice %arg2[%dma_wait3A_247] : memref<8388608xf32, #tpu.memory_space<hbm>> -> memref<8388608xf32, #tpu.memory_space<hbm>>
    tpu.wait_indirect_dma semaphore(%arg12 : memref<!tpu.dma_semaphore, #tpu.memory_space<semaphore_mem>>) src(%dma_wait3A_248 : memref<8388608xf32, #tpu.memory_space<hbm>>) dst(%dma_wait3A_243 : memref<128xf32, #tpu.memory_space<vmem>>)
    %dma_wait3A_249 = arith.constant 9 : i32
    %dma_wait3A_250 = arith.constant 9 : i32
    %dma_wait3A_251 = arith.constant 0 : i32
    %dma_wait3A_252 = tpu.memref_slice %arg8[%dma_wait3A_250, %dma_wait3A_251] : memref<16x128xf32, #tpu.memory_space<vmem>> -> memref<1x128xf32, #tpu.memory_space<vmem>>
    %dma_wait3A_253 = tpu.memref_squeeze %dma_wait3A_252 : memref<1x128xf32, #tpu.memory_space<vmem>> -> memref<128xf32, #tpu.memory_space<vmem>>
    %dma_wait3A_254 = arith.constant 0 : i32
    %dma_wait3A_255 = tpu.memref_slice %arg7[%dma_wait3A_249, %dma_wait3A_254] : memref<16x128xi32, #tpu.memory_space<vmem>> -> memref<1x128xi32, #tpu.memory_space<vmem>>
    %dma_wait3A_256 = tpu.memref_squeeze %dma_wait3A_255 : memref<1x128xi32, #tpu.memory_space<vmem>> -> memref<128xi32, #tpu.memory_space<vmem>>
    %dma_wait3A_257 = arith.constant 0 : i32
    %dma_wait3A_258 = tpu.memref_slice %arg2[%dma_wait3A_257] : memref<8388608xf32, #tpu.memory_space<hbm>> -> memref<8388608xf32, #tpu.memory_space<hbm>>
    tpu.wait_indirect_dma semaphore(%arg12 : memref<!tpu.dma_semaphore, #tpu.memory_space<semaphore_mem>>) src(%dma_wait3A_258 : memref<8388608xf32, #tpu.memory_space<hbm>>) dst(%dma_wait3A_253 : memref<128xf32, #tpu.memory_space<vmem>>)
    %dma_wait3A_259 = arith.constant 10 : i32
    %dma_wait3A_260 = arith.constant 10 : i32
    %dma_wait3A_261 = arith.constant 0 : i32
    %dma_wait3A_262 = tpu.memref_slice %arg8[%dma_wait3A_260, %dma_wait3A_261] : memref<16x128xf32, #tpu.memory_space<vmem>> -> memref<1x128xf32, #tpu.memory_space<vmem>>
    %dma_wait3A_263 = tpu.memref_squeeze %dma_wait3A_262 : memref<1x128xf32, #tpu.memory_space<vmem>> -> memref<128xf32, #tpu.memory_space<vmem>>
    %dma_wait3A_264 = arith.constant 0 : i32
    %dma_wait3A_265 = tpu.memref_slice %arg7[%dma_wait3A_259, %dma_wait3A_264] : memref<16x128xi32, #tpu.memory_space<vmem>> -> memref<1x128xi32, #tpu.memory_space<vmem>>
    %dma_wait3A_266 = tpu.memref_squeeze %dma_wait3A_265 : memref<1x128xi32, #tpu.memory_space<vmem>> -> memref<128xi32, #tpu.memory_space<vmem>>
    %dma_wait3A_267 = arith.constant 0 : i32
    %dma_wait3A_268 = tpu.memref_slice %arg2[%dma_wait3A_267] : memref<8388608xf32, #tpu.memory_space<hbm>> -> memref<8388608xf32, #tpu.memory_space<hbm>>
    tpu.wait_indirect_dma semaphore(%arg12 : memref<!tpu.dma_semaphore, #tpu.memory_space<semaphore_mem>>) src(%dma_wait3A_268 : memref<8388608xf32, #tpu.memory_space<hbm>>) dst(%dma_wait3A_263 : memref<128xf32, #tpu.memory_space<vmem>>)
    %dma_wait3A_269 = arith.constant 11 : i32
    %dma_wait3A_270 = arith.constant 11 : i32
    %dma_wait3A_271 = arith.constant 0 : i32
    %dma_wait3A_272 = tpu.memref_slice %arg8[%dma_wait3A_270, %dma_wait3A_271] : memref<16x128xf32, #tpu.memory_space<vmem>> -> memref<1x128xf32, #tpu.memory_space<vmem>>
    %dma_wait3A_273 = tpu.memref_squeeze %dma_wait3A_272 : memref<1x128xf32, #tpu.memory_space<vmem>> -> memref<128xf32, #tpu.memory_space<vmem>>
    %dma_wait3A_274 = arith.constant 0 : i32
    %dma_wait3A_275 = tpu.memref_slice %arg7[%dma_wait3A_269, %dma_wait3A_274] : memref<16x128xi32, #tpu.memory_space<vmem>> -> memref<1x128xi32, #tpu.memory_space<vmem>>
    %dma_wait3A_276 = tpu.memref_squeeze %dma_wait3A_275 : memref<1x128xi32, #tpu.memory_space<vmem>> -> memref<128xi32, #tpu.memory_space<vmem>>
    %dma_wait3A_277 = arith.constant 0 : i32
    %dma_wait3A_278 = tpu.memref_slice %arg2[%dma_wait3A_277] : memref<8388608xf32, #tpu.memory_space<hbm>> -> memref<8388608xf32, #tpu.memory_space<hbm>>
    tpu.wait_indirect_dma semaphore(%arg12 : memref<!tpu.dma_semaphore, #tpu.memory_space<semaphore_mem>>) src(%dma_wait3A_278 : memref<8388608xf32, #tpu.memory_space<hbm>>) dst(%dma_wait3A_273 : memref<128xf32, #tpu.memory_space<vmem>>)
    %dma_wait3A_279 = arith.constant 12 : i32
    %dma_wait3A_280 = arith.constant 12 : i32
    %dma_wait3A_281 = arith.constant 0 : i32
    %dma_wait3A_282 = tpu.memref_slice %arg8[%dma_wait3A_280, %dma_wait3A_281] : memref<16x128xf32, #tpu.memory_space<vmem>> -> memref<1x128xf32, #tpu.memory_space<vmem>>
    %dma_wait3A_283 = tpu.memref_squeeze %dma_wait3A_282 : memref<1x128xf32, #tpu.memory_space<vmem>> -> memref<128xf32, #tpu.memory_space<vmem>>
    %dma_wait3A_284 = arith.constant 0 : i32
    %dma_wait3A_285 = tpu.memref_slice %arg7[%dma_wait3A_279, %dma_wait3A_284] : memref<16x128xi32, #tpu.memory_space<vmem>> -> memref<1x128xi32, #tpu.memory_space<vmem>>
    %dma_wait3A_286 = tpu.memref_squeeze %dma_wait3A_285 : memref<1x128xi32, #tpu.memory_space<vmem>> -> memref<128xi32, #tpu.memory_space<vmem>>
    %dma_wait3A_287 = arith.constant 0 : i32
    %dma_wait3A_288 = tpu.memref_slice %arg2[%dma_wait3A_287] : memref<8388608xf32, #tpu.memory_space<hbm>> -> memref<8388608xf32, #tpu.memory_space<hbm>>
    tpu.wait_indirect_dma semaphore(%arg12 : memref<!tpu.dma_semaphore, #tpu.memory_space<semaphore_mem>>) src(%dma_wait3A_288 : memref<8388608xf32, #tpu.memory_space<hbm>>) dst(%dma_wait3A_283 : memref<128xf32, #tpu.memory_space<vmem>>)
    %dma_wait3A_289 = arith.constant 13 : i32
    %dma_wait3A_290 = arith.constant 13 : i32
    %dma_wait3A_291 = arith.constant 0 : i32
    %dma_wait3A_292 = tpu.memref_slice %arg8[%dma_wait3A_290, %dma_wait3A_291] : memref<16x128xf32, #tpu.memory_space<vmem>> -> memref<1x128xf32, #tpu.memory_space<vmem>>
    %dma_wait3A_293 = tpu.memref_squeeze %dma_wait3A_292 : memref<1x128xf32, #tpu.memory_space<vmem>> -> memref<128xf32, #tpu.memory_space<vmem>>
    %dma_wait3A_294 = arith.constant 0 : i32
    %dma_wait3A_295 = tpu.memref_slice %arg7[%dma_wait3A_289, %dma_wait3A_294] : memref<16x128xi32, #tpu.memory_space<vmem>> -> memref<1x128xi32, #tpu.memory_space<vmem>>
    %dma_wait3A_296 = tpu.memref_squeeze %dma_wait3A_295 : memref<1x128xi32, #tpu.memory_space<vmem>> -> memref<128xi32, #tpu.memory_space<vmem>>
    %dma_wait3A_297 = arith.constant 0 : i32
    %dma_wait3A_298 = tpu.memref_slice %arg2[%dma_wait3A_297] : memref<8388608xf32, #tpu.memory_space<hbm>> -> memref<8388608xf32, #tpu.memory_space<hbm>>
    tpu.wait_indirect_dma semaphore(%arg12 : memref<!tpu.dma_semaphore, #tpu.memory_space<semaphore_mem>>) src(%dma_wait3A_298 : memref<8388608xf32, #tpu.memory_space<hbm>>) dst(%dma_wait3A_293 : memref<128xf32, #tpu.memory_space<vmem>>)
    %dma_wait3A_299 = arith.constant 14 : i32
    %dma_wait3A_300 = arith.constant 14 : i32
    %dma_wait3A_301 = arith.constant 0 : i32
    %dma_wait3A_302 = tpu.memref_slice %arg8[%dma_wait3A_300, %dma_wait3A_301] : memref<16x128xf32, #tpu.memory_space<vmem>> -> memref<1x128xf32, #tpu.memory_space<vmem>>
    %dma_wait3A_303 = tpu.memref_squeeze %dma_wait3A_302 : memref<1x128xf32, #tpu.memory_space<vmem>> -> memref<128xf32, #tpu.memory_space<vmem>>
    %dma_wait3A_304 = arith.constant 0 : i32
    %dma_wait3A_305 = tpu.memref_slice %arg7[%dma_wait3A_299, %dma_wait3A_304] : memref<16x128xi32, #tpu.memory_space<vmem>> -> memref<1x128xi32, #tpu.memory_space<vmem>>
    %dma_wait3A_306 = tpu.memref_squeeze %dma_wait3A_305 : memref<1x128xi32, #tpu.memory_space<vmem>> -> memref<128xi32, #tpu.memory_space<vmem>>
    %dma_wait3A_307 = arith.constant 0 : i32
    %dma_wait3A_308 = tpu.memref_slice %arg2[%dma_wait3A_307] : memref<8388608xf32, #tpu.memory_space<hbm>> -> memref<8388608xf32, #tpu.memory_space<hbm>>
    tpu.wait_indirect_dma semaphore(%arg12 : memref<!tpu.dma_semaphore, #tpu.memory_space<semaphore_mem>>) src(%dma_wait3A_308 : memref<8388608xf32, #tpu.memory_space<hbm>>) dst(%dma_wait3A_303 : memref<128xf32, #tpu.memory_space<vmem>>)
    %dma_wait3A_309 = arith.constant 15 : i32
    %dma_wait3A_310 = arith.constant 15 : i32
    %dma_wait3A_311 = arith.constant 0 : i32
    %dma_wait3A_312 = tpu.memref_slice %arg8[%dma_wait3A_310, %dma_wait3A_311] : memref<16x128xf32, #tpu.memory_space<vmem>> -> memref<1x128xf32, #tpu.memory_space<vmem>>
    %dma_wait3A_313 = tpu.memref_squeeze %dma_wait3A_312 : memref<1x128xf32, #tpu.memory_space<vmem>> -> memref<128xf32, #tpu.memory_space<vmem>>
    %dma_wait3A_314 = arith.constant 0 : i32
    %dma_wait3A_315 = tpu.memref_slice %arg7[%dma_wait3A_309, %dma_wait3A_314] : memref<16x128xi32, #tpu.memory_space<vmem>> -> memref<1x128xi32, #tpu.memory_space<vmem>>
    %dma_wait3A_316 = tpu.memref_squeeze %dma_wait3A_315 : memref<1x128xi32, #tpu.memory_space<vmem>> -> memref<128xi32, #tpu.memory_space<vmem>>
    %dma_wait3A_317 = arith.constant 0 : i32
    %dma_wait3A_318 = tpu.memref_slice %arg2[%dma_wait3A_317] : memref<8388608xf32, #tpu.memory_space<hbm>> -> memref<8388608xf32, #tpu.memory_space<hbm>>
    tpu.wait_indirect_dma semaphore(%arg12 : memref<!tpu.dma_semaphore, #tpu.memory_space<semaphore_mem>>) src(%dma_wait3A_318 : memref<8388608xf32, #tpu.memory_space<hbm>>) dst(%dma_wait3A_313 : memref<128xf32, #tpu.memory_space<vmem>>)
    %broadcast_in_dim3A = arith.constant 0.000000e+00 : f32
    %broadcast_in_dim3A_319 = vector.broadcast %broadcast_in_dim3A : f32 to vector<16xf32>
    %broadcast_in_dim3A_320 = arith.constant 0.000000e+00 : f32
    %broadcast_in_dim3A_321 = vector.broadcast %broadcast_in_dim3A_320 : f32 to vector<16xf32>
    %get3A = arith.constant 0 : i32
    %get3A_322 = arith.index_cast %get3A : i32 to index
    %get3A_323 = arith.constant 0 : index
    %get3A_324 = tpu.vector_load %arg8[%get3A_322, %get3A_323] {strides = array<i32>} : memref<16x128xf32, #tpu.memory_space<vmem>>, vector<1x16xf32>,
    %get3A_325 = vector.shape_cast %get3A_324 : vector<1x16xf32> to vector<16xf32>
    %get3A_326 = arith.constant 0 : i32
    %get3A_327 = arith.index_cast %get3A_326 : i32 to index
    %get3A_328 = arith.constant 0 : index
    %get3A_329 = tpu.vector_load %arg10[%get3A_327, %get3A_328] {strides = array<i32>} : memref<16x128xf32, #tpu.memory_space<vmem>>, vector<1x16xf32>,
    %get3A_330 = vector.shape_cast %get3A_329 : vector<1x16xf32> to vector<16xf32>
    %get3A_331 = arith.constant 0 : i32
    %get3A_332 = arith.index_cast %get3A_331 : i32 to index
    %get3A_333 = arith.constant 0 : index
    %get3A_334 = tpu.vector_load %arg9[%get3A_332, %get3A_333] {strides = array<i32>} : memref<16x128xf32, #tpu.memory_space<vmem>>, vector<1x16xf32>,
    %get3A_335 = vector.shape_cast %get3A_334 : vector<1x16xf32> to vector<16xf32>
    %sub3A = arith.subf %get3A_325, %get3A_330 : vector<16xf32>
    %abs3A = math.absf %sub3A : vector<16xf32>
    %mul3A_336 = arith.mulf %abs3A, %get3A_335 : vector<16xf32>
    %add3A_337 = arith.addf %broadcast_in_dim3A_319, %mul3A_336 : vector<16xf32>
    %add3A_338 = arith.addf %broadcast_in_dim3A_321, %get3A_335 : vector<16xf32>
    %get3A_339 = arith.constant 0 : i32
    %get3A_340 = arith.index_cast %get3A_339 : i32 to index
    %get3A_341 = arith.constant 16 : index
    %get3A_342 = tpu.vector_load %arg8[%get3A_340, %get3A_341] {strides = array<i32>} : memref<16x128xf32, #tpu.memory_space<vmem>>, vector<1x16xf32>,
    %get3A_343 = vector.shape_cast %get3A_342 : vector<1x16xf32> to vector<16xf32>
    %get3A_344 = arith.constant 0 : i32
    %get3A_345 = arith.index_cast %get3A_344 : i32 to index
    %get3A_346 = arith.constant 16 : index
    %get3A_347 = tpu.vector_load %arg10[%get3A_345, %get3A_346] {strides = array<i32>} : memref<16x128xf32, #tpu.memory_space<vmem>>, vector<1x16xf32>,
    %get3A_348 = vector.shape_cast %get3A_347 : vector<1x16xf32> to vector<16xf32>
    %get3A_349 = arith.constant 0 : i32
    %get3A_350 = arith.index_cast %get3A_349 : i32 to index
    %get3A_351 = arith.constant 16 : index
    %get3A_352 = tpu.vector_load %arg9[%get3A_350, %get3A_351] {strides = array<i32>} : memref<16x128xf32, #tpu.memory_space<vmem>>, vector<1x16xf32>,
    %get3A_353 = vector.shape_cast %get3A_352 : vector<1x16xf32> to vector<16xf32>
    %sub3A_354 = arith.subf %get3A_343, %get3A_348 : vector<16xf32>
    %abs3A_355 = math.absf %sub3A_354 : vector<16xf32>
    %mul3A_356 = arith.mulf %abs3A_355, %get3A_353 : vector<16xf32>
    %add3A_357 = arith.addf %add3A_337, %mul3A_356 : vector<16xf32>
    %add3A_358 = arith.addf %add3A_338, %get3A_353 : vector<16xf32>
    %get3A_359 = arith.constant 0 : i32
    %get3A_360 = arith.index_cast %get3A_359 : i32 to index
    %get3A_361 = arith.constant 32 : index
    %get3A_362 = tpu.vector_load %arg8[%get3A_360, %get3A_361] {strides = array<i32>} : memref<16x128xf32, #tpu.memory_space<vmem>>, vector<1x16xf32>,
    %get3A_363 = vector.shape_cast %get3A_362 : vector<1x16xf32> to vector<16xf32>
    %get3A_364 = arith.constant 0 : i32
    %get3A_365 = arith.index_cast %get3A_364 : i32 to index
    %get3A_366 = arith.constant 32 : index
    %get3A_367 = tpu.vector_load %arg10[%get3A_365, %get3A_366] {strides = array<i32>} : memref<16x128xf32, #tpu.memory_space<vmem>>, vector<1x16xf32>,
    %get3A_368 = vector.shape_cast %get3A_367 : vector<1x16xf32> to vector<16xf32>
    %get3A_369 = arith.constant 0 : i32
    %get3A_370 = arith.index_cast %get3A_369 : i32 to index
    %get3A_371 = arith.constant 32 : index
    %get3A_372 = tpu.vector_load %arg9[%get3A_370, %get3A_371] {strides = array<i32>} : memref<16x128xf32, #tpu.memory_space<vmem>>, vector<1x16xf32>,
    %get3A_373 = vector.shape_cast %get3A_372 : vector<1x16xf32> to vector<16xf32>
    %sub3A_374 = arith.subf %get3A_363, %get3A_368 : vector<16xf32>
    %abs3A_375 = math.absf %sub3A_374 : vector<16xf32>
    %mul3A_376 = arith.mulf %abs3A_375, %get3A_373 : vector<16xf32>
    %add3A_377 = arith.addf %add3A_357, %mul3A_376 : vector<16xf32>
    %add3A_378 = arith.addf %add3A_358, %get3A_373 : vector<16xf32>
    %get3A_379 = arith.constant 0 : i32
    %get3A_380 = arith.index_cast %get3A_379 : i32 to index
    %get3A_381 = arith.constant 48 : index
    %get3A_382 = tpu.vector_load %arg8[%get3A_380, %get3A_381] {strides = array<i32>} : memref<16x128xf32, #tpu.memory_space<vmem>>, vector<1x16xf32>,
    %get3A_383 = vector.shape_cast %get3A_382 : vector<1x16xf32> to vector<16xf32>
    %get3A_384 = arith.constant 0 : i32
    %get3A_385 = arith.index_cast %get3A_384 : i32 to index
    %get3A_386 = arith.constant 48 : index
    %get3A_387 = tpu.vector_load %arg10[%get3A_385, %get3A_386] {strides = array<i32>} : memref<16x128xf32, #tpu.memory_space<vmem>>, vector<1x16xf32>,
    %get3A_388 = vector.shape_cast %get3A_387 : vector<1x16xf32> to vector<16xf32>
    %get3A_389 = arith.constant 0 : i32
    %get3A_390 = arith.index_cast %get3A_389 : i32 to index
    %get3A_391 = arith.constant 48 : index
    %get3A_392 = tpu.vector_load %arg9[%get3A_390, %get3A_391] {strides = array<i32>} : memref<16x128xf32, #tpu.memory_space<vmem>>, vector<1x16xf32>,
    %get3A_393 = vector.shape_cast %get3A_392 : vector<1x16xf32> to vector<16xf32>
    %sub3A_394 = arith.subf %get3A_383, %get3A_388 : vector<16xf32>
    %abs3A_395 = math.absf %sub3A_394 : vector<16xf32>
    %mul3A_396 = arith.mulf %abs3A_395, %get3A_393 : vector<16xf32>
    %add3A_397 = arith.addf %add3A_377, %mul3A_396 : vector<16xf32>
    %add3A_398 = arith.addf %add3A_378, %get3A_393 : vector<16xf32>
    %get3A_399 = arith.constant 0 : i32
    %get3A_400 = arith.index_cast %get3A_399 : i32 to index
    %get3A_401 = arith.constant 64 : index
    %get3A_402 = tpu.vector_load %arg8[%get3A_400, %get3A_401] {strides = array<i32>} : memref<16x128xf32, #tpu.memory_space<vmem>>, vector<1x16xf32>,
    %get3A_403 = vector.shape_cast %get3A_402 : vector<1x16xf32> to vector<16xf32>
    %get3A_404 = arith.constant 0 : i32
    %get3A_405 = arith.index_cast %get3A_404 : i32 to index
    %get3A_406 = arith.constant 64 : index
    %get3A_407 = tpu.vector_load %arg10[%get3A_405, %get3A_406] {strides = array<i32>} : memref<16x128xf32, #tpu.memory_space<vmem>>, vector<1x16xf32>,
    %get3A_408 = vector.shape_cast %get3A_407 : vector<1x16xf32> to vector<16xf32>
    %get3A_409 = arith.constant 0 : i32
    %get3A_410 = arith.index_cast %get3A_409 : i32 to index
    %get3A_411 = arith.constant 64 : index
    %get3A_412 = tpu.vector_load %arg9[%get3A_410, %get3A_411] {strides = array<i32>} : memref<16x128xf32, #tpu.memory_space<vmem>>, vector<1x16xf32>,
    %get3A_413 = vector.shape_cast %get3A_412 : vector<1x16xf32> to vector<16xf32>
    %sub3A_414 = arith.subf %get3A_403, %get3A_408 : vector<16xf32>
    %abs3A_415 = math.absf %sub3A_414 : vector<16xf32>
    %mul3A_416 = arith.mulf %abs3A_415, %get3A_413 : vector<16xf32>
    %add3A_417 = arith.addf %add3A_397, %mul3A_416 : vector<16xf32>
    %add3A_418 = arith.addf %add3A_398, %get3A_413 : vector<16xf32>
    %get3A_419 = arith.constant 0 : i32
    %get3A_420 = arith.index_cast %get3A_419 : i32 to index
    %get3A_421 = arith.constant 80 : index
    %get3A_422 = tpu.vector_load %arg8[%get3A_420, %get3A_421] {strides = array<i32>} : memref<16x128xf32, #tpu.memory_space<vmem>>, vector<1x16xf32>,
    %get3A_423 = vector.shape_cast %get3A_422 : vector<1x16xf32> to vector<16xf32>
    %get3A_424 = arith.constant 0 : i32
    %get3A_425 = arith.index_cast %get3A_424 : i32 to index
    %get3A_426 = arith.constant 80 : index
    %get3A_427 = tpu.vector_load %arg10[%get3A_425, %get3A_426] {strides = array<i32>} : memref<16x128xf32, #tpu.memory_space<vmem>>, vector<1x16xf32>,
    %get3A_428 = vector.shape_cast %get3A_427 : vector<1x16xf32> to vector<16xf32>
    %get3A_429 = arith.constant 0 : i32
    %get3A_430 = arith.index_cast %get3A_429 : i32 to index
    %get3A_431 = arith.constant 80 : index
    %get3A_432 = tpu.vector_load %arg9[%get3A_430, %get3A_431] {strides = array<i32>} : memref<16x128xf32, #tpu.memory_space<vmem>>, vector<1x16xf32>,
    %get3A_433 = vector.shape_cast %get3A_432 : vector<1x16xf32> to vector<16xf32>
    %sub3A_434 = arith.subf %get3A_423, %get3A_428 : vector<16xf32>
    %abs3A_435 = math.absf %sub3A_434 : vector<16xf32>
    %mul3A_436 = arith.mulf %abs3A_435, %get3A_433 : vector<16xf32>
    %add3A_437 = arith.addf %add3A_417, %mul3A_436 : vector<16xf32>
    %add3A_438 = arith.addf %add3A_418, %get3A_433 : vector<16xf32>
    %get3A_439 = arith.constant 0 : i32
    %get3A_440 = arith.index_cast %get3A_439 : i32 to index
    %get3A_441 = arith.constant 96 : index
    %get3A_442 = tpu.vector_load %arg8[%get3A_440, %get3A_441] {strides = array<i32>} : memref<16x128xf32, #tpu.memory_space<vmem>>, vector<1x16xf32>,
    %get3A_443 = vector.shape_cast %get3A_442 : vector<1x16xf32> to vector<16xf32>
    %get3A_444 = arith.constant 0 : i32
    %get3A_445 = arith.index_cast %get3A_444 : i32 to index
    %get3A_446 = arith.constant 96 : index
    %get3A_447 = tpu.vector_load %arg10[%get3A_445, %get3A_446] {strides = array<i32>} : memref<16x128xf32, #tpu.memory_space<vmem>>, vector<1x16xf32>,
    %get3A_448 = vector.shape_cast %get3A_447 : vector<1x16xf32> to vector<16xf32>
    %get3A_449 = arith.constant 0 : i32
    %get3A_450 = arith.index_cast %get3A_449 : i32 to index
    %get3A_451 = arith.constant 96 : index
    %get3A_452 = tpu.vector_load %arg9[%get3A_450, %get3A_451] {strides = array<i32>} : memref<16x128xf32, #tpu.memory_space<vmem>>, vector<1x16xf32>,
    %get3A_453 = vector.shape_cast %get3A_452 : vector<1x16xf32> to vector<16xf32>
    %sub3A_454 = arith.subf %get3A_443, %get3A_448 : vector<16xf32>
    %abs3A_455 = math.absf %sub3A_454 : vector<16xf32>
    %mul3A_456 = arith.mulf %abs3A_455, %get3A_453 : vector<16xf32>
    %add3A_457 = arith.addf %add3A_437, %mul3A_456 : vector<16xf32>
    %add3A_458 = arith.addf %add3A_438, %get3A_453 : vector<16xf32>
    %get3A_459 = arith.constant 0 : i32
    %get3A_460 = arith.index_cast %get3A_459 : i32 to index
    %get3A_461 = arith.constant 112 : index
    %get3A_462 = tpu.vector_load %arg8[%get3A_460, %get3A_461] {strides = array<i32>} : memref<16x128xf32, #tpu.memory_space<vmem>>, vector<1x16xf32>,
    %get3A_463 = vector.shape_cast %get3A_462 : vector<1x16xf32> to vector<16xf32>
    %get3A_464 = arith.constant 0 : i32
    %get3A_465 = arith.index_cast %get3A_464 : i32 to index
    %get3A_466 = arith.constant 112 : index
    %get3A_467 = tpu.vector_load %arg10[%get3A_465, %get3A_466] {strides = array<i32>} : memref<16x128xf32, #tpu.memory_space<vmem>>, vector<1x16xf32>,
    %get3A_468 = vector.shape_cast %get3A_467 : vector<1x16xf32> to vector<16xf32>
    %get3A_469 = arith.constant 0 : i32
    %get3A_470 = arith.index_cast %get3A_469 : i32 to index
    %get3A_471 = arith.constant 112 : index
    %get3A_472 = tpu.vector_load %arg9[%get3A_470, %get3A_471] {strides = array<i32>} : memref<16x128xf32, #tpu.memory_space<vmem>>, vector<1x16xf32>,
    %get3A_473 = vector.shape_cast %get3A_472 : vector<1x16xf32> to vector<16xf32>
    %sub3A_474 = arith.subf %get3A_463, %get3A_468 : vector<16xf32>
    %abs3A_475 = math.absf %sub3A_474 : vector<16xf32>
    %mul3A_476 = arith.mulf %abs3A_475, %get3A_473 : vector<16xf32>
    %add3A_477 = arith.addf %add3A_457, %mul3A_476 : vector<16xf32>
    %add3A_478 = arith.addf %add3A_458, %get3A_473 : vector<16xf32>
    %get3A_479 = arith.constant 1 : i32
    %get3A_480 = arith.index_cast %get3A_479 : i32 to index
    %get3A_481 = arith.constant 0 : index
    %get3A_482 = tpu.vector_load %arg8[%get3A_480, %get3A_481] {strides = array<i32>} : memref<16x128xf32, #tpu.memory_space<vmem>>, vector<1x16xf32>,
    %get3A_483 = vector.shape_cast %get3A_482 : vector<1x16xf32> to vector<16xf32>
    %get3A_484 = arith.constant 1 : i32
    %get3A_485 = arith.index_cast %get3A_484 : i32 to index
    %get3A_486 = arith.constant 0 : index
    %get3A_487 = tpu.vector_load %arg10[%get3A_485, %get3A_486] {strides = array<i32>} : memref<16x128xf32, #tpu.memory_space<vmem>>, vector<1x16xf32>,
    %get3A_488 = vector.shape_cast %get3A_487 : vector<1x16xf32> to vector<16xf32>
    %get3A_489 = arith.constant 1 : i32
    %get3A_490 = arith.index_cast %get3A_489 : i32 to index
    %get3A_491 = arith.constant 0 : index
    %get3A_492 = tpu.vector_load %arg9[%get3A_490, %get3A_491] {strides = array<i32>} : memref<16x128xf32, #tpu.memory_space<vmem>>, vector<1x16xf32>,
    %get3A_493 = vector.shape_cast %get3A_492 : vector<1x16xf32> to vector<16xf32>
    %sub3A_494 = arith.subf %get3A_483, %get3A_488 : vector<16xf32>
    %abs3A_495 = math.absf %sub3A_494 : vector<16xf32>
    %mul3A_496 = arith.mulf %abs3A_495, %get3A_493 : vector<16xf32>
    %add3A_497 = arith.addf %add3A_477, %mul3A_496 : vector<16xf32>
    %add3A_498 = arith.addf %add3A_478, %get3A_493 : vector<16xf32>
    %get3A_499 = arith.constant 1 : i32
    %get3A_500 = arith.index_cast %get3A_499 : i32 to index
    %get3A_501 = arith.constant 16 : index
    %get3A_502 = tpu.vector_load %arg8[%get3A_500, %get3A_501] {strides = array<i32>} : memref<16x128xf32, #tpu.memory_space<vmem>>, vector<1x16xf32>,
    %get3A_503 = vector.shape_cast %get3A_502 : vector<1x16xf32> to vector<16xf32>
    %get3A_504 = arith.constant 1 : i32
    %get3A_505 = arith.index_cast %get3A_504 : i32 to index
    %get3A_506 = arith.constant 16 : index
    %get3A_507 = tpu.vector_load %arg10[%get3A_505, %get3A_506] {strides = array<i32>} : memref<16x128xf32, #tpu.memory_space<vmem>>, vector<1x16xf32>,
    %get3A_508 = vector.shape_cast %get3A_507 : vector<1x16xf32> to vector<16xf32>
    %get3A_509 = arith.constant 1 : i32
    %get3A_510 = arith.index_cast %get3A_509 : i32 to index
    %get3A_511 = arith.constant 16 : index
    %get3A_512 = tpu.vector_load %arg9[%get3A_510, %get3A_511] {strides = array<i32>} : memref<16x128xf32, #tpu.memory_space<vmem>>, vector<1x16xf32>,
    %get3A_513 = vector.shape_cast %get3A_512 : vector<1x16xf32> to vector<16xf32>
    %sub3A_514 = arith.subf %get3A_503, %get3A_508 : vector<16xf32>
    %abs3A_515 = math.absf %sub3A_514 : vector<16xf32>
    %mul3A_516 = arith.mulf %abs3A_515, %get3A_513 : vector<16xf32>
    %add3A_517 = arith.addf %add3A_497, %mul3A_516 : vector<16xf32>
    %add3A_518 = arith.addf %add3A_498, %get3A_513 : vector<16xf32>
    %get3A_519 = arith.constant 1 : i32
    %get3A_520 = arith.index_cast %get3A_519 : i32 to index
    %get3A_521 = arith.constant 32 : index
    %get3A_522 = tpu.vector_load %arg8[%get3A_520, %get3A_521] {strides = array<i32>} : memref<16x128xf32, #tpu.memory_space<vmem>>, vector<1x16xf32>,
    %get3A_523 = vector.shape_cast %get3A_522 : vector<1x16xf32> to vector<16xf32>
    %get3A_524 = arith.constant 1 : i32
    %get3A_525 = arith.index_cast %get3A_524 : i32 to index
    %get3A_526 = arith.constant 32 : index
    %get3A_527 = tpu.vector_load %arg10[%get3A_525, %get3A_526] {strides = array<i32>} : memref<16x128xf32, #tpu.memory_space<vmem>>, vector<1x16xf32>,
    %get3A_528 = vector.shape_cast %get3A_527 : vector<1x16xf32> to vector<16xf32>
    %get3A_529 = arith.constant 1 : i32
    %get3A_530 = arith.index_cast %get3A_529 : i32 to index
    %get3A_531 = arith.constant 32 : index
    %get3A_532 = tpu.vector_load %arg9[%get3A_530, %get3A_531] {strides = array<i32>} : memref<16x128xf32, #tpu.memory_space<vmem>>, vector<1x16xf32>,
    %get3A_533 = vector.shape_cast %get3A_532 : vector<1x16xf32> to vector<16xf32>
    %sub3A_534 = arith.subf %get3A_523, %get3A_528 : vector<16xf32>
    %abs3A_535 = math.absf %sub3A_534 : vector<16xf32>
    %mul3A_536 = arith.mulf %abs3A_535, %get3A_533 : vector<16xf32>
    %add3A_537 = arith.addf %add3A_517, %mul3A_536 : vector<16xf32>
    %add3A_538 = arith.addf %add3A_518, %get3A_533 : vector<16xf32>
    %get3A_539 = arith.constant 1 : i32
    %get3A_540 = arith.index_cast %get3A_539 : i32 to index
    %get3A_541 = arith.constant 48 : index
    %get3A_542 = tpu.vector_load %arg8[%get3A_540, %get3A_541] {strides = array<i32>} : memref<16x128xf32, #tpu.memory_space<vmem>>, vector<1x16xf32>,
    %get3A_543 = vector.shape_cast %get3A_542 : vector<1x16xf32> to vector<16xf32>
    %get3A_544 = arith.constant 1 : i32
    %get3A_545 = arith.index_cast %get3A_544 : i32 to index
    %get3A_546 = arith.constant 48 : index
    %get3A_547 = tpu.vector_load %arg10[%get3A_545, %get3A_546] {strides = array<i32>} : memref<16x128xf32, #tpu.memory_space<vmem>>, vector<1x16xf32>,
    %get3A_548 = vector.shape_cast %get3A_547 : vector<1x16xf32> to vector<16xf32>
    %get3A_549 = arith.constant 1 : i32
    %get3A_550 = arith.index_cast %get3A_549 : i32 to index
    %get3A_551 = arith.constant 48 : index
    %get3A_552 = tpu.vector_load %arg9[%get3A_550, %get3A_551] {strides = array<i32>} : memref<16x128xf32, #tpu.memory_space<vmem>>, vector<1x16xf32>,
    %get3A_553 = vector.shape_cast %get3A_552 : vector<1x16xf32> to vector<16xf32>
    %sub3A_554 = arith.subf %get3A_543, %get3A_548 : vector<16xf32>
    %abs3A_555 = math.absf %sub3A_554 : vector<16xf32>
    %mul3A_556 = arith.mulf %abs3A_555, %get3A_553 : vector<16xf32>
    %add3A_557 = arith.addf %add3A_537, %mul3A_556 : vector<16xf32>
    %add3A_558 = arith.addf %add3A_538, %get3A_553 : vector<16xf32>
    %get3A_559 = arith.constant 1 : i32
    %get3A_560 = arith.index_cast %get3A_559 : i32 to index
    %get3A_561 = arith.constant 64 : index
    %get3A_562 = tpu.vector_load %arg8[%get3A_560, %get3A_561] {strides = array<i32>} : memref<16x128xf32, #tpu.memory_space<vmem>>, vector<1x16xf32>,
    %get3A_563 = vector.shape_cast %get3A_562 : vector<1x16xf32> to vector<16xf32>
    %get3A_564 = arith.constant 1 : i32
    %get3A_565 = arith.index_cast %get3A_564 : i32 to index
    %get3A_566 = arith.constant 64 : index
    %get3A_567 = tpu.vector_load %arg10[%get3A_565, %get3A_566] {strides = array<i32>} : memref<16x128xf32, #tpu.memory_space<vmem>>, vector<1x16xf32>,
    %get3A_568 = vector.shape_cast %get3A_567 : vector<1x16xf32> to vector<16xf32>
    %get3A_569 = arith.constant 1 : i32
    %get3A_570 = arith.index_cast %get3A_569 : i32 to index
    %get3A_571 = arith.constant 64 : index
    %get3A_572 = tpu.vector_load %arg9[%get3A_570, %get3A_571] {strides = array<i32>} : memref<16x128xf32, #tpu.memory_space<vmem>>, vector<1x16xf32>,
    %get3A_573 = vector.shape_cast %get3A_572 : vector<1x16xf32> to vector<16xf32>
    %sub3A_574 = arith.subf %get3A_563, %get3A_568 : vector<16xf32>
    %abs3A_575 = math.absf %sub3A_574 : vector<16xf32>
    %mul3A_576 = arith.mulf %abs3A_575, %get3A_573 : vector<16xf32>
    %add3A_577 = arith.addf %add3A_557, %mul3A_576 : vector<16xf32>
    %add3A_578 = arith.addf %add3A_558, %get3A_573 : vector<16xf32>
    %get3A_579 = arith.constant 1 : i32
    %get3A_580 = arith.index_cast %get3A_579 : i32 to index
    %get3A_581 = arith.constant 80 : index
    %get3A_582 = tpu.vector_load %arg8[%get3A_580, %get3A_581] {strides = array<i32>} : memref<16x128xf32, #tpu.memory_space<vmem>>, vector<1x16xf32>,
    %get3A_583 = vector.shape_cast %get3A_582 : vector<1x16xf32> to vector<16xf32>
    %get3A_584 = arith.constant 1 : i32
    %get3A_585 = arith.index_cast %get3A_584 : i32 to index
    %get3A_586 = arith.constant 80 : index
    %get3A_587 = tpu.vector_load %arg10[%get3A_585, %get3A_586] {strides = array<i32>} : memref<16x128xf32, #tpu.memory_space<vmem>>, vector<1x16xf32>,
    %get3A_588 = vector.shape_cast %get3A_587 : vector<1x16xf32> to vector<16xf32>
    %get3A_589 = arith.constant 1 : i32
    %get3A_590 = arith.index_cast %get3A_589 : i32 to index
    %get3A_591 = arith.constant 80 : index
    %get3A_592 = tpu.vector_load %arg9[%get3A_590, %get3A_591] {strides = array<i32>} : memref<16x128xf32, #tpu.memory_space<vmem>>, vector<1x16xf32>,
    %get3A_593 = vector.shape_cast %get3A_592 : vector<1x16xf32> to vector<16xf32>
    %sub3A_594 = arith.subf %get3A_583, %get3A_588 : vector<16xf32>
    %abs3A_595 = math.absf %sub3A_594 : vector<16xf32>
    %mul3A_596 = arith.mulf %abs3A_595, %get3A_593 : vector<16xf32>
    %add3A_597 = arith.addf %add3A_577, %mul3A_596 : vector<16xf32>
    %add3A_598 = arith.addf %add3A_578, %get3A_593 : vector<16xf32>
    %get3A_599 = arith.constant 1 : i32
    %get3A_600 = arith.index_cast %get3A_599 : i32 to index
    %get3A_601 = arith.constant 96 : index
    %get3A_602 = tpu.vector_load %arg8[%get3A_600, %get3A_601] {strides = array<i32>} : memref<16x128xf32, #tpu.memory_space<vmem>>, vector<1x16xf32>,
    %get3A_603 = vector.shape_cast %get3A_602 : vector<1x16xf32> to vector<16xf32>
    %get3A_604 = arith.constant 1 : i32
    %get3A_605 = arith.index_cast %get3A_604 : i32 to index
    %get3A_606 = arith.constant 96 : index
    %get3A_607 = tpu.vector_load %arg10[%get3A_605, %get3A_606] {strides = array<i32>} : memref<16x128xf32, #tpu.memory_space<vmem>>, vector<1x16xf32>,
    %get3A_608 = vector.shape_cast %get3A_607 : vector<1x16xf32> to vector<16xf32>
    %get3A_609 = arith.constant 1 : i32
    %get3A_610 = arith.index_cast %get3A_609 : i32 to index
    %get3A_611 = arith.constant 96 : index
    %get3A_612 = tpu.vector_load %arg9[%get3A_610, %get3A_611] {strides = array<i32>} : memref<16x128xf32, #tpu.memory_space<vmem>>, vector<1x16xf32>,
    %get3A_613 = vector.shape_cast %get3A_612 : vector<1x16xf32> to vector<16xf32>
    %sub3A_614 = arith.subf %get3A_603, %get3A_608 : vector<16xf32>
    %abs3A_615 = math.absf %sub3A_614 : vector<16xf32>
    %mul3A_616 = arith.mulf %abs3A_615, %get3A_613 : vector<16xf32>
    %add3A_617 = arith.addf %add3A_597, %mul3A_616 : vector<16xf32>
    %add3A_618 = arith.addf %add3A_598, %get3A_613 : vector<16xf32>
    %get3A_619 = arith.constant 1 : i32
    %get3A_620 = arith.index_cast %get3A_619 : i32 to index
    %get3A_621 = arith.constant 112 : index
    %get3A_622 = tpu.vector_load %arg8[%get3A_620, %get3A_621] {strides = array<i32>} : memref<16x128xf32, #tpu.memory_space<vmem>>, vector<1x16xf32>,
    %get3A_623 = vector.shape_cast %get3A_622 : vector<1x16xf32> to vector<16xf32>
    %get3A_624 = arith.constant 1 : i32
    %get3A_625 = arith.index_cast %get3A_624 : i32 to index
    %get3A_626 = arith.constant 112 : index
    %get3A_627 = tpu.vector_load %arg10[%get3A_625, %get3A_626] {strides = array<i32>} : memref<16x128xf32, #tpu.memory_space<vmem>>, vector<1x16xf32>,
    %get3A_628 = vector.shape_cast %get3A_627 : vector<1x16xf32> to vector<16xf32>
    %get3A_629 = arith.constant 1 : i32
    %get3A_630 = arith.index_cast %get3A_629 : i32 to index
    %get3A_631 = arith.constant 112 : index
    %get3A_632 = tpu.vector_load %arg9[%get3A_630, %get3A_631] {strides = array<i32>} : memref<16x128xf32, #tpu.memory_space<vmem>>, vector<1x16xf32>,
    %get3A_633 = vector.shape_cast %get3A_632 : vector<1x16xf32> to vector<16xf32>
    %sub3A_634 = arith.subf %get3A_623, %get3A_628 : vector<16xf32>
    %abs3A_635 = math.absf %sub3A_634 : vector<16xf32>
    %mul3A_636 = arith.mulf %abs3A_635, %get3A_633 : vector<16xf32>
    %add3A_637 = arith.addf %add3A_617, %mul3A_636 : vector<16xf32>
    %add3A_638 = arith.addf %add3A_618, %get3A_633 : vector<16xf32>
    %get3A_639 = arith.constant 2 : i32
    %get3A_640 = arith.index_cast %get3A_639 : i32 to index
    %get3A_641 = arith.constant 0 : index
    %get3A_642 = tpu.vector_load %arg8[%get3A_640, %get3A_641] {strides = array<i32>} : memref<16x128xf32, #tpu.memory_space<vmem>>, vector<1x16xf32>,
    %get3A_643 = vector.shape_cast %get3A_642 : vector<1x16xf32> to vector<16xf32>
    %get3A_644 = arith.constant 2 : i32
    %get3A_645 = arith.index_cast %get3A_644 : i32 to index
    %get3A_646 = arith.constant 0 : index
    %get3A_647 = tpu.vector_load %arg10[%get3A_645, %get3A_646] {strides = array<i32>} : memref<16x128xf32, #tpu.memory_space<vmem>>, vector<1x16xf32>,
    %get3A_648 = vector.shape_cast %get3A_647 : vector<1x16xf32> to vector<16xf32>
    %get3A_649 = arith.constant 2 : i32
    %get3A_650 = arith.index_cast %get3A_649 : i32 to index
    %get3A_651 = arith.constant 0 : index
    %get3A_652 = tpu.vector_load %arg9[%get3A_650, %get3A_651] {strides = array<i32>} : memref<16x128xf32, #tpu.memory_space<vmem>>, vector<1x16xf32>,
    %get3A_653 = vector.shape_cast %get3A_652 : vector<1x16xf32> to vector<16xf32>
    %sub3A_654 = arith.subf %get3A_643, %get3A_648 : vector<16xf32>
    %abs3A_655 = math.absf %sub3A_654 : vector<16xf32>
    %mul3A_656 = arith.mulf %abs3A_655, %get3A_653 : vector<16xf32>
    %add3A_657 = arith.addf %add3A_637, %mul3A_656 : vector<16xf32>
    %add3A_658 = arith.addf %add3A_638, %get3A_653 : vector<16xf32>
    %get3A_659 = arith.constant 2 : i32
    %get3A_660 = arith.index_cast %get3A_659 : i32 to index
    %get3A_661 = arith.constant 16 : index
    %get3A_662 = tpu.vector_load %arg8[%get3A_660, %get3A_661] {strides = array<i32>} : memref<16x128xf32, #tpu.memory_space<vmem>>, vector<1x16xf32>,
    %get3A_663 = vector.shape_cast %get3A_662 : vector<1x16xf32> to vector<16xf32>
    %get3A_664 = arith.constant 2 : i32
    %get3A_665 = arith.index_cast %get3A_664 : i32 to index
    %get3A_666 = arith.constant 16 : index
    %get3A_667 = tpu.vector_load %arg10[%get3A_665, %get3A_666] {strides = array<i32>} : memref<16x128xf32, #tpu.memory_space<vmem>>, vector<1x16xf32>,
    %get3A_668 = vector.shape_cast %get3A_667 : vector<1x16xf32> to vector<16xf32>
    %get3A_669 = arith.constant 2 : i32
    %get3A_670 = arith.index_cast %get3A_669 : i32 to index
    %get3A_671 = arith.constant 16 : index
    %get3A_672 = tpu.vector_load %arg9[%get3A_670, %get3A_671] {strides = array<i32>} : memref<16x128xf32, #tpu.memory_space<vmem>>, vector<1x16xf32>,
    %get3A_673 = vector.shape_cast %get3A_672 : vector<1x16xf32> to vector<16xf32>
    %sub3A_674 = arith.subf %get3A_663, %get3A_668 : vector<16xf32>
    %abs3A_675 = math.absf %sub3A_674 : vector<16xf32>
    %mul3A_676 = arith.mulf %abs3A_675, %get3A_673 : vector<16xf32>
    %add3A_677 = arith.addf %add3A_657, %mul3A_676 : vector<16xf32>
    %add3A_678 = arith.addf %add3A_658, %get3A_673 : vector<16xf32>
    %get3A_679 = arith.constant 2 : i32
    %get3A_680 = arith.index_cast %get3A_679 : i32 to index
    %get3A_681 = arith.constant 32 : index
    %get3A_682 = tpu.vector_load %arg8[%get3A_680, %get3A_681] {strides = array<i32>} : memref<16x128xf32, #tpu.memory_space<vmem>>, vector<1x16xf32>,
    %get3A_683 = vector.shape_cast %get3A_682 : vector<1x16xf32> to vector<16xf32>
    %get3A_684 = arith.constant 2 : i32
    %get3A_685 = arith.index_cast %get3A_684 : i32 to index
    %get3A_686 = arith.constant 32 : index
    %get3A_687 = tpu.vector_load %arg10[%get3A_685, %get3A_686] {strides = array<i32>} : memref<16x128xf32, #tpu.memory_space<vmem>>, vector<1x16xf32>,
    %get3A_688 = vector.shape_cast %get3A_687 : vector<1x16xf32> to vector<16xf32>
    %get3A_689 = arith.constant 2 : i32
    %get3A_690 = arith.index_cast %get3A_689 : i32 to index
    %get3A_691 = arith.constant 32 : index
    %get3A_692 = tpu.vector_load %arg9[%get3A_690, %get3A_691] {strides = array<i32>} : memref<16x128xf32, #tpu.memory_space<vmem>>, vector<1x16xf32>,
    %get3A_693 = vector.shape_cast %get3A_692 : vector<1x16xf32> to vector<16xf32>
    %sub3A_694 = arith.subf %get3A_683, %get3A_688 : vector<16xf32>
    %abs3A_695 = math.absf %sub3A_694 : vector<16xf32>
    %mul3A_696 = arith.mulf %abs3A_695, %get3A_693 : vector<16xf32>
    %add3A_697 = arith.addf %add3A_677, %mul3A_696 : vector<16xf32>
    %add3A_698 = arith.addf %add3A_678, %get3A_693 : vector<16xf32>
    %get3A_699 = arith.constant 2 : i32
    %get3A_700 = arith.index_cast %get3A_699 : i32 to index
    %get3A_701 = arith.constant 48 : index
    %get3A_702 = tpu.vector_load %arg8[%get3A_700, %get3A_701] {strides = array<i32>} : memref<16x128xf32, #tpu.memory_space<vmem>>, vector<1x16xf32>,
    %get3A_703 = vector.shape_cast %get3A_702 : vector<1x16xf32> to vector<16xf32>
    %get3A_704 = arith.constant 2 : i32
    %get3A_705 = arith.index_cast %get3A_704 : i32 to index
    %get3A_706 = arith.constant 48 : index
    %get3A_707 = tpu.vector_load %arg10[%get3A_705, %get3A_706] {strides = array<i32>} : memref<16x128xf32, #tpu.memory_space<vmem>>, vector<1x16xf32>,
    %get3A_708 = vector.shape_cast %get3A_707 : vector<1x16xf32> to vector<16xf32>
    %get3A_709 = arith.constant 2 : i32
    %get3A_710 = arith.index_cast %get3A_709 : i32 to index
    %get3A_711 = arith.constant 48 : index
    %get3A_712 = tpu.vector_load %arg9[%get3A_710, %get3A_711] {strides = array<i32>} : memref<16x128xf32, #tpu.memory_space<vmem>>, vector<1x16xf32>,
    %get3A_713 = vector.shape_cast %get3A_712 : vector<1x16xf32> to vector<16xf32>
    %sub3A_714 = arith.subf %get3A_703, %get3A_708 : vector<16xf32>
    %abs3A_715 = math.absf %sub3A_714 : vector<16xf32>
    %mul3A_716 = arith.mulf %abs3A_715, %get3A_713 : vector<16xf32>
    %add3A_717 = arith.addf %add3A_697, %mul3A_716 : vector<16xf32>
    %add3A_718 = arith.addf %add3A_698, %get3A_713 : vector<16xf32>
    %get3A_719 = arith.constant 2 : i32
    %get3A_720 = arith.index_cast %get3A_719 : i32 to index
    %get3A_721 = arith.constant 64 : index
    %get3A_722 = tpu.vector_load %arg8[%get3A_720, %get3A_721] {strides = array<i32>} : memref<16x128xf32, #tpu.memory_space<vmem>>, vector<1x16xf32>,
    %get3A_723 = vector.shape_cast %get3A_722 : vector<1x16xf32> to vector<16xf32>
    %get3A_724 = arith.constant 2 : i32
    %get3A_725 = arith.index_cast %get3A_724 : i32 to index
    %get3A_726 = arith.constant 64 : index
    %get3A_727 = tpu.vector_load %arg10[%get3A_725, %get3A_726] {strides = array<i32>} : memref<16x128xf32, #tpu.memory_space<vmem>>, vector<1x16xf32>,
    %get3A_728 = vector.shape_cast %get3A_727 : vector<1x16xf32> to vector<16xf32>
    %get3A_729 = arith.constant 2 : i32
    %get3A_730 = arith.index_cast %get3A_729 : i32 to index
    %get3A_731 = arith.constant 64 : index
    %get3A_732 = tpu.vector_load %arg9[%get3A_730, %get3A_731] {strides = array<i32>} : memref<16x128xf32, #tpu.memory_space<vmem>>, vector<1x16xf32>,
    %get3A_733 = vector.shape_cast %get3A_732 : vector<1x16xf32> to vector<16xf32>
    %sub3A_734 = arith.subf %get3A_723, %get3A_728 : vector<16xf32>
    %abs3A_735 = math.absf %sub3A_734 : vector<16xf32>
    %mul3A_736 = arith.mulf %abs3A_735, %get3A_733 : vector<16xf32>
    %add3A_737 = arith.addf %add3A_717, %mul3A_736 : vector<16xf32>
    %add3A_738 = arith.addf %add3A_718, %get3A_733 : vector<16xf32>
    %get3A_739 = arith.constant 2 : i32
    %get3A_740 = arith.index_cast %get3A_739 : i32 to index
    %get3A_741 = arith.constant 80 : index
    %get3A_742 = tpu.vector_load %arg8[%get3A_740, %get3A_741] {strides = array<i32>} : memref<16x128xf32, #tpu.memory_space<vmem>>, vector<1x16xf32>,
    %get3A_743 = vector.shape_cast %get3A_742 : vector<1x16xf32> to vector<16xf32>
    %get3A_744 = arith.constant 2 : i32
    %get3A_745 = arith.index_cast %get3A_744 : i32 to index
    %get3A_746 = arith.constant 80 : index
    %get3A_747 = tpu.vector_load %arg10[%get3A_745, %get3A_746] {strides = array<i32>} : memref<16x128xf32, #tpu.memory_space<vmem>>, vector<1x16xf32>,
    %get3A_748 = vector.shape_cast %get3A_747 : vector<1x16xf32> to vector<16xf32>
    %get3A_749 = arith.constant 2 : i32
    %get3A_750 = arith.index_cast %get3A_749 : i32 to index
    %get3A_751 = arith.constant 80 : index
    %get3A_752 = tpu.vector_load %arg9[%get3A_750, %get3A_751] {strides = array<i32>} : memref<16x128xf32, #tpu.memory_space<vmem>>, vector<1x16xf32>,
    %get3A_753 = vector.shape_cast %get3A_752 : vector<1x16xf32> to vector<16xf32>
    %sub3A_754 = arith.subf %get3A_743, %get3A_748 : vector<16xf32>
    %abs3A_755 = math.absf %sub3A_754 : vector<16xf32>
    %mul3A_756 = arith.mulf %abs3A_755, %get3A_753 : vector<16xf32>
    %add3A_757 = arith.addf %add3A_737, %mul3A_756 : vector<16xf32>
    %add3A_758 = arith.addf %add3A_738, %get3A_753 : vector<16xf32>
    %get3A_759 = arith.constant 2 : i32
    %get3A_760 = arith.index_cast %get3A_759 : i32 to index
    %get3A_761 = arith.constant 96 : index
    %get3A_762 = tpu.vector_load %arg8[%get3A_760, %get3A_761] {strides = array<i32>} : memref<16x128xf32, #tpu.memory_space<vmem>>, vector<1x16xf32>,
    %get3A_763 = vector.shape_cast %get3A_762 : vector<1x16xf32> to vector<16xf32>
    %get3A_764 = arith.constant 2 : i32
    %get3A_765 = arith.index_cast %get3A_764 : i32 to index
    %get3A_766 = arith.constant 96 : index
    %get3A_767 = tpu.vector_load %arg10[%get3A_765, %get3A_766] {strides = array<i32>} : memref<16x128xf32, #tpu.memory_space<vmem>>, vector<1x16xf32>,
    %get3A_768 = vector.shape_cast %get3A_767 : vector<1x16xf32> to vector<16xf32>
    %get3A_769 = arith.constant 2 : i32
    %get3A_770 = arith.index_cast %get3A_769 : i32 to index
    %get3A_771 = arith.constant 96 : index
    %get3A_772 = tpu.vector_load %arg9[%get3A_770, %get3A_771] {strides = array<i32>} : memref<16x128xf32, #tpu.memory_space<vmem>>, vector<1x16xf32>,
    %get3A_773 = vector.shape_cast %get3A_772 : vector<1x16xf32> to vector<16xf32>
    %sub3A_774 = arith.subf %get3A_763, %get3A_768 : vector<16xf32>
    %abs3A_775 = math.absf %sub3A_774 : vector<16xf32>
    %mul3A_776 = arith.mulf %abs3A_775, %get3A_773 : vector<16xf32>
    %add3A_777 = arith.addf %add3A_757, %mul3A_776 : vector<16xf32>
    %add3A_778 = arith.addf %add3A_758, %get3A_773 : vector<16xf32>
    %get3A_779 = arith.constant 2 : i32
    %get3A_780 = arith.index_cast %get3A_779 : i32 to index
    %get3A_781 = arith.constant 112 : index
    %get3A_782 = tpu.vector_load %arg8[%get3A_780, %get3A_781] {strides = array<i32>} : memref<16x128xf32, #tpu.memory_space<vmem>>, vector<1x16xf32>,
    %get3A_783 = vector.shape_cast %get3A_782 : vector<1x16xf32> to vector<16xf32>
    %get3A_784 = arith.constant 2 : i32
    %get3A_785 = arith.index_cast %get3A_784 : i32 to index
    %get3A_786 = arith.constant 112 : index
    %get3A_787 = tpu.vector_load %arg10[%get3A_785, %get3A_786] {strides = array<i32>} : memref<16x128xf32, #tpu.memory_space<vmem>>, vector<1x16xf32>,
    %get3A_788 = vector.shape_cast %get3A_787 : vector<1x16xf32> to vector<16xf32>
    %get3A_789 = arith.constant 2 : i32
    %get3A_790 = arith.index_cast %get3A_789 : i32 to index
    %get3A_791 = arith.constant 112 : index
    %get3A_792 = tpu.vector_load %arg9[%get3A_790, %get3A_791] {strides = array<i32>} : memref<16x128xf32, #tpu.memory_space<vmem>>, vector<1x16xf32>,
    %get3A_793 = vector.shape_cast %get3A_792 : vector<1x16xf32> to vector<16xf32>
    %sub3A_794 = arith.subf %get3A_783, %get3A_788 : vector<16xf32>
    %abs3A_795 = math.absf %sub3A_794 : vector<16xf32>
    %mul3A_796 = arith.mulf %abs3A_795, %get3A_793 : vector<16xf32>
    %add3A_797 = arith.addf %add3A_777, %mul3A_796 : vector<16xf32>
    %add3A_798 = arith.addf %add3A_778, %get3A_793 : vector<16xf32>
    %get3A_799 = arith.constant 3 : i32
    %get3A_800 = arith.index_cast %get3A_799 : i32 to index
    %get3A_801 = arith.constant 0 : index
    %get3A_802 = tpu.vector_load %arg8[%get3A_800, %get3A_801] {strides = array<i32>} : memref<16x128xf32, #tpu.memory_space<vmem>>, vector<1x16xf32>,
    %get3A_803 = vector.shape_cast %get3A_802 : vector<1x16xf32> to vector<16xf32>
    %get3A_804 = arith.constant 3 : i32
    %get3A_805 = arith.index_cast %get3A_804 : i32 to index
    %get3A_806 = arith.constant 0 : index
    %get3A_807 = tpu.vector_load %arg10[%get3A_805, %get3A_806] {strides = array<i32>} : memref<16x128xf32, #tpu.memory_space<vmem>>, vector<1x16xf32>,
    %get3A_808 = vector.shape_cast %get3A_807 : vector<1x16xf32> to vector<16xf32>
    %get3A_809 = arith.constant 3 : i32
    %get3A_810 = arith.index_cast %get3A_809 : i32 to index
    %get3A_811 = arith.constant 0 : index
    %get3A_812 = tpu.vector_load %arg9[%get3A_810, %get3A_811] {strides = array<i32>} : memref<16x128xf32, #tpu.memory_space<vmem>>, vector<1x16xf32>,
    %get3A_813 = vector.shape_cast %get3A_812 : vector<1x16xf32> to vector<16xf32>
    %sub3A_814 = arith.subf %get3A_803, %get3A_808 : vector<16xf32>
    %abs3A_815 = math.absf %sub3A_814 : vector<16xf32>
    %mul3A_816 = arith.mulf %abs3A_815, %get3A_813 : vector<16xf32>
    %add3A_817 = arith.addf %add3A_797, %mul3A_816 : vector<16xf32>
    %add3A_818 = arith.addf %add3A_798, %get3A_813 : vector<16xf32>
    %get3A_819 = arith.constant 3 : i32
    %get3A_820 = arith.index_cast %get3A_819 : i32 to index
    %get3A_821 = arith.constant 16 : index
    %get3A_822 = tpu.vector_load %arg8[%get3A_820, %get3A_821] {strides = array<i32>} : memref<16x128xf32, #tpu.memory_space<vmem>>, vector<1x16xf32>,
    %get3A_823 = vector.shape_cast %get3A_822 : vector<1x16xf32> to vector<16xf32>
    %get3A_824 = arith.constant 3 : i32
    %get3A_825 = arith.index_cast %get3A_824 : i32 to index
    %get3A_826 = arith.constant 16 : index
    %get3A_827 = tpu.vector_load %arg10[%get3A_825, %get3A_826] {strides = array<i32>} : memref<16x128xf32, #tpu.memory_space<vmem>>, vector<1x16xf32>,
    %get3A_828 = vector.shape_cast %get3A_827 : vector<1x16xf32> to vector<16xf32>
    %get3A_829 = arith.constant 3 : i32
    %get3A_830 = arith.index_cast %get3A_829 : i32 to index
    %get3A_831 = arith.constant 16 : index
    %get3A_832 = tpu.vector_load %arg9[%get3A_830, %get3A_831] {strides = array<i32>} : memref<16x128xf32, #tpu.memory_space<vmem>>, vector<1x16xf32>,
    %get3A_833 = vector.shape_cast %get3A_832 : vector<1x16xf32> to vector<16xf32>
    %sub3A_834 = arith.subf %get3A_823, %get3A_828 : vector<16xf32>
    %abs3A_835 = math.absf %sub3A_834 : vector<16xf32>
    %mul3A_836 = arith.mulf %abs3A_835, %get3A_833 : vector<16xf32>
    %add3A_837 = arith.addf %add3A_817, %mul3A_836 : vector<16xf32>
    %add3A_838 = arith.addf %add3A_818, %get3A_833 : vector<16xf32>
    %get3A_839 = arith.constant 3 : i32
    %get3A_840 = arith.index_cast %get3A_839 : i32 to index
    %get3A_841 = arith.constant 32 : index
    %get3A_842 = tpu.vector_load %arg8[%get3A_840, %get3A_841] {strides = array<i32>} : memref<16x128xf32, #tpu.memory_space<vmem>>, vector<1x16xf32>,
    %get3A_843 = vector.shape_cast %get3A_842 : vector<1x16xf32> to vector<16xf32>
    %get3A_844 = arith.constant 3 : i32
    %get3A_845 = arith.index_cast %get3A_844 : i32 to index
    %get3A_846 = arith.constant 32 : index
    %get3A_847 = tpu.vector_load %arg10[%get3A_845, %get3A_846] {strides = array<i32>} : memref<16x128xf32, #tpu.memory_space<vmem>>, vector<1x16xf32>,
    %get3A_848 = vector.shape_cast %get3A_847 : vector<1x16xf32> to vector<16xf32>
    %get3A_849 = arith.constant 3 : i32
    %get3A_850 = arith.index_cast %get3A_849 : i32 to index
    %get3A_851 = arith.constant 32 : index
    %get3A_852 = tpu.vector_load %arg9[%get3A_850, %get3A_851] {strides = array<i32>} : memref<16x128xf32, #tpu.memory_space<vmem>>, vector<1x16xf32>,
    %get3A_853 = vector.shape_cast %get3A_852 : vector<1x16xf32> to vector<16xf32>
    %sub3A_854 = arith.subf %get3A_843, %get3A_848 : vector<16xf32>
    %abs3A_855 = math.absf %sub3A_854 : vector<16xf32>
    %mul3A_856 = arith.mulf %abs3A_855, %get3A_853 : vector<16xf32>
    %add3A_857 = arith.addf %add3A_837, %mul3A_856 : vector<16xf32>
    %add3A_858 = arith.addf %add3A_838, %get3A_853 : vector<16xf32>
    %get3A_859 = arith.constant 3 : i32
    %get3A_860 = arith.index_cast %get3A_859 : i32 to index
    %get3A_861 = arith.constant 48 : index
    %get3A_862 = tpu.vector_load %arg8[%get3A_860, %get3A_861] {strides = array<i32>} : memref<16x128xf32, #tpu.memory_space<vmem>>, vector<1x16xf32>,
    %get3A_863 = vector.shape_cast %get3A_862 : vector<1x16xf32> to vector<16xf32>
    %get3A_864 = arith.constant 3 : i32
    %get3A_865 = arith.index_cast %get3A_864 : i32 to index
    %get3A_866 = arith.constant 48 : index
    %get3A_867 = tpu.vector_load %arg10[%get3A_865, %get3A_866] {strides = array<i32>} : memref<16x128xf32, #tpu.memory_space<vmem>>, vector<1x16xf32>,
    %get3A_868 = vector.shape_cast %get3A_867 : vector<1x16xf32> to vector<16xf32>
    %get3A_869 = arith.constant 3 : i32
    %get3A_870 = arith.index_cast %get3A_869 : i32 to index
    %get3A_871 = arith.constant 48 : index
    %get3A_872 = tpu.vector_load %arg9[%get3A_870, %get3A_871] {strides = array<i32>} : memref<16x128xf32, #tpu.memory_space<vmem>>, vector<1x16xf32>,
    %get3A_873 = vector.shape_cast %get3A_872 : vector<1x16xf32> to vector<16xf32>
    %sub3A_874 = arith.subf %get3A_863, %get3A_868 : vector<16xf32>
    %abs3A_875 = math.absf %sub3A_874 : vector<16xf32>
    %mul3A_876 = arith.mulf %abs3A_875, %get3A_873 : vector<16xf32>
    %add3A_877 = arith.addf %add3A_857, %mul3A_876 : vector<16xf32>
    %add3A_878 = arith.addf %add3A_858, %get3A_873 : vector<16xf32>
    %get3A_879 = arith.constant 3 : i32
    %get3A_880 = arith.index_cast %get3A_879 : i32 to index
    %get3A_881 = arith.constant 64 : index
    %get3A_882 = tpu.vector_load %arg8[%get3A_880, %get3A_881] {strides = array<i32>} : memref<16x128xf32, #tpu.memory_space<vmem>>, vector<1x16xf32>,
    %get3A_883 = vector.shape_cast %get3A_882 : vector<1x16xf32> to vector<16xf32>
    %get3A_884 = arith.constant 3 : i32
    %get3A_885 = arith.index_cast %get3A_884 : i32 to index
    %get3A_886 = arith.constant 64 : index
    %get3A_887 = tpu.vector_load %arg10[%get3A_885, %get3A_886] {strides = array<i32>} : memref<16x128xf32, #tpu.memory_space<vmem>>, vector<1x16xf32>,
    %get3A_888 = vector.shape_cast %get3A_887 : vector<1x16xf32> to vector<16xf32>
    %get3A_889 = arith.constant 3 : i32
    %get3A_890 = arith.index_cast %get3A_889 : i32 to index
    %get3A_891 = arith.constant 64 : index
    %get3A_892 = tpu.vector_load %arg9[%get3A_890, %get3A_891] {strides = array<i32>} : memref<16x128xf32, #tpu.memory_space<vmem>>, vector<1x16xf32>,
    %get3A_893 = vector.shape_cast %get3A_892 : vector<1x16xf32> to vector<16xf32>
    %sub3A_894 = arith.subf %get3A_883, %get3A_888 : vector<16xf32>
    %abs3A_895 = math.absf %sub3A_894 : vector<16xf32>
    %mul3A_896 = arith.mulf %abs3A_895, %get3A_893 : vector<16xf32>
    %add3A_897 = arith.addf %add3A_877, %mul3A_896 : vector<16xf32>
    %add3A_898 = arith.addf %add3A_878, %get3A_893 : vector<16xf32>
    %get3A_899 = arith.constant 3 : i32
    %get3A_900 = arith.index_cast %get3A_899 : i32 to index
    %get3A_901 = arith.constant 80 : index
    %get3A_902 = tpu.vector_load %arg8[%get3A_900, %get3A_901] {strides = array<i32>} : memref<16x128xf32, #tpu.memory_space<vmem>>, vector<1x16xf32>,
    %get3A_903 = vector.shape_cast %get3A_902 : vector<1x16xf32> to vector<16xf32>
    %get3A_904 = arith.constant 3 : i32
    %get3A_905 = arith.index_cast %get3A_904 : i32 to index
    %get3A_906 = arith.constant 80 : index
    %get3A_907 = tpu.vector_load %arg10[%get3A_905, %get3A_906] {strides = array<i32>} : memref<16x128xf32, #tpu.memory_space<vmem>>, vector<1x16xf32>,
    %get3A_908 = vector.shape_cast %get3A_907 : vector<1x16xf32> to vector<16xf32>
    %get3A_909 = arith.constant 3 : i32
    %get3A_910 = arith.index_cast %get3A_909 : i32 to index
    %get3A_911 = arith.constant 80 : index
    %get3A_912 = tpu.vector_load %arg9[%get3A_910, %get3A_911] {strides = array<i32>} : memref<16x128xf32, #tpu.memory_space<vmem>>, vector<1x16xf32>,
    %get3A_913 = vector.shape_cast %get3A_912 : vector<1x16xf32> to vector<16xf32>
    %sub3A_914 = arith.subf %get3A_903, %get3A_908 : vector<16xf32>
    %abs3A_915 = math.absf %sub3A_914 : vector<16xf32>
    %mul3A_916 = arith.mulf %abs3A_915, %get3A_913 : vector<16xf32>
    %add3A_917 = arith.addf %add3A_897, %mul3A_916 : vector<16xf32>
    %add3A_918 = arith.addf %add3A_898, %get3A_913 : vector<16xf32>
    %get3A_919 = arith.constant 3 : i32
    %get3A_920 = arith.index_cast %get3A_919 : i32 to index
    %get3A_921 = arith.constant 96 : index
    %get3A_922 = tpu.vector_load %arg8[%get3A_920, %get3A_921] {strides = array<i32>} : memref<16x128xf32, #tpu.memory_space<vmem>>, vector<1x16xf32>,
    %get3A_923 = vector.shape_cast %get3A_922 : vector<1x16xf32> to vector<16xf32>
    %get3A_924 = arith.constant 3 : i32
    %get3A_925 = arith.index_cast %get3A_924 : i32 to index
    %get3A_926 = arith.constant 96 : index
    %get3A_927 = tpu.vector_load %arg10[%get3A_925, %get3A_926] {strides = array<i32>} : memref<16x128xf32, #tpu.memory_space<vmem>>, vector<1x16xf32>,
    %get3A_928 = vector.shape_cast %get3A_927 : vector<1x16xf32> to vector<16xf32>
    %get3A_929 = arith.constant 3 : i32
    %get3A_930 = arith.index_cast %get3A_929 : i32 to index
    %get3A_931 = arith.constant 96 : index
    %get3A_932 = tpu.vector_load %arg9[%get3A_930, %get3A_931] {strides = array<i32>} : memref<16x128xf32, #tpu.memory_space<vmem>>, vector<1x16xf32>,
    %get3A_933 = vector.shape_cast %get3A_932 : vector<1x16xf32> to vector<16xf32>
    %sub3A_934 = arith.subf %get3A_923, %get3A_928 : vector<16xf32>
    %abs3A_935 = math.absf %sub3A_934 : vector<16xf32>
    %mul3A_936 = arith.mulf %abs3A_935, %get3A_933 : vector<16xf32>
    %add3A_937 = arith.addf %add3A_917, %mul3A_936 : vector<16xf32>
    %add3A_938 = arith.addf %add3A_918, %get3A_933 : vector<16xf32>
    %get3A_939 = arith.constant 3 : i32
    %get3A_940 = arith.index_cast %get3A_939 : i32 to index
    %get3A_941 = arith.constant 112 : index
    %get3A_942 = tpu.vector_load %arg8[%get3A_940, %get3A_941] {strides = array<i32>} : memref<16x128xf32, #tpu.memory_space<vmem>>, vector<1x16xf32>,
    %get3A_943 = vector.shape_cast %get3A_942 : vector<1x16xf32> to vector<16xf32>
    %get3A_944 = arith.constant 3 : i32
    %get3A_945 = arith.index_cast %get3A_944 : i32 to index
    %get3A_946 = arith.constant 112 : index
    %get3A_947 = tpu.vector_load %arg10[%get3A_945, %get3A_946] {strides = array<i32>} : memref<16x128xf32, #tpu.memory_space<vmem>>, vector<1x16xf32>,
    %get3A_948 = vector.shape_cast %get3A_947 : vector<1x16xf32> to vector<16xf32>
    %get3A_949 = arith.constant 3 : i32
    %get3A_950 = arith.index_cast %get3A_949 : i32 to index
    %get3A_951 = arith.constant 112 : index
    %get3A_952 = tpu.vector_load %arg9[%get3A_950, %get3A_951] {strides = array<i32>} : memref<16x128xf32, #tpu.memory_space<vmem>>, vector<1x16xf32>,
    %get3A_953 = vector.shape_cast %get3A_952 : vector<1x16xf32> to vector<16xf32>
    %sub3A_954 = arith.subf %get3A_943, %get3A_948 : vector<16xf32>
    %abs3A_955 = math.absf %sub3A_954 : vector<16xf32>
    %mul3A_956 = arith.mulf %abs3A_955, %get3A_953 : vector<16xf32>
    %add3A_957 = arith.addf %add3A_937, %mul3A_956 : vector<16xf32>
    %add3A_958 = arith.addf %add3A_938, %get3A_953 : vector<16xf32>
    %get3A_959 = arith.constant 4 : i32
    %get3A_960 = arith.index_cast %get3A_959 : i32 to index
    %get3A_961 = arith.constant 0 : index
    %get3A_962 = tpu.vector_load %arg8[%get3A_960, %get3A_961] {strides = array<i32>} : memref<16x128xf32, #tpu.memory_space<vmem>>, vector<1x16xf32>,
    %get3A_963 = vector.shape_cast %get3A_962 : vector<1x16xf32> to vector<16xf32>
    %get3A_964 = arith.constant 4 : i32
    %get3A_965 = arith.index_cast %get3A_964 : i32 to index
    %get3A_966 = arith.constant 0 : index
    %get3A_967 = tpu.vector_load %arg10[%get3A_965, %get3A_966] {strides = array<i32>} : memref<16x128xf32, #tpu.memory_space<vmem>>, vector<1x16xf32>,
    %get3A_968 = vector.shape_cast %get3A_967 : vector<1x16xf32> to vector<16xf32>
    %get3A_969 = arith.constant 4 : i32
    %get3A_970 = arith.index_cast %get3A_969 : i32 to index
    %get3A_971 = arith.constant 0 : index
    %get3A_972 = tpu.vector_load %arg9[%get3A_970, %get3A_971] {strides = array<i32>} : memref<16x128xf32, #tpu.memory_space<vmem>>, vector<1x16xf32>,
    %get3A_973 = vector.shape_cast %get3A_972 : vector<1x16xf32> to vector<16xf32>
    %sub3A_974 = arith.subf %get3A_963, %get3A_968 : vector<16xf32>
    %abs3A_975 = math.absf %sub3A_974 : vector<16xf32>
    %mul3A_976 = arith.mulf %abs3A_975, %get3A_973 : vector<16xf32>
    %add3A_977 = arith.addf %add3A_957, %mul3A_976 : vector<16xf32>
    %add3A_978 = arith.addf %add3A_958, %get3A_973 : vector<16xf32>
    %get3A_979 = arith.constant 4 : i32
    %get3A_980 = arith.index_cast %get3A_979 : i32 to index
    %get3A_981 = arith.constant 16 : index
    %get3A_982 = tpu.vector_load %arg8[%get3A_980, %get3A_981] {strides = array<i32>} : memref<16x128xf32, #tpu.memory_space<vmem>>, vector<1x16xf32>,
    %get3A_983 = vector.shape_cast %get3A_982 : vector<1x16xf32> to vector<16xf32>
    %get3A_984 = arith.constant 4 : i32
    %get3A_985 = arith.index_cast %get3A_984 : i32 to index
    %get3A_986 = arith.constant 16 : index
    %get3A_987 = tpu.vector_load %arg10[%get3A_985, %get3A_986] {strides = array<i32>} : memref<16x128xf32, #tpu.memory_space<vmem>>, vector<1x16xf32>,
    %get3A_988 = vector.shape_cast %get3A_987 : vector<1x16xf32> to vector<16xf32>
    %get3A_989 = arith.constant 4 : i32
    %get3A_990 = arith.index_cast %get3A_989 : i32 to index
    %get3A_991 = arith.constant 16 : index
    %get3A_992 = tpu.vector_load %arg9[%get3A_990, %get3A_991] {strides = array<i32>} : memref<16x128xf32, #tpu.memory_space<vmem>>, vector<1x16xf32>,
    %get3A_993 = vector.shape_cast %get3A_992 : vector<1x16xf32> to vector<16xf32>
    %sub3A_994 = arith.subf %get3A_983, %get3A_988 : vector<16xf32>
    %abs3A_995 = math.absf %sub3A_994 : vector<16xf32>
    %mul3A_996 = arith.mulf %abs3A_995, %get3A_993 : vector<16xf32>
    %add3A_997 = arith.addf %add3A_977, %mul3A_996 : vector<16xf32>
    %add3A_998 = arith.addf %add3A_978, %get3A_993 : vector<16xf32>
    %get3A_999 = arith.constant 4 : i32
    %get3A_1000 = arith.index_cast %get3A_999 : i32 to index
    %get3A_1001 = arith.constant 32 : index
    %get3A_1002 = tpu.vector_load %arg8[%get3A_1000, %get3A_1001] {strides = array<i32>} : memref<16x128xf32, #tpu.memory_space<vmem>>, vector<1x16xf32>,
    %get3A_1003 = vector.shape_cast %get3A_1002 : vector<1x16xf32> to vector<16xf32>
    %get3A_1004 = arith.constant 4 : i32
    %get3A_1005 = arith.index_cast %get3A_1004 : i32 to index
    %get3A_1006 = arith.constant 32 : index
    %get3A_1007 = tpu.vector_load %arg10[%get3A_1005, %get3A_1006] {strides = array<i32>} : memref<16x128xf32, #tpu.memory_space<vmem>>, vector<1x16xf32>,
    %get3A_1008 = vector.shape_cast %get3A_1007 : vector<1x16xf32> to vector<16xf32>
    %get3A_1009 = arith.constant 4 : i32
    %get3A_1010 = arith.index_cast %get3A_1009 : i32 to index
    %get3A_1011 = arith.constant 32 : index
    %get3A_1012 = tpu.vector_load %arg9[%get3A_1010, %get3A_1011] {strides = array<i32>} : memref<16x128xf32, #tpu.memory_space<vmem>>, vector<1x16xf32>,
    %get3A_1013 = vector.shape_cast %get3A_1012 : vector<1x16xf32> to vector<16xf32>
    %sub3A_1014 = arith.subf %get3A_1003, %get3A_1008 : vector<16xf32>
    %abs3A_1015 = math.absf %sub3A_1014 : vector<16xf32>
    %mul3A_1016 = arith.mulf %abs3A_1015, %get3A_1013 : vector<16xf32>
    %add3A_1017 = arith.addf %add3A_997, %mul3A_1016 : vector<16xf32>
    %add3A_1018 = arith.addf %add3A_998, %get3A_1013 : vector<16xf32>
    %get3A_1019 = arith.constant 4 : i32
    %get3A_1020 = arith.index_cast %get3A_1019 : i32 to index
    %get3A_1021 = arith.constant 48 : index
    %get3A_1022 = tpu.vector_load %arg8[%get3A_1020, %get3A_1021] {strides = array<i32>} : memref<16x128xf32, #tpu.memory_space<vmem>>, vector<1x16xf32>,
    %get3A_1023 = vector.shape_cast %get3A_1022 : vector<1x16xf32> to vector<16xf32>
    %get3A_1024 = arith.constant 4 : i32
    %get3A_1025 = arith.index_cast %get3A_1024 : i32 to index
    %get3A_1026 = arith.constant 48 : index
    %get3A_1027 = tpu.vector_load %arg10[%get3A_1025, %get3A_1026] {strides = array<i32>} : memref<16x128xf32, #tpu.memory_space<vmem>>, vector<1x16xf32>,
    %get3A_1028 = vector.shape_cast %get3A_1027 : vector<1x16xf32> to vector<16xf32>
    %get3A_1029 = arith.constant 4 : i32
    %get3A_1030 = arith.index_cast %get3A_1029 : i32 to index
    %get3A_1031 = arith.constant 48 : index
    %get3A_1032 = tpu.vector_load %arg9[%get3A_1030, %get3A_1031] {strides = array<i32>} : memref<16x128xf32, #tpu.memory_space<vmem>>, vector<1x16xf32>,
    %get3A_1033 = vector.shape_cast %get3A_1032 : vector<1x16xf32> to vector<16xf32>
    %sub3A_1034 = arith.subf %get3A_1023, %get3A_1028 : vector<16xf32>
    %abs3A_1035 = math.absf %sub3A_1034 : vector<16xf32>
    %mul3A_1036 = arith.mulf %abs3A_1035, %get3A_1033 : vector<16xf32>
    %add3A_1037 = arith.addf %add3A_1017, %mul3A_1036 : vector<16xf32>
    %add3A_1038 = arith.addf %add3A_1018, %get3A_1033 : vector<16xf32>
    %get3A_1039 = arith.constant 4 : i32
    %get3A_1040 = arith.index_cast %get3A_1039 : i32 to index
    %get3A_1041 = arith.constant 64 : index
    %get3A_1042 = tpu.vector_load %arg8[%get3A_1040, %get3A_1041] {strides = array<i32>} : memref<16x128xf32, #tpu.memory_space<vmem>>, vector<1x16xf32>,
    %get3A_1043 = vector.shape_cast %get3A_1042 : vector<1x16xf32> to vector<16xf32>
    %get3A_1044 = arith.constant 4 : i32
    %get3A_1045 = arith.index_cast %get3A_1044 : i32 to index
    %get3A_1046 = arith.constant 64 : index
    %get3A_1047 = tpu.vector_load %arg10[%get3A_1045, %get3A_1046] {strides = array<i32>} : memref<16x128xf32, #tpu.memory_space<vmem>>, vector<1x16xf32>,
    %get3A_1048 = vector.shape_cast %get3A_1047 : vector<1x16xf32> to vector<16xf32>
    %get3A_1049 = arith.constant 4 : i32
    %get3A_1050 = arith.index_cast %get3A_1049 : i32 to index
    %get3A_1051 = arith.constant 64 : index
    %get3A_1052 = tpu.vector_load %arg9[%get3A_1050, %get3A_1051] {strides = array<i32>} : memref<16x128xf32, #tpu.memory_space<vmem>>, vector<1x16xf32>,
    %get3A_1053 = vector.shape_cast %get3A_1052 : vector<1x16xf32> to vector<16xf32>
    %sub3A_1054 = arith.subf %get3A_1043, %get3A_1048 : vector<16xf32>
    %abs3A_1055 = math.absf %sub3A_1054 : vector<16xf32>
    %mul3A_1056 = arith.mulf %abs3A_1055, %get3A_1053 : vector<16xf32>
    %add3A_1057 = arith.addf %add3A_1037, %mul3A_1056 : vector<16xf32>
    %add3A_1058 = arith.addf %add3A_1038, %get3A_1053 : vector<16xf32>
    %get3A_1059 = arith.constant 4 : i32
    %get3A_1060 = arith.index_cast %get3A_1059 : i32 to index
    %get3A_1061 = arith.constant 80 : index
    %get3A_1062 = tpu.vector_load %arg8[%get3A_1060, %get3A_1061] {strides = array<i32>} : memref<16x128xf32, #tpu.memory_space<vmem>>, vector<1x16xf32>,
    %get3A_1063 = vector.shape_cast %get3A_1062 : vector<1x16xf32> to vector<16xf32>
    %get3A_1064 = arith.constant 4 : i32
    %get3A_1065 = arith.index_cast %get3A_1064 : i32 to index
    %get3A_1066 = arith.constant 80 : index
    %get3A_1067 = tpu.vector_load %arg10[%get3A_1065, %get3A_1066] {strides = array<i32>} : memref<16x128xf32, #tpu.memory_space<vmem>>, vector<1x16xf32>,
    %get3A_1068 = vector.shape_cast %get3A_1067 : vector<1x16xf32> to vector<16xf32>
    %get3A_1069 = arith.constant 4 : i32
    %get3A_1070 = arith.index_cast %get3A_1069 : i32 to index
    %get3A_1071 = arith.constant 80 : index
    %get3A_1072 = tpu.vector_load %arg9[%get3A_1070, %get3A_1071] {strides = array<i32>} : memref<16x128xf32, #tpu.memory_space<vmem>>, vector<1x16xf32>,
    %get3A_1073 = vector.shape_cast %get3A_1072 : vector<1x16xf32> to vector<16xf32>
    %sub3A_1074 = arith.subf %get3A_1063, %get3A_1068 : vector<16xf32>
    %abs3A_1075 = math.absf %sub3A_1074 : vector<16xf32>
    %mul3A_1076 = arith.mulf %abs3A_1075, %get3A_1073 : vector<16xf32>
    %add3A_1077 = arith.addf %add3A_1057, %mul3A_1076 : vector<16xf32>
    %add3A_1078 = arith.addf %add3A_1058, %get3A_1073 : vector<16xf32>
    %get3A_1079 = arith.constant 4 : i32
    %get3A_1080 = arith.index_cast %get3A_1079 : i32 to index
    %get3A_1081 = arith.constant 96 : index
    %get3A_1082 = tpu.vector_load %arg8[%get3A_1080, %get3A_1081] {strides = array<i32>} : memref<16x128xf32, #tpu.memory_space<vmem>>, vector<1x16xf32>,
    %get3A_1083 = vector.shape_cast %get3A_1082 : vector<1x16xf32> to vector<16xf32>
    %get3A_1084 = arith.constant 4 : i32
    %get3A_1085 = arith.index_cast %get3A_1084 : i32 to index
    %get3A_1086 = arith.constant 96 : index
    %get3A_1087 = tpu.vector_load %arg10[%get3A_1085, %get3A_1086] {strides = array<i32>} : memref<16x128xf32, #tpu.memory_space<vmem>>, vector<1x16xf32>,
    %get3A_1088 = vector.shape_cast %get3A_1087 : vector<1x16xf32> to vector<16xf32>
    %get3A_1089 = arith.constant 4 : i32
    %get3A_1090 = arith.index_cast %get3A_1089 : i32 to index
    %get3A_1091 = arith.constant 96 : index
    %get3A_1092 = tpu.vector_load %arg9[%get3A_1090, %get3A_1091] {strides = array<i32>} : memref<16x128xf32, #tpu.memory_space<vmem>>, vector<1x16xf32>,
    %get3A_1093 = vector.shape_cast %get3A_1092 : vector<1x16xf32> to vector<16xf32>
    %sub3A_1094 = arith.subf %get3A_1083, %get3A_1088 : vector<16xf32>
    %abs3A_1095 = math.absf %sub3A_1094 : vector<16xf32>
    %mul3A_1096 = arith.mulf %abs3A_1095, %get3A_1093 : vector<16xf32>
    %add3A_1097 = arith.addf %add3A_1077, %mul3A_1096 : vector<16xf32>
    %add3A_1098 = arith.addf %add3A_1078, %get3A_1093 : vector<16xf32>
    %get3A_1099 = arith.constant 4 : i32
    %get3A_1100 = arith.index_cast %get3A_1099 : i32 to index
    %get3A_1101 = arith.constant 112 : index
    %get3A_1102 = tpu.vector_load %arg8[%get3A_1100, %get3A_1101] {strides = array<i32>} : memref<16x128xf32, #tpu.memory_space<vmem>>, vector<1x16xf32>,
    %get3A_1103 = vector.shape_cast %get3A_1102 : vector<1x16xf32> to vector<16xf32>
    %get3A_1104 = arith.constant 4 : i32
    %get3A_1105 = arith.index_cast %get3A_1104 : i32 to index
    %get3A_1106 = arith.constant 112 : index
    %get3A_1107 = tpu.vector_load %arg10[%get3A_1105, %get3A_1106] {strides = array<i32>} : memref<16x128xf32, #tpu.memory_space<vmem>>, vector<1x16xf32>,
    %get3A_1108 = vector.shape_cast %get3A_1107 : vector<1x16xf32> to vector<16xf32>
    %get3A_1109 = arith.constant 4 : i32
    %get3A_1110 = arith.index_cast %get3A_1109 : i32 to index
    %get3A_1111 = arith.constant 112 : index
    %get3A_1112 = tpu.vector_load %arg9[%get3A_1110, %get3A_1111] {strides = array<i32>} : memref<16x128xf32, #tpu.memory_space<vmem>>, vector<1x16xf32>,
    %get3A_1113 = vector.shape_cast %get3A_1112 : vector<1x16xf32> to vector<16xf32>
    %sub3A_1114 = arith.subf %get3A_1103, %get3A_1108 : vector<16xf32>
    %abs3A_1115 = math.absf %sub3A_1114 : vector<16xf32>
    %mul3A_1116 = arith.mulf %abs3A_1115, %get3A_1113 : vector<16xf32>
    %add3A_1117 = arith.addf %add3A_1097, %mul3A_1116 : vector<16xf32>
    %add3A_1118 = arith.addf %add3A_1098, %get3A_1113 : vector<16xf32>
    %get3A_1119 = arith.constant 5 : i32
    %get3A_1120 = arith.index_cast %get3A_1119 : i32 to index
    %get3A_1121 = arith.constant 0 : index
    %get3A_1122 = tpu.vector_load %arg8[%get3A_1120, %get3A_1121] {strides = array<i32>} : memref<16x128xf32, #tpu.memory_space<vmem>>, vector<1x16xf32>,
    %get3A_1123 = vector.shape_cast %get3A_1122 : vector<1x16xf32> to vector<16xf32>
    %get3A_1124 = arith.constant 5 : i32
    %get3A_1125 = arith.index_cast %get3A_1124 : i32 to index
    %get3A_1126 = arith.constant 0 : index
    %get3A_1127 = tpu.vector_load %arg10[%get3A_1125, %get3A_1126] {strides = array<i32>} : memref<16x128xf32, #tpu.memory_space<vmem>>, vector<1x16xf32>,
    %get3A_1128 = vector.shape_cast %get3A_1127 : vector<1x16xf32> to vector<16xf32>
    %get3A_1129 = arith.constant 5 : i32
    %get3A_1130 = arith.index_cast %get3A_1129 : i32 to index
    %get3A_1131 = arith.constant 0 : index
    %get3A_1132 = tpu.vector_load %arg9[%get3A_1130, %get3A_1131] {strides = array<i32>} : memref<16x128xf32, #tpu.memory_space<vmem>>, vector<1x16xf32>,
    %get3A_1133 = vector.shape_cast %get3A_1132 : vector<1x16xf32> to vector<16xf32>
    %sub3A_1134 = arith.subf %get3A_1123, %get3A_1128 : vector<16xf32>
    %abs3A_1135 = math.absf %sub3A_1134 : vector<16xf32>
    %mul3A_1136 = arith.mulf %abs3A_1135, %get3A_1133 : vector<16xf32>
    %add3A_1137 = arith.addf %add3A_1117, %mul3A_1136 : vector<16xf32>
    %add3A_1138 = arith.addf %add3A_1118, %get3A_1133 : vector<16xf32>
    %get3A_1139 = arith.constant 5 : i32
    %get3A_1140 = arith.index_cast %get3A_1139 : i32 to index
    %get3A_1141 = arith.constant 16 : index
    %get3A_1142 = tpu.vector_load %arg8[%get3A_1140, %get3A_1141] {strides = array<i32>} : memref<16x128xf32, #tpu.memory_space<vmem>>, vector<1x16xf32>,
    %get3A_1143 = vector.shape_cast %get3A_1142 : vector<1x16xf32> to vector<16xf32>
    %get3A_1144 = arith.constant 5 : i32
    %get3A_1145 = arith.index_cast %get3A_1144 : i32 to index
    %get3A_1146 = arith.constant 16 : index
    %get3A_1147 = tpu.vector_load %arg10[%get3A_1145, %get3A_1146] {strides = array<i32>} : memref<16x128xf32, #tpu.memory_space<vmem>>, vector<1x16xf32>,
    %get3A_1148 = vector.shape_cast %get3A_1147 : vector<1x16xf32> to vector<16xf32>
    %get3A_1149 = arith.constant 5 : i32
    %get3A_1150 = arith.index_cast %get3A_1149 : i32 to index
    %get3A_1151 = arith.constant 16 : index
    %get3A_1152 = tpu.vector_load %arg9[%get3A_1150, %get3A_1151] {strides = array<i32>} : memref<16x128xf32, #tpu.memory_space<vmem>>, vector<1x16xf32>,
    %get3A_1153 = vector.shape_cast %get3A_1152 : vector<1x16xf32> to vector<16xf32>
    %sub3A_1154 = arith.subf %get3A_1143, %get3A_1148 : vector<16xf32>
    %abs3A_1155 = math.absf %sub3A_1154 : vector<16xf32>
    %mul3A_1156 = arith.mulf %abs3A_1155, %get3A_1153 : vector<16xf32>
    %add3A_1157 = arith.addf %add3A_1137, %mul3A_1156 : vector<16xf32>
    %add3A_1158 = arith.addf %add3A_1138, %get3A_1153 : vector<16xf32>
    %get3A_1159 = arith.constant 5 : i32
    %get3A_1160 = arith.index_cast %get3A_1159 : i32 to index
    %get3A_1161 = arith.constant 32 : index
    %get3A_1162 = tpu.vector_load %arg8[%get3A_1160, %get3A_1161] {strides = array<i32>} : memref<16x128xf32, #tpu.memory_space<vmem>>, vector<1x16xf32>,
    %get3A_1163 = vector.shape_cast %get3A_1162 : vector<1x16xf32> to vector<16xf32>
    %get3A_1164 = arith.constant 5 : i32
    %get3A_1165 = arith.index_cast %get3A_1164 : i32 to index
    %get3A_1166 = arith.constant 32 : index
    %get3A_1167 = tpu.vector_load %arg10[%get3A_1165, %get3A_1166] {strides = array<i32>} : memref<16x128xf32, #tpu.memory_space<vmem>>, vector<1x16xf32>,
    %get3A_1168 = vector.shape_cast %get3A_1167 : vector<1x16xf32> to vector<16xf32>
    %get3A_1169 = arith.constant 5 : i32
    %get3A_1170 = arith.index_cast %get3A_1169 : i32 to index
    %get3A_1171 = arith.constant 32 : index
    %get3A_1172 = tpu.vector_load %arg9[%get3A_1170, %get3A_1171] {strides = array<i32>} : memref<16x128xf32, #tpu.memory_space<vmem>>, vector<1x16xf32>,
    %get3A_1173 = vector.shape_cast %get3A_1172 : vector<1x16xf32> to vector<16xf32>
    %sub3A_1174 = arith.subf %get3A_1163, %get3A_1168 : vector<16xf32>
    %abs3A_1175 = math.absf %sub3A_1174 : vector<16xf32>
    %mul3A_1176 = arith.mulf %abs3A_1175, %get3A_1173 : vector<16xf32>
    %add3A_1177 = arith.addf %add3A_1157, %mul3A_1176 : vector<16xf32>
    %add3A_1178 = arith.addf %add3A_1158, %get3A_1173 : vector<16xf32>
    %get3A_1179 = arith.constant 5 : i32
    %get3A_1180 = arith.index_cast %get3A_1179 : i32 to index
    %get3A_1181 = arith.constant 48 : index
    %get3A_1182 = tpu.vector_load %arg8[%get3A_1180, %get3A_1181] {strides = array<i32>} : memref<16x128xf32, #tpu.memory_space<vmem>>, vector<1x16xf32>,
    %get3A_1183 = vector.shape_cast %get3A_1182 : vector<1x16xf32> to vector<16xf32>
    %get3A_1184 = arith.constant 5 : i32
    %get3A_1185 = arith.index_cast %get3A_1184 : i32 to index
    %get3A_1186 = arith.constant 48 : index
    %get3A_1187 = tpu.vector_load %arg10[%get3A_1185, %get3A_1186] {strides = array<i32>} : memref<16x128xf32, #tpu.memory_space<vmem>>, vector<1x16xf32>,
    %get3A_1188 = vector.shape_cast %get3A_1187 : vector<1x16xf32> to vector<16xf32>
    %get3A_1189 = arith.constant 5 : i32
    %get3A_1190 = arith.index_cast %get3A_1189 : i32 to index
    %get3A_1191 = arith.constant 48 : index
    %get3A_1192 = tpu.vector_load %arg9[%get3A_1190, %get3A_1191] {strides = array<i32>} : memref<16x128xf32, #tpu.memory_space<vmem>>, vector<1x16xf32>,
    %get3A_1193 = vector.shape_cast %get3A_1192 : vector<1x16xf32> to vector<16xf32>
    %sub3A_1194 = arith.subf %get3A_1183, %get3A_1188 : vector<16xf32>
    %abs3A_1195 = math.absf %sub3A_1194 : vector<16xf32>
    %mul3A_1196 = arith.mulf %abs3A_1195, %get3A_1193 : vector<16xf32>
    %add3A_1197 = arith.addf %add3A_1177, %mul3A_1196 : vector<16xf32>
    %add3A_1198 = arith.addf %add3A_1178, %get3A_1193 : vector<16xf32>
    %get3A_1199 = arith.constant 5 : i32
    %get3A_1200 = arith.index_cast %get3A_1199 : i32 to index
    %get3A_1201 = arith.constant 64 : index
    %get3A_1202 = tpu.vector_load %arg8[%get3A_1200, %get3A_1201] {strides = array<i32>} : memref<16x128xf32, #tpu.memory_space<vmem>>, vector<1x16xf32>,
    %get3A_1203 = vector.shape_cast %get3A_1202 : vector<1x16xf32> to vector<16xf32>
    %get3A_1204 = arith.constant 5 : i32
    %get3A_1205 = arith.index_cast %get3A_1204 : i32 to index
    %get3A_1206 = arith.constant 64 : index
    %get3A_1207 = tpu.vector_load %arg10[%get3A_1205, %get3A_1206] {strides = array<i32>} : memref<16x128xf32, #tpu.memory_space<vmem>>, vector<1x16xf32>,
    %get3A_1208 = vector.shape_cast %get3A_1207 : vector<1x16xf32> to vector<16xf32>
    %get3A_1209 = arith.constant 5 : i32
    %get3A_1210 = arith.index_cast %get3A_1209 : i32 to index
    %get3A_1211 = arith.constant 64 : index
    %get3A_1212 = tpu.vector_load %arg9[%get3A_1210, %get3A_1211] {strides = array<i32>} : memref<16x128xf32, #tpu.memory_space<vmem>>, vector<1x16xf32>,
    %get3A_1213 = vector.shape_cast %get3A_1212 : vector<1x16xf32> to vector<16xf32>
    %sub3A_1214 = arith.subf %get3A_1203, %get3A_1208 : vector<16xf32>
    %abs3A_1215 = math.absf %sub3A_1214 : vector<16xf32>
    %mul3A_1216 = arith.mulf %abs3A_1215, %get3A_1213 : vector<16xf32>
    %add3A_1217 = arith.addf %add3A_1197, %mul3A_1216 : vector<16xf32>
    %add3A_1218 = arith.addf %add3A_1198, %get3A_1213 : vector<16xf32>
    %get3A_1219 = arith.constant 5 : i32
    %get3A_1220 = arith.index_cast %get3A_1219 : i32 to index
    %get3A_1221 = arith.constant 80 : index
    %get3A_1222 = tpu.vector_load %arg8[%get3A_1220, %get3A_1221] {strides = array<i32>} : memref<16x128xf32, #tpu.memory_space<vmem>>, vector<1x16xf32>,
    %get3A_1223 = vector.shape_cast %get3A_1222 : vector<1x16xf32> to vector<16xf32>
    %get3A_1224 = arith.constant 5 : i32
    %get3A_1225 = arith.index_cast %get3A_1224 : i32 to index
    %get3A_1226 = arith.constant 80 : index
    %get3A_1227 = tpu.vector_load %arg10[%get3A_1225, %get3A_1226] {strides = array<i32>} : memref<16x128xf32, #tpu.memory_space<vmem>>, vector<1x16xf32>,
    %get3A_1228 = vector.shape_cast %get3A_1227 : vector<1x16xf32> to vector<16xf32>
    %get3A_1229 = arith.constant 5 : i32
    %get3A_1230 = arith.index_cast %get3A_1229 : i32 to index
    %get3A_1231 = arith.constant 80 : index
    %get3A_1232 = tpu.vector_load %arg9[%get3A_1230, %get3A_1231] {strides = array<i32>} : memref<16x128xf32, #tpu.memory_space<vmem>>, vector<1x16xf32>,
    %get3A_1233 = vector.shape_cast %get3A_1232 : vector<1x16xf32> to vector<16xf32>
    %sub3A_1234 = arith.subf %get3A_1223, %get3A_1228 : vector<16xf32>
    %abs3A_1235 = math.absf %sub3A_1234 : vector<16xf32>
    %mul3A_1236 = arith.mulf %abs3A_1235, %get3A_1233 : vector<16xf32>
    %add3A_1237 = arith.addf %add3A_1217, %mul3A_1236 : vector<16xf32>
    %add3A_1238 = arith.addf %add3A_1218, %get3A_1233 : vector<16xf32>
    %get3A_1239 = arith.constant 5 : i32
    %get3A_1240 = arith.index_cast %get3A_1239 : i32 to index
    %get3A_1241 = arith.constant 96 : index
    %get3A_1242 = tpu.vector_load %arg8[%get3A_1240, %get3A_1241] {strides = array<i32>} : memref<16x128xf32, #tpu.memory_space<vmem>>, vector<1x16xf32>,
    %get3A_1243 = vector.shape_cast %get3A_1242 : vector<1x16xf32> to vector<16xf32>
    %get3A_1244 = arith.constant 5 : i32
    %get3A_1245 = arith.index_cast %get3A_1244 : i32 to index
    %get3A_1246 = arith.constant 96 : index
    %get3A_1247 = tpu.vector_load %arg10[%get3A_1245, %get3A_1246] {strides = array<i32>} : memref<16x128xf32, #tpu.memory_space<vmem>>, vector<1x16xf32>,
    %get3A_1248 = vector.shape_cast %get3A_1247 : vector<1x16xf32> to vector<16xf32>
    %get3A_1249 = arith.constant 5 : i32
    %get3A_1250 = arith.index_cast %get3A_1249 : i32 to index
    %get3A_1251 = arith.constant 96 : index
    %get3A_1252 = tpu.vector_load %arg9[%get3A_1250, %get3A_1251] {strides = array<i32>} : memref<16x128xf32, #tpu.memory_space<vmem>>, vector<1x16xf32>,
    %get3A_1253 = vector.shape_cast %get3A_1252 : vector<1x16xf32> to vector<16xf32>
    %sub3A_1254 = arith.subf %get3A_1243, %get3A_1248 : vector<16xf32>
    %abs3A_1255 = math.absf %sub3A_1254 : vector<16xf32>
    %mul3A_1256 = arith.mulf %abs3A_1255, %get3A_1253 : vector<16xf32>
    %add3A_1257 = arith.addf %add3A_1237, %mul3A_1256 : vector<16xf32>
    %add3A_1258 = arith.addf %add3A_1238, %get3A_1253 : vector<16xf32>
    %get3A_1259 = arith.constant 5 : i32
    %get3A_1260 = arith.index_cast %get3A_1259 : i32 to index
    %get3A_1261 = arith.constant 112 : index
    %get3A_1262 = tpu.vector_load %arg8[%get3A_1260, %get3A_1261] {strides = array<i32>} : memref<16x128xf32, #tpu.memory_space<vmem>>, vector<1x16xf32>,
    %get3A_1263 = vector.shape_cast %get3A_1262 : vector<1x16xf32> to vector<16xf32>
    %get3A_1264 = arith.constant 5 : i32
    %get3A_1265 = arith.index_cast %get3A_1264 : i32 to index
    %get3A_1266 = arith.constant 112 : index
    %get3A_1267 = tpu.vector_load %arg10[%get3A_1265, %get3A_1266] {strides = array<i32>} : memref<16x128xf32, #tpu.memory_space<vmem>>, vector<1x16xf32>,
    %get3A_1268 = vector.shape_cast %get3A_1267 : vector<1x16xf32> to vector<16xf32>
    %get3A_1269 = arith.constant 5 : i32
    %get3A_1270 = arith.index_cast %get3A_1269 : i32 to index
    %get3A_1271 = arith.constant 112 : index
    %get3A_1272 = tpu.vector_load %arg9[%get3A_1270, %get3A_1271] {strides = array<i32>} : memref<16x128xf32, #tpu.memory_space<vmem>>, vector<1x16xf32>,
    %get3A_1273 = vector.shape_cast %get3A_1272 : vector<1x16xf32> to vector<16xf32>
    %sub3A_1274 = arith.subf %get3A_1263, %get3A_1268 : vector<16xf32>
    %abs3A_1275 = math.absf %sub3A_1274 : vector<16xf32>
    %mul3A_1276 = arith.mulf %abs3A_1275, %get3A_1273 : vector<16xf32>
    %add3A_1277 = arith.addf %add3A_1257, %mul3A_1276 : vector<16xf32>
    %add3A_1278 = arith.addf %add3A_1258, %get3A_1273 : vector<16xf32>
    %get3A_1279 = arith.constant 6 : i32
    %get3A_1280 = arith.index_cast %get3A_1279 : i32 to index
    %get3A_1281 = arith.constant 0 : index
    %get3A_1282 = tpu.vector_load %arg8[%get3A_1280, %get3A_1281] {strides = array<i32>} : memref<16x128xf32, #tpu.memory_space<vmem>>, vector<1x16xf32>,
    %get3A_1283 = vector.shape_cast %get3A_1282 : vector<1x16xf32> to vector<16xf32>
    %get3A_1284 = arith.constant 6 : i32
    %get3A_1285 = arith.index_cast %get3A_1284 : i32 to index
    %get3A_1286 = arith.constant 0 : index
    %get3A_1287 = tpu.vector_load %arg10[%get3A_1285, %get3A_1286] {strides = array<i32>} : memref<16x128xf32, #tpu.memory_space<vmem>>, vector<1x16xf32>,
    %get3A_1288 = vector.shape_cast %get3A_1287 : vector<1x16xf32> to vector<16xf32>
    %get3A_1289 = arith.constant 6 : i32
    %get3A_1290 = arith.index_cast %get3A_1289 : i32 to index
    %get3A_1291 = arith.constant 0 : index
    %get3A_1292 = tpu.vector_load %arg9[%get3A_1290, %get3A_1291] {strides = array<i32>} : memref<16x128xf32, #tpu.memory_space<vmem>>, vector<1x16xf32>,
    %get3A_1293 = vector.shape_cast %get3A_1292 : vector<1x16xf32> to vector<16xf32>
    %sub3A_1294 = arith.subf %get3A_1283, %get3A_1288 : vector<16xf32>
    %abs3A_1295 = math.absf %sub3A_1294 : vector<16xf32>
    %mul3A_1296 = arith.mulf %abs3A_1295, %get3A_1293 : vector<16xf32>
    %add3A_1297 = arith.addf %add3A_1277, %mul3A_1296 : vector<16xf32>
    %add3A_1298 = arith.addf %add3A_1278, %get3A_1293 : vector<16xf32>
    %get3A_1299 = arith.constant 6 : i32
    %get3A_1300 = arith.index_cast %get3A_1299 : i32 to index
    %get3A_1301 = arith.constant 16 : index
    %get3A_1302 = tpu.vector_load %arg8[%get3A_1300, %get3A_1301] {strides = array<i32>} : memref<16x128xf32, #tpu.memory_space<vmem>>, vector<1x16xf32>,
    %get3A_1303 = vector.shape_cast %get3A_1302 : vector<1x16xf32> to vector<16xf32>
    %get3A_1304 = arith.constant 6 : i32
    %get3A_1305 = arith.index_cast %get3A_1304 : i32 to index
    %get3A_1306 = arith.constant 16 : index
    %get3A_1307 = tpu.vector_load %arg10[%get3A_1305, %get3A_1306] {strides = array<i32>} : memref<16x128xf32, #tpu.memory_space<vmem>>, vector<1x16xf32>,
    %get3A_1308 = vector.shape_cast %get3A_1307 : vector<1x16xf32> to vector<16xf32>
    %get3A_1309 = arith.constant 6 : i32
    %get3A_1310 = arith.index_cast %get3A_1309 : i32 to index
    %get3A_1311 = arith.constant 16 : index
    %get3A_1312 = tpu.vector_load %arg9[%get3A_1310, %get3A_1311] {strides = array<i32>} : memref<16x128xf32, #tpu.memory_space<vmem>>, vector<1x16xf32>,
    %get3A_1313 = vector.shape_cast %get3A_1312 : vector<1x16xf32> to vector<16xf32>
    %sub3A_1314 = arith.subf %get3A_1303, %get3A_1308 : vector<16xf32>
    %abs3A_1315 = math.absf %sub3A_1314 : vector<16xf32>
    %mul3A_1316 = arith.mulf %abs3A_1315, %get3A_1313 : vector<16xf32>
    %add3A_1317 = arith.addf %add3A_1297, %mul3A_1316 : vector<16xf32>
    %add3A_1318 = arith.addf %add3A_1298, %get3A_1313 : vector<16xf32>
    %get3A_1319 = arith.constant 6 : i32
    %get3A_1320 = arith.index_cast %get3A_1319 : i32 to index
    %get3A_1321 = arith.constant 32 : index
    %get3A_1322 = tpu.vector_load %arg8[%get3A_1320, %get3A_1321] {strides = array<i32>} : memref<16x128xf32, #tpu.memory_space<vmem>>, vector<1x16xf32>,
    %get3A_1323 = vector.shape_cast %get3A_1322 : vector<1x16xf32> to vector<16xf32>
    %get3A_1324 = arith.constant 6 : i32
    %get3A_1325 = arith.index_cast %get3A_1324 : i32 to index
    %get3A_1326 = arith.constant 32 : index
    %get3A_1327 = tpu.vector_load %arg10[%get3A_1325, %get3A_1326] {strides = array<i32>} : memref<16x128xf32, #tpu.memory_space<vmem>>, vector<1x16xf32>,
    %get3A_1328 = vector.shape_cast %get3A_1327 : vector<1x16xf32> to vector<16xf32>
    %get3A_1329 = arith.constant 6 : i32
    %get3A_1330 = arith.index_cast %get3A_1329 : i32 to index
    %get3A_1331 = arith.constant 32 : index
    %get3A_1332 = tpu.vector_load %arg9[%get3A_1330, %get3A_1331] {strides = array<i32>} : memref<16x128xf32, #tpu.memory_space<vmem>>, vector<1x16xf32>,
    %get3A_1333 = vector.shape_cast %get3A_1332 : vector<1x16xf32> to vector<16xf32>
    %sub3A_1334 = arith.subf %get3A_1323, %get3A_1328 : vector<16xf32>
    %abs3A_1335 = math.absf %sub3A_1334 : vector<16xf32>
    %mul3A_1336 = arith.mulf %abs3A_1335, %get3A_1333 : vector<16xf32>
    %add3A_1337 = arith.addf %add3A_1317, %mul3A_1336 : vector<16xf32>
    %add3A_1338 = arith.addf %add3A_1318, %get3A_1333 : vector<16xf32>
    %get3A_1339 = arith.constant 6 : i32
    %get3A_1340 = arith.index_cast %get3A_1339 : i32 to index
    %get3A_1341 = arith.constant 48 : index
    %get3A_1342 = tpu.vector_load %arg8[%get3A_1340, %get3A_1341] {strides = array<i32>} : memref<16x128xf32, #tpu.memory_space<vmem>>, vector<1x16xf32>,
    %get3A_1343 = vector.shape_cast %get3A_1342 : vector<1x16xf32> to vector<16xf32>
    %get3A_1344 = arith.constant 6 : i32
    %get3A_1345 = arith.index_cast %get3A_1344 : i32 to index
    %get3A_1346 = arith.constant 48 : index
    %get3A_1347 = tpu.vector_load %arg10[%get3A_1345, %get3A_1346] {strides = array<i32>} : memref<16x128xf32, #tpu.memory_space<vmem>>, vector<1x16xf32>,
    %get3A_1348 = vector.shape_cast %get3A_1347 : vector<1x16xf32> to vector<16xf32>
    %get3A_1349 = arith.constant 6 : i32
    %get3A_1350 = arith.index_cast %get3A_1349 : i32 to index
    %get3A_1351 = arith.constant 48 : index
    %get3A_1352 = tpu.vector_load %arg9[%get3A_1350, %get3A_1351] {strides = array<i32>} : memref<16x128xf32, #tpu.memory_space<vmem>>, vector<1x16xf32>,
    %get3A_1353 = vector.shape_cast %get3A_1352 : vector<1x16xf32> to vector<16xf32>
    %sub3A_1354 = arith.subf %get3A_1343, %get3A_1348 : vector<16xf32>
    %abs3A_1355 = math.absf %sub3A_1354 : vector<16xf32>
    %mul3A_1356 = arith.mulf %abs3A_1355, %get3A_1353 : vector<16xf32>
    %add3A_1357 = arith.addf %add3A_1337, %mul3A_1356 : vector<16xf32>
    %add3A_1358 = arith.addf %add3A_1338, %get3A_1353 : vector<16xf32>
    %get3A_1359 = arith.constant 6 : i32
    %get3A_1360 = arith.index_cast %get3A_1359 : i32 to index
    %get3A_1361 = arith.constant 64 : index
    %get3A_1362 = tpu.vector_load %arg8[%get3A_1360, %get3A_1361] {strides = array<i32>} : memref<16x128xf32, #tpu.memory_space<vmem>>, vector<1x16xf32>,
    %get3A_1363 = vector.shape_cast %get3A_1362 : vector<1x16xf32> to vector<16xf32>
    %get3A_1364 = arith.constant 6 : i32
    %get3A_1365 = arith.index_cast %get3A_1364 : i32 to index
    %get3A_1366 = arith.constant 64 : index
    %get3A_1367 = tpu.vector_load %arg10[%get3A_1365, %get3A_1366] {strides = array<i32>} : memref<16x128xf32, #tpu.memory_space<vmem>>, vector<1x16xf32>,
    %get3A_1368 = vector.shape_cast %get3A_1367 : vector<1x16xf32> to vector<16xf32>
    %get3A_1369 = arith.constant 6 : i32
    %get3A_1370 = arith.index_cast %get3A_1369 : i32 to index
    %get3A_1371 = arith.constant 64 : index
    %get3A_1372 = tpu.vector_load %arg9[%get3A_1370, %get3A_1371] {strides = array<i32>} : memref<16x128xf32, #tpu.memory_space<vmem>>, vector<1x16xf32>,
    %get3A_1373 = vector.shape_cast %get3A_1372 : vector<1x16xf32> to vector<16xf32>
    %sub3A_1374 = arith.subf %get3A_1363, %get3A_1368 : vector<16xf32>
    %abs3A_1375 = math.absf %sub3A_1374 : vector<16xf32>
    %mul3A_1376 = arith.mulf %abs3A_1375, %get3A_1373 : vector<16xf32>
    %add3A_1377 = arith.addf %add3A_1357, %mul3A_1376 : vector<16xf32>
    %add3A_1378 = arith.addf %add3A_1358, %get3A_1373 : vector<16xf32>
    %get3A_1379 = arith.constant 6 : i32
    %get3A_1380 = arith.index_cast %get3A_1379 : i32 to index
    %get3A_1381 = arith.constant 80 : index
    %get3A_1382 = tpu.vector_load %arg8[%get3A_1380, %get3A_1381] {strides = array<i32>} : memref<16x128xf32, #tpu.memory_space<vmem>>, vector<1x16xf32>,
    %get3A_1383 = vector.shape_cast %get3A_1382 : vector<1x16xf32> to vector<16xf32>
    %get3A_1384 = arith.constant 6 : i32
    %get3A_1385 = arith.index_cast %get3A_1384 : i32 to index
    %get3A_1386 = arith.constant 80 : index
    %get3A_1387 = tpu.vector_load %arg10[%get3A_1385, %get3A_1386] {strides = array<i32>} : memref<16x128xf32, #tpu.memory_space<vmem>>, vector<1x16xf32>,
    %get3A_1388 = vector.shape_cast %get3A_1387 : vector<1x16xf32> to vector<16xf32>
    %get3A_1389 = arith.constant 6 : i32
    %get3A_1390 = arith.index_cast %get3A_1389 : i32 to index
    %get3A_1391 = arith.constant 80 : index
    %get3A_1392 = tpu.vector_load %arg9[%get3A_1390, %get3A_1391] {strides = array<i32>} : memref<16x128xf32, #tpu.memory_space<vmem>>, vector<1x16xf32>,
    %get3A_1393 = vector.shape_cast %get3A_1392 : vector<1x16xf32> to vector<16xf32>
    %sub3A_1394 = arith.subf %get3A_1383, %get3A_1388 : vector<16xf32>
    %abs3A_1395 = math.absf %sub3A_1394 : vector<16xf32>
    %mul3A_1396 = arith.mulf %abs3A_1395, %get3A_1393 : vector<16xf32>
    %add3A_1397 = arith.addf %add3A_1377, %mul3A_1396 : vector<16xf32>
    %add3A_1398 = arith.addf %add3A_1378, %get3A_1393 : vector<16xf32>
    %get3A_1399 = arith.constant 6 : i32
    %get3A_1400 = arith.index_cast %get3A_1399 : i32 to index
    %get3A_1401 = arith.constant 96 : index
    %get3A_1402 = tpu.vector_load %arg8[%get3A_1400, %get3A_1401] {strides = array<i32>} : memref<16x128xf32, #tpu.memory_space<vmem>>, vector<1x16xf32>,
    %get3A_1403 = vector.shape_cast %get3A_1402 : vector<1x16xf32> to vector<16xf32>
    %get3A_1404 = arith.constant 6 : i32
    %get3A_1405 = arith.index_cast %get3A_1404 : i32 to index
    %get3A_1406 = arith.constant 96 : index
    %get3A_1407 = tpu.vector_load %arg10[%get3A_1405, %get3A_1406] {strides = array<i32>} : memref<16x128xf32, #tpu.memory_space<vmem>>, vector<1x16xf32>,
    %get3A_1408 = vector.shape_cast %get3A_1407 : vector<1x16xf32> to vector<16xf32>
    %get3A_1409 = arith.constant 6 : i32
    %get3A_1410 = arith.index_cast %get3A_1409 : i32 to index
    %get3A_1411 = arith.constant 96 : index
    %get3A_1412 = tpu.vector_load %arg9[%get3A_1410, %get3A_1411] {strides = array<i32>} : memref<16x128xf32, #tpu.memory_space<vmem>>, vector<1x16xf32>,
    %get3A_1413 = vector.shape_cast %get3A_1412 : vector<1x16xf32> to vector<16xf32>
    %sub3A_1414 = arith.subf %get3A_1403, %get3A_1408 : vector<16xf32>
    %abs3A_1415 = math.absf %sub3A_1414 : vector<16xf32>
    %mul3A_1416 = arith.mulf %abs3A_1415, %get3A_1413 : vector<16xf32>
    %add3A_1417 = arith.addf %add3A_1397, %mul3A_1416 : vector<16xf32>
    %add3A_1418 = arith.addf %add3A_1398, %get3A_1413 : vector<16xf32>
    %get3A_1419 = arith.constant 6 : i32
    %get3A_1420 = arith.index_cast %get3A_1419 : i32 to index
    %get3A_1421 = arith.constant 112 : index
    %get3A_1422 = tpu.vector_load %arg8[%get3A_1420, %get3A_1421] {strides = array<i32>} : memref<16x128xf32, #tpu.memory_space<vmem>>, vector<1x16xf32>,
    %get3A_1423 = vector.shape_cast %get3A_1422 : vector<1x16xf32> to vector<16xf32>
    %get3A_1424 = arith.constant 6 : i32
    %get3A_1425 = arith.index_cast %get3A_1424 : i32 to index
    %get3A_1426 = arith.constant 112 : index
    %get3A_1427 = tpu.vector_load %arg10[%get3A_1425, %get3A_1426] {strides = array<i32>} : memref<16x128xf32, #tpu.memory_space<vmem>>, vector<1x16xf32>,
    %get3A_1428 = vector.shape_cast %get3A_1427 : vector<1x16xf32> to vector<16xf32>
    %get3A_1429 = arith.constant 6 : i32
    %get3A_1430 = arith.index_cast %get3A_1429 : i32 to index
    %get3A_1431 = arith.constant 112 : index
    %get3A_1432 = tpu.vector_load %arg9[%get3A_1430, %get3A_1431] {strides = array<i32>} : memref<16x128xf32, #tpu.memory_space<vmem>>, vector<1x16xf32>,
    %get3A_1433 = vector.shape_cast %get3A_1432 : vector<1x16xf32> to vector<16xf32>
    %sub3A_1434 = arith.subf %get3A_1423, %get3A_1428 : vector<16xf32>
    %abs3A_1435 = math.absf %sub3A_1434 : vector<16xf32>
    %mul3A_1436 = arith.mulf %abs3A_1435, %get3A_1433 : vector<16xf32>
    %add3A_1437 = arith.addf %add3A_1417, %mul3A_1436 : vector<16xf32>
    %add3A_1438 = arith.addf %add3A_1418, %get3A_1433 : vector<16xf32>
    %get3A_1439 = arith.constant 7 : i32
    %get3A_1440 = arith.index_cast %get3A_1439 : i32 to index
    %get3A_1441 = arith.constant 0 : index
    %get3A_1442 = tpu.vector_load %arg8[%get3A_1440, %get3A_1441] {strides = array<i32>} : memref<16x128xf32, #tpu.memory_space<vmem>>, vector<1x16xf32>,
    %get3A_1443 = vector.shape_cast %get3A_1442 : vector<1x16xf32> to vector<16xf32>
    %get3A_1444 = arith.constant 7 : i32
    %get3A_1445 = arith.index_cast %get3A_1444 : i32 to index
    %get3A_1446 = arith.constant 0 : index
    %get3A_1447 = tpu.vector_load %arg10[%get3A_1445, %get3A_1446] {strides = array<i32>} : memref<16x128xf32, #tpu.memory_space<vmem>>, vector<1x16xf32>,
    %get3A_1448 = vector.shape_cast %get3A_1447 : vector<1x16xf32> to vector<16xf32>
    %get3A_1449 = arith.constant 7 : i32
    %get3A_1450 = arith.index_cast %get3A_1449 : i32 to index
    %get3A_1451 = arith.constant 0 : index
    %get3A_1452 = tpu.vector_load %arg9[%get3A_1450, %get3A_1451] {strides = array<i32>} : memref<16x128xf32, #tpu.memory_space<vmem>>, vector<1x16xf32>,
    %get3A_1453 = vector.shape_cast %get3A_1452 : vector<1x16xf32> to vector<16xf32>
    %sub3A_1454 = arith.subf %get3A_1443, %get3A_1448 : vector<16xf32>
    %abs3A_1455 = math.absf %sub3A_1454 : vector<16xf32>
    %mul3A_1456 = arith.mulf %abs3A_1455, %get3A_1453 : vector<16xf32>
    %add3A_1457 = arith.addf %add3A_1437, %mul3A_1456 : vector<16xf32>
    %add3A_1458 = arith.addf %add3A_1438, %get3A_1453 : vector<16xf32>
    %get3A_1459 = arith.constant 7 : i32
    %get3A_1460 = arith.index_cast %get3A_1459 : i32 to index
    %get3A_1461 = arith.constant 16 : index
    %get3A_1462 = tpu.vector_load %arg8[%get3A_1460, %get3A_1461] {strides = array<i32>} : memref<16x128xf32, #tpu.memory_space<vmem>>, vector<1x16xf32>,
    %get3A_1463 = vector.shape_cast %get3A_1462 : vector<1x16xf32> to vector<16xf32>
    %get3A_1464 = arith.constant 7 : i32
    %get3A_1465 = arith.index_cast %get3A_1464 : i32 to index
    %get3A_1466 = arith.constant 16 : index
    %get3A_1467 = tpu.vector_load %arg10[%get3A_1465, %get3A_1466] {strides = array<i32>} : memref<16x128xf32, #tpu.memory_space<vmem>>, vector<1x16xf32>,
    %get3A_1468 = vector.shape_cast %get3A_1467 : vector<1x16xf32> to vector<16xf32>
    %get3A_1469 = arith.constant 7 : i32
    %get3A_1470 = arith.index_cast %get3A_1469 : i32 to index
    %get3A_1471 = arith.constant 16 : index
    %get3A_1472 = tpu.vector_load %arg9[%get3A_1470, %get3A_1471] {strides = array<i32>} : memref<16x128xf32, #tpu.memory_space<vmem>>, vector<1x16xf32>,
    %get3A_1473 = vector.shape_cast %get3A_1472 : vector<1x16xf32> to vector<16xf32>
    %sub3A_1474 = arith.subf %get3A_1463, %get3A_1468 : vector<16xf32>
    %abs3A_1475 = math.absf %sub3A_1474 : vector<16xf32>
    %mul3A_1476 = arith.mulf %abs3A_1475, %get3A_1473 : vector<16xf32>
    %add3A_1477 = arith.addf %add3A_1457, %mul3A_1476 : vector<16xf32>
    %add3A_1478 = arith.addf %add3A_1458, %get3A_1473 : vector<16xf32>
    %get3A_1479 = arith.constant 7 : i32
    %get3A_1480 = arith.index_cast %get3A_1479 : i32 to index
    %get3A_1481 = arith.constant 32 : index
    %get3A_1482 = tpu.vector_load %arg8[%get3A_1480, %get3A_1481] {strides = array<i32>} : memref<16x128xf32, #tpu.memory_space<vmem>>, vector<1x16xf32>,
    %get3A_1483 = vector.shape_cast %get3A_1482 : vector<1x16xf32> to vector<16xf32>
    %get3A_1484 = arith.constant 7 : i32
    %get3A_1485 = arith.index_cast %get3A_1484 : i32 to index
    %get3A_1486 = arith.constant 32 : index
    %get3A_1487 = tpu.vector_load %arg10[%get3A_1485, %get3A_1486] {strides = array<i32>} : memref<16x128xf32, #tpu.memory_space<vmem>>, vector<1x16xf32>,
    %get3A_1488 = vector.shape_cast %get3A_1487 : vector<1x16xf32> to vector<16xf32>
    %get3A_1489 = arith.constant 7 : i32
    %get3A_1490 = arith.index_cast %get3A_1489 : i32 to index
    %get3A_1491 = arith.constant 32 : index
    %get3A_1492 = tpu.vector_load %arg9[%get3A_1490, %get3A_1491] {strides = array<i32>} : memref<16x128xf32, #tpu.memory_space<vmem>>, vector<1x16xf32>,
    %get3A_1493 = vector.shape_cast %get3A_1492 : vector<1x16xf32> to vector<16xf32>
    %sub3A_1494 = arith.subf %get3A_1483, %get3A_1488 : vector<16xf32>
    %abs3A_1495 = math.absf %sub3A_1494 : vector<16xf32>
    %mul3A_1496 = arith.mulf %abs3A_1495, %get3A_1493 : vector<16xf32>
    %add3A_1497 = arith.addf %add3A_1477, %mul3A_1496 : vector<16xf32>
    %add3A_1498 = arith.addf %add3A_1478, %get3A_1493 : vector<16xf32>
    %get3A_1499 = arith.constant 7 : i32
    %get3A_1500 = arith.index_cast %get3A_1499 : i32 to index
    %get3A_1501 = arith.constant 48 : index
    %get3A_1502 = tpu.vector_load %arg8[%get3A_1500, %get3A_1501] {strides = array<i32>} : memref<16x128xf32, #tpu.memory_space<vmem>>, vector<1x16xf32>,
    %get3A_1503 = vector.shape_cast %get3A_1502 : vector<1x16xf32> to vector<16xf32>
    %get3A_1504 = arith.constant 7 : i32
    %get3A_1505 = arith.index_cast %get3A_1504 : i32 to index
    %get3A_1506 = arith.constant 48 : index
    %get3A_1507 = tpu.vector_load %arg10[%get3A_1505, %get3A_1506] {strides = array<i32>} : memref<16x128xf32, #tpu.memory_space<vmem>>, vector<1x16xf32>,
    %get3A_1508 = vector.shape_cast %get3A_1507 : vector<1x16xf32> to vector<16xf32>
    %get3A_1509 = arith.constant 7 : i32
    %get3A_1510 = arith.index_cast %get3A_1509 : i32 to index
    %get3A_1511 = arith.constant 48 : index
    %get3A_1512 = tpu.vector_load %arg9[%get3A_1510, %get3A_1511] {strides = array<i32>} : memref<16x128xf32, #tpu.memory_space<vmem>>, vector<1x16xf32>,
    %get3A_1513 = vector.shape_cast %get3A_1512 : vector<1x16xf32> to vector<16xf32>
    %sub3A_1514 = arith.subf %get3A_1503, %get3A_1508 : vector<16xf32>
    %abs3A_1515 = math.absf %sub3A_1514 : vector<16xf32>
    %mul3A_1516 = arith.mulf %abs3A_1515, %get3A_1513 : vector<16xf32>
    %add3A_1517 = arith.addf %add3A_1497, %mul3A_1516 : vector<16xf32>
    %add3A_1518 = arith.addf %add3A_1498, %get3A_1513 : vector<16xf32>
    %get3A_1519 = arith.constant 7 : i32
    %get3A_1520 = arith.index_cast %get3A_1519 : i32 to index
    %get3A_1521 = arith.constant 64 : index
    %get3A_1522 = tpu.vector_load %arg8[%get3A_1520, %get3A_1521] {strides = array<i32>} : memref<16x128xf32, #tpu.memory_space<vmem>>, vector<1x16xf32>,
    %get3A_1523 = vector.shape_cast %get3A_1522 : vector<1x16xf32> to vector<16xf32>
    %get3A_1524 = arith.constant 7 : i32
    %get3A_1525 = arith.index_cast %get3A_1524 : i32 to index
    %get3A_1526 = arith.constant 64 : index
    %get3A_1527 = tpu.vector_load %arg10[%get3A_1525, %get3A_1526] {strides = array<i32>} : memref<16x128xf32, #tpu.memory_space<vmem>>, vector<1x16xf32>,
    %get3A_1528 = vector.shape_cast %get3A_1527 : vector<1x16xf32> to vector<16xf32>
    %get3A_1529 = arith.constant 7 : i32
    %get3A_1530 = arith.index_cast %get3A_1529 : i32 to index
    %get3A_1531 = arith.constant 64 : index
    %get3A_1532 = tpu.vector_load %arg9[%get3A_1530, %get3A_1531] {strides = array<i32>} : memref<16x128xf32, #tpu.memory_space<vmem>>, vector<1x16xf32>,
    %get3A_1533 = vector.shape_cast %get3A_1532 : vector<1x16xf32> to vector<16xf32>
    %sub3A_1534 = arith.subf %get3A_1523, %get3A_1528 : vector<16xf32>
    %abs3A_1535 = math.absf %sub3A_1534 : vector<16xf32>
    %mul3A_1536 = arith.mulf %abs3A_1535, %get3A_1533 : vector<16xf32>
    %add3A_1537 = arith.addf %add3A_1517, %mul3A_1536 : vector<16xf32>
    %add3A_1538 = arith.addf %add3A_1518, %get3A_1533 : vector<16xf32>
    %get3A_1539 = arith.constant 7 : i32
    %get3A_1540 = arith.index_cast %get3A_1539 : i32 to index
    %get3A_1541 = arith.constant 80 : index
    %get3A_1542 = tpu.vector_load %arg8[%get3A_1540, %get3A_1541] {strides = array<i32>} : memref<16x128xf32, #tpu.memory_space<vmem>>, vector<1x16xf32>,
    %get3A_1543 = vector.shape_cast %get3A_1542 : vector<1x16xf32> to vector<16xf32>
    %get3A_1544 = arith.constant 7 : i32
    %get3A_1545 = arith.index_cast %get3A_1544 : i32 to index
    %get3A_1546 = arith.constant 80 : index
    %get3A_1547 = tpu.vector_load %arg10[%get3A_1545, %get3A_1546] {strides = array<i32>} : memref<16x128xf32, #tpu.memory_space<vmem>>, vector<1x16xf32>,
    %get3A_1548 = vector.shape_cast %get3A_1547 : vector<1x16xf32> to vector<16xf32>
    %get3A_1549 = arith.constant 7 : i32
    %get3A_1550 = arith.index_cast %get3A_1549 : i32 to index
    %get3A_1551 = arith.constant 80 : index
    %get3A_1552 = tpu.vector_load %arg9[%get3A_1550, %get3A_1551] {strides = array<i32>} : memref<16x128xf32, #tpu.memory_space<vmem>>, vector<1x16xf32>,
    %get3A_1553 = vector.shape_cast %get3A_1552 : vector<1x16xf32> to vector<16xf32>
    %sub3A_1554 = arith.subf %get3A_1543, %get3A_1548 : vector<16xf32>
    %abs3A_1555 = math.absf %sub3A_1554 : vector<16xf32>
    %mul3A_1556 = arith.mulf %abs3A_1555, %get3A_1553 : vector<16xf32>
    %add3A_1557 = arith.addf %add3A_1537, %mul3A_1556 : vector<16xf32>
    %add3A_1558 = arith.addf %add3A_1538, %get3A_1553 : vector<16xf32>
    %get3A_1559 = arith.constant 7 : i32
    %get3A_1560 = arith.index_cast %get3A_1559 : i32 to index
    %get3A_1561 = arith.constant 96 : index
    %get3A_1562 = tpu.vector_load %arg8[%get3A_1560, %get3A_1561] {strides = array<i32>} : memref<16x128xf32, #tpu.memory_space<vmem>>, vector<1x16xf32>,
    %get3A_1563 = vector.shape_cast %get3A_1562 : vector<1x16xf32> to vector<16xf32>
    %get3A_1564 = arith.constant 7 : i32
    %get3A_1565 = arith.index_cast %get3A_1564 : i32 to index
    %get3A_1566 = arith.constant 96 : index
    %get3A_1567 = tpu.vector_load %arg10[%get3A_1565, %get3A_1566] {strides = array<i32>} : memref<16x128xf32, #tpu.memory_space<vmem>>, vector<1x16xf32>,
    %get3A_1568 = vector.shape_cast %get3A_1567 : vector<1x16xf32> to vector<16xf32>
    %get3A_1569 = arith.constant 7 : i32
    %get3A_1570 = arith.index_cast %get3A_1569 : i32 to index
    %get3A_1571 = arith.constant 96 : index
    %get3A_1572 = tpu.vector_load %arg9[%get3A_1570, %get3A_1571] {strides = array<i32>} : memref<16x128xf32, #tpu.memory_space<vmem>>, vector<1x16xf32>,
    %get3A_1573 = vector.shape_cast %get3A_1572 : vector<1x16xf32> to vector<16xf32>
    %sub3A_1574 = arith.subf %get3A_1563, %get3A_1568 : vector<16xf32>
    %abs3A_1575 = math.absf %sub3A_1574 : vector<16xf32>
    %mul3A_1576 = arith.mulf %abs3A_1575, %get3A_1573 : vector<16xf32>
    %add3A_1577 = arith.addf %add3A_1557, %mul3A_1576 : vector<16xf32>
    %add3A_1578 = arith.addf %add3A_1558, %get3A_1573 : vector<16xf32>
    %get3A_1579 = arith.constant 7 : i32
    %get3A_1580 = arith.index_cast %get3A_1579 : i32 to index
    %get3A_1581 = arith.constant 112 : index
    %get3A_1582 = tpu.vector_load %arg8[%get3A_1580, %get3A_1581] {strides = array<i32>} : memref<16x128xf32, #tpu.memory_space<vmem>>, vector<1x16xf32>,
    %get3A_1583 = vector.shape_cast %get3A_1582 : vector<1x16xf32> to vector<16xf32>
    %get3A_1584 = arith.constant 7 : i32
    %get3A_1585 = arith.index_cast %get3A_1584 : i32 to index
    %get3A_1586 = arith.constant 112 : index
    %get3A_1587 = tpu.vector_load %arg10[%get3A_1585, %get3A_1586] {strides = array<i32>} : memref<16x128xf32, #tpu.memory_space<vmem>>, vector<1x16xf32>,
    %get3A_1588 = vector.shape_cast %get3A_1587 : vector<1x16xf32> to vector<16xf32>
    %get3A_1589 = arith.constant 7 : i32
    %get3A_1590 = arith.index_cast %get3A_1589 : i32 to index
    %get3A_1591 = arith.constant 112 : index
    %get3A_1592 = tpu.vector_load %arg9[%get3A_1590, %get3A_1591] {strides = array<i32>} : memref<16x128xf32, #tpu.memory_space<vmem>>, vector<1x16xf32>,
    %get3A_1593 = vector.shape_cast %get3A_1592 : vector<1x16xf32> to vector<16xf32>
    %sub3A_1594 = arith.subf %get3A_1583, %get3A_1588 : vector<16xf32>
    %abs3A_1595 = math.absf %sub3A_1594 : vector<16xf32>
    %mul3A_1596 = arith.mulf %abs3A_1595, %get3A_1593 : vector<16xf32>
    %add3A_1597 = arith.addf %add3A_1577, %mul3A_1596 : vector<16xf32>
    %add3A_1598 = arith.addf %add3A_1578, %get3A_1593 : vector<16xf32>
    %get3A_1599 = arith.constant 8 : i32
    %get3A_1600 = arith.index_cast %get3A_1599 : i32 to index
    %get3A_1601 = arith.constant 0 : index
    %get3A_1602 = tpu.vector_load %arg8[%get3A_1600, %get3A_1601] {strides = array<i32>} : memref<16x128xf32, #tpu.memory_space<vmem>>, vector<1x16xf32>,
    %get3A_1603 = vector.shape_cast %get3A_1602 : vector<1x16xf32> to vector<16xf32>
    %get3A_1604 = arith.constant 8 : i32
    %get3A_1605 = arith.index_cast %get3A_1604 : i32 to index
    %get3A_1606 = arith.constant 0 : index
    %get3A_1607 = tpu.vector_load %arg10[%get3A_1605, %get3A_1606] {strides = array<i32>} : memref<16x128xf32, #tpu.memory_space<vmem>>, vector<1x16xf32>,
    %get3A_1608 = vector.shape_cast %get3A_1607 : vector<1x16xf32> to vector<16xf32>
    %get3A_1609 = arith.constant 8 : i32
    %get3A_1610 = arith.index_cast %get3A_1609 : i32 to index
    %get3A_1611 = arith.constant 0 : index
    %get3A_1612 = tpu.vector_load %arg9[%get3A_1610, %get3A_1611] {strides = array<i32>} : memref<16x128xf32, #tpu.memory_space<vmem>>, vector<1x16xf32>,
    %get3A_1613 = vector.shape_cast %get3A_1612 : vector<1x16xf32> to vector<16xf32>
    %sub3A_1614 = arith.subf %get3A_1603, %get3A_1608 : vector<16xf32>
    %abs3A_1615 = math.absf %sub3A_1614 : vector<16xf32>
    %mul3A_1616 = arith.mulf %abs3A_1615, %get3A_1613 : vector<16xf32>
    %add3A_1617 = arith.addf %add3A_1597, %mul3A_1616 : vector<16xf32>
    %add3A_1618 = arith.addf %add3A_1598, %get3A_1613 : vector<16xf32>
    %get3A_1619 = arith.constant 8 : i32
    %get3A_1620 = arith.index_cast %get3A_1619 : i32 to index
    %get3A_1621 = arith.constant 16 : index
    %get3A_1622 = tpu.vector_load %arg8[%get3A_1620, %get3A_1621] {strides = array<i32>} : memref<16x128xf32, #tpu.memory_space<vmem>>, vector<1x16xf32>,
    %get3A_1623 = vector.shape_cast %get3A_1622 : vector<1x16xf32> to vector<16xf32>
    %get3A_1624 = arith.constant 8 : i32
    %get3A_1625 = arith.index_cast %get3A_1624 : i32 to index
    %get3A_1626 = arith.constant 16 : index
    %get3A_1627 = tpu.vector_load %arg10[%get3A_1625, %get3A_1626] {strides = array<i32>} : memref<16x128xf32, #tpu.memory_space<vmem>>, vector<1x16xf32>,
    %get3A_1628 = vector.shape_cast %get3A_1627 : vector<1x16xf32> to vector<16xf32>
    %get3A_1629 = arith.constant 8 : i32
    %get3A_1630 = arith.index_cast %get3A_1629 : i32 to index
    %get3A_1631 = arith.constant 16 : index
    %get3A_1632 = tpu.vector_load %arg9[%get3A_1630, %get3A_1631] {strides = array<i32>} : memref<16x128xf32, #tpu.memory_space<vmem>>, vector<1x16xf32>,
    %get3A_1633 = vector.shape_cast %get3A_1632 : vector<1x16xf32> to vector<16xf32>
    %sub3A_1634 = arith.subf %get3A_1623, %get3A_1628 : vector<16xf32>
    %abs3A_1635 = math.absf %sub3A_1634 : vector<16xf32>
    %mul3A_1636 = arith.mulf %abs3A_1635, %get3A_1633 : vector<16xf32>
    %add3A_1637 = arith.addf %add3A_1617, %mul3A_1636 : vector<16xf32>
    %add3A_1638 = arith.addf %add3A_1618, %get3A_1633 : vector<16xf32>
    %get3A_1639 = arith.constant 8 : i32
    %get3A_1640 = arith.index_cast %get3A_1639 : i32 to index
    %get3A_1641 = arith.constant 32 : index
    %get3A_1642 = tpu.vector_load %arg8[%get3A_1640, %get3A_1641] {strides = array<i32>} : memref<16x128xf32, #tpu.memory_space<vmem>>, vector<1x16xf32>,
    %get3A_1643 = vector.shape_cast %get3A_1642 : vector<1x16xf32> to vector<16xf32>
    %get3A_1644 = arith.constant 8 : i32
    %get3A_1645 = arith.index_cast %get3A_1644 : i32 to index
    %get3A_1646 = arith.constant 32 : index
    %get3A_1647 = tpu.vector_load %arg10[%get3A_1645, %get3A_1646] {strides = array<i32>} : memref<16x128xf32, #tpu.memory_space<vmem>>, vector<1x16xf32>,
    %get3A_1648 = vector.shape_cast %get3A_1647 : vector<1x16xf32> to vector<16xf32>
    %get3A_1649 = arith.constant 8 : i32
    %get3A_1650 = arith.index_cast %get3A_1649 : i32 to index
    %get3A_1651 = arith.constant 32 : index
    %get3A_1652 = tpu.vector_load %arg9[%get3A_1650, %get3A_1651] {strides = array<i32>} : memref<16x128xf32, #tpu.memory_space<vmem>>, vector<1x16xf32>,
    %get3A_1653 = vector.shape_cast %get3A_1652 : vector<1x16xf32> to vector<16xf32>
    %sub3A_1654 = arith.subf %get3A_1643, %get3A_1648 : vector<16xf32>
    %abs3A_1655 = math.absf %sub3A_1654 : vector<16xf32>
    %mul3A_1656 = arith.mulf %abs3A_1655, %get3A_1653 : vector<16xf32>
    %add3A_1657 = arith.addf %add3A_1637, %mul3A_1656 : vector<16xf32>
    %add3A_1658 = arith.addf %add3A_1638, %get3A_1653 : vector<16xf32>
    %get3A_1659 = arith.constant 8 : i32
    %get3A_1660 = arith.index_cast %get3A_1659 : i32 to index
    %get3A_1661 = arith.constant 48 : index
    %get3A_1662 = tpu.vector_load %arg8[%get3A_1660, %get3A_1661] {strides = array<i32>} : memref<16x128xf32, #tpu.memory_space<vmem>>, vector<1x16xf32>,
    %get3A_1663 = vector.shape_cast %get3A_1662 : vector<1x16xf32> to vector<16xf32>
    %get3A_1664 = arith.constant 8 : i32
    %get3A_1665 = arith.index_cast %get3A_1664 : i32 to index
    %get3A_1666 = arith.constant 48 : index
    %get3A_1667 = tpu.vector_load %arg10[%get3A_1665, %get3A_1666] {strides = array<i32>} : memref<16x128xf32, #tpu.memory_space<vmem>>, vector<1x16xf32>,
    %get3A_1668 = vector.shape_cast %get3A_1667 : vector<1x16xf32> to vector<16xf32>
    %get3A_1669 = arith.constant 8 : i32
    %get3A_1670 = arith.index_cast %get3A_1669 : i32 to index
    %get3A_1671 = arith.constant 48 : index
    %get3A_1672 = tpu.vector_load %arg9[%get3A_1670, %get3A_1671] {strides = array<i32>} : memref<16x128xf32, #tpu.memory_space<vmem>>, vector<1x16xf32>,
    %get3A_1673 = vector.shape_cast %get3A_1672 : vector<1x16xf32> to vector<16xf32>
    %sub3A_1674 = arith.subf %get3A_1663, %get3A_1668 : vector<16xf32>
    %abs3A_1675 = math.absf %sub3A_1674 : vector<16xf32>
    %mul3A_1676 = arith.mulf %abs3A_1675, %get3A_1673 : vector<16xf32>
    %add3A_1677 = arith.addf %add3A_1657, %mul3A_1676 : vector<16xf32>
    %add3A_1678 = arith.addf %add3A_1658, %get3A_1673 : vector<16xf32>
    %get3A_1679 = arith.constant 8 : i32
    %get3A_1680 = arith.index_cast %get3A_1679 : i32 to index
    %get3A_1681 = arith.constant 64 : index
    %get3A_1682 = tpu.vector_load %arg8[%get3A_1680, %get3A_1681] {strides = array<i32>} : memref<16x128xf32, #tpu.memory_space<vmem>>, vector<1x16xf32>,
    %get3A_1683 = vector.shape_cast %get3A_1682 : vector<1x16xf32> to vector<16xf32>
    %get3A_1684 = arith.constant 8 : i32
    %get3A_1685 = arith.index_cast %get3A_1684 : i32 to index
    %get3A_1686 = arith.constant 64 : index
    %get3A_1687 = tpu.vector_load %arg10[%get3A_1685, %get3A_1686] {strides = array<i32>} : memref<16x128xf32, #tpu.memory_space<vmem>>, vector<1x16xf32>,
    %get3A_1688 = vector.shape_cast %get3A_1687 : vector<1x16xf32> to vector<16xf32>
    %get3A_1689 = arith.constant 8 : i32
    %get3A_1690 = arith.index_cast %get3A_1689 : i32 to index
    %get3A_1691 = arith.constant 64 : index
    %get3A_1692 = tpu.vector_load %arg9[%get3A_1690, %get3A_1691] {strides = array<i32>} : memref<16x128xf32, #tpu.memory_space<vmem>>, vector<1x16xf32>,
    %get3A_1693 = vector.shape_cast %get3A_1692 : vector<1x16xf32> to vector<16xf32>
    %sub3A_1694 = arith.subf %get3A_1683, %get3A_1688 : vector<16xf32>
    %abs3A_1695 = math.absf %sub3A_1694 : vector<16xf32>
    %mul3A_1696 = arith.mulf %abs3A_1695, %get3A_1693 : vector<16xf32>
    %add3A_1697 = arith.addf %add3A_1677, %mul3A_1696 : vector<16xf32>
    %add3A_1698 = arith.addf %add3A_1678, %get3A_1693 : vector<16xf32>
    %get3A_1699 = arith.constant 8 : i32
    %get3A_1700 = arith.index_cast %get3A_1699 : i32 to index
    %get3A_1701 = arith.constant 80 : index
    %get3A_1702 = tpu.vector_load %arg8[%get3A_1700, %get3A_1701] {strides = array<i32>} : memref<16x128xf32, #tpu.memory_space<vmem>>, vector<1x16xf32>,
    %get3A_1703 = vector.shape_cast %get3A_1702 : vector<1x16xf32> to vector<16xf32>
    %get3A_1704 = arith.constant 8 : i32
    %get3A_1705 = arith.index_cast %get3A_1704 : i32 to index
    %get3A_1706 = arith.constant 80 : index
    %get3A_1707 = tpu.vector_load %arg10[%get3A_1705, %get3A_1706] {strides = array<i32>} : memref<16x128xf32, #tpu.memory_space<vmem>>, vector<1x16xf32>,
    %get3A_1708 = vector.shape_cast %get3A_1707 : vector<1x16xf32> to vector<16xf32>
    %get3A_1709 = arith.constant 8 : i32
    %get3A_1710 = arith.index_cast %get3A_1709 : i32 to index
    %get3A_1711 = arith.constant 80 : index
    %get3A_1712 = tpu.vector_load %arg9[%get3A_1710, %get3A_1711] {strides = array<i32>} : memref<16x128xf32, #tpu.memory_space<vmem>>, vector<1x16xf32>,
    %get3A_1713 = vector.shape_cast %get3A_1712 : vector<1x16xf32> to vector<16xf32>
    %sub3A_1714 = arith.subf %get3A_1703, %get3A_1708 : vector<16xf32>
    %abs3A_1715 = math.absf %sub3A_1714 : vector<16xf32>
    %mul3A_1716 = arith.mulf %abs3A_1715, %get3A_1713 : vector<16xf32>
    %add3A_1717 = arith.addf %add3A_1697, %mul3A_1716 : vector<16xf32>
    %add3A_1718 = arith.addf %add3A_1698, %get3A_1713 : vector<16xf32>
    %get3A_1719 = arith.constant 8 : i32
    %get3A_1720 = arith.index_cast %get3A_1719 : i32 to index
    %get3A_1721 = arith.constant 96 : index
    %get3A_1722 = tpu.vector_load %arg8[%get3A_1720, %get3A_1721] {strides = array<i32>} : memref<16x128xf32, #tpu.memory_space<vmem>>, vector<1x16xf32>,
    %get3A_1723 = vector.shape_cast %get3A_1722 : vector<1x16xf32> to vector<16xf32>
    %get3A_1724 = arith.constant 8 : i32
    %get3A_1725 = arith.index_cast %get3A_1724 : i32 to index
    %get3A_1726 = arith.constant 96 : index
    %get3A_1727 = tpu.vector_load %arg10[%get3A_1725, %get3A_1726] {strides = array<i32>} : memref<16x128xf32, #tpu.memory_space<vmem>>, vector<1x16xf32>,
    %get3A_1728 = vector.shape_cast %get3A_1727 : vector<1x16xf32> to vector<16xf32>
    %get3A_1729 = arith.constant 8 : i32
    %get3A_1730 = arith.index_cast %get3A_1729 : i32 to index
    %get3A_1731 = arith.constant 96 : index
    %get3A_1732 = tpu.vector_load %arg9[%get3A_1730, %get3A_1731] {strides = array<i32>} : memref<16x128xf32, #tpu.memory_space<vmem>>, vector<1x16xf32>,
    %get3A_1733 = vector.shape_cast %get3A_1732 : vector<1x16xf32> to vector<16xf32>
    %sub3A_1734 = arith.subf %get3A_1723, %get3A_1728 : vector<16xf32>
    %abs3A_1735 = math.absf %sub3A_1734 : vector<16xf32>
    %mul3A_1736 = arith.mulf %abs3A_1735, %get3A_1733 : vector<16xf32>
    %add3A_1737 = arith.addf %add3A_1717, %mul3A_1736 : vector<16xf32>
    %add3A_1738 = arith.addf %add3A_1718, %get3A_1733 : vector<16xf32>
    %get3A_1739 = arith.constant 8 : i32
    %get3A_1740 = arith.index_cast %get3A_1739 : i32 to index
    %get3A_1741 = arith.constant 112 : index
    %get3A_1742 = tpu.vector_load %arg8[%get3A_1740, %get3A_1741] {strides = array<i32>} : memref<16x128xf32, #tpu.memory_space<vmem>>, vector<1x16xf32>,
    %get3A_1743 = vector.shape_cast %get3A_1742 : vector<1x16xf32> to vector<16xf32>
    %get3A_1744 = arith.constant 8 : i32
    %get3A_1745 = arith.index_cast %get3A_1744 : i32 to index
    %get3A_1746 = arith.constant 112 : index
    %get3A_1747 = tpu.vector_load %arg10[%get3A_1745, %get3A_1746] {strides = array<i32>} : memref<16x128xf32, #tpu.memory_space<vmem>>, vector<1x16xf32>,
    %get3A_1748 = vector.shape_cast %get3A_1747 : vector<1x16xf32> to vector<16xf32>
    %get3A_1749 = arith.constant 8 : i32
    %get3A_1750 = arith.index_cast %get3A_1749 : i32 to index
    %get3A_1751 = arith.constant 112 : index
    %get3A_1752 = tpu.vector_load %arg9[%get3A_1750, %get3A_1751] {strides = array<i32>} : memref<16x128xf32, #tpu.memory_space<vmem>>, vector<1x16xf32>,
    %get3A_1753 = vector.shape_cast %get3A_1752 : vector<1x16xf32> to vector<16xf32>
    %sub3A_1754 = arith.subf %get3A_1743, %get3A_1748 : vector<16xf32>
    %abs3A_1755 = math.absf %sub3A_1754 : vector<16xf32>
    %mul3A_1756 = arith.mulf %abs3A_1755, %get3A_1753 : vector<16xf32>
    %add3A_1757 = arith.addf %add3A_1737, %mul3A_1756 : vector<16xf32>
    %add3A_1758 = arith.addf %add3A_1738, %get3A_1753 : vector<16xf32>
    %get3A_1759 = arith.constant 9 : i32
    %get3A_1760 = arith.index_cast %get3A_1759 : i32 to index
    %get3A_1761 = arith.constant 0 : index
    %get3A_1762 = tpu.vector_load %arg8[%get3A_1760, %get3A_1761] {strides = array<i32>} : memref<16x128xf32, #tpu.memory_space<vmem>>, vector<1x16xf32>,
    %get3A_1763 = vector.shape_cast %get3A_1762 : vector<1x16xf32> to vector<16xf32>
    %get3A_1764 = arith.constant 9 : i32
    %get3A_1765 = arith.index_cast %get3A_1764 : i32 to index
    %get3A_1766 = arith.constant 0 : index
    %get3A_1767 = tpu.vector_load %arg10[%get3A_1765, %get3A_1766] {strides = array<i32>} : memref<16x128xf32, #tpu.memory_space<vmem>>, vector<1x16xf32>,
    %get3A_1768 = vector.shape_cast %get3A_1767 : vector<1x16xf32> to vector<16xf32>
    %get3A_1769 = arith.constant 9 : i32
    %get3A_1770 = arith.index_cast %get3A_1769 : i32 to index
    %get3A_1771 = arith.constant 0 : index
    %get3A_1772 = tpu.vector_load %arg9[%get3A_1770, %get3A_1771] {strides = array<i32>} : memref<16x128xf32, #tpu.memory_space<vmem>>, vector<1x16xf32>,
    %get3A_1773 = vector.shape_cast %get3A_1772 : vector<1x16xf32> to vector<16xf32>
    %sub3A_1774 = arith.subf %get3A_1763, %get3A_1768 : vector<16xf32>
    %abs3A_1775 = math.absf %sub3A_1774 : vector<16xf32>
    %mul3A_1776 = arith.mulf %abs3A_1775, %get3A_1773 : vector<16xf32>
    %add3A_1777 = arith.addf %add3A_1757, %mul3A_1776 : vector<16xf32>
    %add3A_1778 = arith.addf %add3A_1758, %get3A_1773 : vector<16xf32>
    %get3A_1779 = arith.constant 9 : i32
    %get3A_1780 = arith.index_cast %get3A_1779 : i32 to index
    %get3A_1781 = arith.constant 16 : index
    %get3A_1782 = tpu.vector_load %arg8[%get3A_1780, %get3A_1781] {strides = array<i32>} : memref<16x128xf32, #tpu.memory_space<vmem>>, vector<1x16xf32>,
    %get3A_1783 = vector.shape_cast %get3A_1782 : vector<1x16xf32> to vector<16xf32>
    %get3A_1784 = arith.constant 9 : i32
    %get3A_1785 = arith.index_cast %get3A_1784 : i32 to index
    %get3A_1786 = arith.constant 16 : index
    %get3A_1787 = tpu.vector_load %arg10[%get3A_1785, %get3A_1786] {strides = array<i32>} : memref<16x128xf32, #tpu.memory_space<vmem>>, vector<1x16xf32>,
    %get3A_1788 = vector.shape_cast %get3A_1787 : vector<1x16xf32> to vector<16xf32>
    %get3A_1789 = arith.constant 9 : i32
    %get3A_1790 = arith.index_cast %get3A_1789 : i32 to index
    %get3A_1791 = arith.constant 16 : index
    %get3A_1792 = tpu.vector_load %arg9[%get3A_1790, %get3A_1791] {strides = array<i32>} : memref<16x128xf32, #tpu.memory_space<vmem>>, vector<1x16xf32>,
    %get3A_1793 = vector.shape_cast %get3A_1792 : vector<1x16xf32> to vector<16xf32>
    %sub3A_1794 = arith.subf %get3A_1783, %get3A_1788 : vector<16xf32>
    %abs3A_1795 = math.absf %sub3A_1794 : vector<16xf32>
    %mul3A_1796 = arith.mulf %abs3A_1795, %get3A_1793 : vector<16xf32>
    %add3A_1797 = arith.addf %add3A_1777, %mul3A_1796 : vector<16xf32>
    %add3A_1798 = arith.addf %add3A_1778, %get3A_1793 : vector<16xf32>
    %get3A_1799 = arith.constant 9 : i32
    %get3A_1800 = arith.index_cast %get3A_1799 : i32 to index
    %get3A_1801 = arith.constant 32 : index
    %get3A_1802 = tpu.vector_load %arg8[%get3A_1800, %get3A_1801] {strides = array<i32>} : memref<16x128xf32, #tpu.memory_space<vmem>>, vector<1x16xf32>,
    %get3A_1803 = vector.shape_cast %get3A_1802 : vector<1x16xf32> to vector<16xf32>
    %get3A_1804 = arith.constant 9 : i32
    %get3A_1805 = arith.index_cast %get3A_1804 : i32 to index
    %get3A_1806 = arith.constant 32 : index
    %get3A_1807 = tpu.vector_load %arg10[%get3A_1805, %get3A_1806] {strides = array<i32>} : memref<16x128xf32, #tpu.memory_space<vmem>>, vector<1x16xf32>,
    %get3A_1808 = vector.shape_cast %get3A_1807 : vector<1x16xf32> to vector<16xf32>
    %get3A_1809 = arith.constant 9 : i32
    %get3A_1810 = arith.index_cast %get3A_1809 : i32 to index
    %get3A_1811 = arith.constant 32 : index
    %get3A_1812 = tpu.vector_load %arg9[%get3A_1810, %get3A_1811] {strides = array<i32>} : memref<16x128xf32, #tpu.memory_space<vmem>>, vector<1x16xf32>,
    %get3A_1813 = vector.shape_cast %get3A_1812 : vector<1x16xf32> to vector<16xf32>
    %sub3A_1814 = arith.subf %get3A_1803, %get3A_1808 : vector<16xf32>
    %abs3A_1815 = math.absf %sub3A_1814 : vector<16xf32>
    %mul3A_1816 = arith.mulf %abs3A_1815, %get3A_1813 : vector<16xf32>
    %add3A_1817 = arith.addf %add3A_1797, %mul3A_1816 : vector<16xf32>
    %add3A_1818 = arith.addf %add3A_1798, %get3A_1813 : vector<16xf32>
    %get3A_1819 = arith.constant 9 : i32
    %get3A_1820 = arith.index_cast %get3A_1819 : i32 to index
    %get3A_1821 = arith.constant 48 : index
    %get3A_1822 = tpu.vector_load %arg8[%get3A_1820, %get3A_1821] {strides = array<i32>} : memref<16x128xf32, #tpu.memory_space<vmem>>, vector<1x16xf32>,
    %get3A_1823 = vector.shape_cast %get3A_1822 : vector<1x16xf32> to vector<16xf32>
    %get3A_1824 = arith.constant 9 : i32
    %get3A_1825 = arith.index_cast %get3A_1824 : i32 to index
    %get3A_1826 = arith.constant 48 : index
    %get3A_1827 = tpu.vector_load %arg10[%get3A_1825, %get3A_1826] {strides = array<i32>} : memref<16x128xf32, #tpu.memory_space<vmem>>, vector<1x16xf32>,
    %get3A_1828 = vector.shape_cast %get3A_1827 : vector<1x16xf32> to vector<16xf32>
    %get3A_1829 = arith.constant 9 : i32
    %get3A_1830 = arith.index_cast %get3A_1829 : i32 to index
    %get3A_1831 = arith.constant 48 : index
    %get3A_1832 = tpu.vector_load %arg9[%get3A_1830, %get3A_1831] {strides = array<i32>} : memref<16x128xf32, #tpu.memory_space<vmem>>, vector<1x16xf32>,
    %get3A_1833 = vector.shape_cast %get3A_1832 : vector<1x16xf32> to vector<16xf32>
    %sub3A_1834 = arith.subf %get3A_1823, %get3A_1828 : vector<16xf32>
    %abs3A_1835 = math.absf %sub3A_1834 : vector<16xf32>
    %mul3A_1836 = arith.mulf %abs3A_1835, %get3A_1833 : vector<16xf32>
    %add3A_1837 = arith.addf %add3A_1817, %mul3A_1836 : vector<16xf32>
    %add3A_1838 = arith.addf %add3A_1818, %get3A_1833 : vector<16xf32>
    %get3A_1839 = arith.constant 9 : i32
    %get3A_1840 = arith.index_cast %get3A_1839 : i32 to index
    %get3A_1841 = arith.constant 64 : index
    %get3A_1842 = tpu.vector_load %arg8[%get3A_1840, %get3A_1841] {strides = array<i32>} : memref<16x128xf32, #tpu.memory_space<vmem>>, vector<1x16xf32>,
    %get3A_1843 = vector.shape_cast %get3A_1842 : vector<1x16xf32> to vector<16xf32>
    %get3A_1844 = arith.constant 9 : i32
    %get3A_1845 = arith.index_cast %get3A_1844 : i32 to index
    %get3A_1846 = arith.constant 64 : index
    %get3A_1847 = tpu.vector_load %arg10[%get3A_1845, %get3A_1846] {strides = array<i32>} : memref<16x128xf32, #tpu.memory_space<vmem>>, vector<1x16xf32>,
    %get3A_1848 = vector.shape_cast %get3A_1847 : vector<1x16xf32> to vector<16xf32>
    %get3A_1849 = arith.constant 9 : i32
    %get3A_1850 = arith.index_cast %get3A_1849 : i32 to index
    %get3A_1851 = arith.constant 64 : index
    %get3A_1852 = tpu.vector_load %arg9[%get3A_1850, %get3A_1851] {strides = array<i32>} : memref<16x128xf32, #tpu.memory_space<vmem>>, vector<1x16xf32>,
    %get3A_1853 = vector.shape_cast %get3A_1852 : vector<1x16xf32> to vector<16xf32>
    %sub3A_1854 = arith.subf %get3A_1843, %get3A_1848 : vector<16xf32>
    %abs3A_1855 = math.absf %sub3A_1854 : vector<16xf32>
    %mul3A_1856 = arith.mulf %abs3A_1855, %get3A_1853 : vector<16xf32>
    %add3A_1857 = arith.addf %add3A_1837, %mul3A_1856 : vector<16xf32>
    %add3A_1858 = arith.addf %add3A_1838, %get3A_1853 : vector<16xf32>
    %get3A_1859 = arith.constant 9 : i32
    %get3A_1860 = arith.index_cast %get3A_1859 : i32 to index
    %get3A_1861 = arith.constant 80 : index
    %get3A_1862 = tpu.vector_load %arg8[%get3A_1860, %get3A_1861] {strides = array<i32>} : memref<16x128xf32, #tpu.memory_space<vmem>>, vector<1x16xf32>,
    %get3A_1863 = vector.shape_cast %get3A_1862 : vector<1x16xf32> to vector<16xf32>
    %get3A_1864 = arith.constant 9 : i32
    %get3A_1865 = arith.index_cast %get3A_1864 : i32 to index
    %get3A_1866 = arith.constant 80 : index
    %get3A_1867 = tpu.vector_load %arg10[%get3A_1865, %get3A_1866] {strides = array<i32>} : memref<16x128xf32, #tpu.memory_space<vmem>>, vector<1x16xf32>,
    %get3A_1868 = vector.shape_cast %get3A_1867 : vector<1x16xf32> to vector<16xf32>
    %get3A_1869 = arith.constant 9 : i32
    %get3A_1870 = arith.index_cast %get3A_1869 : i32 to index
    %get3A_1871 = arith.constant 80 : index
    %get3A_1872 = tpu.vector_load %arg9[%get3A_1870, %get3A_1871] {strides = array<i32>} : memref<16x128xf32, #tpu.memory_space<vmem>>, vector<1x16xf32>,
    %get3A_1873 = vector.shape_cast %get3A_1872 : vector<1x16xf32> to vector<16xf32>
    %sub3A_1874 = arith.subf %get3A_1863, %get3A_1868 : vector<16xf32>
    %abs3A_1875 = math.absf %sub3A_1874 : vector<16xf32>
    %mul3A_1876 = arith.mulf %abs3A_1875, %get3A_1873 : vector<16xf32>
    %add3A_1877 = arith.addf %add3A_1857, %mul3A_1876 : vector<16xf32>
    %add3A_1878 = arith.addf %add3A_1858, %get3A_1873 : vector<16xf32>
    %get3A_1879 = arith.constant 9 : i32
    %get3A_1880 = arith.index_cast %get3A_1879 : i32 to index
    %get3A_1881 = arith.constant 96 : index
    %get3A_1882 = tpu.vector_load %arg8[%get3A_1880, %get3A_1881] {strides = array<i32>} : memref<16x128xf32, #tpu.memory_space<vmem>>, vector<1x16xf32>,
    %get3A_1883 = vector.shape_cast %get3A_1882 : vector<1x16xf32> to vector<16xf32>
    %get3A_1884 = arith.constant 9 : i32
    %get3A_1885 = arith.index_cast %get3A_1884 : i32 to index
    %get3A_1886 = arith.constant 96 : index
    %get3A_1887 = tpu.vector_load %arg10[%get3A_1885, %get3A_1886] {strides = array<i32>} : memref<16x128xf32, #tpu.memory_space<vmem>>, vector<1x16xf32>,
    %get3A_1888 = vector.shape_cast %get3A_1887 : vector<1x16xf32> to vector<16xf32>
    %get3A_1889 = arith.constant 9 : i32
    %get3A_1890 = arith.index_cast %get3A_1889 : i32 to index
    %get3A_1891 = arith.constant 96 : index
    %get3A_1892 = tpu.vector_load %arg9[%get3A_1890, %get3A_1891] {strides = array<i32>} : memref<16x128xf32, #tpu.memory_space<vmem>>, vector<1x16xf32>,
    %get3A_1893 = vector.shape_cast %get3A_1892 : vector<1x16xf32> to vector<16xf32>
    %sub3A_1894 = arith.subf %get3A_1883, %get3A_1888 : vector<16xf32>
    %abs3A_1895 = math.absf %sub3A_1894 : vector<16xf32>
    %mul3A_1896 = arith.mulf %abs3A_1895, %get3A_1893 : vector<16xf32>
    %add3A_1897 = arith.addf %add3A_1877, %mul3A_1896 : vector<16xf32>
    %add3A_1898 = arith.addf %add3A_1878, %get3A_1893 : vector<16xf32>
    %get3A_1899 = arith.constant 9 : i32
    %get3A_1900 = arith.index_cast %get3A_1899 : i32 to index
    %get3A_1901 = arith.constant 112 : index
    %get3A_1902 = tpu.vector_load %arg8[%get3A_1900, %get3A_1901] {strides = array<i32>} : memref<16x128xf32, #tpu.memory_space<vmem>>, vector<1x16xf32>,
    %get3A_1903 = vector.shape_cast %get3A_1902 : vector<1x16xf32> to vector<16xf32>
    %get3A_1904 = arith.constant 9 : i32
    %get3A_1905 = arith.index_cast %get3A_1904 : i32 to index
    %get3A_1906 = arith.constant 112 : index
    %get3A_1907 = tpu.vector_load %arg10[%get3A_1905, %get3A_1906] {strides = array<i32>} : memref<16x128xf32, #tpu.memory_space<vmem>>, vector<1x16xf32>,
    %get3A_1908 = vector.shape_cast %get3A_1907 : vector<1x16xf32> to vector<16xf32>
    %get3A_1909 = arith.constant 9 : i32
    %get3A_1910 = arith.index_cast %get3A_1909 : i32 to index
    %get3A_1911 = arith.constant 112 : index
    %get3A_1912 = tpu.vector_load %arg9[%get3A_1910, %get3A_1911] {strides = array<i32>} : memref<16x128xf32, #tpu.memory_space<vmem>>, vector<1x16xf32>,
    %get3A_1913 = vector.shape_cast %get3A_1912 : vector<1x16xf32> to vector<16xf32>
    %sub3A_1914 = arith.subf %get3A_1903, %get3A_1908 : vector<16xf32>
    %abs3A_1915 = math.absf %sub3A_1914 : vector<16xf32>
    %mul3A_1916 = arith.mulf %abs3A_1915, %get3A_1913 : vector<16xf32>
    %add3A_1917 = arith.addf %add3A_1897, %mul3A_1916 : vector<16xf32>
    %add3A_1918 = arith.addf %add3A_1898, %get3A_1913 : vector<16xf32>
    %get3A_1919 = arith.constant 10 : i32
    %get3A_1920 = arith.index_cast %get3A_1919 : i32 to index
    %get3A_1921 = arith.constant 0 : index
    %get3A_1922 = tpu.vector_load %arg8[%get3A_1920, %get3A_1921] {strides = array<i32>} : memref<16x128xf32, #tpu.memory_space<vmem>>, vector<1x16xf32>,
    %get3A_1923 = vector.shape_cast %get3A_1922 : vector<1x16xf32> to vector<16xf32>
    %get3A_1924 = arith.constant 10 : i32
    %get3A_1925 = arith.index_cast %get3A_1924 : i32 to index
    %get3A_1926 = arith.constant 0 : index
    %get3A_1927 = tpu.vector_load %arg10[%get3A_1925, %get3A_1926] {strides = array<i32>} : memref<16x128xf32, #tpu.memory_space<vmem>>, vector<1x16xf32>,
    %get3A_1928 = vector.shape_cast %get3A_1927 : vector<1x16xf32> to vector<16xf32>
    %get3A_1929 = arith.constant 10 : i32
    %get3A_1930 = arith.index_cast %get3A_1929 : i32 to index
    %get3A_1931 = arith.constant 0 : index
    %get3A_1932 = tpu.vector_load %arg9[%get3A_1930, %get3A_1931] {strides = array<i32>} : memref<16x128xf32, #tpu.memory_space<vmem>>, vector<1x16xf32>,
    %get3A_1933 = vector.shape_cast %get3A_1932 : vector<1x16xf32> to vector<16xf32>
    %sub3A_1934 = arith.subf %get3A_1923, %get3A_1928 : vector<16xf32>
    %abs3A_1935 = math.absf %sub3A_1934 : vector<16xf32>
    %mul3A_1936 = arith.mulf %abs3A_1935, %get3A_1933 : vector<16xf32>
    %add3A_1937 = arith.addf %add3A_1917, %mul3A_1936 : vector<16xf32>
    %add3A_1938 = arith.addf %add3A_1918, %get3A_1933 : vector<16xf32>
    %get3A_1939 = arith.constant 10 : i32
    %get3A_1940 = arith.index_cast %get3A_1939 : i32 to index
    %get3A_1941 = arith.constant 16 : index
    %get3A_1942 = tpu.vector_load %arg8[%get3A_1940, %get3A_1941] {strides = array<i32>} : memref<16x128xf32, #tpu.memory_space<vmem>>, vector<1x16xf32>,
    %get3A_1943 = vector.shape_cast %get3A_1942 : vector<1x16xf32> to vector<16xf32>
    %get3A_1944 = arith.constant 10 : i32
    %get3A_1945 = arith.index_cast %get3A_1944 : i32 to index
    %get3A_1946 = arith.constant 16 : index
    %get3A_1947 = tpu.vector_load %arg10[%get3A_1945, %get3A_1946] {strides = array<i32>} : memref<16x128xf32, #tpu.memory_space<vmem>>, vector<1x16xf32>,
    %get3A_1948 = vector.shape_cast %get3A_1947 : vector<1x16xf32> to vector<16xf32>
    %get3A_1949 = arith.constant 10 : i32
    %get3A_1950 = arith.index_cast %get3A_1949 : i32 to index
    %get3A_1951 = arith.constant 16 : index
    %get3A_1952 = tpu.vector_load %arg9[%get3A_1950, %get3A_1951] {strides = array<i32>} : memref<16x128xf32, #tpu.memory_space<vmem>>, vector<1x16xf32>,
    %get3A_1953 = vector.shape_cast %get3A_1952 : vector<1x16xf32> to vector<16xf32>
    %sub3A_1954 = arith.subf %get3A_1943, %get3A_1948 : vector<16xf32>
    %abs3A_1955 = math.absf %sub3A_1954 : vector<16xf32>
    %mul3A_1956 = arith.mulf %abs3A_1955, %get3A_1953 : vector<16xf32>
    %add3A_1957 = arith.addf %add3A_1937, %mul3A_1956 : vector<16xf32>
    %add3A_1958 = arith.addf %add3A_1938, %get3A_1953 : vector<16xf32>
    %get3A_1959 = arith.constant 10 : i32
    %get3A_1960 = arith.index_cast %get3A_1959 : i32 to index
    %get3A_1961 = arith.constant 32 : index
    %get3A_1962 = tpu.vector_load %arg8[%get3A_1960, %get3A_1961] {strides = array<i32>} : memref<16x128xf32, #tpu.memory_space<vmem>>, vector<1x16xf32>,
    %get3A_1963 = vector.shape_cast %get3A_1962 : vector<1x16xf32> to vector<16xf32>
    %get3A_1964 = arith.constant 10 : i32
    %get3A_1965 = arith.index_cast %get3A_1964 : i32 to index
    %get3A_1966 = arith.constant 32 : index
    %get3A_1967 = tpu.vector_load %arg10[%get3A_1965, %get3A_1966] {strides = array<i32>} : memref<16x128xf32, #tpu.memory_space<vmem>>, vector<1x16xf32>,
    %get3A_1968 = vector.shape_cast %get3A_1967 : vector<1x16xf32> to vector<16xf32>
    %get3A_1969 = arith.constant 10 : i32
    %get3A_1970 = arith.index_cast %get3A_1969 : i32 to index
    %get3A_1971 = arith.constant 32 : index
    %get3A_1972 = tpu.vector_load %arg9[%get3A_1970, %get3A_1971] {strides = array<i32>} : memref<16x128xf32, #tpu.memory_space<vmem>>, vector<1x16xf32>,
    %get3A_1973 = vector.shape_cast %get3A_1972 : vector<1x16xf32> to vector<16xf32>
    %sub3A_1974 = arith.subf %get3A_1963, %get3A_1968 : vector<16xf32>
    %abs3A_1975 = math.absf %sub3A_1974 : vector<16xf32>
    %mul3A_1976 = arith.mulf %abs3A_1975, %get3A_1973 : vector<16xf32>
    %add3A_1977 = arith.addf %add3A_1957, %mul3A_1976 : vector<16xf32>
    %add3A_1978 = arith.addf %add3A_1958, %get3A_1973 : vector<16xf32>
    %get3A_1979 = arith.constant 10 : i32
    %get3A_1980 = arith.index_cast %get3A_1979 : i32 to index
    %get3A_1981 = arith.constant 48 : index
    %get3A_1982 = tpu.vector_load %arg8[%get3A_1980, %get3A_1981] {strides = array<i32>} : memref<16x128xf32, #tpu.memory_space<vmem>>, vector<1x16xf32>,
    %get3A_1983 = vector.shape_cast %get3A_1982 : vector<1x16xf32> to vector<16xf32>
    %get3A_1984 = arith.constant 10 : i32
    %get3A_1985 = arith.index_cast %get3A_1984 : i32 to index
    %get3A_1986 = arith.constant 48 : index
    %get3A_1987 = tpu.vector_load %arg10[%get3A_1985, %get3A_1986] {strides = array<i32>} : memref<16x128xf32, #tpu.memory_space<vmem>>, vector<1x16xf32>,
    %get3A_1988 = vector.shape_cast %get3A_1987 : vector<1x16xf32> to vector<16xf32>
    %get3A_1989 = arith.constant 10 : i32
    %get3A_1990 = arith.index_cast %get3A_1989 : i32 to index
    %get3A_1991 = arith.constant 48 : index
    %get3A_1992 = tpu.vector_load %arg9[%get3A_1990, %get3A_1991] {strides = array<i32>} : memref<16x128xf32, #tpu.memory_space<vmem>>, vector<1x16xf32>,
    %get3A_1993 = vector.shape_cast %get3A_1992 : vector<1x16xf32> to vector<16xf32>
    %sub3A_1994 = arith.subf %get3A_1983, %get3A_1988 : vector<16xf32>
    %abs3A_1995 = math.absf %sub3A_1994 : vector<16xf32>
    %mul3A_1996 = arith.mulf %abs3A_1995, %get3A_1993 : vector<16xf32>
    %add3A_1997 = arith.addf %add3A_1977, %mul3A_1996 : vector<16xf32>
    %add3A_1998 = arith.addf %add3A_1978, %get3A_1993 : vector<16xf32>
    %get3A_1999 = arith.constant 10 : i32
    %get3A_2000 = arith.index_cast %get3A_1999 : i32 to index
    %get3A_2001 = arith.constant 64 : index
    %get3A_2002 = tpu.vector_load %arg8[%get3A_2000, %get3A_2001] {strides = array<i32>} : memref<16x128xf32, #tpu.memory_space<vmem>>, vector<1x16xf32>,
    %get3A_2003 = vector.shape_cast %get3A_2002 : vector<1x16xf32> to vector<16xf32>
    %get3A_2004 = arith.constant 10 : i32
    %get3A_2005 = arith.index_cast %get3A_2004 : i32 to index
    %get3A_2006 = arith.constant 64 : index
    %get3A_2007 = tpu.vector_load %arg10[%get3A_2005, %get3A_2006] {strides = array<i32>} : memref<16x128xf32, #tpu.memory_space<vmem>>, vector<1x16xf32>,
    %get3A_2008 = vector.shape_cast %get3A_2007 : vector<1x16xf32> to vector<16xf32>
    %get3A_2009 = arith.constant 10 : i32
    %get3A_2010 = arith.index_cast %get3A_2009 : i32 to index
    %get3A_2011 = arith.constant 64 : index
    %get3A_2012 = tpu.vector_load %arg9[%get3A_2010, %get3A_2011] {strides = array<i32>} : memref<16x128xf32, #tpu.memory_space<vmem>>, vector<1x16xf32>,
    %get3A_2013 = vector.shape_cast %get3A_2012 : vector<1x16xf32> to vector<16xf32>
    %sub3A_2014 = arith.subf %get3A_2003, %get3A_2008 : vector<16xf32>
    %abs3A_2015 = math.absf %sub3A_2014 : vector<16xf32>
    %mul3A_2016 = arith.mulf %abs3A_2015, %get3A_2013 : vector<16xf32>
    %add3A_2017 = arith.addf %add3A_1997, %mul3A_2016 : vector<16xf32>
    %add3A_2018 = arith.addf %add3A_1998, %get3A_2013 : vector<16xf32>
    %get3A_2019 = arith.constant 10 : i32
    %get3A_2020 = arith.index_cast %get3A_2019 : i32 to index
    %get3A_2021 = arith.constant 80 : index
    %get3A_2022 = tpu.vector_load %arg8[%get3A_2020, %get3A_2021] {strides = array<i32>} : memref<16x128xf32, #tpu.memory_space<vmem>>, vector<1x16xf32>,
    %get3A_2023 = vector.shape_cast %get3A_2022 : vector<1x16xf32> to vector<16xf32>
    %get3A_2024 = arith.constant 10 : i32
    %get3A_2025 = arith.index_cast %get3A_2024 : i32 to index
    %get3A_2026 = arith.constant 80 : index
    %get3A_2027 = tpu.vector_load %arg10[%get3A_2025, %get3A_2026] {strides = array<i32>} : memref<16x128xf32, #tpu.memory_space<vmem>>, vector<1x16xf32>,
    %get3A_2028 = vector.shape_cast %get3A_2027 : vector<1x16xf32> to vector<16xf32>
    %get3A_2029 = arith.constant 10 : i32
    %get3A_2030 = arith.index_cast %get3A_2029 : i32 to index
    %get3A_2031 = arith.constant 80 : index
    %get3A_2032 = tpu.vector_load %arg9[%get3A_2030, %get3A_2031] {strides = array<i32>} : memref<16x128xf32, #tpu.memory_space<vmem>>, vector<1x16xf32>,
    %get3A_2033 = vector.shape_cast %get3A_2032 : vector<1x16xf32> to vector<16xf32>
    %sub3A_2034 = arith.subf %get3A_2023, %get3A_2028 : vector<16xf32>
    %abs3A_2035 = math.absf %sub3A_2034 : vector<16xf32>
    %mul3A_2036 = arith.mulf %abs3A_2035, %get3A_2033 : vector<16xf32>
    %add3A_2037 = arith.addf %add3A_2017, %mul3A_2036 : vector<16xf32>
    %add3A_2038 = arith.addf %add3A_2018, %get3A_2033 : vector<16xf32>
    %get3A_2039 = arith.constant 10 : i32
    %get3A_2040 = arith.index_cast %get3A_2039 : i32 to index
    %get3A_2041 = arith.constant 96 : index
    %get3A_2042 = tpu.vector_load %arg8[%get3A_2040, %get3A_2041] {strides = array<i32>} : memref<16x128xf32, #tpu.memory_space<vmem>>, vector<1x16xf32>,
    %get3A_2043 = vector.shape_cast %get3A_2042 : vector<1x16xf32> to vector<16xf32>
    %get3A_2044 = arith.constant 10 : i32
    %get3A_2045 = arith.index_cast %get3A_2044 : i32 to index
    %get3A_2046 = arith.constant 96 : index
    %get3A_2047 = tpu.vector_load %arg10[%get3A_2045, %get3A_2046] {strides = array<i32>} : memref<16x128xf32, #tpu.memory_space<vmem>>, vector<1x16xf32>,
    %get3A_2048 = vector.shape_cast %get3A_2047 : vector<1x16xf32> to vector<16xf32>
    %get3A_2049 = arith.constant 10 : i32
    %get3A_2050 = arith.index_cast %get3A_2049 : i32 to index
    %get3A_2051 = arith.constant 96 : index
    %get3A_2052 = tpu.vector_load %arg9[%get3A_2050, %get3A_2051] {strides = array<i32>} : memref<16x128xf32, #tpu.memory_space<vmem>>, vector<1x16xf32>,
    %get3A_2053 = vector.shape_cast %get3A_2052 : vector<1x16xf32> to vector<16xf32>
    %sub3A_2054 = arith.subf %get3A_2043, %get3A_2048 : vector<16xf32>
    %abs3A_2055 = math.absf %sub3A_2054 : vector<16xf32>
    %mul3A_2056 = arith.mulf %abs3A_2055, %get3A_2053 : vector<16xf32>
    %add3A_2057 = arith.addf %add3A_2037, %mul3A_2056 : vector<16xf32>
    %add3A_2058 = arith.addf %add3A_2038, %get3A_2053 : vector<16xf32>
    %get3A_2059 = arith.constant 10 : i32
    %get3A_2060 = arith.index_cast %get3A_2059 : i32 to index
    %get3A_2061 = arith.constant 112 : index
    %get3A_2062 = tpu.vector_load %arg8[%get3A_2060, %get3A_2061] {strides = array<i32>} : memref<16x128xf32, #tpu.memory_space<vmem>>, vector<1x16xf32>,
    %get3A_2063 = vector.shape_cast %get3A_2062 : vector<1x16xf32> to vector<16xf32>
    %get3A_2064 = arith.constant 10 : i32
    %get3A_2065 = arith.index_cast %get3A_2064 : i32 to index
    %get3A_2066 = arith.constant 112 : index
    %get3A_2067 = tpu.vector_load %arg10[%get3A_2065, %get3A_2066] {strides = array<i32>} : memref<16x128xf32, #tpu.memory_space<vmem>>, vector<1x16xf32>,
    %get3A_2068 = vector.shape_cast %get3A_2067 : vector<1x16xf32> to vector<16xf32>
    %get3A_2069 = arith.constant 10 : i32
    %get3A_2070 = arith.index_cast %get3A_2069 : i32 to index
    %get3A_2071 = arith.constant 112 : index
    %get3A_2072 = tpu.vector_load %arg9[%get3A_2070, %get3A_2071] {strides = array<i32>} : memref<16x128xf32, #tpu.memory_space<vmem>>, vector<1x16xf32>,
    %get3A_2073 = vector.shape_cast %get3A_2072 : vector<1x16xf32> to vector<16xf32>
    %sub3A_2074 = arith.subf %get3A_2063, %get3A_2068 : vector<16xf32>
    %abs3A_2075 = math.absf %sub3A_2074 : vector<16xf32>
    %mul3A_2076 = arith.mulf %abs3A_2075, %get3A_2073 : vector<16xf32>
    %add3A_2077 = arith.addf %add3A_2057, %mul3A_2076 : vector<16xf32>
    %add3A_2078 = arith.addf %add3A_2058, %get3A_2073 : vector<16xf32>
    %get3A_2079 = arith.constant 11 : i32
    %get3A_2080 = arith.index_cast %get3A_2079 : i32 to index
    %get3A_2081 = arith.constant 0 : index
    %get3A_2082 = tpu.vector_load %arg8[%get3A_2080, %get3A_2081] {strides = array<i32>} : memref<16x128xf32, #tpu.memory_space<vmem>>, vector<1x16xf32>,
    %get3A_2083 = vector.shape_cast %get3A_2082 : vector<1x16xf32> to vector<16xf32>
    %get3A_2084 = arith.constant 11 : i32
    %get3A_2085 = arith.index_cast %get3A_2084 : i32 to index
    %get3A_2086 = arith.constant 0 : index
    %get3A_2087 = tpu.vector_load %arg10[%get3A_2085, %get3A_2086] {strides = array<i32>} : memref<16x128xf32, #tpu.memory_space<vmem>>, vector<1x16xf32>,
    %get3A_2088 = vector.shape_cast %get3A_2087 : vector<1x16xf32> to vector<16xf32>
    %get3A_2089 = arith.constant 11 : i32
    %get3A_2090 = arith.index_cast %get3A_2089 : i32 to index
    %get3A_2091 = arith.constant 0 : index
    %get3A_2092 = tpu.vector_load %arg9[%get3A_2090, %get3A_2091] {strides = array<i32>} : memref<16x128xf32, #tpu.memory_space<vmem>>, vector<1x16xf32>,
    %get3A_2093 = vector.shape_cast %get3A_2092 : vector<1x16xf32> to vector<16xf32>
    %sub3A_2094 = arith.subf %get3A_2083, %get3A_2088 : vector<16xf32>
    %abs3A_2095 = math.absf %sub3A_2094 : vector<16xf32>
    %mul3A_2096 = arith.mulf %abs3A_2095, %get3A_2093 : vector<16xf32>
    %add3A_2097 = arith.addf %add3A_2077, %mul3A_2096 : vector<16xf32>
    %add3A_2098 = arith.addf %add3A_2078, %get3A_2093 : vector<16xf32>
    %get3A_2099 = arith.constant 11 : i32
    %get3A_2100 = arith.index_cast %get3A_2099 : i32 to index
    %get3A_2101 = arith.constant 16 : index
    %get3A_2102 = tpu.vector_load %arg8[%get3A_2100, %get3A_2101] {strides = array<i32>} : memref<16x128xf32, #tpu.memory_space<vmem>>, vector<1x16xf32>,
    %get3A_2103 = vector.shape_cast %get3A_2102 : vector<1x16xf32> to vector<16xf32>
    %get3A_2104 = arith.constant 11 : i32
    %get3A_2105 = arith.index_cast %get3A_2104 : i32 to index
    %get3A_2106 = arith.constant 16 : index
    %get3A_2107 = tpu.vector_load %arg10[%get3A_2105, %get3A_2106] {strides = array<i32>} : memref<16x128xf32, #tpu.memory_space<vmem>>, vector<1x16xf32>,
    %get3A_2108 = vector.shape_cast %get3A_2107 : vector<1x16xf32> to vector<16xf32>
    %get3A_2109 = arith.constant 11 : i32
    %get3A_2110 = arith.index_cast %get3A_2109 : i32 to index
    %get3A_2111 = arith.constant 16 : index
    %get3A_2112 = tpu.vector_load %arg9[%get3A_2110, %get3A_2111] {strides = array<i32>} : memref<16x128xf32, #tpu.memory_space<vmem>>, vector<1x16xf32>,
    %get3A_2113 = vector.shape_cast %get3A_2112 : vector<1x16xf32> to vector<16xf32>
    %sub3A_2114 = arith.subf %get3A_2103, %get3A_2108 : vector<16xf32>
    %abs3A_2115 = math.absf %sub3A_2114 : vector<16xf32>
    %mul3A_2116 = arith.mulf %abs3A_2115, %get3A_2113 : vector<16xf32>
    %add3A_2117 = arith.addf %add3A_2097, %mul3A_2116 : vector<16xf32>
    %add3A_2118 = arith.addf %add3A_2098, %get3A_2113 : vector<16xf32>
    %get3A_2119 = arith.constant 11 : i32
    %get3A_2120 = arith.index_cast %get3A_2119 : i32 to index
    %get3A_2121 = arith.constant 32 : index
    %get3A_2122 = tpu.vector_load %arg8[%get3A_2120, %get3A_2121] {strides = array<i32>} : memref<16x128xf32, #tpu.memory_space<vmem>>, vector<1x16xf32>,
    %get3A_2123 = vector.shape_cast %get3A_2122 : vector<1x16xf32> to vector<16xf32>
    %get3A_2124 = arith.constant 11 : i32
    %get3A_2125 = arith.index_cast %get3A_2124 : i32 to index
    %get3A_2126 = arith.constant 32 : index
    %get3A_2127 = tpu.vector_load %arg10[%get3A_2125, %get3A_2126] {strides = array<i32>} : memref<16x128xf32, #tpu.memory_space<vmem>>, vector<1x16xf32>,
    %get3A_2128 = vector.shape_cast %get3A_2127 : vector<1x16xf32> to vector<16xf32>
    %get3A_2129 = arith.constant 11 : i32
    %get3A_2130 = arith.index_cast %get3A_2129 : i32 to index
    %get3A_2131 = arith.constant 32 : index
    %get3A_2132 = tpu.vector_load %arg9[%get3A_2130, %get3A_2131] {strides = array<i32>} : memref<16x128xf32, #tpu.memory_space<vmem>>, vector<1x16xf32>,
    %get3A_2133 = vector.shape_cast %get3A_2132 : vector<1x16xf32> to vector<16xf32>
    %sub3A_2134 = arith.subf %get3A_2123, %get3A_2128 : vector<16xf32>
    %abs3A_2135 = math.absf %sub3A_2134 : vector<16xf32>
    %mul3A_2136 = arith.mulf %abs3A_2135, %get3A_2133 : vector<16xf32>
    %add3A_2137 = arith.addf %add3A_2117, %mul3A_2136 : vector<16xf32>
    %add3A_2138 = arith.addf %add3A_2118, %get3A_2133 : vector<16xf32>
    %get3A_2139 = arith.constant 11 : i32
    %get3A_2140 = arith.index_cast %get3A_2139 : i32 to index
    %get3A_2141 = arith.constant 48 : index
    %get3A_2142 = tpu.vector_load %arg8[%get3A_2140, %get3A_2141] {strides = array<i32>} : memref<16x128xf32, #tpu.memory_space<vmem>>, vector<1x16xf32>,
    %get3A_2143 = vector.shape_cast %get3A_2142 : vector<1x16xf32> to vector<16xf32>
    %get3A_2144 = arith.constant 11 : i32
    %get3A_2145 = arith.index_cast %get3A_2144 : i32 to index
    %get3A_2146 = arith.constant 48 : index
    %get3A_2147 = tpu.vector_load %arg10[%get3A_2145, %get3A_2146] {strides = array<i32>} : memref<16x128xf32, #tpu.memory_space<vmem>>, vector<1x16xf32>,
    %get3A_2148 = vector.shape_cast %get3A_2147 : vector<1x16xf32> to vector<16xf32>
    %get3A_2149 = arith.constant 11 : i32
    %get3A_2150 = arith.index_cast %get3A_2149 : i32 to index
    %get3A_2151 = arith.constant 48 : index
    %get3A_2152 = tpu.vector_load %arg9[%get3A_2150, %get3A_2151] {strides = array<i32>} : memref<16x128xf32, #tpu.memory_space<vmem>>, vector<1x16xf32>,
    %get3A_2153 = vector.shape_cast %get3A_2152 : vector<1x16xf32> to vector<16xf32>
    %sub3A_2154 = arith.subf %get3A_2143, %get3A_2148 : vector<16xf32>
    %abs3A_2155 = math.absf %sub3A_2154 : vector<16xf32>
    %mul3A_2156 = arith.mulf %abs3A_2155, %get3A_2153 : vector<16xf32>
    %add3A_2157 = arith.addf %add3A_2137, %mul3A_2156 : vector<16xf32>
    %add3A_2158 = arith.addf %add3A_2138, %get3A_2153 : vector<16xf32>
    %get3A_2159 = arith.constant 11 : i32
    %get3A_2160 = arith.index_cast %get3A_2159 : i32 to index
    %get3A_2161 = arith.constant 64 : index
    %get3A_2162 = tpu.vector_load %arg8[%get3A_2160, %get3A_2161] {strides = array<i32>} : memref<16x128xf32, #tpu.memory_space<vmem>>, vector<1x16xf32>,
    %get3A_2163 = vector.shape_cast %get3A_2162 : vector<1x16xf32> to vector<16xf32>
    %get3A_2164 = arith.constant 11 : i32
    %get3A_2165 = arith.index_cast %get3A_2164 : i32 to index
    %get3A_2166 = arith.constant 64 : index
    %get3A_2167 = tpu.vector_load %arg10[%get3A_2165, %get3A_2166] {strides = array<i32>} : memref<16x128xf32, #tpu.memory_space<vmem>>, vector<1x16xf32>,
    %get3A_2168 = vector.shape_cast %get3A_2167 : vector<1x16xf32> to vector<16xf32>
    %get3A_2169 = arith.constant 11 : i32
    %get3A_2170 = arith.index_cast %get3A_2169 : i32 to index
    %get3A_2171 = arith.constant 64 : index
    %get3A_2172 = tpu.vector_load %arg9[%get3A_2170, %get3A_2171] {strides = array<i32>} : memref<16x128xf32, #tpu.memory_space<vmem>>, vector<1x16xf32>,
    %get3A_2173 = vector.shape_cast %get3A_2172 : vector<1x16xf32> to vector<16xf32>
    %sub3A_2174 = arith.subf %get3A_2163, %get3A_2168 : vector<16xf32>
    %abs3A_2175 = math.absf %sub3A_2174 : vector<16xf32>
    %mul3A_2176 = arith.mulf %abs3A_2175, %get3A_2173 : vector<16xf32>
    %add3A_2177 = arith.addf %add3A_2157, %mul3A_2176 : vector<16xf32>
    %add3A_2178 = arith.addf %add3A_2158, %get3A_2173 : vector<16xf32>
    %get3A_2179 = arith.constant 11 : i32
    %get3A_2180 = arith.index_cast %get3A_2179 : i32 to index
    %get3A_2181 = arith.constant 80 : index
    %get3A_2182 = tpu.vector_load %arg8[%get3A_2180, %get3A_2181] {strides = array<i32>} : memref<16x128xf32, #tpu.memory_space<vmem>>, vector<1x16xf32>,
    %get3A_2183 = vector.shape_cast %get3A_2182 : vector<1x16xf32> to vector<16xf32>
    %get3A_2184 = arith.constant 11 : i32
    %get3A_2185 = arith.index_cast %get3A_2184 : i32 to index
    %get3A_2186 = arith.constant 80 : index
    %get3A_2187 = tpu.vector_load %arg10[%get3A_2185, %get3A_2186] {strides = array<i32>} : memref<16x128xf32, #tpu.memory_space<vmem>>, vector<1x16xf32>,
    %get3A_2188 = vector.shape_cast %get3A_2187 : vector<1x16xf32> to vector<16xf32>
    %get3A_2189 = arith.constant 11 : i32
    %get3A_2190 = arith.index_cast %get3A_2189 : i32 to index
    %get3A_2191 = arith.constant 80 : index
    %get3A_2192 = tpu.vector_load %arg9[%get3A_2190, %get3A_2191] {strides = array<i32>} : memref<16x128xf32, #tpu.memory_space<vmem>>, vector<1x16xf32>,
    %get3A_2193 = vector.shape_cast %get3A_2192 : vector<1x16xf32> to vector<16xf32>
    %sub3A_2194 = arith.subf %get3A_2183, %get3A_2188 : vector<16xf32>
    %abs3A_2195 = math.absf %sub3A_2194 : vector<16xf32>
    %mul3A_2196 = arith.mulf %abs3A_2195, %get3A_2193 : vector<16xf32>
    %add3A_2197 = arith.addf %add3A_2177, %mul3A_2196 : vector<16xf32>
    %add3A_2198 = arith.addf %add3A_2178, %get3A_2193 : vector<16xf32>
    %get3A_2199 = arith.constant 11 : i32
    %get3A_2200 = arith.index_cast %get3A_2199 : i32 to index
    %get3A_2201 = arith.constant 96 : index
    %get3A_2202 = tpu.vector_load %arg8[%get3A_2200, %get3A_2201] {strides = array<i32>} : memref<16x128xf32, #tpu.memory_space<vmem>>, vector<1x16xf32>,
    %get3A_2203 = vector.shape_cast %get3A_2202 : vector<1x16xf32> to vector<16xf32>
    %get3A_2204 = arith.constant 11 : i32
    %get3A_2205 = arith.index_cast %get3A_2204 : i32 to index
    %get3A_2206 = arith.constant 96 : index
    %get3A_2207 = tpu.vector_load %arg10[%get3A_2205, %get3A_2206] {strides = array<i32>} : memref<16x128xf32, #tpu.memory_space<vmem>>, vector<1x16xf32>,
    %get3A_2208 = vector.shape_cast %get3A_2207 : vector<1x16xf32> to vector<16xf32>
    %get3A_2209 = arith.constant 11 : i32
    %get3A_2210 = arith.index_cast %get3A_2209 : i32 to index
    %get3A_2211 = arith.constant 96 : index
    %get3A_2212 = tpu.vector_load %arg9[%get3A_2210, %get3A_2211] {strides = array<i32>} : memref<16x128xf32, #tpu.memory_space<vmem>>, vector<1x16xf32>,
    %get3A_2213 = vector.shape_cast %get3A_2212 : vector<1x16xf32> to vector<16xf32>
    %sub3A_2214 = arith.subf %get3A_2203, %get3A_2208 : vector<16xf32>
    %abs3A_2215 = math.absf %sub3A_2214 : vector<16xf32>
    %mul3A_2216 = arith.mulf %abs3A_2215, %get3A_2213 : vector<16xf32>
    %add3A_2217 = arith.addf %add3A_2197, %mul3A_2216 : vector<16xf32>
    %add3A_2218 = arith.addf %add3A_2198, %get3A_2213 : vector<16xf32>
    %get3A_2219 = arith.constant 11 : i32
    %get3A_2220 = arith.index_cast %get3A_2219 : i32 to index
    %get3A_2221 = arith.constant 112 : index
    %get3A_2222 = tpu.vector_load %arg8[%get3A_2220, %get3A_2221] {strides = array<i32>} : memref<16x128xf32, #tpu.memory_space<vmem>>, vector<1x16xf32>,
    %get3A_2223 = vector.shape_cast %get3A_2222 : vector<1x16xf32> to vector<16xf32>
    %get3A_2224 = arith.constant 11 : i32
    %get3A_2225 = arith.index_cast %get3A_2224 : i32 to index
    %get3A_2226 = arith.constant 112 : index
    %get3A_2227 = tpu.vector_load %arg10[%get3A_2225, %get3A_2226] {strides = array<i32>} : memref<16x128xf32, #tpu.memory_space<vmem>>, vector<1x16xf32>,
    %get3A_2228 = vector.shape_cast %get3A_2227 : vector<1x16xf32> to vector<16xf32>
    %get3A_2229 = arith.constant 11 : i32
    %get3A_2230 = arith.index_cast %get3A_2229 : i32 to index
    %get3A_2231 = arith.constant 112 : index
    %get3A_2232 = tpu.vector_load %arg9[%get3A_2230, %get3A_2231] {strides = array<i32>} : memref<16x128xf32, #tpu.memory_space<vmem>>, vector<1x16xf32>,
    %get3A_2233 = vector.shape_cast %get3A_2232 : vector<1x16xf32> to vector<16xf32>
    %sub3A_2234 = arith.subf %get3A_2223, %get3A_2228 : vector<16xf32>
    %abs3A_2235 = math.absf %sub3A_2234 : vector<16xf32>
    %mul3A_2236 = arith.mulf %abs3A_2235, %get3A_2233 : vector<16xf32>
    %add3A_2237 = arith.addf %add3A_2217, %mul3A_2236 : vector<16xf32>
    %add3A_2238 = arith.addf %add3A_2218, %get3A_2233 : vector<16xf32>
    %get3A_2239 = arith.constant 12 : i32
    %get3A_2240 = arith.index_cast %get3A_2239 : i32 to index
    %get3A_2241 = arith.constant 0 : index
    %get3A_2242 = tpu.vector_load %arg8[%get3A_2240, %get3A_2241] {strides = array<i32>} : memref<16x128xf32, #tpu.memory_space<vmem>>, vector<1x16xf32>,
    %get3A_2243 = vector.shape_cast %get3A_2242 : vector<1x16xf32> to vector<16xf32>
    %get3A_2244 = arith.constant 12 : i32
    %get3A_2245 = arith.index_cast %get3A_2244 : i32 to index
    %get3A_2246 = arith.constant 0 : index
    %get3A_2247 = tpu.vector_load %arg10[%get3A_2245, %get3A_2246] {strides = array<i32>} : memref<16x128xf32, #tpu.memory_space<vmem>>, vector<1x16xf32>,
    %get3A_2248 = vector.shape_cast %get3A_2247 : vector<1x16xf32> to vector<16xf32>
    %get3A_2249 = arith.constant 12 : i32
    %get3A_2250 = arith.index_cast %get3A_2249 : i32 to index
    %get3A_2251 = arith.constant 0 : index
    %get3A_2252 = tpu.vector_load %arg9[%get3A_2250, %get3A_2251] {strides = array<i32>} : memref<16x128xf32, #tpu.memory_space<vmem>>, vector<1x16xf32>,
    %get3A_2253 = vector.shape_cast %get3A_2252 : vector<1x16xf32> to vector<16xf32>
    %sub3A_2254 = arith.subf %get3A_2243, %get3A_2248 : vector<16xf32>
    %abs3A_2255 = math.absf %sub3A_2254 : vector<16xf32>
    %mul3A_2256 = arith.mulf %abs3A_2255, %get3A_2253 : vector<16xf32>
    %add3A_2257 = arith.addf %add3A_2237, %mul3A_2256 : vector<16xf32>
    %add3A_2258 = arith.addf %add3A_2238, %get3A_2253 : vector<16xf32>
    %get3A_2259 = arith.constant 12 : i32
    %get3A_2260 = arith.index_cast %get3A_2259 : i32 to index
    %get3A_2261 = arith.constant 16 : index
    %get3A_2262 = tpu.vector_load %arg8[%get3A_2260, %get3A_2261] {strides = array<i32>} : memref<16x128xf32, #tpu.memory_space<vmem>>, vector<1x16xf32>,
    %get3A_2263 = vector.shape_cast %get3A_2262 : vector<1x16xf32> to vector<16xf32>
    %get3A_2264 = arith.constant 12 : i32
    %get3A_2265 = arith.index_cast %get3A_2264 : i32 to index
    %get3A_2266 = arith.constant 16 : index
    %get3A_2267 = tpu.vector_load %arg10[%get3A_2265, %get3A_2266] {strides = array<i32>} : memref<16x128xf32, #tpu.memory_space<vmem>>, vector<1x16xf32>,
    %get3A_2268 = vector.shape_cast %get3A_2267 : vector<1x16xf32> to vector<16xf32>
    %get3A_2269 = arith.constant 12 : i32
    %get3A_2270 = arith.index_cast %get3A_2269 : i32 to index
    %get3A_2271 = arith.constant 16 : index
    %get3A_2272 = tpu.vector_load %arg9[%get3A_2270, %get3A_2271] {strides = array<i32>} : memref<16x128xf32, #tpu.memory_space<vmem>>, vector<1x16xf32>,
    %get3A_2273 = vector.shape_cast %get3A_2272 : vector<1x16xf32> to vector<16xf32>
    %sub3A_2274 = arith.subf %get3A_2263, %get3A_2268 : vector<16xf32>
    %abs3A_2275 = math.absf %sub3A_2274 : vector<16xf32>
    %mul3A_2276 = arith.mulf %abs3A_2275, %get3A_2273 : vector<16xf32>
    %add3A_2277 = arith.addf %add3A_2257, %mul3A_2276 : vector<16xf32>
    %add3A_2278 = arith.addf %add3A_2258, %get3A_2273 : vector<16xf32>
    %get3A_2279 = arith.constant 12 : i32
    %get3A_2280 = arith.index_cast %get3A_2279 : i32 to index
    %get3A_2281 = arith.constant 32 : index
    %get3A_2282 = tpu.vector_load %arg8[%get3A_2280, %get3A_2281] {strides = array<i32>} : memref<16x128xf32, #tpu.memory_space<vmem>>, vector<1x16xf32>,
    %get3A_2283 = vector.shape_cast %get3A_2282 : vector<1x16xf32> to vector<16xf32>
    %get3A_2284 = arith.constant 12 : i32
    %get3A_2285 = arith.index_cast %get3A_2284 : i32 to index
    %get3A_2286 = arith.constant 32 : index
    %get3A_2287 = tpu.vector_load %arg10[%get3A_2285, %get3A_2286] {strides = array<i32>} : memref<16x128xf32, #tpu.memory_space<vmem>>, vector<1x16xf32>,
    %get3A_2288 = vector.shape_cast %get3A_2287 : vector<1x16xf32> to vector<16xf32>
    %get3A_2289 = arith.constant 12 : i32
    %get3A_2290 = arith.index_cast %get3A_2289 : i32 to index
    %get3A_2291 = arith.constant 32 : index
    %get3A_2292 = tpu.vector_load %arg9[%get3A_2290, %get3A_2291] {strides = array<i32>} : memref<16x128xf32, #tpu.memory_space<vmem>>, vector<1x16xf32>,
    %get3A_2293 = vector.shape_cast %get3A_2292 : vector<1x16xf32> to vector<16xf32>
    %sub3A_2294 = arith.subf %get3A_2283, %get3A_2288 : vector<16xf32>
    %abs3A_2295 = math.absf %sub3A_2294 : vector<16xf32>
    %mul3A_2296 = arith.mulf %abs3A_2295, %get3A_2293 : vector<16xf32>
    %add3A_2297 = arith.addf %add3A_2277, %mul3A_2296 : vector<16xf32>
    %add3A_2298 = arith.addf %add3A_2278, %get3A_2293 : vector<16xf32>
    %get3A_2299 = arith.constant 12 : i32
    %get3A_2300 = arith.index_cast %get3A_2299 : i32 to index
    %get3A_2301 = arith.constant 48 : index
    %get3A_2302 = tpu.vector_load %arg8[%get3A_2300, %get3A_2301] {strides = array<i32>} : memref<16x128xf32, #tpu.memory_space<vmem>>, vector<1x16xf32>,
    %get3A_2303 = vector.shape_cast %get3A_2302 : vector<1x16xf32> to vector<16xf32>
    %get3A_2304 = arith.constant 12 : i32
    %get3A_2305 = arith.index_cast %get3A_2304 : i32 to index
    %get3A_2306 = arith.constant 48 : index
    %get3A_2307 = tpu.vector_load %arg10[%get3A_2305, %get3A_2306] {strides = array<i32>} : memref<16x128xf32, #tpu.memory_space<vmem>>, vector<1x16xf32>,
    %get3A_2308 = vector.shape_cast %get3A_2307 : vector<1x16xf32> to vector<16xf32>
    %get3A_2309 = arith.constant 12 : i32
    %get3A_2310 = arith.index_cast %get3A_2309 : i32 to index
    %get3A_2311 = arith.constant 48 : index
    %get3A_2312 = tpu.vector_load %arg9[%get3A_2310, %get3A_2311] {strides = array<i32>} : memref<16x128xf32, #tpu.memory_space<vmem>>, vector<1x16xf32>,
    %get3A_2313 = vector.shape_cast %get3A_2312 : vector<1x16xf32> to vector<16xf32>
    %sub3A_2314 = arith.subf %get3A_2303, %get3A_2308 : vector<16xf32>
    %abs3A_2315 = math.absf %sub3A_2314 : vector<16xf32>
    %mul3A_2316 = arith.mulf %abs3A_2315, %get3A_2313 : vector<16xf32>
    %add3A_2317 = arith.addf %add3A_2297, %mul3A_2316 : vector<16xf32>
    %add3A_2318 = arith.addf %add3A_2298, %get3A_2313 : vector<16xf32>
    %get3A_2319 = arith.constant 12 : i32
    %get3A_2320 = arith.index_cast %get3A_2319 : i32 to index
    %get3A_2321 = arith.constant 64 : index
    %get3A_2322 = tpu.vector_load %arg8[%get3A_2320, %get3A_2321] {strides = array<i32>} : memref<16x128xf32, #tpu.memory_space<vmem>>, vector<1x16xf32>,
    %get3A_2323 = vector.shape_cast %get3A_2322 : vector<1x16xf32> to vector<16xf32>
    %get3A_2324 = arith.constant 12 : i32
    %get3A_2325 = arith.index_cast %get3A_2324 : i32 to index
    %get3A_2326 = arith.constant 64 : index
    %get3A_2327 = tpu.vector_load %arg10[%get3A_2325, %get3A_2326] {strides = array<i32>} : memref<16x128xf32, #tpu.memory_space<vmem>>, vector<1x16xf32>,
    %get3A_2328 = vector.shape_cast %get3A_2327 : vector<1x16xf32> to vector<16xf32>
    %get3A_2329 = arith.constant 12 : i32
    %get3A_2330 = arith.index_cast %get3A_2329 : i32 to index
    %get3A_2331 = arith.constant 64 : index
    %get3A_2332 = tpu.vector_load %arg9[%get3A_2330, %get3A_2331] {strides = array<i32>} : memref<16x128xf32, #tpu.memory_space<vmem>>, vector<1x16xf32>,
    %get3A_2333 = vector.shape_cast %get3A_2332 : vector<1x16xf32> to vector<16xf32>
    %sub3A_2334 = arith.subf %get3A_2323, %get3A_2328 : vector<16xf32>
    %abs3A_2335 = math.absf %sub3A_2334 : vector<16xf32>
    %mul3A_2336 = arith.mulf %abs3A_2335, %get3A_2333 : vector<16xf32>
    %add3A_2337 = arith.addf %add3A_2317, %mul3A_2336 : vector<16xf32>
    %add3A_2338 = arith.addf %add3A_2318, %get3A_2333 : vector<16xf32>
    %get3A_2339 = arith.constant 12 : i32
    %get3A_2340 = arith.index_cast %get3A_2339 : i32 to index
    %get3A_2341 = arith.constant 80 : index
    %get3A_2342 = tpu.vector_load %arg8[%get3A_2340, %get3A_2341] {strides = array<i32>} : memref<16x128xf32, #tpu.memory_space<vmem>>, vector<1x16xf32>,
    %get3A_2343 = vector.shape_cast %get3A_2342 : vector<1x16xf32> to vector<16xf32>
    %get3A_2344 = arith.constant 12 : i32
    %get3A_2345 = arith.index_cast %get3A_2344 : i32 to index
    %get3A_2346 = arith.constant 80 : index
    %get3A_2347 = tpu.vector_load %arg10[%get3A_2345, %get3A_2346] {strides = array<i32>} : memref<16x128xf32, #tpu.memory_space<vmem>>, vector<1x16xf32>,
    %get3A_2348 = vector.shape_cast %get3A_2347 : vector<1x16xf32> to vector<16xf32>
    %get3A_2349 = arith.constant 12 : i32
    %get3A_2350 = arith.index_cast %get3A_2349 : i32 to index
    %get3A_2351 = arith.constant 80 : index
    %get3A_2352 = tpu.vector_load %arg9[%get3A_2350, %get3A_2351] {strides = array<i32>} : memref<16x128xf32, #tpu.memory_space<vmem>>, vector<1x16xf32>,
    %get3A_2353 = vector.shape_cast %get3A_2352 : vector<1x16xf32> to vector<16xf32>
    %sub3A_2354 = arith.subf %get3A_2343, %get3A_2348 : vector<16xf32>
    %abs3A_2355 = math.absf %sub3A_2354 : vector<16xf32>
    %mul3A_2356 = arith.mulf %abs3A_2355, %get3A_2353 : vector<16xf32>
    %add3A_2357 = arith.addf %add3A_2337, %mul3A_2356 : vector<16xf32>
    %add3A_2358 = arith.addf %add3A_2338, %get3A_2353 : vector<16xf32>
    %get3A_2359 = arith.constant 12 : i32
    %get3A_2360 = arith.index_cast %get3A_2359 : i32 to index
    %get3A_2361 = arith.constant 96 : index
    %get3A_2362 = tpu.vector_load %arg8[%get3A_2360, %get3A_2361] {strides = array<i32>} : memref<16x128xf32, #tpu.memory_space<vmem>>, vector<1x16xf32>,
    %get3A_2363 = vector.shape_cast %get3A_2362 : vector<1x16xf32> to vector<16xf32>
    %get3A_2364 = arith.constant 12 : i32
    %get3A_2365 = arith.index_cast %get3A_2364 : i32 to index
    %get3A_2366 = arith.constant 96 : index
    %get3A_2367 = tpu.vector_load %arg10[%get3A_2365, %get3A_2366] {strides = array<i32>} : memref<16x128xf32, #tpu.memory_space<vmem>>, vector<1x16xf32>,
    %get3A_2368 = vector.shape_cast %get3A_2367 : vector<1x16xf32> to vector<16xf32>
    %get3A_2369 = arith.constant 12 : i32
    %get3A_2370 = arith.index_cast %get3A_2369 : i32 to index
    %get3A_2371 = arith.constant 96 : index
    %get3A_2372 = tpu.vector_load %arg9[%get3A_2370, %get3A_2371] {strides = array<i32>} : memref<16x128xf32, #tpu.memory_space<vmem>>, vector<1x16xf32>,
    %get3A_2373 = vector.shape_cast %get3A_2372 : vector<1x16xf32> to vector<16xf32>
    %sub3A_2374 = arith.subf %get3A_2363, %get3A_2368 : vector<16xf32>
    %abs3A_2375 = math.absf %sub3A_2374 : vector<16xf32>
    %mul3A_2376 = arith.mulf %abs3A_2375, %get3A_2373 : vector<16xf32>
    %add3A_2377 = arith.addf %add3A_2357, %mul3A_2376 : vector<16xf32>
    %add3A_2378 = arith.addf %add3A_2358, %get3A_2373 : vector<16xf32>
    %get3A_2379 = arith.constant 12 : i32
    %get3A_2380 = arith.index_cast %get3A_2379 : i32 to index
    %get3A_2381 = arith.constant 112 : index
    %get3A_2382 = tpu.vector_load %arg8[%get3A_2380, %get3A_2381] {strides = array<i32>} : memref<16x128xf32, #tpu.memory_space<vmem>>, vector<1x16xf32>,
    %get3A_2383 = vector.shape_cast %get3A_2382 : vector<1x16xf32> to vector<16xf32>
    %get3A_2384 = arith.constant 12 : i32
    %get3A_2385 = arith.index_cast %get3A_2384 : i32 to index
    %get3A_2386 = arith.constant 112 : index
    %get3A_2387 = tpu.vector_load %arg10[%get3A_2385, %get3A_2386] {strides = array<i32>} : memref<16x128xf32, #tpu.memory_space<vmem>>, vector<1x16xf32>,
    %get3A_2388 = vector.shape_cast %get3A_2387 : vector<1x16xf32> to vector<16xf32>
    %get3A_2389 = arith.constant 12 : i32
    %get3A_2390 = arith.index_cast %get3A_2389 : i32 to index
    %get3A_2391 = arith.constant 112 : index
    %get3A_2392 = tpu.vector_load %arg9[%get3A_2390, %get3A_2391] {strides = array<i32>} : memref<16x128xf32, #tpu.memory_space<vmem>>, vector<1x16xf32>,
    %get3A_2393 = vector.shape_cast %get3A_2392 : vector<1x16xf32> to vector<16xf32>
    %sub3A_2394 = arith.subf %get3A_2383, %get3A_2388 : vector<16xf32>
    %abs3A_2395 = math.absf %sub3A_2394 : vector<16xf32>
    %mul3A_2396 = arith.mulf %abs3A_2395, %get3A_2393 : vector<16xf32>
    %add3A_2397 = arith.addf %add3A_2377, %mul3A_2396 : vector<16xf32>
    %add3A_2398 = arith.addf %add3A_2378, %get3A_2393 : vector<16xf32>
    %get3A_2399 = arith.constant 13 : i32
    %get3A_2400 = arith.index_cast %get3A_2399 : i32 to index
    %get3A_2401 = arith.constant 0 : index
    %get3A_2402 = tpu.vector_load %arg8[%get3A_2400, %get3A_2401] {strides = array<i32>} : memref<16x128xf32, #tpu.memory_space<vmem>>, vector<1x16xf32>,
    %get3A_2403 = vector.shape_cast %get3A_2402 : vector<1x16xf32> to vector<16xf32>
    %get3A_2404 = arith.constant 13 : i32
    %get3A_2405 = arith.index_cast %get3A_2404 : i32 to index
    %get3A_2406 = arith.constant 0 : index
    %get3A_2407 = tpu.vector_load %arg10[%get3A_2405, %get3A_2406] {strides = array<i32>} : memref<16x128xf32, #tpu.memory_space<vmem>>, vector<1x16xf32>,
    %get3A_2408 = vector.shape_cast %get3A_2407 : vector<1x16xf32> to vector<16xf32>
    %get3A_2409 = arith.constant 13 : i32
    %get3A_2410 = arith.index_cast %get3A_2409 : i32 to index
    %get3A_2411 = arith.constant 0 : index
    %get3A_2412 = tpu.vector_load %arg9[%get3A_2410, %get3A_2411] {strides = array<i32>} : memref<16x128xf32, #tpu.memory_space<vmem>>, vector<1x16xf32>,
    %get3A_2413 = vector.shape_cast %get3A_2412 : vector<1x16xf32> to vector<16xf32>
    %sub3A_2414 = arith.subf %get3A_2403, %get3A_2408 : vector<16xf32>
    %abs3A_2415 = math.absf %sub3A_2414 : vector<16xf32>
    %mul3A_2416 = arith.mulf %abs3A_2415, %get3A_2413 : vector<16xf32>
    %add3A_2417 = arith.addf %add3A_2397, %mul3A_2416 : vector<16xf32>
    %add3A_2418 = arith.addf %add3A_2398, %get3A_2413 : vector<16xf32>
    %get3A_2419 = arith.constant 13 : i32
    %get3A_2420 = arith.index_cast %get3A_2419 : i32 to index
    %get3A_2421 = arith.constant 16 : index
    %get3A_2422 = tpu.vector_load %arg8[%get3A_2420, %get3A_2421] {strides = array<i32>} : memref<16x128xf32, #tpu.memory_space<vmem>>, vector<1x16xf32>,
    %get3A_2423 = vector.shape_cast %get3A_2422 : vector<1x16xf32> to vector<16xf32>
    %get3A_2424 = arith.constant 13 : i32
    %get3A_2425 = arith.index_cast %get3A_2424 : i32 to index
    %get3A_2426 = arith.constant 16 : index
    %get3A_2427 = tpu.vector_load %arg10[%get3A_2425, %get3A_2426] {strides = array<i32>} : memref<16x128xf32, #tpu.memory_space<vmem>>, vector<1x16xf32>,
    %get3A_2428 = vector.shape_cast %get3A_2427 : vector<1x16xf32> to vector<16xf32>
    %get3A_2429 = arith.constant 13 : i32
    %get3A_2430 = arith.index_cast %get3A_2429 : i32 to index
    %get3A_2431 = arith.constant 16 : index
    %get3A_2432 = tpu.vector_load %arg9[%get3A_2430, %get3A_2431] {strides = array<i32>} : memref<16x128xf32, #tpu.memory_space<vmem>>, vector<1x16xf32>,
    %get3A_2433 = vector.shape_cast %get3A_2432 : vector<1x16xf32> to vector<16xf32>
    %sub3A_2434 = arith.subf %get3A_2423, %get3A_2428 : vector<16xf32>
    %abs3A_2435 = math.absf %sub3A_2434 : vector<16xf32>
    %mul3A_2436 = arith.mulf %abs3A_2435, %get3A_2433 : vector<16xf32>
    %add3A_2437 = arith.addf %add3A_2417, %mul3A_2436 : vector<16xf32>
    %add3A_2438 = arith.addf %add3A_2418, %get3A_2433 : vector<16xf32>
    %get3A_2439 = arith.constant 13 : i32
    %get3A_2440 = arith.index_cast %get3A_2439 : i32 to index
    %get3A_2441 = arith.constant 32 : index
    %get3A_2442 = tpu.vector_load %arg8[%get3A_2440, %get3A_2441] {strides = array<i32>} : memref<16x128xf32, #tpu.memory_space<vmem>>, vector<1x16xf32>,
    %get3A_2443 = vector.shape_cast %get3A_2442 : vector<1x16xf32> to vector<16xf32>
    %get3A_2444 = arith.constant 13 : i32
    %get3A_2445 = arith.index_cast %get3A_2444 : i32 to index
    %get3A_2446 = arith.constant 32 : index
    %get3A_2447 = tpu.vector_load %arg10[%get3A_2445, %get3A_2446] {strides = array<i32>} : memref<16x128xf32, #tpu.memory_space<vmem>>, vector<1x16xf32>,
    %get3A_2448 = vector.shape_cast %get3A_2447 : vector<1x16xf32> to vector<16xf32>
    %get3A_2449 = arith.constant 13 : i32
    %get3A_2450 = arith.index_cast %get3A_2449 : i32 to index
    %get3A_2451 = arith.constant 32 : index
    %get3A_2452 = tpu.vector_load %arg9[%get3A_2450, %get3A_2451] {strides = array<i32>} : memref<16x128xf32, #tpu.memory_space<vmem>>, vector<1x16xf32>,
    %get3A_2453 = vector.shape_cast %get3A_2452 : vector<1x16xf32> to vector<16xf32>
    %sub3A_2454 = arith.subf %get3A_2443, %get3A_2448 : vector<16xf32>
    %abs3A_2455 = math.absf %sub3A_2454 : vector<16xf32>
    %mul3A_2456 = arith.mulf %abs3A_2455, %get3A_2453 : vector<16xf32>
    %add3A_2457 = arith.addf %add3A_2437, %mul3A_2456 : vector<16xf32>
    %add3A_2458 = arith.addf %add3A_2438, %get3A_2453 : vector<16xf32>
    %get3A_2459 = arith.constant 13 : i32
    %get3A_2460 = arith.index_cast %get3A_2459 : i32 to index
    %get3A_2461 = arith.constant 48 : index
    %get3A_2462 = tpu.vector_load %arg8[%get3A_2460, %get3A_2461] {strides = array<i32>} : memref<16x128xf32, #tpu.memory_space<vmem>>, vector<1x16xf32>,
    %get3A_2463 = vector.shape_cast %get3A_2462 : vector<1x16xf32> to vector<16xf32>
    %get3A_2464 = arith.constant 13 : i32
    %get3A_2465 = arith.index_cast %get3A_2464 : i32 to index
    %get3A_2466 = arith.constant 48 : index
    %get3A_2467 = tpu.vector_load %arg10[%get3A_2465, %get3A_2466] {strides = array<i32>} : memref<16x128xf32, #tpu.memory_space<vmem>>, vector<1x16xf32>,
    %get3A_2468 = vector.shape_cast %get3A_2467 : vector<1x16xf32> to vector<16xf32>
    %get3A_2469 = arith.constant 13 : i32
    %get3A_2470 = arith.index_cast %get3A_2469 : i32 to index
    %get3A_2471 = arith.constant 48 : index
    %get3A_2472 = tpu.vector_load %arg9[%get3A_2470, %get3A_2471] {strides = array<i32>} : memref<16x128xf32, #tpu.memory_space<vmem>>, vector<1x16xf32>,
    %get3A_2473 = vector.shape_cast %get3A_2472 : vector<1x16xf32> to vector<16xf32>
    %sub3A_2474 = arith.subf %get3A_2463, %get3A_2468 : vector<16xf32>
    %abs3A_2475 = math.absf %sub3A_2474 : vector<16xf32>
    %mul3A_2476 = arith.mulf %abs3A_2475, %get3A_2473 : vector<16xf32>
    %add3A_2477 = arith.addf %add3A_2457, %mul3A_2476 : vector<16xf32>
    %add3A_2478 = arith.addf %add3A_2458, %get3A_2473 : vector<16xf32>
    %get3A_2479 = arith.constant 13 : i32
    %get3A_2480 = arith.index_cast %get3A_2479 : i32 to index
    %get3A_2481 = arith.constant 64 : index
    %get3A_2482 = tpu.vector_load %arg8[%get3A_2480, %get3A_2481] {strides = array<i32>} : memref<16x128xf32, #tpu.memory_space<vmem>>, vector<1x16xf32>,
    %get3A_2483 = vector.shape_cast %get3A_2482 : vector<1x16xf32> to vector<16xf32>
    %get3A_2484 = arith.constant 13 : i32
    %get3A_2485 = arith.index_cast %get3A_2484 : i32 to index
    %get3A_2486 = arith.constant 64 : index
    %get3A_2487 = tpu.vector_load %arg10[%get3A_2485, %get3A_2486] {strides = array<i32>} : memref<16x128xf32, #tpu.memory_space<vmem>>, vector<1x16xf32>,
    %get3A_2488 = vector.shape_cast %get3A_2487 : vector<1x16xf32> to vector<16xf32>
    %get3A_2489 = arith.constant 13 : i32
    %get3A_2490 = arith.index_cast %get3A_2489 : i32 to index
    %get3A_2491 = arith.constant 64 : index
    %get3A_2492 = tpu.vector_load %arg9[%get3A_2490, %get3A_2491] {strides = array<i32>} : memref<16x128xf32, #tpu.memory_space<vmem>>, vector<1x16xf32>,
    %get3A_2493 = vector.shape_cast %get3A_2492 : vector<1x16xf32> to vector<16xf32>
    %sub3A_2494 = arith.subf %get3A_2483, %get3A_2488 : vector<16xf32>
    %abs3A_2495 = math.absf %sub3A_2494 : vector<16xf32>
    %mul3A_2496 = arith.mulf %abs3A_2495, %get3A_2493 : vector<16xf32>
    %add3A_2497 = arith.addf %add3A_2477, %mul3A_2496 : vector<16xf32>
    %add3A_2498 = arith.addf %add3A_2478, %get3A_2493 : vector<16xf32>
    %get3A_2499 = arith.constant 13 : i32
    %get3A_2500 = arith.index_cast %get3A_2499 : i32 to index
    %get3A_2501 = arith.constant 80 : index
    %get3A_2502 = tpu.vector_load %arg8[%get3A_2500, %get3A_2501] {strides = array<i32>} : memref<16x128xf32, #tpu.memory_space<vmem>>, vector<1x16xf32>,
    %get3A_2503 = vector.shape_cast %get3A_2502 : vector<1x16xf32> to vector<16xf32>
    %get3A_2504 = arith.constant 13 : i32
    %get3A_2505 = arith.index_cast %get3A_2504 : i32 to index
    %get3A_2506 = arith.constant 80 : index
    %get3A_2507 = tpu.vector_load %arg10[%get3A_2505, %get3A_2506] {strides = array<i32>} : memref<16x128xf32, #tpu.memory_space<vmem>>, vector<1x16xf32>,
    %get3A_2508 = vector.shape_cast %get3A_2507 : vector<1x16xf32> to vector<16xf32>
    %get3A_2509 = arith.constant 13 : i32
    %get3A_2510 = arith.index_cast %get3A_2509 : i32 to index
    %get3A_2511 = arith.constant 80 : index
    %get3A_2512 = tpu.vector_load %arg9[%get3A_2510, %get3A_2511] {strides = array<i32>} : memref<16x128xf32, #tpu.memory_space<vmem>>, vector<1x16xf32>,
    %get3A_2513 = vector.shape_cast %get3A_2512 : vector<1x16xf32> to vector<16xf32>
    %sub3A_2514 = arith.subf %get3A_2503, %get3A_2508 : vector<16xf32>
    %abs3A_2515 = math.absf %sub3A_2514 : vector<16xf32>
    %mul3A_2516 = arith.mulf %abs3A_2515, %get3A_2513 : vector<16xf32>
    %add3A_2517 = arith.addf %add3A_2497, %mul3A_2516 : vector<16xf32>
    %add3A_2518 = arith.addf %add3A_2498, %get3A_2513 : vector<16xf32>
    %get3A_2519 = arith.constant 13 : i32
    %get3A_2520 = arith.index_cast %get3A_2519 : i32 to index
    %get3A_2521 = arith.constant 96 : index
    %get3A_2522 = tpu.vector_load %arg8[%get3A_2520, %get3A_2521] {strides = array<i32>} : memref<16x128xf32, #tpu.memory_space<vmem>>, vector<1x16xf32>,
    %get3A_2523 = vector.shape_cast %get3A_2522 : vector<1x16xf32> to vector<16xf32>
    %get3A_2524 = arith.constant 13 : i32
    %get3A_2525 = arith.index_cast %get3A_2524 : i32 to index
    %get3A_2526 = arith.constant 96 : index
    %get3A_2527 = tpu.vector_load %arg10[%get3A_2525, %get3A_2526] {strides = array<i32>} : memref<16x128xf32, #tpu.memory_space<vmem>>, vector<1x16xf32>,
    %get3A_2528 = vector.shape_cast %get3A_2527 : vector<1x16xf32> to vector<16xf32>
    %get3A_2529 = arith.constant 13 : i32
    %get3A_2530 = arith.index_cast %get3A_2529 : i32 to index
    %get3A_2531 = arith.constant 96 : index
    %get3A_2532 = tpu.vector_load %arg9[%get3A_2530, %get3A_2531] {strides = array<i32>} : memref<16x128xf32, #tpu.memory_space<vmem>>, vector<1x16xf32>,
    %get3A_2533 = vector.shape_cast %get3A_2532 : vector<1x16xf32> to vector<16xf32>
    %sub3A_2534 = arith.subf %get3A_2523, %get3A_2528 : vector<16xf32>
    %abs3A_2535 = math.absf %sub3A_2534 : vector<16xf32>
    %mul3A_2536 = arith.mulf %abs3A_2535, %get3A_2533 : vector<16xf32>
    %add3A_2537 = arith.addf %add3A_2517, %mul3A_2536 : vector<16xf32>
    %add3A_2538 = arith.addf %add3A_2518, %get3A_2533 : vector<16xf32>
    %get3A_2539 = arith.constant 13 : i32
    %get3A_2540 = arith.index_cast %get3A_2539 : i32 to index
    %get3A_2541 = arith.constant 112 : index
    %get3A_2542 = tpu.vector_load %arg8[%get3A_2540, %get3A_2541] {strides = array<i32>} : memref<16x128xf32, #tpu.memory_space<vmem>>, vector<1x16xf32>,
    %get3A_2543 = vector.shape_cast %get3A_2542 : vector<1x16xf32> to vector<16xf32>
    %get3A_2544 = arith.constant 13 : i32
    %get3A_2545 = arith.index_cast %get3A_2544 : i32 to index
    %get3A_2546 = arith.constant 112 : index
    %get3A_2547 = tpu.vector_load %arg10[%get3A_2545, %get3A_2546] {strides = array<i32>} : memref<16x128xf32, #tpu.memory_space<vmem>>, vector<1x16xf32>,
    %get3A_2548 = vector.shape_cast %get3A_2547 : vector<1x16xf32> to vector<16xf32>
    %get3A_2549 = arith.constant 13 : i32
    %get3A_2550 = arith.index_cast %get3A_2549 : i32 to index
    %get3A_2551 = arith.constant 112 : index
    %get3A_2552 = tpu.vector_load %arg9[%get3A_2550, %get3A_2551] {strides = array<i32>} : memref<16x128xf32, #tpu.memory_space<vmem>>, vector<1x16xf32>,
    %get3A_2553 = vector.shape_cast %get3A_2552 : vector<1x16xf32> to vector<16xf32>
    %sub3A_2554 = arith.subf %get3A_2543, %get3A_2548 : vector<16xf32>
    %abs3A_2555 = math.absf %sub3A_2554 : vector<16xf32>
    %mul3A_2556 = arith.mulf %abs3A_2555, %get3A_2553 : vector<16xf32>
    %add3A_2557 = arith.addf %add3A_2537, %mul3A_2556 : vector<16xf32>
    %add3A_2558 = arith.addf %add3A_2538, %get3A_2553 : vector<16xf32>
    %get3A_2559 = arith.constant 14 : i32
    %get3A_2560 = arith.index_cast %get3A_2559 : i32 to index
    %get3A_2561 = arith.constant 0 : index
    %get3A_2562 = tpu.vector_load %arg8[%get3A_2560, %get3A_2561] {strides = array<i32>} : memref<16x128xf32, #tpu.memory_space<vmem>>, vector<1x16xf32>,
    %get3A_2563 = vector.shape_cast %get3A_2562 : vector<1x16xf32> to vector<16xf32>
    %get3A_2564 = arith.constant 14 : i32
    %get3A_2565 = arith.index_cast %get3A_2564 : i32 to index
    %get3A_2566 = arith.constant 0 : index
    %get3A_2567 = tpu.vector_load %arg10[%get3A_2565, %get3A_2566] {strides = array<i32>} : memref<16x128xf32, #tpu.memory_space<vmem>>, vector<1x16xf32>,
    %get3A_2568 = vector.shape_cast %get3A_2567 : vector<1x16xf32> to vector<16xf32>
    %get3A_2569 = arith.constant 14 : i32
    %get3A_2570 = arith.index_cast %get3A_2569 : i32 to index
    %get3A_2571 = arith.constant 0 : index
    %get3A_2572 = tpu.vector_load %arg9[%get3A_2570, %get3A_2571] {strides = array<i32>} : memref<16x128xf32, #tpu.memory_space<vmem>>, vector<1x16xf32>,
    %get3A_2573 = vector.shape_cast %get3A_2572 : vector<1x16xf32> to vector<16xf32>
    %sub3A_2574 = arith.subf %get3A_2563, %get3A_2568 : vector<16xf32>
    %abs3A_2575 = math.absf %sub3A_2574 : vector<16xf32>
    %mul3A_2576 = arith.mulf %abs3A_2575, %get3A_2573 : vector<16xf32>
    %add3A_2577 = arith.addf %add3A_2557, %mul3A_2576 : vector<16xf32>
    %add3A_2578 = arith.addf %add3A_2558, %get3A_2573 : vector<16xf32>
    %get3A_2579 = arith.constant 14 : i32
    %get3A_2580 = arith.index_cast %get3A_2579 : i32 to index
    %get3A_2581 = arith.constant 16 : index
    %get3A_2582 = tpu.vector_load %arg8[%get3A_2580, %get3A_2581] {strides = array<i32>} : memref<16x128xf32, #tpu.memory_space<vmem>>, vector<1x16xf32>,
    %get3A_2583 = vector.shape_cast %get3A_2582 : vector<1x16xf32> to vector<16xf32>
    %get3A_2584 = arith.constant 14 : i32
    %get3A_2585 = arith.index_cast %get3A_2584 : i32 to index
    %get3A_2586 = arith.constant 16 : index
    %get3A_2587 = tpu.vector_load %arg10[%get3A_2585, %get3A_2586] {strides = array<i32>} : memref<16x128xf32, #tpu.memory_space<vmem>>, vector<1x16xf32>,
    %get3A_2588 = vector.shape_cast %get3A_2587 : vector<1x16xf32> to vector<16xf32>
    %get3A_2589 = arith.constant 14 : i32
    %get3A_2590 = arith.index_cast %get3A_2589 : i32 to index
    %get3A_2591 = arith.constant 16 : index
    %get3A_2592 = tpu.vector_load %arg9[%get3A_2590, %get3A_2591] {strides = array<i32>} : memref<16x128xf32, #tpu.memory_space<vmem>>, vector<1x16xf32>,
    %get3A_2593 = vector.shape_cast %get3A_2592 : vector<1x16xf32> to vector<16xf32>
    %sub3A_2594 = arith.subf %get3A_2583, %get3A_2588 : vector<16xf32>
    %abs3A_2595 = math.absf %sub3A_2594 : vector<16xf32>
    %mul3A_2596 = arith.mulf %abs3A_2595, %get3A_2593 : vector<16xf32>
    %add3A_2597 = arith.addf %add3A_2577, %mul3A_2596 : vector<16xf32>
    %add3A_2598 = arith.addf %add3A_2578, %get3A_2593 : vector<16xf32>
    %get3A_2599 = arith.constant 14 : i32
    %get3A_2600 = arith.index_cast %get3A_2599 : i32 to index
    %get3A_2601 = arith.constant 32 : index
    %get3A_2602 = tpu.vector_load %arg8[%get3A_2600, %get3A_2601] {strides = array<i32>} : memref<16x128xf32, #tpu.memory_space<vmem>>, vector<1x16xf32>,
    %get3A_2603 = vector.shape_cast %get3A_2602 : vector<1x16xf32> to vector<16xf32>
    %get3A_2604 = arith.constant 14 : i32
    %get3A_2605 = arith.index_cast %get3A_2604 : i32 to index
    %get3A_2606 = arith.constant 32 : index
    %get3A_2607 = tpu.vector_load %arg10[%get3A_2605, %get3A_2606] {strides = array<i32>} : memref<16x128xf32, #tpu.memory_space<vmem>>, vector<1x16xf32>,
    %get3A_2608 = vector.shape_cast %get3A_2607 : vector<1x16xf32> to vector<16xf32>
    %get3A_2609 = arith.constant 14 : i32
    %get3A_2610 = arith.index_cast %get3A_2609 : i32 to index
    %get3A_2611 = arith.constant 32 : index
    %get3A_2612 = tpu.vector_load %arg9[%get3A_2610, %get3A_2611] {strides = array<i32>} : memref<16x128xf32, #tpu.memory_space<vmem>>, vector<1x16xf32>,
    %get3A_2613 = vector.shape_cast %get3A_2612 : vector<1x16xf32> to vector<16xf32>
    %sub3A_2614 = arith.subf %get3A_2603, %get3A_2608 : vector<16xf32>
    %abs3A_2615 = math.absf %sub3A_2614 : vector<16xf32>
    %mul3A_2616 = arith.mulf %abs3A_2615, %get3A_2613 : vector<16xf32>
    %add3A_2617 = arith.addf %add3A_2597, %mul3A_2616 : vector<16xf32>
    %add3A_2618 = arith.addf %add3A_2598, %get3A_2613 : vector<16xf32>
    %get3A_2619 = arith.constant 14 : i32
    %get3A_2620 = arith.index_cast %get3A_2619 : i32 to index
    %get3A_2621 = arith.constant 48 : index
    %get3A_2622 = tpu.vector_load %arg8[%get3A_2620, %get3A_2621] {strides = array<i32>} : memref<16x128xf32, #tpu.memory_space<vmem>>, vector<1x16xf32>,
    %get3A_2623 = vector.shape_cast %get3A_2622 : vector<1x16xf32> to vector<16xf32>
    %get3A_2624 = arith.constant 14 : i32
    %get3A_2625 = arith.index_cast %get3A_2624 : i32 to index
    %get3A_2626 = arith.constant 48 : index
    %get3A_2627 = tpu.vector_load %arg10[%get3A_2625, %get3A_2626] {strides = array<i32>} : memref<16x128xf32, #tpu.memory_space<vmem>>, vector<1x16xf32>,
    %get3A_2628 = vector.shape_cast %get3A_2627 : vector<1x16xf32> to vector<16xf32>
    %get3A_2629 = arith.constant 14 : i32
    %get3A_2630 = arith.index_cast %get3A_2629 : i32 to index
    %get3A_2631 = arith.constant 48 : index
    %get3A_2632 = tpu.vector_load %arg9[%get3A_2630, %get3A_2631] {strides = array<i32>} : memref<16x128xf32, #tpu.memory_space<vmem>>, vector<1x16xf32>,
    %get3A_2633 = vector.shape_cast %get3A_2632 : vector<1x16xf32> to vector<16xf32>
    %sub3A_2634 = arith.subf %get3A_2623, %get3A_2628 : vector<16xf32>
    %abs3A_2635 = math.absf %sub3A_2634 : vector<16xf32>
    %mul3A_2636 = arith.mulf %abs3A_2635, %get3A_2633 : vector<16xf32>
    %add3A_2637 = arith.addf %add3A_2617, %mul3A_2636 : vector<16xf32>
    %add3A_2638 = arith.addf %add3A_2618, %get3A_2633 : vector<16xf32>
    %get3A_2639 = arith.constant 14 : i32
    %get3A_2640 = arith.index_cast %get3A_2639 : i32 to index
    %get3A_2641 = arith.constant 64 : index
    %get3A_2642 = tpu.vector_load %arg8[%get3A_2640, %get3A_2641] {strides = array<i32>} : memref<16x128xf32, #tpu.memory_space<vmem>>, vector<1x16xf32>,
    %get3A_2643 = vector.shape_cast %get3A_2642 : vector<1x16xf32> to vector<16xf32>
    %get3A_2644 = arith.constant 14 : i32
    %get3A_2645 = arith.index_cast %get3A_2644 : i32 to index
    %get3A_2646 = arith.constant 64 : index
    %get3A_2647 = tpu.vector_load %arg10[%get3A_2645, %get3A_2646] {strides = array<i32>} : memref<16x128xf32, #tpu.memory_space<vmem>>, vector<1x16xf32>,
    %get3A_2648 = vector.shape_cast %get3A_2647 : vector<1x16xf32> to vector<16xf32>
    %get3A_2649 = arith.constant 14 : i32
    %get3A_2650 = arith.index_cast %get3A_2649 : i32 to index
    %get3A_2651 = arith.constant 64 : index
    %get3A_2652 = tpu.vector_load %arg9[%get3A_2650, %get3A_2651] {strides = array<i32>} : memref<16x128xf32, #tpu.memory_space<vmem>>, vector<1x16xf32>,
    %get3A_2653 = vector.shape_cast %get3A_2652 : vector<1x16xf32> to vector<16xf32>
    %sub3A_2654 = arith.subf %get3A_2643, %get3A_2648 : vector<16xf32>
    %abs3A_2655 = math.absf %sub3A_2654 : vector<16xf32>
    %mul3A_2656 = arith.mulf %abs3A_2655, %get3A_2653 : vector<16xf32>
    %add3A_2657 = arith.addf %add3A_2637, %mul3A_2656 : vector<16xf32>
    %add3A_2658 = arith.addf %add3A_2638, %get3A_2653 : vector<16xf32>
    %get3A_2659 = arith.constant 14 : i32
    %get3A_2660 = arith.index_cast %get3A_2659 : i32 to index
    %get3A_2661 = arith.constant 80 : index
    %get3A_2662 = tpu.vector_load %arg8[%get3A_2660, %get3A_2661] {strides = array<i32>} : memref<16x128xf32, #tpu.memory_space<vmem>>, vector<1x16xf32>,
    %get3A_2663 = vector.shape_cast %get3A_2662 : vector<1x16xf32> to vector<16xf32>
    %get3A_2664 = arith.constant 14 : i32
    %get3A_2665 = arith.index_cast %get3A_2664 : i32 to index
    %get3A_2666 = arith.constant 80 : index
    %get3A_2667 = tpu.vector_load %arg10[%get3A_2665, %get3A_2666] {strides = array<i32>} : memref<16x128xf32, #tpu.memory_space<vmem>>, vector<1x16xf32>,
    %get3A_2668 = vector.shape_cast %get3A_2667 : vector<1x16xf32> to vector<16xf32>
    %get3A_2669 = arith.constant 14 : i32
    %get3A_2670 = arith.index_cast %get3A_2669 : i32 to index
    %get3A_2671 = arith.constant 80 : index
    %get3A_2672 = tpu.vector_load %arg9[%get3A_2670, %get3A_2671] {strides = array<i32>} : memref<16x128xf32, #tpu.memory_space<vmem>>, vector<1x16xf32>,
    %get3A_2673 = vector.shape_cast %get3A_2672 : vector<1x16xf32> to vector<16xf32>
    %sub3A_2674 = arith.subf %get3A_2663, %get3A_2668 : vector<16xf32>
    %abs3A_2675 = math.absf %sub3A_2674 : vector<16xf32>
    %mul3A_2676 = arith.mulf %abs3A_2675, %get3A_2673 : vector<16xf32>
    %add3A_2677 = arith.addf %add3A_2657, %mul3A_2676 : vector<16xf32>
    %add3A_2678 = arith.addf %add3A_2658, %get3A_2673 : vector<16xf32>
    %get3A_2679 = arith.constant 14 : i32
    %get3A_2680 = arith.index_cast %get3A_2679 : i32 to index
    %get3A_2681 = arith.constant 96 : index
    %get3A_2682 = tpu.vector_load %arg8[%get3A_2680, %get3A_2681] {strides = array<i32>} : memref<16x128xf32, #tpu.memory_space<vmem>>, vector<1x16xf32>,
    %get3A_2683 = vector.shape_cast %get3A_2682 : vector<1x16xf32> to vector<16xf32>
    %get3A_2684 = arith.constant 14 : i32
    %get3A_2685 = arith.index_cast %get3A_2684 : i32 to index
    %get3A_2686 = arith.constant 96 : index
    %get3A_2687 = tpu.vector_load %arg10[%get3A_2685, %get3A_2686] {strides = array<i32>} : memref<16x128xf32, #tpu.memory_space<vmem>>, vector<1x16xf32>,
    %get3A_2688 = vector.shape_cast %get3A_2687 : vector<1x16xf32> to vector<16xf32>
    %get3A_2689 = arith.constant 14 : i32
    %get3A_2690 = arith.index_cast %get3A_2689 : i32 to index
    %get3A_2691 = arith.constant 96 : index
    %get3A_2692 = tpu.vector_load %arg9[%get3A_2690, %get3A_2691] {strides = array<i32>} : memref<16x128xf32, #tpu.memory_space<vmem>>, vector<1x16xf32>,
    %get3A_2693 = vector.shape_cast %get3A_2692 : vector<1x16xf32> to vector<16xf32>
    %sub3A_2694 = arith.subf %get3A_2683, %get3A_2688 : vector<16xf32>
    %abs3A_2695 = math.absf %sub3A_2694 : vector<16xf32>
    %mul3A_2696 = arith.mulf %abs3A_2695, %get3A_2693 : vector<16xf32>
    %add3A_2697 = arith.addf %add3A_2677, %mul3A_2696 : vector<16xf32>
    %add3A_2698 = arith.addf %add3A_2678, %get3A_2693 : vector<16xf32>
    %get3A_2699 = arith.constant 14 : i32
    %get3A_2700 = arith.index_cast %get3A_2699 : i32 to index
    %get3A_2701 = arith.constant 112 : index
    %get3A_2702 = tpu.vector_load %arg8[%get3A_2700, %get3A_2701] {strides = array<i32>} : memref<16x128xf32, #tpu.memory_space<vmem>>, vector<1x16xf32>,
    %get3A_2703 = vector.shape_cast %get3A_2702 : vector<1x16xf32> to vector<16xf32>
    %get3A_2704 = arith.constant 14 : i32
    %get3A_2705 = arith.index_cast %get3A_2704 : i32 to index
    %get3A_2706 = arith.constant 112 : index
    %get3A_2707 = tpu.vector_load %arg10[%get3A_2705, %get3A_2706] {strides = array<i32>} : memref<16x128xf32, #tpu.memory_space<vmem>>, vector<1x16xf32>,
    %get3A_2708 = vector.shape_cast %get3A_2707 : vector<1x16xf32> to vector<16xf32>
    %get3A_2709 = arith.constant 14 : i32
    %get3A_2710 = arith.index_cast %get3A_2709 : i32 to index
    %get3A_2711 = arith.constant 112 : index
    %get3A_2712 = tpu.vector_load %arg9[%get3A_2710, %get3A_2711] {strides = array<i32>} : memref<16x128xf32, #tpu.memory_space<vmem>>, vector<1x16xf32>,
    %get3A_2713 = vector.shape_cast %get3A_2712 : vector<1x16xf32> to vector<16xf32>
    %sub3A_2714 = arith.subf %get3A_2703, %get3A_2708 : vector<16xf32>
    %abs3A_2715 = math.absf %sub3A_2714 : vector<16xf32>
    %mul3A_2716 = arith.mulf %abs3A_2715, %get3A_2713 : vector<16xf32>
    %add3A_2717 = arith.addf %add3A_2697, %mul3A_2716 : vector<16xf32>
    %add3A_2718 = arith.addf %add3A_2698, %get3A_2713 : vector<16xf32>
    %get3A_2719 = arith.constant 15 : i32
    %get3A_2720 = arith.index_cast %get3A_2719 : i32 to index
    %get3A_2721 = arith.constant 0 : index
    %get3A_2722 = tpu.vector_load %arg8[%get3A_2720, %get3A_2721] {strides = array<i32>} : memref<16x128xf32, #tpu.memory_space<vmem>>, vector<1x16xf32>,
    %get3A_2723 = vector.shape_cast %get3A_2722 : vector<1x16xf32> to vector<16xf32>
    %get3A_2724 = arith.constant 15 : i32
    %get3A_2725 = arith.index_cast %get3A_2724 : i32 to index
    %get3A_2726 = arith.constant 0 : index
    %get3A_2727 = tpu.vector_load %arg10[%get3A_2725, %get3A_2726] {strides = array<i32>} : memref<16x128xf32, #tpu.memory_space<vmem>>, vector<1x16xf32>,
    %get3A_2728 = vector.shape_cast %get3A_2727 : vector<1x16xf32> to vector<16xf32>
    %get3A_2729 = arith.constant 15 : i32
    %get3A_2730 = arith.index_cast %get3A_2729 : i32 to index
    %get3A_2731 = arith.constant 0 : index
    %get3A_2732 = tpu.vector_load %arg9[%get3A_2730, %get3A_2731] {strides = array<i32>} : memref<16x128xf32, #tpu.memory_space<vmem>>, vector<1x16xf32>,
    %get3A_2733 = vector.shape_cast %get3A_2732 : vector<1x16xf32> to vector<16xf32>
    %sub3A_2734 = arith.subf %get3A_2723, %get3A_2728 : vector<16xf32>
    %abs3A_2735 = math.absf %sub3A_2734 : vector<16xf32>
    %mul3A_2736 = arith.mulf %abs3A_2735, %get3A_2733 : vector<16xf32>
    %add3A_2737 = arith.addf %add3A_2717, %mul3A_2736 : vector<16xf32>
    %add3A_2738 = arith.addf %add3A_2718, %get3A_2733 : vector<16xf32>
    %get3A_2739 = arith.constant 15 : i32
    %get3A_2740 = arith.index_cast %get3A_2739 : i32 to index
    %get3A_2741 = arith.constant 16 : index
    %get3A_2742 = tpu.vector_load %arg8[%get3A_2740, %get3A_2741] {strides = array<i32>} : memref<16x128xf32, #tpu.memory_space<vmem>>, vector<1x16xf32>,
    %get3A_2743 = vector.shape_cast %get3A_2742 : vector<1x16xf32> to vector<16xf32>
    %get3A_2744 = arith.constant 15 : i32
    %get3A_2745 = arith.index_cast %get3A_2744 : i32 to index
    %get3A_2746 = arith.constant 16 : index
    %get3A_2747 = tpu.vector_load %arg10[%get3A_2745, %get3A_2746] {strides = array<i32>} : memref<16x128xf32, #tpu.memory_space<vmem>>, vector<1x16xf32>,
    %get3A_2748 = vector.shape_cast %get3A_2747 : vector<1x16xf32> to vector<16xf32>
    %get3A_2749 = arith.constant 15 : i32
    %get3A_2750 = arith.index_cast %get3A_2749 : i32 to index
    %get3A_2751 = arith.constant 16 : index
    %get3A_2752 = tpu.vector_load %arg9[%get3A_2750, %get3A_2751] {strides = array<i32>} : memref<16x128xf32, #tpu.memory_space<vmem>>, vector<1x16xf32>,
    %get3A_2753 = vector.shape_cast %get3A_2752 : vector<1x16xf32> to vector<16xf32>
    %sub3A_2754 = arith.subf %get3A_2743, %get3A_2748 : vector<16xf32>
    %abs3A_2755 = math.absf %sub3A_2754 : vector<16xf32>
    %mul3A_2756 = arith.mulf %abs3A_2755, %get3A_2753 : vector<16xf32>
    %add3A_2757 = arith.addf %add3A_2737, %mul3A_2756 : vector<16xf32>
    %add3A_2758 = arith.addf %add3A_2738, %get3A_2753 : vector<16xf32>
    %get3A_2759 = arith.constant 15 : i32
    %get3A_2760 = arith.index_cast %get3A_2759 : i32 to index
    %get3A_2761 = arith.constant 32 : index
    %get3A_2762 = tpu.vector_load %arg8[%get3A_2760, %get3A_2761] {strides = array<i32>} : memref<16x128xf32, #tpu.memory_space<vmem>>, vector<1x16xf32>,
    %get3A_2763 = vector.shape_cast %get3A_2762 : vector<1x16xf32> to vector<16xf32>
    %get3A_2764 = arith.constant 15 : i32
    %get3A_2765 = arith.index_cast %get3A_2764 : i32 to index
    %get3A_2766 = arith.constant 32 : index
    %get3A_2767 = tpu.vector_load %arg10[%get3A_2765, %get3A_2766] {strides = array<i32>} : memref<16x128xf32, #tpu.memory_space<vmem>>, vector<1x16xf32>,
    %get3A_2768 = vector.shape_cast %get3A_2767 : vector<1x16xf32> to vector<16xf32>
    %get3A_2769 = arith.constant 15 : i32
    %get3A_2770 = arith.index_cast %get3A_2769 : i32 to index
    %get3A_2771 = arith.constant 32 : index
    %get3A_2772 = tpu.vector_load %arg9[%get3A_2770, %get3A_2771] {strides = array<i32>} : memref<16x128xf32, #tpu.memory_space<vmem>>, vector<1x16xf32>,
    %get3A_2773 = vector.shape_cast %get3A_2772 : vector<1x16xf32> to vector<16xf32>
    %sub3A_2774 = arith.subf %get3A_2763, %get3A_2768 : vector<16xf32>
    %abs3A_2775 = math.absf %sub3A_2774 : vector<16xf32>
    %mul3A_2776 = arith.mulf %abs3A_2775, %get3A_2773 : vector<16xf32>
    %add3A_2777 = arith.addf %add3A_2757, %mul3A_2776 : vector<16xf32>
    %add3A_2778 = arith.addf %add3A_2758, %get3A_2773 : vector<16xf32>
    %get3A_2779 = arith.constant 15 : i32
    %get3A_2780 = arith.index_cast %get3A_2779 : i32 to index
    %get3A_2781 = arith.constant 48 : index
    %get3A_2782 = tpu.vector_load %arg8[%get3A_2780, %get3A_2781] {strides = array<i32>} : memref<16x128xf32, #tpu.memory_space<vmem>>, vector<1x16xf32>,
    %get3A_2783 = vector.shape_cast %get3A_2782 : vector<1x16xf32> to vector<16xf32>
    %get3A_2784 = arith.constant 15 : i32
    %get3A_2785 = arith.index_cast %get3A_2784 : i32 to index
    %get3A_2786 = arith.constant 48 : index
    %get3A_2787 = tpu.vector_load %arg10[%get3A_2785, %get3A_2786] {strides = array<i32>} : memref<16x128xf32, #tpu.memory_space<vmem>>, vector<1x16xf32>,
    %get3A_2788 = vector.shape_cast %get3A_2787 : vector<1x16xf32> to vector<16xf32>
    %get3A_2789 = arith.constant 15 : i32
    %get3A_2790 = arith.index_cast %get3A_2789 : i32 to index
    %get3A_2791 = arith.constant 48 : index
    %get3A_2792 = tpu.vector_load %arg9[%get3A_2790, %get3A_2791] {strides = array<i32>} : memref<16x128xf32, #tpu.memory_space<vmem>>, vector<1x16xf32>,
    %get3A_2793 = vector.shape_cast %get3A_2792 : vector<1x16xf32> to vector<16xf32>
    %sub3A_2794 = arith.subf %get3A_2783, %get3A_2788 : vector<16xf32>
    %abs3A_2795 = math.absf %sub3A_2794 : vector<16xf32>
    %mul3A_2796 = arith.mulf %abs3A_2795, %get3A_2793 : vector<16xf32>
    %add3A_2797 = arith.addf %add3A_2777, %mul3A_2796 : vector<16xf32>
    %add3A_2798 = arith.addf %add3A_2778, %get3A_2793 : vector<16xf32>
    %get3A_2799 = arith.constant 15 : i32
    %get3A_2800 = arith.index_cast %get3A_2799 : i32 to index
    %get3A_2801 = arith.constant 64 : index
    %get3A_2802 = tpu.vector_load %arg8[%get3A_2800, %get3A_2801] {strides = array<i32>} : memref<16x128xf32, #tpu.memory_space<vmem>>, vector<1x16xf32>,
    %get3A_2803 = vector.shape_cast %get3A_2802 : vector<1x16xf32> to vector<16xf32>
    %get3A_2804 = arith.constant 15 : i32
    %get3A_2805 = arith.index_cast %get3A_2804 : i32 to index
    %get3A_2806 = arith.constant 64 : index
    %get3A_2807 = tpu.vector_load %arg10[%get3A_2805, %get3A_2806] {strides = array<i32>} : memref<16x128xf32, #tpu.memory_space<vmem>>, vector<1x16xf32>,
    %get3A_2808 = vector.shape_cast %get3A_2807 : vector<1x16xf32> to vector<16xf32>
    %get3A_2809 = arith.constant 15 : i32
    %get3A_2810 = arith.index_cast %get3A_2809 : i32 to index
    %get3A_2811 = arith.constant 64 : index
    %get3A_2812 = tpu.vector_load %arg9[%get3A_2810, %get3A_2811] {strides = array<i32>} : memref<16x128xf32, #tpu.memory_space<vmem>>, vector<1x16xf32>,
    %get3A_2813 = vector.shape_cast %get3A_2812 : vector<1x16xf32> to vector<16xf32>
    %sub3A_2814 = arith.subf %get3A_2803, %get3A_2808 : vector<16xf32>
    %abs3A_2815 = math.absf %sub3A_2814 : vector<16xf32>
    %mul3A_2816 = arith.mulf %abs3A_2815, %get3A_2813 : vector<16xf32>
    %add3A_2817 = arith.addf %add3A_2797, %mul3A_2816 : vector<16xf32>
    %add3A_2818 = arith.addf %add3A_2798, %get3A_2813 : vector<16xf32>
    %get3A_2819 = arith.constant 15 : i32
    %get3A_2820 = arith.index_cast %get3A_2819 : i32 to index
    %get3A_2821 = arith.constant 80 : index
    %get3A_2822 = tpu.vector_load %arg8[%get3A_2820, %get3A_2821] {strides = array<i32>} : memref<16x128xf32, #tpu.memory_space<vmem>>, vector<1x16xf32>,
    %get3A_2823 = vector.shape_cast %get3A_2822 : vector<1x16xf32> to vector<16xf32>
    %get3A_2824 = arith.constant 15 : i32
    %get3A_2825 = arith.index_cast %get3A_2824 : i32 to index
    %get3A_2826 = arith.constant 80 : index
    %get3A_2827 = tpu.vector_load %arg10[%get3A_2825, %get3A_2826] {strides = array<i32>} : memref<16x128xf32, #tpu.memory_space<vmem>>, vector<1x16xf32>,
    %get3A_2828 = vector.shape_cast %get3A_2827 : vector<1x16xf32> to vector<16xf32>
    %get3A_2829 = arith.constant 15 : i32
    %get3A_2830 = arith.index_cast %get3A_2829 : i32 to index
    %get3A_2831 = arith.constant 80 : index
    %get3A_2832 = tpu.vector_load %arg9[%get3A_2830, %get3A_2831] {strides = array<i32>} : memref<16x128xf32, #tpu.memory_space<vmem>>, vector<1x16xf32>,
    %get3A_2833 = vector.shape_cast %get3A_2832 : vector<1x16xf32> to vector<16xf32>
    %sub3A_2834 = arith.subf %get3A_2823, %get3A_2828 : vector<16xf32>
    %abs3A_2835 = math.absf %sub3A_2834 : vector<16xf32>
    %mul3A_2836 = arith.mulf %abs3A_2835, %get3A_2833 : vector<16xf32>
    %add3A_2837 = arith.addf %add3A_2817, %mul3A_2836 : vector<16xf32>
    %add3A_2838 = arith.addf %add3A_2818, %get3A_2833 : vector<16xf32>
    %get3A_2839 = arith.constant 15 : i32
    %get3A_2840 = arith.index_cast %get3A_2839 : i32 to index
    %get3A_2841 = arith.constant 96 : index
    %get3A_2842 = tpu.vector_load %arg8[%get3A_2840, %get3A_2841] {strides = array<i32>} : memref<16x128xf32, #tpu.memory_space<vmem>>, vector<1x16xf32>,
    %get3A_2843 = vector.shape_cast %get3A_2842 : vector<1x16xf32> to vector<16xf32>
    %get3A_2844 = arith.constant 15 : i32
    %get3A_2845 = arith.index_cast %get3A_2844 : i32 to index
    %get3A_2846 = arith.constant 96 : index
    %get3A_2847 = tpu.vector_load %arg10[%get3A_2845, %get3A_2846] {strides = array<i32>} : memref<16x128xf32, #tpu.memory_space<vmem>>, vector<1x16xf32>,
    %get3A_2848 = vector.shape_cast %get3A_2847 : vector<1x16xf32> to vector<16xf32>
    %get3A_2849 = arith.constant 15 : i32
    %get3A_2850 = arith.index_cast %get3A_2849 : i32 to index
    %get3A_2851 = arith.constant 96 : index
    %get3A_2852 = tpu.vector_load %arg9[%get3A_2850, %get3A_2851] {strides = array<i32>} : memref<16x128xf32, #tpu.memory_space<vmem>>, vector<1x16xf32>,
    %get3A_2853 = vector.shape_cast %get3A_2852 : vector<1x16xf32> to vector<16xf32>
    %sub3A_2854 = arith.subf %get3A_2843, %get3A_2848 : vector<16xf32>
    %abs3A_2855 = math.absf %sub3A_2854 : vector<16xf32>
    %mul3A_2856 = arith.mulf %abs3A_2855, %get3A_2853 : vector<16xf32>
    %add3A_2857 = arith.addf %add3A_2837, %mul3A_2856 : vector<16xf32>
    %add3A_2858 = arith.addf %add3A_2838, %get3A_2853 : vector<16xf32>
    %get3A_2859 = arith.constant 15 : i32
    %get3A_2860 = arith.index_cast %get3A_2859 : i32 to index
    %get3A_2861 = arith.constant 112 : index
    %get3A_2862 = tpu.vector_load %arg8[%get3A_2860, %get3A_2861] {strides = array<i32>} : memref<16x128xf32, #tpu.memory_space<vmem>>, vector<1x16xf32>,
    %get3A_2863 = vector.shape_cast %get3A_2862 : vector<1x16xf32> to vector<16xf32>
    %get3A_2864 = arith.constant 15 : i32
    %get3A_2865 = arith.index_cast %get3A_2864 : i32 to index
    %get3A_2866 = arith.constant 112 : index
    %get3A_2867 = tpu.vector_load %arg10[%get3A_2865, %get3A_2866] {strides = array<i32>} : memref<16x128xf32, #tpu.memory_space<vmem>>, vector<1x16xf32>,
    %get3A_2868 = vector.shape_cast %get3A_2867 : vector<1x16xf32> to vector<16xf32>
    %get3A_2869 = arith.constant 15 : i32
    %get3A_2870 = arith.index_cast %get3A_2869 : i32 to index
    %get3A_2871 = arith.constant 112 : index
    %get3A_2872 = tpu.vector_load %arg9[%get3A_2870, %get3A_2871] {strides = array<i32>} : memref<16x128xf32, #tpu.memory_space<vmem>>, vector<1x16xf32>,
    %get3A_2873 = vector.shape_cast %get3A_2872 : vector<1x16xf32> to vector<16xf32>
    %sub3A_2874 = arith.subf %get3A_2863, %get3A_2868 : vector<16xf32>
    %abs3A_2875 = math.absf %sub3A_2874 : vector<16xf32>
    %mul3A_2876 = arith.mulf %abs3A_2875, %get3A_2873 : vector<16xf32>
    %add3A_2877 = arith.addf %add3A_2857, %mul3A_2876 : vector<16xf32>
    %add3A_2878 = arith.addf %add3A_2858, %get3A_2873 : vector<16xf32>
    %swap3A = arith.constant 0 : i32
    %swap3A_2879 = arith.index_cast %swap3A : i32 to index
    %swap3A_2880 = arith.constant 0 : index
    %swap3A_2881 = tpu.vector_load %arg11[%swap3A_2879, %swap3A_2880] {strides = array<i32>} : memref<2x16xf32, #tpu.memory_space<vmem>>, vector<1x16xf32>,
    %swap3A_2882 = vector.shape_cast %swap3A_2881 : vector<1x16xf32> to vector<16xf32>
    %swap3A_2883 = vector.shape_cast %add3A_2877 : vector<16xf32> to vector<1x16xf32>
    tpu.vector_store %arg11[%swap3A_2879, %swap3A_2880], %swap3A_2883 {strides = array<i32>} : memref<2x16xf32, #tpu.memory_space<vmem>>, vector<1x16xf32>,
    %swap3A_2884 = arith.constant 1 : i32
    %swap3A_2885 = arith.index_cast %swap3A_2884 : i32 to index
    %swap3A_2886 = arith.constant 0 : index
    %swap3A_2887 = tpu.vector_load %arg11[%swap3A_2885, %swap3A_2886] {strides = array<i32>} : memref<2x16xf32, #tpu.memory_space<vmem>>, vector<1x16xf32>,
    %swap3A_2888 = vector.shape_cast %swap3A_2887 : vector<1x16xf32> to vector<16xf32>
    %swap3A_2889 = vector.shape_cast %add3A_2878 : vector<16xf32> to vector<1x16xf32>
    tpu.vector_store %arg11[%swap3A_2885, %swap3A_2886], %swap3A_2889 {strides = array<i32>} : memref<2x16xf32, #tpu.memory_space<vmem>>, vector<1x16xf32>,
    "tpu.region"() ({
      %run_scoped3A = tpu.sem_alloc : memref<!tpu.dma_semaphore, #tpu.memory_space<semaphore_mem>>
      %dma_start3A_2890 = arith.constant 0 : i32
      %dma_start3A_2891 = arith.constant 0 : i32
      %dma_start3A_2892 = tpu.memref_slice %arg6[%add3A, %dma_start3A_2890, %dma_start3A_2891] : memref<32x2x16xf32, #tpu.memory_space<hbm>> -> memref<1x2x16xf32, #tpu.memory_space<hbm>>
      %dma_start3A_2893 = tpu.memref_squeeze %dma_start3A_2892 : memref<1x2x16xf32, #tpu.memory_space<hbm>> -> memref<2x16xf32, #tpu.memory_space<hbm>>
      %dma_start3A_2894 = arith.constant 0 : i32
      %dma_start3A_2895 = arith.constant 0 : i32
      %dma_start3A_2896 = tpu.memref_slice %arg6[%add3A, %dma_start3A_2894, %dma_start3A_2895] : memref<32x2x16xf32, #tpu.memory_space<hbm>> -> memref<1x2x16xf32, #tpu.memory_space<hbm>>
      %dma_start3A_2897 = tpu.memref_squeeze %dma_start3A_2896 : memref<1x2x16xf32, #tpu.memory_space<hbm>> -> memref<2x16xf32, #tpu.memory_space<hbm>>
      tpu.enqueue_dma source(%arg11 : memref<2x16xf32, #tpu.memory_space<vmem>>) target(%dma_start3A_2897 : memref<2x16xf32, #tpu.memory_space<hbm>>) target_semaphore(%run_scoped3A : memref<!tpu.dma_semaphore, #tpu.memory_space<semaphore_mem>>)
      %dma_wait3A_2898 = arith.constant 0 : i32
      %dma_wait3A_2899 = arith.constant 0 : i32
      %dma_wait3A_2900 = tpu.memref_slice %arg6[%add3A, %dma_wait3A_2898, %dma_wait3A_2899] : memref<32x2x16xf32, #tpu.memory_space<hbm>> -> memref<1x2x16xf32, #tpu.memory_space<hbm>>
      %dma_wait3A_2901 = tpu.memref_squeeze %dma_wait3A_2900 : memref<1x2x16xf32, #tpu.memory_space<hbm>> -> memref<2x16xf32, #tpu.memory_space<hbm>>
      %dma_wait3A_2902 = arith.constant 0 : i32
      %dma_wait3A_2903 = arith.constant 0 : i32
      %dma_wait3A_2904 = tpu.memref_slice %arg6[%add3A, %dma_wait3A_2902, %dma_wait3A_2903] : memref<32x2x16xf32, #tpu.memory_space<hbm>> -> memref<1x2x16xf32, #tpu.memory_space<hbm>>
      %dma_wait3A_2905 = tpu.memref_squeeze %dma_wait3A_2904 : memref<1x2x16xf32, #tpu.memory_space<hbm>> -> memref<2x16xf32, #tpu.memory_space<hbm>>
      tpu.wait_dma2 semaphore(%run_scoped3A : memref<!tpu.dma_semaphore, #tpu.memory_space<semaphore_mem>>) src(%arg11 : memref<2x16xf32, #tpu.memory_space<vmem>>) dst(%dma_wait3A_2905 : memref<2x16xf32, #tpu.memory_space<hbm>>)
      tpu.yield
    }) : () -> ()
    return
  }
}

</mosaic_0001>

<sc_bundles>
// kernel: _run.3.cloned.1.call-start
scs
__scs_entry_jumppad:
0x0: {  	(pc) =	sbr.rel $0x88, $3  }
0x1: {  	(tag) =	ssettag $0x0;
	lr =	simm.s32 $0x1  }
0x2: {  	[smem:$0x3F9D] =	sst lr;
	_ =	strace $0xD0000000  }
0x3: {  	_ = 	snop  }
0x4: {  	_ = 	snop  }
0x5: {  	_ = 	snop  }
0x6: {  	_ = 	snop  }
0x7: {  	_ = 	snop  }
__scs_overlays_trampoline_lowered:
0x8: {  	[smem:$0x3FAC] =	sst s0  }
0x9: {  	[smem:$0x3FAD] =	sst s1  }
0xa: {  	[smem:$0x3FAE] =	sst s2  }
0xb: {  	[smem:$0x3FAF] =	sst s3  }
0xc: {  	[smem:$0x3FB0] =	sst s4  }
0xd: {  	[smem:$0x3FB1] =	sst s5  }
0xe: {  	[smem:$0x3FB2] =	sst s6  }
0xf: {  	[smem:$0x3FB3] =	sst s7  }
0x10: {  	[smem:$0x3FB4] =	sst s8  }
0x11: {  	[smem:$0x3FB5] =	sst s9;
	s0 =	simm.s32 @!p0 $0x0  }
0x12: {  	s1 =	sld [smem:$0x3F9B];
	s0 =	simm.s32 @p0 $0x1  }
0x13: {  	[smem:$0x3FB6] =	sst s0;
	s0 =	simm.s32 @!p1 $0x0  }
0x14: {  	s2 =	sld [smem:$0x3F9A];
	s0 =	simm.s32 @p1 $0x1  }
0x15: {  	[smem:$0x3FB7] =	sst s0;
	s0 =	simm.s32 @!p2 $0x0  }
0x16: {  	s3 =	sld [smem:$0x3FDB];
	s0 =	simm.s32 @p2 $0x1  }
0x17: {  	s4 =	simm.s32 $0x1BF5;
	[smem:$0x3FB9] =	sst s0  }
0x18: {  	s0 =	sld [smem:$0x3F9C];
	_ =	swait.ge [sflag:s4], $0x0  }
0x19: {  	s7 =	sld [smem:$0x3F9D]  }
0x1a: {  	s8 =	sadd.s32 $0xFFFFE003, lr  }
0x1b: {  	s9 =	sadd.s32 $0xFFFFFEF7, lr;
	s5 =	simm.s32 $0xFFFFFFFF;
	p2 =	slt.u32 s8, $0xFFFFF086  }
0x1c: {  	p1 =	slt.u32 s9, $0xF7A;
	s5 =	simm.s32 @!p2 $0x0  }
0x1d: {  	s5 =	simm.s32 @p1 $0x1;
	p0 =	seq.s32 s7, s2  }
0x1e: {  	s7 =	smul.u32 @!p0 $0xF7A, s2;
	p2 =	seq.s32 @!p0 s5, $0x0  }
0x1f: {  	s9 =	smul.u32 $0xF7A, s1;
	s8 =	simm.s32 @!p0 $0x1BF5;
	p2 =	por !p2, p0  }
0x20: {  	[sflag:s8] =	ssyncset.s32 @!p0 $0xFFFFF086;
	s6 =	sadd.s32 @!p0 s3, s7;
	s7 =	simm.s32 @!p0 $0x108  }
0x21: {  	s3 =	sadd.s32 s3, s9;
	s6 =	sadd.s32 @!p0 $0x88, s6;
	s7 =	simm.s32 @p2 $0x1082  }
0x22: {  	[simem:s7], [sflag:s8] =	dma.local @!p0 [hbm:s6], $0xF7A  }
0x23: {  	s9 =	sor.u32 $0xD0000000, s2;
	s6 =	simm.s32 $0x108;
	_ =	swait.ge @!p0 [sflag:s8], $0x0  }
0x24: {  	s3 =	sadd.s32 $0x88, s3;
	s6 =	simm.s32 @!p1 $0x1082;
	[sflag:s4] =	ssyncset.s32 $0xFFFFF086  }
0x25: {  	[simem:s6], [sflag:s4] =	dma.local [hbm:s3], $0xF7A  }
0x26: {  	[smem:$0x3F9D] =	sst s1;
	(tag) =	ssettag s2;
	_ =	strace s9  }
0x27: {  	s1 =	sld [smem:$0x3FAD]  }
0x28: {  	s2 =	sld [smem:$0x3FAE]  }
0x29: {  	s4 =	sld [smem:$0x3FB0]  }
0x2a: {  	p0 =	seq.s32 s5, $0x0;
	s5 =	sld [smem:$0x3FB1]  }
0x2b: {  	s6 =	sld [smem:$0x3FB2]  }
0x2c: {  	s7 =	sld [smem:$0x3FB3]  }
0x2d: {  	s3 =	simm.s32 $0x108;
	s8 =	sld [smem:$0x3FB4]  }
0x2e: {  	s3 =	simm.s32 @!p0 $0x1082;
	s9 =	sld [smem:$0x3FB5]  }
0x2f: {  	lr =	sadd.s32 s0, s3;
	s0 =	sld [smem:$0x3FAC]  }
0x30: {  	s3 =	sld [smem:$0x3FAF]  }
0x31: {  	[smem:$0x3FB8] =	sst s10  }
0x32: {  	s10 =	sld [smem:$0x3FB6];
	_ =	sdelay $0x3  }
0x33: {  	p0 =	seq.s32 s10, $0x1;
	s10 =	sld [smem:$0x3FB8];
	_ =	sdelay $0x3  }
0x34: {  	[smem:$0x3FB8] =	sst s10  }
0x35: {  	s10 =	sld [smem:$0x3FB7];
	_ =	sdelay $0x3  }
0x36: {  	p1 =	seq.s32 s10, $0x1;
	s10 =	sld [smem:$0x3FB8];
	_ =	sdelay $0x3  }
0x37: {  	[smem:$0x3FB8] =	sst s10  }
0x38: {  	s10 =	sld [smem:$0x3FB9]  }
0x39: {  	_ = 	snop;
	(pc) =	sbr.ind lr, $3  }
0x3a: {  	_ = 	snop  }
0x3b: {  	_ = 	snop  }
0x3c: {  	p2 =	seq.s32 s10, $0x1;
	s10 =	sld [smem:$0x3FB8]  }
0x3d: {  	_ =	shalt  }
0x3e: {  	_ =	shalt  }
0x3f: {  	_ =	shalt  }
0x40: {  	_ =	shalt  }
0x41: {  	_ =	shalt  }
0x42: {  	_ =	shalt  }
0x43: {  	_ =	shalt  }
0x44: {  	_ =	shalt  }
0x45: {  	_ =	shalt  }
0x46: {  	_ =	shalt  }
0x47: {  	_ =	shalt  }
0x48: {  	_ =	shalt  }
0x49: {  	_ =	shalt  }
0x4a: {  	_ =	shalt  }
0x4b: {  	_ =	shalt  }
0x4c: {  	_ =	shalt  }
0x4d: {  	_ =	shalt  }
0x4e: {  	_ =	shalt  }
0x4f: {  	_ =	shalt  }
0x50: {  	_ =	shalt  }
0x51: {  	_ =	shalt  }
0x52: {  	_ =	shalt  }
0x53: {  	_ =	shalt  }
0x54: {  	_ =	shalt  }
0x55: {  	_ =	shalt  }
0x56: {  	_ =	shalt  }
0x57: {  	_ =	shalt  }
0x58: {  	_ =	shalt  }
0x59: {  	_ =	shalt  }
0x5a: {  	_ =	shalt  }
0x5b: {  	_ =	shalt  }
0x5c: {  	_ =	shalt  }
0x5d: {  	_ =	shalt  }
0x5e: {  	_ =	shalt  }
0x5f: {  	_ =	shalt  }
0x60: {  	_ =	shalt  }
0x61: {  	_ =	shalt  }
0x62: {  	_ =	shalt  }
0x63: {  	_ =	shalt  }
0x64: {  	_ =	shalt  }
0x65: {  	_ =	shalt  }
0x66: {  	_ =	shalt  }
0x67: {  	_ =	shalt  }
0x68: {  	_ =	shalt  }
0x69: {  	_ =	shalt  }
0x6a: {  	_ =	shalt  }
0x6b: {  	_ =	shalt  }
0x6c: {  	_ =	shalt  }
0x6d: {  	_ =	shalt  }
0x6e: {  	_ =	shalt  }
0x6f: {  	_ =	shalt  }
0x70: {  	_ =	shalt  }
0x71: {  	_ =	shalt  }
0x72: {  	_ =	shalt  }
0x73: {  	_ =	shalt  }
0x74: {  	_ =	shalt  }
0x75: {  	_ =	shalt  }
0x76: {  	_ =	shalt  }
0x77: {  	_ =	shalt  }
0x78: {  	_ =	shalt  }
0x79: {  	_ =	shalt  }
0x7a: {  	_ =	shalt  }
0x7b: {  	_ =	shalt  }
0x7c: {  	_ =	shalt  }
0x7d: {  	_ =	shalt  }
0x7e: {  	_ =	shalt  }
0x7f: {  	_ =	shalt  }
0x80: {  	_ =	shalt  }
0x81: {  	_ =	shalt  }
0x82: {  	_ =	shalt  }
0x83: {  	_ =	shalt  }
0x84: {  	_ =	shalt  }
0x85: {  	_ =	shalt  }
0x86: {  	_ =	shalt  }
0x87: {  	_ =	shalt  }
.Lfunc_end0:
.L_simem_size_0:
called_computation_lowered:
.L_overlay_start_0:
0x88: {  	s2 =	sld [smem:$0x3FD9]  }
0x89: {  	s3 =	sld [smem:$0x3FFE];
	_ =	sdelay $0x1  }
0x8a: {  	s1 =	srdreg.scid  }
0x8b: {  	s0 =	sand.u32 $0x1, s1  }
0x8c: {  	s17 =	sshll.u32 s0, $0xA;
	s2 =	sadd.s32 s3, s2  }
0x8d: {  	s2 =	sadd.s32 s2, s17  }
0x8e: {  	[smem:$0x3FC4] =	sst s2  }
0x8f: {  	_ = 	snop  }
0x90: {  	s2 =	sld [smem:$0x3FC9]  }
0x91: {  	s18 =	sld [smem:$0x3FC8]  }
0x92: {  	s4 =	sld [smem:$0x3FC7]  }
0x93: {  	s5 =	sld [smem:$0x3FC6];
	(tm) =	ssettm $0x1  }
0x94: {  	s6 =	sld [smem:$0x3FFB];
	_ =	sdelay $0x3  }
0x95: {  	_ =	strace s6  }
0x96: {  	s6 =	sld [smem:$0x3FFC];
	_ =	sdelay $0x3  }
0x97: {  	_ =	strace s6  }
0x98: {  	s6 =	sld [smem:$0x3FFD];
	_ =	sdelay $0x3  }
0x99: {  	_ =	strace s6  }
0x9a: {  	_ =	strace $0x8FFFFFFF  }
0x9b: {  	s19 =	sld [smem:$0x3FDB];
	_ =	sdelay $0x1  }
0x9c: {  	s7 =	simm.s32 $_scs_section_size  }
0x9d: {  	s8 =	simm.s32 $_size__tile_overlayer_lowered;
	s9 =	simm.s32 $_tile_overlayer_lowered  }
0x9e: {  	s22 =	simm.s32 $0x1BFF;
	s21 =	sshll.u32 s9, $0x1;
	s6 =	sadd.s32 s7, s19  }
0x9f: {  	s10 =	simm.s32 $0x0;
	s20 =	sshll.u32 s8, $0x1;
	s8 =	sadd.s32 s21, s6  }
0xa0: {  	[timem:s10], [sflag:s22] =	dma.local [hbm:s8], s20  }
0xa1: {  	_ =	swait.ge [sflag:s22], s20  }
0xa2: {  	s7 =	ssub.s32 $0x0, s20;
	[sflag:s22] =	ssyncset.done $0x0  }
0xa3: {  	[sflag:s22] =	ssyncadd.s32 s7;
	_ =	sdelay $0x1  }
0xa4: {  	s23 =	simm.s32 $0x1B8B  }
0xa5: {  	_ =	swait.ge [sflag:s23], $0x1  }
0xa6: {  	[sflag:s23] =	ssyncset.done $0x0  }
0xa7: {  	s25 =	simm.s32 $0x1B8E;
	s24 =	sld [smem:$0x3FFE];
	[sflag:s23] =	ssyncadd.s32 $0xFFFFFFFF  }
0xa8: {  	s26 =	simm.s32 $execute0_lowered;
	[smem:$0x3FD2] =	sst s25  }
0xa9: {  	s8 =	sshll.u32 s26, $0x1;
	_ =	strace $0x80000046;
	[dreg:$0x1] =	wrdreg $0xFFFFFFFF  }
0xaa: {  	s28 =	simm.s32 $_size_execute0_lowered;
	s6 =	sadd.s32 s6, s8;
	[dreg:$0x0] =	wrdreg $0x0  }
0xab: {  	s8 =	sshll.u32 s28, $0x1;
	[dreg:$0x2] =	wrdreg s6  }
0xac: {  	[dreg:$0x3] =	wrdreg s8  }
0xad: {  	[dreg:$0x4] =	wrdreg $0xC0  }
0xae: {  	_ =	task [dreg:s10], $0x5FFFF  }
0xaf: {  	[dreg:$0x1] =	wrdreg $0xFFFFFFFF  }
0xb0: {  	[dreg:$0x0] =	wrdreg $0x60  }
0xb1: {  	[dreg:$0x2] =	wrdreg s2  }
0xb2: {  	[dreg:$0x3] =	wrdreg s18  }
0xb3: {  	[dreg:$0x4] =	wrdreg s4  }
0xb4: {  	[dreg:$0x5] =	wrdreg s5  }
0xb5: {  	[dreg:$0x6] =	wrdreg s24  }
0xb6: {  	[dreg:$0x7] =	wrdreg $0x9  }
0xb7: {  	_ =	task.clear_ibuf [dreg:s10], $0x8FFFF;
	_ =	strace $0x90000046  }
0xb8: {  	s29 =	simm.s32 $0x9;
	_ =	strace $0x80000048  }
0xb9: {  	_ =	swait.ge [sflag:s29], $0x1  }
0xba: {  	[sflag:s29] =	ssyncadd.s32 $0xFFFFFFFF  }
0xbb: {  	_ =	strace $0x90000048  }
0xbc: {  	_ =	sfence  }
0xbd: {  	s30 =	sld [smem:$0x0];
	_ =	sdelay $0x2  }
0xbe: {  	s31 =	sshll.u32 s1, $0xD;
	s1 =	sshrl.u32 s1, $0x2  }
0xbf: {  	s3 =	sand.u32 $0x4000, s31;
	s1 =	sadd.s32 s1, s30  }
0xc0: {  	s0 =	sor.u32 s3, s0;
	s1 =	sshll.u32 s1, $0x11  }
0xc1: {  	s0 =	sor.u32 s1, s0  }
0xc2: {  	s0 =	sadd.s32 $0x8F2B, s0  }
0xc3: {  	[sflag:s0] =	ssyncadd.remote.s32 $0x1  }
0xc4: {  	_ =	sfence.sel $0xFFFF  }
0xc5: {  	[dreg:$0x0] =	wrdreg $0xFFFFFFFF;
	(pc) =	sbr.abs _section_cstart, $3  }
0xc6: {  	[dreg:$0x1] =	wrdreg $0xFFFFFFFF  }
0xc7: {  	_ =	task.clear_ibuf [dreg:s10], $0x2FFFF;
	_ =	strace $0x9FFFFFFF  }
0xc8: {  	(tm) =	ssettm $0x7FFFFFFF  }
0xc9: {  	_ =	shalt  }
tec
execute0_lowered:
.L_overlay_start_1:
0x0: {  	(tag) =	ssettag $0x1  }
0x1: {  	s0 =	rddreg [dreg:$0x0]  }
0x2: {  	s2 =	rddreg [dreg:$0x1]  }
0x3: {  	s4 =	rddreg [dreg:$0x2]  }
0x4: {  	s5 =	rddreg [dreg:$0x3];
	s3 =	srdreg.scid  }
0x5: {  	s1 =	stileid.u32;
	s6 =	rddreg [dreg:$0x4]  }
0x6: {  	s16 =	simm.s32 $0x1000;
	s17 =	simm.s32 $0x1800;
	s18 =	simm.s32 $0x800  }
0x7: {  	s19 =	simm.s32 $0x880;
	s7 =	sand.u32 $0x1, s3;
	s3 =	simm.s32 $0x0  }
0x8: {  	s21 =	simm.s32 $0x100;
	s23 =	simm.s32 $0x900;
	[smem:$0x7FF] =	sst s3  }
0x9: {  	s24 =	simm.s32 $0x180;
	_ =	strace $0x80000047;
	[dreg:$0xa] =	wrdreg s16  }
0xa: {  	s25 =	simm.s32 $0x980;
	s26 =	simm.s32 $0x200;
	[dreg:$0xb] =	wrdreg s17  }
0xb: {  	s10 =	simm.s32 $0x300;
	s11 =	simm.s32 $0xB00;
	[dreg:$0xc] =	wrdreg s18  }
0xc: {  	s28 =	simm.s32 $0xF00;
	s29 =	simm.s32 $0x780;
	[dreg:$0xd] =	wrdreg s19  }
0xd: {  	s30 =	simm.s32 $0xF80;
	s8 =	sshll.u32 s1, $0x1;
	[dreg:$0xe] =	wrdreg s21  }
0xe: {  	s31 =	simm.s32 $0x1;
	s8 =	sor.u32 s7, s8;
	[dreg:$0xf] =	wrdreg s23  }
0xf: {  	s20 =	ssub.s32 $0x2, s7;
	s9 =	sshll.u32 s8, $0x8;
	[dreg:$0x10] =	wrdreg s24  }
0x10: {  	s8 =	sshll.u32 s8, $0x5;
	s22 =	sshrl.u32 s20, $0x1;
	[dreg:$0x11] =	wrdreg s25  }
0x11: {  	[dreg:$0x12] =	wrdreg s26;
	s16 =	simm.s32 $0x480;
	s17 =	simm.s32 $0xC80  }
0x12: {  	s18 =	simm.s32 $0x500;
	s19 =	simm.s32 $0xD00;
	s21 =	simm.s32 $0xD80  }
0x13: {  	s23 =	simm.s32 $0xE00;
	s24 =	simm.s32 $0x680;
	s25 =	simm.s32 $0xE80  }
0x14: {  	s26 =	simm.s32 $0x700;
	s2 =	sadd.s32 s2, s9;
	s12 =	sadd.s32 s4, s9  }
0x15: {  	s13 =	sadd.s32 s8, s6;
	s14 =	sadd.s32 s5, s9;
	s4 =	ssub.s32 s20, s22  }
0x16: {  	s5 =	simm.s32 $0x2;
	s6 =	simm.s32 $0x80;
	[dreg:$0x6] =	wrdreg s2  }
0x17: {  	s20 =	simm.s32 $0x580;
	s22 =	simm.s32 $0x600;
	[dreg:$0x7] =	wrdreg s12  }
0x18: {  	[dreg:$0x8] =	wrdreg s14;
	s15 =	sadd.s32 $0x400, s13;
	s4 =	smax.u32 s4, $0x1  }
0x19: {  	s12 =	simm.s32 $0x380;
	s13 =	simm.s32 $0xB80;
	s14 =	simm.s32 $0x400  }
0x1a: {  	s2 =	simm.s32 $0x2000;
	[dreg:$0x9] =	wrdreg s15;
	s15 =	simm.s32 $0xC00  }
.LBB2_1:
0x1b: {  	s1 =	rddreg [dreg:$0x6]  }
0x1c: {  	[tilespmem:s3], [sflag:$0x2] =	stream.linear.gather [hbm4b:s1+s3], $0x800, $0x38;
	[tilespmem:$0x2100] =	vst v63  }
0x1d: {  	_ =	swait.ge [sflag:s5], $0x800  }
0x1e: {  	s9 =	rddreg [dreg:$0x7];
	[sflag:s5] =	ssyncset.done $0x0  }
0x1f: {  	s7 =	rddreg [dreg:$0xa];
	[sflag:s5] =	ssyncadd.s32 $0xFFFFF800  }
0x20: {  	[tilespmem:s7], [sflag:$0x2] =	stream.linear.gather [hbm4b:s9+s3], $0x800, $0x38;
	[tilespmem:$0x2100] =	vst v63  }
0x21: {  	_ =	swait.ge [sflag:s5], $0x800  }
0x22: {  	s8 =	rddreg [dreg:$0x8];
	[sflag:s5] =	ssyncset.done $0x0  }
0x23: {  	s9 =	rddreg [dreg:$0xb];
	[sflag:s5] =	ssyncadd.s32 $0xFFFFF800  }
0x24: {  	[tilespmem:s9], [sflag:$0x2] =	stream.linear.gather [hbm4b:s8+s3], $0x800, $0x38;
	[tilespmem:$0x2100] =	vst v63  }
0x25: {  	_ =	swait.ge [sflag:s5], $0x800  }
0x26: {  	s8 =	rddreg [dreg:$0xc]  }
0x27: {  	[sflag:s5] =	ssyncset.done $0x0;
	s9 =	rddreg [dreg:$0xd]  }
0x28: {  	s1 =	rddreg [dreg:$0xe];
	[sflag:s5] =	ssyncadd.s32 $0xFFFFF800  }
0x29: {  	[tilespmem:s8], [sflag:$0x1] =	stream.indirect.gather [hbm4b:s0+s6], $0x1, s3, s6, $0xb8;
	[tilespmem:$0x2100] =	vst v63  }
0x2a: {  	s7 =	rddreg [dreg:$0xf]  }
0x2b: {  	[tilespmem:s9], [sflag:$0x1] =	stream.indirect.gather [hbm4b:s0+s6], $0x1, s6, s6, $0xb8;
	[tilespmem:$0x2100] =	vst v63  }
0x2c: {  	s8 =	rddreg [dreg:$0x10]  }
0x2d: {  	[tilespmem:s7], [sflag:$0x1] =	stream.indirect.gather [hbm4b:s0+s6], $0x1, s1, s6, $0xb8;
	[tilespmem:$0x2100] =	vst v63  }
0x2e: {  	s9 =	rddreg [dreg:$0x11]  }
0x2f: {  	[tilespmem:s9], [sflag:$0x1] =	stream.indirect.gather [hbm4b:s0+s6], $0x1, s8, s6, $0xb8;
	[tilespmem:$0x2100] =	vst v63  }
0x30: {  	s7 =	rddreg [dreg:$0x12];
	s9 =	simm.s32 $0xA00  }
0x31: {  	[tilespmem:s9], [sflag:$0x1] =	stream.indirect.gather [hbm4b:s0+s6], $0x1, s7, s6, $0xb8;
	[tilespmem:$0x2100] =	vst v63  }
0x32: {  	s8 =	simm.s32 $0xA80;
	s7 =	simm.s32 $0x280  }
0x33: {  	[tilespmem:s8], [sflag:$0x1] =	stream.indirect.gather [hbm4b:s0+s6], $0x1, s7, s6, $0xb8;
	[tilespmem:$0x2100] =	vst v63  }
0x34: {  	_ = 	snop  }
0x35: {  	[tilespmem:s11], [sflag:$0x1] =	stream.indirect.gather [hbm4b:s0+s6], $0x1, s10, s6, $0xb8;
	[tilespmem:$0x2100] =	vst v63  }
0x36: {  	_ = 	snop  }
0x37: {  	[tilespmem:s13], [sflag:$0x1] =	stream.indirect.gather [hbm4b:s0+s6], $0x1, s12, s6, $0xb8;
	[tilespmem:$0x2100] =	vst v63  }
0x38: {  	_ = 	snop  }
0x39: {  	[tilespmem:s15], [sflag:$0x1] =	stream.indirect.gather [hbm4b:s0+s6], $0x1, s14, s6, $0xb8;
	[tilespmem:$0x2100] =	vst v63  }
0x3a: {  	_ = 	snop  }
0x3b: {  	[tilespmem:s17], [sflag:$0x1] =	stream.indirect.gather [hbm4b:s0+s6], $0x1, s16, s6, $0xb8;
	[tilespmem:$0x2100] =	vst v63  }
0x3c: {  	_ = 	snop  }
0x3d: {  	[tilespmem:s19], [sflag:$0x1] =	stream.indirect.gather [hbm4b:s0+s6], $0x1, s18, s6, $0xb8;
	[tilespmem:$0x2100] =	vst v63  }
0x3e: {  	_ = 	snop  }
0x3f: {  	[tilespmem:s21], [sflag:$0x1] =	stream.indirect.gather [hbm4b:s0+s6], $0x1, s20, s6, $0xb8;
	[tilespmem:$0x2100] =	vst v63  }
0x40: {  	_ = 	snop  }
0x41: {  	[tilespmem:s23], [sflag:$0x1] =	stream.indirect.gather [hbm4b:s0+s6], $0x1, s22, s6, $0xb8;
	[tilespmem:$0x2100] =	vst v63  }
0x42: {  	_ = 	snop  }
0x43: {  	[tilespmem:s25], [sflag:$0x1] =	stream.indirect.gather [hbm4b:s0+s6], $0x1, s24, s6, $0xb8;
	[tilespmem:$0x2100] =	vst v63  }
0x44: {  	_ = 	snop  }
0x45: {  	[tilespmem:s28], [sflag:$0x1] =	stream.indirect.gather [hbm4b:s0+s6], $0x1, s26, s6, $0xb8;
	[tilespmem:$0x2100] =	vst v63  }
0x46: {  	_ = 	snop  }
0x47: {  	[tilespmem:s30], [sflag:$0x1] =	stream.indirect.gather [hbm4b:s0+s6], $0x1, s29, s6, $0xb8;
	[tilespmem:$0x2100] =	vst v63  }
0x48: {  	_ =	swait.ge [sflag:s31], $0x80  }
0x49: {  	[sflag:s31] =	ssyncset.done $0x0  }
0x4a: {  	[sflag:s31] =	ssyncadd.s32 $0xFFFFFF80  }
0x4b: {  	_ =	swait.ge [sflag:s31], $0x80  }
0x4c: {  	[sflag:s31] =	ssyncset.done $0x0  }
0x4d: {  	[sflag:s31] =	ssyncadd.s32 $0xFFFFFF80  }
0x4e: {  	_ =	swait.ge [sflag:s31], $0x80  }
0x4f: {  	[sflag:s31] =	ssyncset.done $0x0  }
0x50: {  	[sflag:s31] =	ssyncadd.s32 $0xFFFFFF80  }
0x51: {  	_ =	swait.ge [sflag:s31], $0x80  }
0x52: {  	[sflag:s31] =	ssyncset.done $0x0  }
0x53: {  	[sflag:s31] =	ssyncadd.s32 $0xFFFFFF80  }
0x54: {  	_ =	swait.ge [sflag:s31], $0x80  }
0x55: {  	[sflag:s31] =	ssyncset.done $0x0  }
0x56: {  	[sflag:s31] =	ssyncadd.s32 $0xFFFFFF80  }
0x57: {  	_ =	swait.ge [sflag:s31], $0x80  }
0x58: {  	[sflag:s31] =	ssyncset.done $0x0  }
0x59: {  	[sflag:s31] =	ssyncadd.s32 $0xFFFFFF80  }
0x5a: {  	_ =	swait.ge [sflag:s31], $0x80  }
0x5b: {  	[sflag:s31] =	ssyncset.done $0x0  }
0x5c: {  	[sflag:s31] =	ssyncadd.s32 $0xFFFFFF80  }
0x5d: {  	_ =	swait.ge [sflag:s31], $0x80  }
0x5e: {  	[sflag:s31] =	ssyncset.done $0x0  }
0x5f: {  	[sflag:s31] =	ssyncadd.s32 $0xFFFFFF80  }
0x60: {  	_ =	swait.ge [sflag:s31], $0x80  }
0x61: {  	[sflag:s31] =	ssyncset.done $0x0  }
0x62: {  	[sflag:s31] =	ssyncadd.s32 $0xFFFFFF80  }
0x63: {  	_ =	swait.ge [sflag:s31], $0x80  }
0x64: {  	[sflag:s31] =	ssyncset.done $0x0  }
0x65: {  	[sflag:s31] =	ssyncadd.s32 $0xFFFFFF80  }
0x66: {  	_ =	swait.ge [sflag:s31], $0x80  }
0x67: {  	[sflag:s31] =	ssyncset.done $0x0  }
0x68: {  	[sflag:s31] =	ssyncadd.s32 $0xFFFFFF80  }
0x69: {  	_ =	swait.ge [sflag:s31], $0x80  }
0x6a: {  	[sflag:s31] =	ssyncset.done $0x0  }
0x6b: {  	[sflag:s31] =	ssyncadd.s32 $0xFFFFFF80  }
0x6c: {  	_ =	swait.ge [sflag:s31], $0x80  }
0x6d: {  	[sflag:s31] =	ssyncset.done $0x0  }
0x6e: {  	[sflag:s31] =	ssyncadd.s32 $0xFFFFFF80  }
0x6f: {  	_ =	swait.ge [sflag:s31], $0x80  }
0x70: {  	[sflag:s31] =	ssyncset.done $0x0  }
0x71: {  	[sflag:s31] =	ssyncadd.s32 $0xFFFFFF80  }
0x72: {  	_ =	swait.ge [sflag:s31], $0x80  }
0x73: {  	[sflag:s31] =	ssyncset.done $0x0  }
0x74: {  	[sflag:s31] =	ssyncadd.s32 $0xFFFFFF80  }
0x75: {  	_ =	swait.ge [sflag:s31], $0x80  }
0x76: {  	[sflag:s31] =	ssyncset.done $0x0  }
0x77: {  	[sflag:s31] =	ssyncadd.s32 $0xFFFFFF80  }
0x78: {  	v9 =	vld [tilespmem:$0x800]  }
0x79: {  	v7 =	vld [tilespmem:$0x1800]  }
0x7a: {  	v0 =	vld [tilespmem:$0x1000]  }
0x7b: {  	v10 =	vld [tilespmem:$0x810]  }
0x7c: {  	v8 =	vld [tilespmem:$0x1810]  }
0x7d: {  	v1 =	vld [tilespmem:$0x1010]  }
0x7e: {  	v12 =	vld [tilespmem:$0x820]  }
0x7f: {  	v11 =	vld [tilespmem:$0x1820]  }
0x80: {  	v63 =	vld [tilespmem:$0x1020]  }
0x81: {  	v14 =	vld [tilespmem:$0x830]  }
0x82: {  	v13 =	vld [tilespmem:$0x1830]  }
0x83: {  	v2 =	vld [tilespmem:$0x1030]  }
0x84: {  	v17 =	vld [tilespmem:$0x840]  }
0x85: {  	v15 =	vld [tilespmem:$0x1840]  }
0x86: {  	v50 =	vld [tilespmem:$0x1040]  }
0x87: {  	v19 =	vld [tilespmem:$0x850]  }
0x88: {  	v18 =	vld [tilespmem:$0x1850]  }
0x89: {  	v38 =	vld [tilespmem:$0x1050]  }
0x8a: {  	v24 =	vld [tilespmem:$0x860]  }
0x8b: {  	v23 =	vld [tilespmem:$0x1860]  }
0x8c: {  	v3 =	vld [tilespmem:$0x1060]  }
0x8d: {  	v27 =	vld [tilespmem:$0x870]  }
0x8e: {  	v25 =	vld [tilespmem:$0x1870]  }
0x8f: {  	v26 =	vld [tilespmem:$0x1070]  }
0x90: {  	v33 =	vld [tilespmem:$0x880]  }
0x91: {  	v31 =	vld [tilespmem:$0x1880]  }
0x92: {  	v22 =	vld [tilespmem:$0x1080]  }
0x93: {  	v37 =	vld [tilespmem:$0x890]  }
0x94: {  	v36 =	vld [tilespmem:$0x1890]  }
0x95: {  	v4 =	vld [tilespmem:$0x1090]  }
0x96: {  	v44 =	vld [tilespmem:$0x8A0]  }
0x97: {  	v42 =	vld [tilespmem:$0x18A0]  }
0x98: {  	v28 =	vld [tilespmem:$0x10A0]  }
0x99: {  	v49 =	vld [tilespmem:$0x8B0]  }
0x9a: {  	v47 =	vld [tilespmem:$0x18B0]  }
0x9b: {  	v34 =	vld [tilespmem:$0x10B0]  }
0x9c: {  	v54 =	vld [tilespmem:$0x8C0]  }
0x9d: {  	v53 =	vld [tilespmem:$0x18C0]  }
0x9e: {  	v5 =	vld [tilespmem:$0x10C0]  }
0x9f: {  	v60 =	vld [tilespmem:$0x8D0]  }
0xa0: {  	v57 =	vld [tilespmem:$0x18D0]  }
0xa1: {  	v40 =	vld [tilespmem:$0x10D0]  }
0xa2: {  	v6 =	vld [tilespmem:$0x8E0]  }
0xa3: {  	v29 =	vld [tilespmem:$0x18E0]  }
0xa4: {  	v45 =	vld [tilespmem:$0x10E0]  }
0xa5: {  	v30 =	vld [tilespmem:$0x8F0]  }
0xa6: {  	v32 =	vld [tilespmem:$0x18F0]  }
0xa7: {  	v16 =	vld [tilespmem:$0x900]  }
0xa8: {  	v35 =	vld [tilespmem:$0x1900]  }
0xa9: {  	v51 =	vld [tilespmem:$0x1100]  }
0xaa: {  	v39 =	vld [tilespmem:$0x910]  }
0xab: {  	v41 =	vld [tilespmem:$0x1910]  }
0xac: {  	v56 =	vld [tilespmem:$0x1110]  }
0xad: {  	v43 =	vld [tilespmem:$0x920]  }
0xae: {  	v46 =	vld [tilespmem:$0x1920]  }
0xaf: {  	v59 =	vld [tilespmem:$0x1120]  }
0xb0: {  	v48 =	vld [tilespmem:$0x930]  }
0xb1: {  	v52 =	vld [tilespmem:$0x1930]  }
0xb2: {  	v55 =	vld [tilespmem:$0x940]  }
0xb3: {  	v58 =	vld [tilespmem:$0x1940]  }
0xb4: {  	v20 =	vld [tilespmem:$0x950];
	[tilespmem:$0x1F870] =	vst v6  }
0xb5: {  	v61 =	vld [tilespmem:$0x1950];
	[tilespmem:$0x1F880] =	vst v29  }
0xb6: {  	v62 =	vld [tilespmem:$0x960];
	[tilespmem:$0x1F890] =	vst v30  }
0xb7: {  	v21 =	vld [tilespmem:$0x970];
	[tilespmem:$0x1F8A0] =	vst v32  }
0xb8: {  	v6 =	vld [tilespmem:$0x10F0];
	[tilespmem:$0x1F8B0] =	vst v16  }
0xb9: {  	[tilespmem:$0x1F910] =	vst v48;
	v48 =	vld [tilespmem:$0x1130]  }
0xba: {  	[tilespmem:$0x1F8C0] =	vst v35;
	v16 =	vld [tilespmem:$0x1140]  }
0xbb: {  	[tilespmem:$0x1F8E0] =	vst v41;
	v41 =	vld [tilespmem:$0x1150]  }
0xbc: {  	[tilespmem:$0x1F8D0] =	vst v39;
	v29 =	vld [tilespmem:$0x1960]  }
0xbd: {  	[tilespmem:$0x1F950] =	vst v20;
	v20 =	vld [tilespmem:$0x1160]  }
0xbe: {  	[tilespmem:$0x1F8F0] =	vst v43;
	v30 =	vld [tilespmem:$0x1970]  }
0xbf: {  	[tilespmem:$0x1F990] =	vst v21;
	v21 =	vld [tilespmem:$0x1170]  }
0xc0: {  	[tilespmem:$0x1F900] =	vst v46;
	v32 =	vld [tilespmem:$0x1980]  }
0xc1: {  	[tilespmem:$0x1F920] =	vst v52;
	v35 =	vld [tilespmem:$0x1990]  }
0xc2: {  	[tilespmem:$0x1F930] =	vst v55;
	v39 =	vld [tilespmem:$0x19A0]  }
0xc3: {  	[tilespmem:$0x1F940] =	vst v58;
	v43 =	vld [tilespmem:$0x19B0]  }
0xc4: {  	[tilespmem:$0x1F960] =	vst v61;
	v46 =	vld [tilespmem:$0x19C0]  }
0xc5: {  	[tilespmem:$0x1F970] =	vst v62;
	v52 =	vld [tilespmem:$0x19D0]  }
0xc6: {  	v55 =	vld [tilespmem:$0x19E0];
	[tilespmem:$0x1F980] =	vst v29  }
0xc7: {  	v58 =	vld [tilespmem:$0x19F0];
	[tilespmem:$0x1F9A0] =	vst v30  }
0xc8: {  	v29 =	vld [tilespmem:$0x980];
	[tilespmem:$0x1F9C0] =	vst v32  }
0xc9: {  	v30 =	vld [tilespmem:$0x990];
	[tilespmem:$0x1F9E0] =	vst v35  }
0xca: {  	v32 =	vld [tilespmem:$0x9A0];
	[tilespmem:$0x1FA00] =	vst v39  }
0xcb: {  	v35 =	vld [tilespmem:$0x9B0];
	[tilespmem:$0x1FA20] =	vst v43  }
0xcc: {  	v39 =	vld [tilespmem:$0x9C0];
	[tilespmem:$0x1FA40] =	vst v46  }
0xcd: {  	v43 =	vld [tilespmem:$0x9D0];
	[tilespmem:$0x1FA60] =	vst v52  }
0xce: {  	v46 =	vld [tilespmem:$0x9E0];
	[tilespmem:$0x1FA80] =	vst v55  }
0xcf: {  	v52 =	vld [tilespmem:$0x9F0];
	[tilespmem:$0x1FAA0] =	vst v58  }
0xd0: {  	[tilespmem:$0x1F9B0] =	vst v29;
	v29 =	vld [tilespmem:$0x1180]  }
0xd1: {  	[tilespmem:$0x1F9D0] =	vst v30;
	v30 =	vld [tilespmem:$0x1190]  }
0xd2: {  	[tilespmem:$0x1F9F0] =	vst v32;
	v32 =	vld [tilespmem:$0x11A0]  }
0xd3: {  	[tilespmem:$0x1FA10] =	vst v35;
	v35 =	vld [tilespmem:$0x11B0]  }
0xd4: {  	[tilespmem:$0x1FA30] =	vst v39;
	v39 =	vld [tilespmem:$0x11C0]  }
0xd5: {  	[tilespmem:$0x1FA50] =	vst v43;
	v43 =	vld [tilespmem:$0x11D0]  }
0xd6: {  	[tilespmem:$0x1FA70] =	vst v46;
	v46 =	vld [tilespmem:$0x11E0]  }
0xd7: {  	[tilespmem:$0x1FA90] =	vst v52;
	v52 =	vld [tilespmem:$0x11F0]  }
0xd8: {  	v55 =	vld [tilespmem:$0xA00]  }
0xd9: {  	v62 =	vld [tilespmem:$0xA10];
	_ =	sdelay $0x4  }
0xda: {  	[tilespmem:$0x1FAD0] =	vst v62;
	v62 =	vld [tilespmem:$0xA30];
	_ =	sdelay $0x4  }
0xdb: {  	[tilespmem:$0x1FB10] =	vst v62;
	v62 =	vld [tilespmem:$0x1A30];
	_ =	sdelay $0x4  }
0xdc: {  	[tilespmem:$0x1FB20] =	vst v62;
	v62 =	vld [tilespmem:$0x1230];
	_ =	sdelay $0x4  }
0xdd: {  	[tilespmem:$0x1FB50] =	vst v62;
	v62 =	vld [tilespmem:$0xA40];
	_ =	sdelay $0x4  }
0xde: {  	[tilespmem:$0x1FB30] =	vst v62;
	v62 =	vld [tilespmem:$0x1A40];
	_ =	sdelay $0x4  }
0xdf: {  	[tilespmem:$0x1FB40] =	vst v62;
	v62 =	vld [tilespmem:$0x1240];
	_ =	sdelay $0x4  }
0xe0: {  	[tilespmem:$0x1FB80] =	vst v62;
	v62 =	vld [tilespmem:$0xA50];
	_ =	sdelay $0x4  }
0xe1: {  	[tilespmem:$0x1FB60] =	vst v62;
	v62 =	vld [tilespmem:$0x1A50];
	_ =	sdelay $0x4  }
0xe2: {  	[tilespmem:$0x1FB70] =	vst v62;
	v62 =	vld [tilespmem:$0x1250];
	_ =	sdelay $0x4  }
0xe3: {  	[tilespmem:$0x1FBB0] =	vst v62;
	v62 =	vld [tilespmem:$0xA60];
	_ =	sdelay $0x4  }
0xe4: {  	[tilespmem:$0x1FB90] =	vst v62;
	v62 =	vld [tilespmem:$0x1A60];
	_ =	sdelay $0x4  }
0xe5: {  	[tilespmem:$0x1FBA0] =	vst v62;
	v62 =	vld [tilespmem:$0x1260];
	_ =	sdelay $0x4  }
0xe6: {  	[tilespmem:$0x1FBE0] =	vst v62;
	v62 =	vld [tilespmem:$0xA70];
	_ =	sdelay $0x4  }
0xe7: {  	[tilespmem:$0x1FBC0] =	vst v62;
	v62 =	vld [tilespmem:$0x1A70];
	_ =	sdelay $0x4  }
0xe8: {  	[tilespmem:$0x1FBD0] =	vst v62;
	v62 =	vld [tilespmem:$0x1270];
	_ =	sdelay $0x4  }
0xe9: {  	[tilespmem:$0x1FC10] =	vst v62;
	v62 =	vld [tilespmem:$0xA80];
	_ =	sdelay $0x4  }
0xea: {  	[tilespmem:$0x1FBF0] =	vst v62;
	v62 =	vld [tilespmem:$0x1A80];
	_ =	sdelay $0x4  }
0xeb: {  	[tilespmem:$0x1FC00] =	vst v62;
	v62 =	vld [tilespmem:$0x1280];
	_ =	sdelay $0x4  }
0xec: {  	[tilespmem:$0x1FC40] =	vst v62;
	v62 =	vld [tilespmem:$0xA90];
	_ =	sdelay $0x4  }
0xed: {  	[tilespmem:$0x1FC20] =	vst v62;
	v62 =	vld [tilespmem:$0x1A90];
	_ =	sdelay $0x4  }
0xee: {  	[tilespmem:$0x1FC30] =	vst v62;
	v62 =	vld [tilespmem:$0x1290];
	_ =	sdelay $0x4  }
0xef: {  	[tilespmem:$0x1FC70] =	vst v62;
	v62 =	vld [tilespmem:$0xAA0];
	_ =	sdelay $0x4  }
0xf0: {  	[tilespmem:$0x1FC50] =	vst v62;
	v62 =	vld [tilespmem:$0x1AA0];
	_ =	sdelay $0x4  }
0xf1: {  	[tilespmem:$0x1FC60] =	vst v62;
	v62 =	vld [tilespmem:$0x12A0];
	_ =	sdelay $0x4  }
0xf2: {  	[tilespmem:$0x1FCA0] =	vst v62;
	v62 =	vld [tilespmem:$0xAB0];
	_ =	sdelay $0x1  }
0xf3: {  	v7 =	vsub.f32 v9, v7;
	_ =	sdelay $0x1  }
0xf4: {  	v7 =	vand.u32 $0x7FFFFFFF, v7  }
0xf5: {  	v7 =	vmul.f32 v7, v0;
	v0 =	vadd.f32 $0.0e+00, v0;
	[tilespmem:$0x1FC80] =	vst v62;
	v62 =	vld [tilespmem:$0x1AB0]  }
0xf6: {  	v61 =	vld [tilespmem:$0x1A00]  }
0xf7: {  	v0 =	vadd.f32 v1, v0;
	v58 =	vld [tilespmem:$0x1200]  }
0xf8: {  	v8 =	vsub.f32 v10, v8;
	v9 =	vsub.f32 v12, v11;
	v12 =	vld [tilespmem:$0x12D0]  }
0xf9: {  	v10 =	vsub.f32 v14, v13;
	v0 =	vadd.f32 v63, v0;
	v14 =	vld [tilespmem:$0xAE0]  }
0xfa: {  	v13 =	vsub.f32 v17, v15;
	[tilespmem:$0x1FC90] =	vst v62;
	v62 =	vld [tilespmem:$0x12B0]  }
0xfb: {  	v8 =	vand.u32 $0x7FFFFFFF, v8;
	v0 =	vadd.f32 v2, v0;
	v15 =	vld [tilespmem:$0x12E0]  }
0xfc: {  	v8 =	vmul.f32 v8, v1;
	v1 =	vand.u32 $0x7FFFFFFF, v13;
	v13 =	vld [tilespmem:$0x1AF0]  }
0xfd: {  	v1 =	vmul.f32 v1, v50;
	v0 =	vadd.f32 v50, v0;
	v50 =	vld [tilespmem:$0x1300]  }
0xfe: {  	[tilespmem:$0x1FAC0] =	vst v61;
	v61 =	vld [tilespmem:$0x1A10]  }
0xff: {  	[tilespmem:$0x1FCD0] =	vst v62;
	v62 =	vld [tilespmem:$0xAC0]  }
0x100: {  	[tilespmem:$0x1FAB0] =	vst v55;
	v55 =	vld [tilespmem:$0x1210]  }
0x101: {  	[tilespmem:$0x1FD30] =	vst v12;
	v12 =	vld [tilespmem:$0x1AE0]  }
0x102: {  	[tilespmem:$0x1FD10] =	vst v14;
	v14 =	vand.u32 $0x7FFFFFFF, v10;
	v10 =	vsub.f32 v44, v42;
	v42 =	vld [tilespmem:$0xB30]  }
0x103: {  	v44 =	vld [tilespmem:$0x1B30]  }
0x104: {  	[tilespmem:$0x1FCB0] =	vst v62;
	v62 =	vld [tilespmem:$0x1AC0]  }
0x105: {  	v17 =	vmul.f32 v14, v2;
	v14 =	vsub.f32 v24, v23;
	v23 =	vld [tilespmem:$0xB00]  }
0x106: {  	v24 =	vld [tilespmem:$0x1B00]  }
0x107: {  	v2 =	vand.u32 $0x7FFFFFFF, v14;
	v14 =	vsub.f32 v54, v53;
	v53 =	vld [tilespmem:$0xB60]  }
0x108: {  	v54 =	vld [tilespmem:$0xB40]  }
0x109: {  	[tilespmem:$0x1FCC0] =	vst v62;
	v62 =	vld [tilespmem:$0x12C0]  }
0x10a: {  	[tilespmem:$0x1FAE0] =	vst v61;
	v61 =	vld [tilespmem:$0xA20]  }
0x10b: {  	[tilespmem:$0x1FD20] =	vst v12;
	v12 =	vsub.f32 v19, v18;
	v19 =	vld [tilespmem:$0xB10]  }
0x10c: {  	[tilespmem:$0x1FDA0] =	vst v53;
	v53 =	vld [tilespmem:$0xB90]  }
0x10d: {  	v18 =	vsub.f32 v27, v25;
	v25 =	vsub.f32 v33, v31;
	v31 =	vld [tilespmem:$0x1B10]  }
0x10e: {  	v7 =	vadd.f32 $0.0e+00, v7;
	[tilespmem:$0x1FD00] =	vst v62;
	v62 =	vld [tilespmem:$0xAD0]  }
0x10f: {  	v33 =	vld [tilespmem:$0xB20]  }
0x110: {  	v7 =	vadd.f32 v8, v7;
	v8 =	vand.u32 $0x7FFFFFFF, v18;
	v18 =	vsub.f32 v60, v57;
	v60 =	vld [tilespmem:$0xB50]  }
0x111: {  	[tilespmem:$0x1FE00] =	vst v53;
	v53 =	vld [tilespmem:$0x1BC0]  }
0x112: {  	[tilespmem:$0x1FD60] =	vst v15;
	v15 =	vand.u32 $0x7FFFFFFF, v12;
	v12 =	vsub.f32 v49, v47;
	v47 =	vld [tilespmem:$0x1F890]  }
0x113: {  	v0 =	vadd.f32 v38, v0;
	[tilespmem:$0x1FCE0] =	vst v62;
	v62 =	vld [tilespmem:$0x1AD0]  }
0x114: {  	[tilespmem:$0x1FAF0] =	vst v61;
	v61 =	vld [tilespmem:$0x1A20]  }
0x115: {  	v0 =	vadd.f32 v3, v0;
	v49 =	vld [tilespmem:$0x1F8A0]  }
0x116: {  	[tilespmem:$0x1FE70] =	vst v53;
	v53 =	vld [tilespmem:$0x1C00]  }
0x117: {  	v9 =	vand.u32 $0x7FFFFFFF, v9;
	v0 =	vadd.f32 v26, v0;
	v27 =	vmul.f32 v8, v26;
	v26 =	vld [tilespmem:$0x1320]  }
0x118: {  	v8 =	vld [tilespmem:$0x1F8B0];
	[tilespmem:$0x1FCF0] =	vst v62;
	v62 =	vmul.f32 v9, v63  }
0x119: {  	[tilespmem:$0x1FB00] =	vst v61;
	v61 =	vld [tilespmem:$0x1220]  }
0x11a: {  	v7 =	vadd.f32 v62, v7;
	v62 =	vld [tilespmem:$0xAF0]  }
0x11b: {  	[tilespmem:$0x1FEE0] =	vst v53;
	v53 =	vld [tilespmem:$0x1C40]  }
0x11c: {  	v63 =	vld [tilespmem:$0x12F0];
	v7 =	vadd.f32 v17, v7  }
0x11d: {  	v17 =	vmul.f32 v15, v38;
	v38 =	vld [tilespmem:$0x1310]  }
0x11e: {  	v0 =	vadd.f32 v22, v0;
	v1 =	vadd.f32 v1, v7;
	v7 =	vand.u32 $0x7FFFFFFF, v25;
	v25 =	vld [tilespmem:$0x1F870]  }
0x11f: {  	[tilespmem:$0x1FD40] =	vst v62;
	v62 =	vsub.f32 v37, v36;
	v37 =	vld [tilespmem:$0x1B20]  }
0x120: {  	v0 =	vadd.f32 v4, v0;
	v9 =	vmul.f32 v7, v22;
	v22 =	vld [tilespmem:$0x1330]  }
0x121: {  	v7 =	vand.u32 $0x7FFFFFFF, v10;
	v1 =	vadd.f32 v17, v1;
	v17 =	vld [tilespmem:$0x1B40]  }
0x122: {  	[tilespmem:$0x1FD50] =	vst v13;
	v0 =	vadd.f32 v28, v0;
	v13 =	vmul.f32 v7, v28;
	v28 =	vld [tilespmem:$0x1340]  }
0x123: {  	v2 =	vmul.f32 v2, v3;
	v3 =	vand.u32 $0x7FFFFFFF, v62;
	v62 =	vld [tilespmem:$0x1B60]  }
0x124: {  	v11 =	vmul.f32 v3, v4;
	v3 =	vand.u32 $0x7FFFFFFF, v12;
	v12 =	vld [tilespmem:$0x1F8D0]  }
0x125: {  	v4 =	vand.u32 $0x7FFFFFFF, v14;
	v14 =	vld [tilespmem:$0x1B70]  }
0x126: {  	v0 =	vadd.f32 v34, v0;
	v15 =	vmul.f32 v3, v34;
	v34 =	vld [tilespmem:$0x1B50]  }
0x127: {  	v1 =	vadd.f32 v2, v1;
	v3 =	vand.u32 $0x7FFFFFFF, v18;
	v18 =	vld [tilespmem:$0x1F900]  }
0x128: {  	[tilespmem:$0x1FD70] =	vst v19;
	v0 =	vadd.f32 v5, v0;
	v19 =	vmul.f32 v4, v5;
	v5 =	vld [tilespmem:$0x13D0]  }
0x129: {  	v1 =	vadd.f32 v27, v1;
	v27 =	vld [tilespmem:$0x1F880]  }
0x12a: {  	v0 =	vadd.f32 v40, v0;
	v36 =	vmul.f32 v3, v40;
	v40 =	vld [tilespmem:$0x1360]  }
0x12b: {  	v3 =	vsub.f32 v47, v49;
	v47 =	vld [tilespmem:$0x1F920]  }
0x12c: {  	[tilespmem:$0x1FD80] =	vst v17;
	v17 =	vld [tilespmem:$0x1F8F0]  }
0x12d: {  	v1 =	vadd.f32 v9, v1;
	v9 =	vld [tilespmem:$0x1F8C0]  }
0x12e: {  	v0 =	vadd.f32 v45, v0;
	[tilespmem:$0x1FDB0] =	vst v62;
	v62 =	vld [tilespmem:$0x1B90]  }
0x12f: {  	v3 =	vand.u32 $0x7FFFFFFF, v3;
	[tilespmem:$0x1FDD0] =	vst v14;
	v14 =	vld [tilespmem:$0x1F970]  }
0x130: {  	v0 =	vadd.f32 v6, v0;
	v10 =	vmul.f32 v3, v6;
	v6 =	vld [tilespmem:$0x13C0]  }
0x131: {  	[tilespmem:$0x1FD90] =	vst v34;
	v34 =	vld [tilespmem:$0x1350]  }
0x132: {  	v1 =	vadd.f32 v11, v1;
	v11 =	vld [tilespmem:$0xB70]  }
0x133: {  	v4 =	vsub.f32 v25, v27;
	v27 =	vld [tilespmem:$0x1B80]  }
0x134: {  	v1 =	vadd.f32 v13, v1;
	v13 =	vld [tilespmem:$0x1F8E0]  }
0x135: {  	v4 =	vand.u32 $0x7FFFFFFF, v4;
	[tilespmem:$0x1FE10] =	vst v62;
	v62 =	vld [tilespmem:$0x13A0]  }
0x136: {  	v57 =	vmul.f32 v4, v45;
	v45 =	vld [tilespmem:$0x1370]  }
0x137: {  	v1 =	vadd.f32 v15, v1;
	v4 =	vsub.f32 v8, v9;
	v9 =	vld [tilespmem:$0x1F950]  }
0x138: {  	[tilespmem:$0x1FDC0] =	vst v11;
	v11 =	vld [tilespmem:$0xBA0]  }
0x139: {  	v1 =	vadd.f32 v19, v1;
	v19 =	vld [tilespmem:$0xB80]  }
0x13a: {  	v4 =	vand.u32 $0x7FFFFFFF, v4;
	[tilespmem:$0x1FDF0] =	vst v27;
	v27 =	vld [tilespmem:$0x1BB0]  }
0x13b: {  	v0 =	vadd.f32 v51, v0;
	v15 =	vmul.f32 v4, v51;
	v51 =	vld [tilespmem:$0x1380]  }
0x13c: {  	v3 =	vsub.f32 v12, v13;
	v13 =	vld [tilespmem:$0x1BA0]  }
0x13d: {  	v4 =	vsub.f32 v17, v18;
	v18 =	vld [tilespmem:$0xBB0]  }
0x13e: {  	v1 =	vadd.f32 v36, v1;
	v36 =	vld [tilespmem:$0x1F910];
	v3 =	vand.u32 $0x7FFFFFFF, v3  }
0x13f: {  	v0 =	vadd.f32 v56, v0;
	v25 =	vmul.f32 v3, v56;
	v56 =	vld [tilespmem:$0x1F930]  }
0x140: {  	v4 =	vand.u32 $0x7FFFFFFF, v4;
	v1 =	vadd.f32 v57, v1;
	v57 =	vld [tilespmem:$0x1F940]  }
0x141: {  	v0 =	vadd.f32 v59, v0;
	v49 =	vmul.f32 v4, v59;
	v59 =	vld [tilespmem:$0x1F9E0]  }
0x142: {  	[tilespmem:$0x1FE20] =	vst v11;
	v11 =	vld [tilespmem:$0x1F9F0]  }
0x143: {  	[tilespmem:$0x1FDE0] =	vst v19;
	v19 =	vld [tilespmem:$0x1F990]  }
0x144: {  	v1 =	vadd.f32 v10, v1;
	v10 =	vld [tilespmem:$0x1F960]  }
0x145: {  	[tilespmem:$0x1FE30] =	vst v13;
	v13 =	vld [tilespmem:$0x1BD0]  }
0x146: {  	v0 =	vadd.f32 v48, v0;
	v3 =	vsub.f32 v36, v47;
	v47 =	vld [tilespmem:$0x1F9C0]  }
0x147: {  	v1 =	vadd.f32 v15, v1;
	v15 =	vld [tilespmem:$0x1F980]  }
0x148: {  	v0 =	vadd.f32 v16, v0;
	v4 =	vsub.f32 v56, v57;
	v56 =	vld [tilespmem:$0x1390]  }
0x149: {  	v57 =	vld [tilespmem:$0x1F9D0]  }
0x14a: {  	v0 =	vadd.f32 v41, v0;
	v3 =	vand.u32 $0x7FFFFFFF, v3;
	v1 =	vadd.f32 v25, v1;
	v25 =	vld [tilespmem:$0x1F9A0]  }
0x14b: {  	v8 =	vmul.f32 v3, v48;
	v48 =	vld [tilespmem:$0xBC0]  }
0x14c: {  	v0 =	vadd.f32 v20, v0;
	v3 =	vsub.f32 v9, v10;
	v4 =	vand.u32 $0x7FFFFFFF, v4;
	v10 =	vld [tilespmem:$0xBD0]  }
0x14d: {  	v1 =	vadd.f32 v49, v1;
	v12 =	vmul.f32 v4, v16;
	v16 =	vld [tilespmem:$0x1FA20]  }
0x14e: {  	v0 =	vadd.f32 v21, v0;
	v4 =	vsub.f32 v14, v15;
	v15 =	vld [tilespmem:$0x1FA10]  }
0x14f: {  	v3 =	vand.u32 $0x7FFFFFFF, v3;
	v1 =	vadd.f32 v8, v1;
	v8 =	vld [tilespmem:$0x13B0]  }
0x150: {  	v0 =	vadd.f32 v29, v0;
	v17 =	vmul.f32 v3, v41;
	v41 =	vld [tilespmem:$0x1F9B0]  }
0x151: {  	v3 =	vsub.f32 v19, v25;
	v19 =	vld [tilespmem:$0x1BE0]  }
0x152: {  	v0 =	vadd.f32 v30, v0;
	[tilespmem:$0x1FE60] =	vst v48;
	v48 =	vld [tilespmem:$0xC00]  }
0x153: {  	v4 =	vand.u32 $0x7FFFFFFF, v4;
	v1 =	vadd.f32 v12, v1;
	v12 =	vld [tilespmem:$0x1FA00]  }
0x154: {  	v0 =	vadd.f32 v32, v0;
	v36 =	vmul.f32 v4, v20;
	v20 =	vld [tilespmem:$0x1FA30]  }
0x155: {  	v3 =	vand.u32 $0x7FFFFFFF, v3;
	v1 =	vadd.f32 v17, v1;
	v17 =	vld [tilespmem:$0xBE0]  }
0x156: {  	v0 =	vadd.f32 v35, v0;
	v49 =	vmul.f32 v3, v21;
	v21 =	vld [tilespmem:$0x1FA40]  }
0x157: {  	v3 =	vsub.f32 v57, v59;
	v59 =	vld [tilespmem:$0x1FA90]  }
0x158: {  	v57 =	vadd.f32 v39, v0;
	v0 =	vld [tilespmem:$0x1400]  }
0x159: {  	v4 =	vsub.f32 v41, v47;
	v41 =	vld [tilespmem:$0x1FA70]  }
0x15a: {  	v47 =	vld [tilespmem:$0x1FA80]  }
0x15b: {  	v1 =	vadd.f32 v36, v1;
	v36 =	vld [tilespmem:$0x1BF0]  }
0x15c: {  	[tilespmem:$0x1FEB0] =	vst v19;
	v19 =	vld [tilespmem:$0x1FAE0]  }
0x15d: {  	v3 =	vand.u32 $0x7FFFFFFF, v3;
	[tilespmem:$0x1FED0] =	vst v48;
	v48 =	vld [tilespmem:$0x1FB40]  }
0x15e: {  	v14 =	vmul.f32 v3, v30;
	v30 =	vld [tilespmem:$0xBF0]  }
0x15f: {  	v3 =	vsub.f32 v15, v16;
	v15 =	vld [tilespmem:$0x1FAB0]  }
0x160: {  	v4 =	vand.u32 $0x7FFFFFFF, v4;
	v16 =	vld [tilespmem:$0x1FAC0]  }
0x161: {  	v9 =	vmul.f32 v4, v29;
	v29 =	vld [tilespmem:$0x1FA50]  }
0x162: {  	v4 =	vsub.f32 v11, v12;
	v12 =	vld [tilespmem:$0x1FAA0]  }
0x163: {  	v25 =	vand.u32 $0x7FFFFFFF, v3;
	v3 =	vld [tilespmem:$0x13E0]  }
0x164: {  	v1 =	vadd.f32 v49, v1;
	[tilespmem:$0x1FEA0] =	vst v17;
	v17 =	vld [tilespmem:$0x1C10]  }
0x165: {  	[tilespmem:$0x1FE50] =	vst v27;
	v27 =	vmul.f32 v25, v35;
	v25 =	vld [tilespmem:$0x1FAF0]  }
0x166: {  	v1 =	vadd.f32 v9, v1;
	v4 =	vand.u32 $0x7FFFFFFF, v4;
	v9 =	vsub.f32 v41, v47;
	v47 =	vld [tilespmem:$0x1FB30]  }
0x167: {  	[tilespmem:$0x1FE40] =	vst v18;
	v18 =	vmul.f32 v4, v32;
	v32 =	vld [tilespmem:$0x1FA60]  }
0x168: {  	v4 =	vsub.f32 v20, v21;
	v20 =	vld [tilespmem:$0xC20]  }
0x169: {  	v21 =	vld [tilespmem:$0x1C20]  }
0x16a: {  	[tilespmem:$0x1FEC0] =	vst v36;
	v36 =	vld [tilespmem:$0x1FB10]  }
0x16b: {  	v1 =	vadd.f32 v14, v1;
	v14 =	vld [tilespmem:$0xC10]  }
0x16c: {  	[tilespmem:$0x1FE80] =	vst v10;
	v9 =	vand.u32 $0x7FFFFFFF, v9;
	v10 =	vsub.f32 v59, v12;
	v59 =	vld [tilespmem:$0xC50]  }
0x16d: {  	[tilespmem:$0x1FE90] =	vst v13;
	v13 =	vmul.f32 v9, v46;
	v9 =	vsub.f32 v15, v16;
	v16 =	vld [tilespmem:$0x1FBA0]  }
0x16e: {  	v4 =	vand.u32 $0x7FFFFFFF, v4;
	v1 =	vadd.f32 v18, v1;
	v18 =	vld [tilespmem:$0x1FAD0]  }
0x16f: {  	v4 =	vmul.f32 v4, v39;
	v39 =	vld [tilespmem:$0x1FB20]  }
0x170: {  	[tilespmem:$0x1FF00] =	vst v17;
	v17 =	vld [tilespmem:$0x1C50]  }
0x171: {  	v2 =	vadd.f32 v27, v1;
	v1 =	vld [tilespmem:$0x13F0]  }
0x172: {  	v27 =	vld [tilespmem:$0x1FB00]  }
0x173: {  	v7 =	vsub.f32 v29, v32;
	v32 =	vld [tilespmem:$0xC30]  }
0x174: {  	[tilespmem:$0x1FF10] =	vst v20;
	v20 =	vld [tilespmem:$0x1FBC0]  }
0x175: {  	[tilespmem:$0x1FF20] =	vst v21;
	v21 =	vld [tilespmem:$0x1FBD0]  }
0x176: {  	v7 =	vand.u32 $0x7FFFFFFF, v7;
	[tilespmem:$0x1FF70] =	vst v59;
	v59 =	vld [tilespmem:$0x1C70]  }
0x177: {  	v49 =	vmul.f32 v7, v43;
	v7 =	vadd.f32 v43, v57;
	v43 =	vld [tilespmem:$0x1C30]  }
0x178: {  	v2 =	vadd.f32 v4, v2;
	v57 =	vld [tilespmem:$0x1FB70]  }
0x179: {  	v11 =	vsub.f32 v18, v19;
	v18 =	vld [tilespmem:$0x1FBB0]  }
0x17a: {  	v2 =	vadd.f32 v49, v2;
	v49 =	vld [tilespmem:$0xC40]  }
0x17b: {  	v12 =	vsub.f32 v25, v27;
	v25 =	vld [tilespmem:$0xC60]  }
0x17c: {  	v7 =	vadd.f32 v46, v7;
	v27 =	vld [tilespmem:$0x1FBE0]  }
0x17d: {  	v10 =	vand.u32 $0x7FFFFFFF, v10;
	v4 =	vadd.f32 v13, v2;
	v2 =	vld [tilespmem:$0x1410]  }
0x17e: {  	v10 =	vmul.f32 v10, v52;
	v7 =	vadd.f32 v52, v7;
	v52 =	vld [tilespmem:$0x1FB50]  }
0x17f: {  	v13 =	vsub.f32 v36, v39;
	v36 =	vld [tilespmem:$0x1450]  }
0x180: {  	v39 =	vld [tilespmem:$0x1FBF0]  }
0x181: {  	v41 =	vand.u32 $0x7FFFFFFF, v12;
	v12 =	vsub.f32 v47, v48;
	v47 =	vld [tilespmem:$0xC70]  }
0x182: {  	v48 =	vld [tilespmem:$0x1FC20]  }
0x183: {  	v46 =	vmul.f32 v41, v61;
	v41 =	vld [tilespmem:$0x1FC00]  }
0x184: {  	[tilespmem:$0x1FF40] =	vst v43;
	v43 =	vld [tilespmem:$0x1FC10]  }
0x185: {  	v10 =	vadd.f32 v10, v4;
	v4 =	vld [tilespmem:$0x1420]  }
0x186: {  	v9 =	vand.u32 $0x7FFFFFFF, v9;
	v35 =	vadd.f32 v58, v7;
	v7 =	vld [tilespmem:$0x1430]  }
0x187: {  	v9 =	vmul.f32 v9, v58;
	v58 =	vld [tilespmem:$0x1FB80]  }
0x188: {  	[tilespmem:$0x1FF50] =	vst v49;
	v49 =	vld [tilespmem:$0x1FC30]  }
0x189: {  	v11 =	vand.u32 $0x7FFFFFFF, v11;
	[tilespmem:$0x1FF90] =	vst v25;
	v25 =	vld [tilespmem:$0x1FD20]  }
0x18a: {  	v29 =	vmul.f32 v11, v55;
	v11 =	vadd.f32 v55, v35;
	v55 =	vld [tilespmem:$0x1FB60]  }
0x18b: {  	v9 =	vadd.f32 v9, v10;
	v35 =	vld [tilespmem:$0x1C60]  }
0x18c: {  	[tilespmem:$0x1FFB0] =	vst v47;
	v47 =	vld [tilespmem:$0x1FCB0]  }
0x18d: {  	v9 =	vadd.f32 v29, v9;
	v29 =	vld [tilespmem:$0x1440]  }
0x18e: {  	v11 =	vadd.f32 v61, v11;
	v61 =	vld [tilespmem:$0x1FB90]  }
0x18f: {  	v13 =	vand.u32 $0x7FFFFFFF, v13;
	v10 =	vadd.f32 v46, v9;
	v9 =	vld [tilespmem:$0x1460]  }
0x190: {  	v13 =	vmul.f32 v13, v52;
	v11 =	vadd.f32 v52, v11;
	v52 =	vld [tilespmem:$0x1FC40]  }
0x191: {  	[tilespmem:$0x1FEF0] =	vst v14;
	v14 =	vsub.f32 v55, v57;
	v55 =	vld [tilespmem:$0x1FC50]  }
0x192: {  	v57 =	vld [tilespmem:$0x1FC60]  }
0x193: {  	v12 =	vand.u32 $0x7FFFFFFF, v12;
	[tilespmem:$0x1FFA0] =	vst v35;
	v35 =	vld [tilespmem:$0x1FC90]  }
0x194: {  	v12 =	vmul.f32 v12, v58;
	v10 =	vadd.f32 v13, v10;
	v11 =	vadd.f32 v58, v11;
	v58 =	vld [tilespmem:$0xC80]  }
0x195: {  	v13 =	vsub.f32 v61, v16;
	v14 =	vand.u32 $0x7FFFFFFF, v14;
	v61 =	vld [tilespmem:$0x1FC70]  }
0x196: {  	v10 =	vadd.f32 v12, v10;
	v19 =	vmul.f32 v14, v18;
	v12 =	vld [tilespmem:$0x14A0]  }
0x197: {  	v11 =	vadd.f32 v18, v11;
	v18 =	vld [tilespmem:$0x14E0]  }
0x198: {  	v13 =	vand.u32 $0x7FFFFFFF, v13;
	v10 =	vadd.f32 v19, v10;
	v19 =	vld [tilespmem:$0x1470]  }
0x199: {  	[tilespmem:$0x1FF30] =	vst v32;
	v14 =	vsub.f32 v20, v21;
	v32 =	vmul.f32 v13, v27;
	v11 =	vadd.f32 v27, v11;
	v27 =	vld [tilespmem:$0x1480]  }
0x19a: {  	v13 =	vsub.f32 v39, v41;
	v39 =	vld [tilespmem:$0x1FCA0]  }
0x19b: {  	v14 =	vand.u32 $0x7FFFFFFF, v14;
	[tilespmem:$0x1FFC0] =	vst v58;
	v58 =	vld [tilespmem:$0x1C80]  }
0x19c: {  	v46 =	vmul.f32 v14, v43;
	v14 =	vsub.f32 v48, v49;
	v48 =	vld [tilespmem:$0x1FCC0]  }
0x19d: {  	v49 =	vld [tilespmem:$0x1FCD0]  }
0x19e: {  	v10 =	vadd.f32 v32, v10;
	v32 =	vld [tilespmem:$0x1FC80]  }
0x19f: {  	v13 =	vand.u32 $0x7FFFFFFF, v13;
	v11 =	vadd.f32 v43, v11;
	v43 =	vld [tilespmem:$0xC90]  }
0x1a0: {  	[tilespmem:$0x1FF60] =	vst v53;
	v53 =	vmul.f32 v13, v52;
	v13 =	vsub.f32 v55, v57;
	v57 =	vld [tilespmem:$0x1C90]  }
0x1a1: {  	v55 =	vld [tilespmem:$0xCA0]  }
0x1a2: {  	v10 =	vadd.f32 v46, v10;
	v21 =	vadd.f32 v52, v11;
	v11 =	vld [tilespmem:$0x1490]  }
0x1a3: {  	v52 =	vld [tilespmem:$0x1FCE0]  }
0x1a4: {  	v14 =	vand.u32 $0x7FFFFFFF, v14;
	v10 =	vadd.f32 v53, v10;
	v53 =	vld [tilespmem:$0x1FCF0]  }
0x1a5: {  	v20 =	vmul.f32 v14, v61;
	v46 =	vadd.f32 v61, v21;
	v61 =	vld [tilespmem:$0x1FD00]  }
0x1a6: {  	v21 =	vld [tilespmem:$0x1FD10]  }
0x1a7: {  	v14 =	vsub.f32 v47, v48;
	v47 =	vld [tilespmem:$0x1FD50]  }
0x1a8: {  	v48 =	vld [tilespmem:$0x1FD60]  }
0x1a9: {  	v13 =	vand.u32 $0x7FFFFFFF, v13;
	v15 =	vsub.f32 v32, v35;
	v35 =	vld [tilespmem:$0x1FD30]  }
0x1aa: {  	v41 =	vmul.f32 v13, v39;
	[tilespmem:$0x1FFD0] =	vst v43;
	v43 =	vld [tilespmem:$0x1FD40];
	v10 =	vadd.f32 v20, v10;
	v13 =	vadd.f32 v39, v46  }
0x1ab: {  	v46 =	vld [tilespmem:$0x1CA0];
	v15 =	vand.u32 $0x7FFFFFFF, v15  }
0x1ac: {  	v10 =	vadd.f32 v41, v10;
	v15 =	vmul.f32 v15, v49;
	v13 =	vadd.f32 v49, v13;
	v41 =	vld [tilespmem:$0xCB0]  }
0x1ad: {  	v14 =	vand.u32 $0x7FFFFFFF, v14;
	v16 =	vsub.f32 v52, v53;
	v32 =	vsub.f32 v21, v25;
	v25 =	vld [tilespmem:$0x14B0]  }
0x1ae: {  	v20 =	vmul.f32 v14, v61;
	v53 =	vld [tilespmem:$0xCC0];
	v10 =	vadd.f32 v15, v10;
	v13 =	vadd.f32 v61, v13  }
0x1af: {  	v44 =	vsub.f32 v42, v44;
	[tilespmem:$0x1FF80] =	vst v17;
	v14 =	vld [tilespmem:$0x14C0];
	v16 =	vand.u32 $0x7FFFFFFF, v16;
	v17 =	vand.u32 $0x7FFFFFFF, v32  }
0x1b0: {  	v32 =	vld [tilespmem:$0x1FD70];
	v10 =	vadd.f32 v20, v10;
	v39 =	vmul.f32 v16, v35;
	v13 =	vadd.f32 v35, v13  }
0x1b1: {  	v52 =	vld [tilespmem:$0xCD0];
	v21 =	vand.u32 $0x7FFFFFFF, v44;
	v61 =	vsub.f32 v23, v24;
	v16 =	vsub.f32 v43, v47  }
0x1b2: {  	v44 =	vld [tilespmem:$0x1FDC0];
	v49 =	vmul.f32 v17, v48;
	v10 =	vadd.f32 v39, v10;
	v13 =	vadd.f32 v48, v13  }
0x1b3: {  	v47 =	vld [tilespmem:$0x1CB0];
	v17 =	vand.u32 $0x7FFFFFFF, v61;
	v16 =	vand.u32 $0x7FFFFFFF, v16  }
0x1b4: {  	v61 =	vld [tilespmem:$0x1FD80];
	v24 =	vmul.f32 v16, v63;
	v10 =	vadd.f32 v49, v10;
	v13 =	vadd.f32 v63, v13  }
0x1b5: {  	v43 =	vsub.f32 v33, v37;
	v33 =	vld [tilespmem:$0x1CF0];
	v35 =	vsub.f32 v32, v31  }
0x1b6: {  	v37 =	vld [tilespmem:$0x1FDA0];
	v39 =	vmul.f32 v17, v50;
	v10 =	vadd.f32 v24, v10;
	v13 =	vadd.f32 v50, v13  }
0x1b7: {  	[tilespmem:$0x1FFF0] =	vst v41;
	v41 =	vld [tilespmem:$0x1CC0];
	v20 =	vand.u32 $0x7FFFFFFF, v35  }
0x1b8: {  	[tilespmem:$0x1FFE0] =	vst v55;
	v48 =	vld [tilespmem:$0x1CD0];
	v20 =	vmul.f32 v20, v38;
	v15 =	vadd.f32 v39, v10;
	v55 =	vadd.f32 v38, v13  }
0x1b9: {  	v17 =	vand.u32 $0x7FFFFFFF, v43;
	v43 =	vld [tilespmem:$0xCF0]  }
0x1ba: {  	v17 =	vmul.f32 v17, v26;
	v15 =	vadd.f32 v20, v15;
	v20 =	vadd.f32 v26, v55;
	v26 =	vld [tilespmem:$0x1FD90]  }
0x1bb: {  	v16 =	vld [tilespmem:$0x1550]  }
0x1bc: {  	v38 =	vld [tilespmem:$0x1FDB0]  }
0x1bd: {  	v49 =	vld [tilespmem:$0xCE0];
	v63 =	vsub.f32 v54, v61  }
0x1be: {  	v24 =	vmul.f32 v21, v22;
	v50 =	vld [tilespmem:$0x1FDD0];
	v15 =	vadd.f32 v17, v15;
	v20 =	vadd.f32 v22, v20  }
0x1bf: {  	v32 =	vld [tilespmem:$0x1D00];
	v23 =	vand.u32 $0x7FFFFFFF, v63;
	v31 =	vsub.f32 v60, v26  }
0x1c0: {  	v61 =	vld [tilespmem:$0x1FDF0];
	v23 =	vmul.f32 v23, v28;
	v17 =	vadd.f32 v24, v15;
	v20 =	vadd.f32 v28, v20  }
0x1c1: {  	v35 =	vld [tilespmem:$0xD00];
	v42 =	vsub.f32 v37, v38;
	v21 =	vand.u32 $0x7FFFFFFF, v31  }
0x1c2: {  	v60 =	vld [tilespmem:$0x1FDE0];
	v23 =	vadd.f32 v23, v17;
	v55 =	vadd.f32 v34, v20;
	v21 =	vmul.f32 v21, v34  }
0x1c3: {  	v54 =	vsub.f32 v44, v50;
	v50 =	vld [tilespmem:$0x1FE30]  }
0x1c4: {  	v22 =	vand.u32 $0x7FFFFFFF, v42;
	v42 =	vld [tilespmem:$0x1FE10];
	v21 =	vadd.f32 v21, v23;
	v23 =	vadd.f32 v40, v55  }
0x1c5: {  	v24 =	vand.u32 $0x7FFFFFFF, v54;
	v22 =	vmul.f32 v22, v40;
	v40 =	vld [tilespmem:$0x1FE00]  }
0x1c6: {  	v34 =	vmul.f32 v24, v45;
	v23 =	vadd.f32 v45, v23;
	v45 =	vld [tilespmem:$0x1FE20]  }
0x1c7: {  	v63 =	vsub.f32 v60, v61;
	v55 =	vld [tilespmem:$0x1FE40]  }
0x1c8: {  	v60 =	vld [tilespmem:$0x1FE50]  }
0x1c9: {  	v53 =	vsub.f32 v53, v41;
	v41 =	vld [tilespmem:$0xDF0];
	v21 =	vadd.f32 v22, v21;
	v26 =	vand.u32 $0x7FFFFFFF, v63  }
0x1ca: {  	v26 =	vmul.f32 v26, v51;
	v23 =	vadd.f32 v51, v23;
	v51 =	vld [tilespmem:$0x1FE70];
	v44 =	vsub.f32 v40, v42  }
0x1cb: {  	v21 =	vadd.f32 v34, v21;
	v54 =	vsub.f32 v45, v50;
	v50 =	vld [tilespmem:$0x1FE60]  }
0x1cc: {  	v10 =	vld [tilespmem:$0x14D0];
	v24 =	vand.u32 $0x7FFFFFFF, v44  }
0x1cd: {  	v61 =	vsub.f32 v55, v60;
	v60 =	vld [tilespmem:$0x1FE90];
	v21 =	vadd.f32 v26, v21;
	v24 =	vmul.f32 v24, v56  }
0x1ce: {  	v23 =	vadd.f32 v56, v23;
	v56 =	vld [tilespmem:$0x1FE80];
	v28 =	vand.u32 $0x7FFFFFFF, v54  }
0x1cf: {  	v33 =	vsub.f32 v43, v33;
	v39 =	vld [tilespmem:$0x1CE0];
	v21 =	vadd.f32 v24, v21;
	v63 =	vmul.f32 v28, v62  }
0x1d0: {  	v13 =	vld [tilespmem:$0x14F0];
	v26 =	vand.u32 $0x7FFFFFFF, v61;
	v54 =	vsub.f32 v50, v51  }
0x1d1: {  	v43 =	vand.u32 $0x7FFFFFFF, v33;
	v33 =	vld [tilespmem:$0x1E10];
	v55 =	vmul.f32 v26, v8;
	v21 =	vadd.f32 v63, v21  }
0x1d2: {  	v32 =	vsub.f32 v35, v32;
	v35 =	vld [tilespmem:$0x1E50];
	v23 =	vadd.f32 v62, v23;
	v62 =	vand.u32 $0x7FFFFFFF, v54  }
0x1d3: {  	v61 =	vsub.f32 v56, v60;
	v56 =	vld [tilespmem:$0x1FEB0];
	v21 =	vadd.f32 v55, v21;
	v63 =	vmul.f32 v62, v6  }
0x1d4: {  	v55 =	vld [tilespmem:$0x1FEA0]  }
0x1d5: {  	v21 =	vadd.f32 v63, v21;
	v63 =	vld [tilespmem:$0x1FEC0]  }
0x1d6: {  	v37 =	vld [tilespmem:$0xD10];
	v61 =	vand.u32 $0x7FFFFFFF, v61  }
0x1d7: {  	v38 =	vld [tilespmem:$0xD20];
	v62 =	vmul.f32 v61, v5  }
0x1d8: {  	v17 =	vld [tilespmem:$0x1500]  }
0x1d9: {  	v60 =	vsub.f32 v55, v56;
	v21 =	vadd.f32 v62, v21;
	v62 =	vld [tilespmem:$0x1FED0]  }
0x1da: {  	v15 =	vsub.f32 v30, v63;
	v63 =	vld [tilespmem:$0x1FEE0]  }
0x1db: {  	v20 =	vld [tilespmem:$0x1510];
	v55 =	vand.u32 $0x7FFFFFFF, v60  }
0x1dc: {  	v31 =	vld [tilespmem:$0x1D10];
	v24 =	vmul.f32 v55, v3  }
0x1dd: {  	v23 =	vadd.f32 v8, v23;
	v8 =	vld [tilespmem:$0x1FEF0]  }
0x1de: {  	v21 =	vadd.f32 v24, v21;
	v24 =	vld [tilespmem:$0x1FF00]  }
0x1df: {  	v6 =	vadd.f32 v6, v23;
	v60 =	vsub.f32 v62, v63;
	v62 =	vld [tilespmem:$0x1FF10]  }
0x1e0: {  	v63 =	vld [tilespmem:$0x1FF20]  }
0x1e1: {  	v22 =	vld [tilespmem:$0x1520];
	v6 =	vadd.f32 v5, v6;
	v23 =	vand.u32 $0x7FFFFFFF, v15  }
0x1e2: {  	v31 =	vsub.f32 v37, v31;
	v37 =	vld [tilespmem:$0x1E30];
	v23 =	vmul.f32 v23, v1  }
0x1e3: {  	v34 =	vld [tilespmem:$0x1540];
	v6 =	vadd.f32 v3, v6;
	v26 =	vand.u32 $0x7FFFFFFF, v60  }
0x1e4: {  	v21 =	vadd.f32 v23, v21;
	v24 =	vsub.f32 v8, v24;
	v23 =	vmul.f32 v26, v0;
	v26 =	vld [tilespmem:$0x1FF30]  }
0x1e5: {  	v1 =	vadd.f32 v1, v6;
	v6 =	vsub.f32 v62, v63;
	v63 =	vld [tilespmem:$0x1FF40]  }
0x1e6: {  	v40 =	vld [tilespmem:$0x1D20];
	v24 =	vand.u32 $0x7FFFFFFF, v24  }
0x1e7: {  	v42 =	vld [tilespmem:$0xD30];
	v21 =	vadd.f32 v23, v21;
	v23 =	vmul.f32 v24, v2  }
0x1e8: {  	v44 =	vld [tilespmem:$0x1D30]  }
0x1e9: {  	v21 =	vadd.f32 v23, v21;
	v23 =	vld [tilespmem:$0x1FF50]  }
0x1ea: {  	v24 =	vsub.f32 v26, v63;
	v26 =	vld [tilespmem:$0x1FF60]  }
0x1eb: {  	v45 =	vld [tilespmem:$0xD40]  }
0x1ec: {  	v28 =	vld [tilespmem:$0x1530];
	v1 =	vadd.f32 v0, v1  }
0x1ed: {  	v50 =	vld [tilespmem:$0x1D40];
	v6 =	vand.u32 $0x7FFFFFFF, v6  }
0x1ee: {  	v51 =	vld [tilespmem:$0xD50];
	v2 =	vadd.f32 v2, v1;
	v6 =	vmul.f32 v6, v4  }
0x1ef: {  	v0 =	vsub.f32 v23, v26;
	v23 =	vand.u32 $0x7FFFFFFF, v24;
	v24 =	vld [tilespmem:$0x1FF80]  }
0x1f0: {  	v2 =	vadd.f32 v4, v2;
	v6 =	vadd.f32 v6, v21;
	v21 =	vmul.f32 v23, v7;
	v23 =	vld [tilespmem:$0x1FF70]  }
0x1f1: {  	v1 =	vld [tilespmem:$0x1FF90]  }
0x1f2: {  	v7 =	vadd.f32 v7, v2;
	v21 =	vadd.f32 v21, v6;
	v6 =	vld [tilespmem:$0x1FFA0]  }
0x1f3: {  	v54 =	vld [tilespmem:$0x1D50];
	v0 =	vand.u32 $0x7FFFFFFF, v0  }
0x1f4: {  	v0 =	vmul.f32 v0, v29;
	v7 =	vadd.f32 v29, v7;
	v29 =	vld [tilespmem:$0x1FFB0]  }
0x1f5: {  	v61 =	vld [tilespmem:$0xD80];
	v4 =	vsub.f32 v23, v24  }
0x1f6: {  	v5 =	vld [tilespmem:$0x1580]  }
0x1f7: {  	v56 =	vld [tilespmem:$0xD70];
	v1 =	vsub.f32 v1, v6;
	v4 =	vand.u32 $0x7FFFFFFF, v4  }
0x1f8: {  	v30 =	vld [tilespmem:$0xD60];
	v0 =	vadd.f32 v0, v21;
	v4 =	vmul.f32 v4, v36  }
0x1f9: {  	v55 =	vld [tilespmem:$0x1D60];
	v29 =	vsub.f32 v29, v59;
	v1 =	vand.u32 $0x7FFFFFFF, v1  }
0x1fa: {  	v3 =	vld [tilespmem:$0x1590];
	v0 =	vadd.f32 v4, v0;
	v1 =	vmul.f32 v1, v9  }
0x1fb: {  	v15 =	vld [tilespmem:$0x1560];
	v6 =	vand.u32 $0x7FFFFFFF, v29  }
0x1fc: {  	v0 =	vadd.f32 v1, v0;
	v1 =	vmul.f32 v6, v19;
	v6 =	vld [tilespmem:$0x1FFD0]  }
0x1fd: {  	v60 =	vld [tilespmem:$0x1D70]  }
0x1fe: {  	v8 =	vld [tilespmem:$0x1570]  }
0x1ff: {  	v62 =	vld [tilespmem:$0x1D80];
	v7 =	vadd.f32 v36, v7  }
0x200: {  	v63 =	vld [tilespmem:$0xD90]  }
0x201: {  	v26 =	vld [tilespmem:$0x1D90];
	v9 =	vadd.f32 v9, v7;
	v57 =	vsub.f32 v6, v57  }
0x202: {  	v36 =	vld [tilespmem:$0x1FFC0]  }
0x203: {  	v1 =	vadd.f32 v1, v0;
	v0 =	vadd.f32 v19, v9;
	v9 =	vand.u32 $0x7FFFFFFF, v57;
	v57 =	vld [tilespmem:$0x1FFE0]  }
0x204: {  	v2 =	vld [tilespmem:$0x15A0]  }
0x205: {  	v21 =	vld [tilespmem:$0xDB0]  }
0x206: {  	v24 =	vld [tilespmem:$0xDA0]  }
0x207: {  	v23 =	vld [tilespmem:$0x1DA0];
	v36 =	vsub.f32 v36, v58  }
0x208: {  	v46 =	vsub.f32 v57, v46;
	v57 =	vld [tilespmem:$0x1FFF0]  }
0x209: {  	v59 =	vld [tilespmem:$0x1DB0];
	v36 =	vand.u32 $0x7FFFFFFF, v36  }
0x20a: {  	v29 =	vld [tilespmem:$0xDC0];
	v36 =	vmul.f32 v36, v27  }
0x20b: {  	v4 =	vld [tilespmem:$0x15B0];
	v0 =	vadd.f32 v27, v0  }
0x20c: {  	v19 =	vld [tilespmem:$0x1DD0];
	v1 =	vadd.f32 v36, v1;
	v36 =	vmul.f32 v9, v11  }
0x20d: {  	v6 =	vld [tilespmem:$0xDD0];
	v0 =	vadd.f32 v11, v0;
	v27 =	vand.u32 $0x7FFFFFFF, v46;
	v57 =	vsub.f32 v57, v47  }
0x20e: {  	v7 =	vld [tilespmem:$0x15C0];
	v1 =	vadd.f32 v36, v1;
	v27 =	vmul.f32 v27, v12  }
0x20f: {  	v23 =	vsub.f32 v24, v23;
	v24 =	vld [tilespmem:$0xE80];
	v0 =	vadd.f32 v12, v0;
	v57 =	vand.u32 $0x7FFFFFFF, v57  }
0x210: {  	v58 =	vld [tilespmem:$0x1DC0];
	v1 =	vadd.f32 v27, v1;
	v27 =	vmul.f32 v57, v25  }
0x211: {  	v9 =	vld [tilespmem:$0x15D0];
	v0 =	vadd.f32 v25, v0;
	v57 =	vand.u32 $0x7FFFFFFF, v53;
	v53 =	vsub.f32 v52, v48  }
0x212: {  	v11 =	vld [tilespmem:$0x15E0];
	v6 =	vsub.f32 v6, v19;
	v57 =	vmul.f32 v57, v14;
	v1 =	vadd.f32 v27, v1  }
0x213: {  	v19 =	vld [tilespmem:$0xEA0];
	v0 =	vadd.f32 v14, v0;
	v52 =	vand.u32 $0x7FFFFFFF, v53;
	v53 =	vsub.f32 v49, v39  }
0x214: {  	v46 =	vld [tilespmem:$0xDE0];
	v25 =	vmul.f32 v52, v10;
	v1 =	vadd.f32 v57, v1  }
0x215: {  	v0 =	vadd.f32 v10, v0;
	v12 =	vld [tilespmem:$0x15F0];
	v36 =	vand.u32 $0x7FFFFFFF, v53  }
0x216: {  	v47 =	vld [tilespmem:$0x1DE0];
	v57 =	vmul.f32 v36, v18;
	v1 =	vadd.f32 v25, v1  }
0x217: {  	v0 =	vadd.f32 v18, v0;
	v48 =	vld [tilespmem:$0x1DF0]  }
0x218: {  	v14 =	vld [tilespmem:$0x1600];
	v49 =	vmul.f32 v43, v13;
	v1 =	vadd.f32 v57, v1  }
0x219: {  	v0 =	vadd.f32 v13, v0;
	v39 =	vld [tilespmem:$0xE00];
	v52 =	vand.u32 $0x7FFFFFFF, v32  }
0x21a: {  	v27 =	vld [tilespmem:$0x1E00];
	v18 =	vmul.f32 v52, v17;
	v1 =	vadd.f32 v49, v1  }
0x21b: {  	v31 =	vand.u32 $0x7FFFFFFF, v31;
	v0 =	vadd.f32 v17, v0;
	v13 =	vld [tilespmem:$0x1620];
	v53 =	vsub.f32 v38, v40  }
0x21c: {  	v43 =	vsub.f32 v42, v44;
	v42 =	vld [tilespmem:$0xE60];
	v57 =	vmul.f32 v31, v20;
	v1 =	vadd.f32 v18, v1  }
0x21d: {  	v0 =	vadd.f32 v20, v0;
	v10 =	vld [tilespmem:$0x1610];
	v40 =	vand.u32 $0x7FFFFFFF, v53  }
0x21e: {  	v45 =	vsub.f32 v45, v50;
	v32 =	vld [tilespmem:$0xE20];
	v17 =	vmul.f32 v40, v22;
	v1 =	vadd.f32 v57, v1  }
0x21f: {  	v30 =	vsub.f32 v30, v55;
	v44 =	vand.u32 $0x7FFFFFFF, v43;
	v38 =	vld [tilespmem:$0xE40];
	v0 =	vadd.f32 v22, v0  }
0x220: {  	v26 =	vsub.f32 v63, v26;
	v43 =	vld [tilespmem:$0x1660];
	v49 =	vmul.f32 v44, v28;
	v1 =	vadd.f32 v17, v1  }
0x221: {  	v50 =	vand.u32 $0x7FFFFFFF, v45;
	v36 =	vld [tilespmem:$0xE10];
	v52 =	vsub.f32 v51, v54;
	v0 =	vadd.f32 v28, v0  }
0x222: {  	v51 =	vand.u32 $0x7FFFFFFF, v23;
	v23 =	vld [tilespmem:$0x1680];
	v53 =	vmul.f32 v50, v34;
	v1 =	vadd.f32 v49, v1  }
0x223: {  	v56 =	vsub.f32 v56, v60;
	v25 =	vld [tilespmem:$0x1E20];
	v54 =	vand.u32 $0x7FFFFFFF, v52;
	v0 =	vadd.f32 v34, v0  }
0x224: {  	v50 =	vand.u32 $0x7FFFFFFF, v26;
	v26 =	vld [tilespmem:$0x1E90];
	v55 =	vmul.f32 v54, v16;
	v1 =	vadd.f32 v53, v1  }
0x225: {  	v30 =	vand.u32 $0x7FFFFFFF, v30;
	v21 =	vsub.f32 v21, v59;
	v40 =	vld [tilespmem:$0x1640];
	v0 =	vadd.f32 v16, v0  }
0x226: {  	v60 =	vand.u32 $0x7FFFFFFF, v56;
	v22 =	vld [tilespmem:$0xE50];
	v57 =	vmul.f32 v30, v15;
	v1 =	vadd.f32 v55, v1  }
0x227: {  	v45 =	vsub.f32 v61, v62;
	v52 =	vand.u32 $0x7FFFFFFF, v21;
	v21 =	vld [tilespmem:$0x16A0];
	v0 =	vadd.f32 v15, v0  }
0x228: {  	v31 =	vld [tilespmem:$0xE30];
	v16 =	vmul.f32 v60, v8;
	v1 =	vadd.f32 v57, v1  }
0x229: {  	v20 =	vld [tilespmem:$0x1E40];
	v0 =	vadd.f32 v8, v0;
	v49 =	vand.u32 $0x7FFFFFFF, v45  }
0x22a: {  	v34 =	vld [tilespmem:$0x1E70];
	v15 =	vmul.f32 v49, v5;
	v1 =	vadd.f32 v16, v1  }
0x22b: {  	v28 =	vld [tilespmem:$0x1650];
	v0 =	vadd.f32 v5, v0  }
0x22c: {  	v60 =	vsub.f32 v39, v27;
	v27 =	vld [tilespmem:$0xEC0];
	v8 =	vmul.f32 v50, v3;
	v1 =	vadd.f32 v15, v1  }
0x22d: {  	v62 =	vsub.f32 v36, v33;
	v33 =	vld [tilespmem:$0x16C0];
	v0 =	vadd.f32 v3, v0  }
0x22e: {  	v36 =	vsub.f32 v32, v25;
	v25 =	vld [tilespmem:$0x1ED0];
	v5 =	vmul.f32 v51, v2;
	v1 =	vadd.f32 v8, v1  }
0x22f: {  	v32 =	vld [tilespmem:$0x1700];
	v53 =	vsub.f32 v29, v58;
	v0 =	vadd.f32 v2, v0  }
0x230: {  	v18 =	vld [tilespmem:$0x1630];
	v3 =	vmul.f32 v52, v4;
	v1 =	vadd.f32 v5, v1  }
0x231: {  	v56 =	vsub.f32 v46, v47;
	v30 =	vld [tilespmem:$0x1E60];
	v54 =	vand.u32 $0x7FFFFFFF, v53;
	v0 =	vadd.f32 v4, v0  }
0x232: {  	v46 =	vsub.f32 v38, v20;
	v20 =	vld [tilespmem:$0x16E0];
	v2 =	vmul.f32 v54, v7;
	v1 =	vadd.f32 v3, v1  }
0x233: {  	v38 =	vld [tilespmem:$0xF40];
	v55 =	vand.u32 $0x7FFFFFFF, v6;
	v0 =	vadd.f32 v7, v0  }
0x234: {  	v50 =	vld [tilespmem:$0x1EF0];
	v57 =	vmul.f32 v55, v9;
	v1 =	vadd.f32 v2, v1  }
0x235: {  	v17 =	vld [tilespmem:$0xE70];
	v58 =	vsub.f32 v41, v48;
	v6 =	vand.u32 $0x7FFFFFFF, v56;
	v0 =	vadd.f32 v9, v0  }
0x236: {  	v52 =	vsub.f32 v42, v30;
	v30 =	vld [tilespmem:$0x1FA0];
	v59 =	vmul.f32 v6, v11;
	v1 =	vadd.f32 v57, v1  }
0x237: {  	v29 =	vld [tilespmem:$0x1EB0];
	v7 =	vand.u32 $0x7FFFFFFF, v58;
	v0 =	vadd.f32 v11, v0  }
0x238: {  	v41 =	vsub.f32 v31, v37;
	v31 =	vld [tilespmem:$0xEE0];
	v61 =	vmul.f32 v7, v12;
	v1 =	vadd.f32 v59, v1  }
0x239: {  	v48 =	vand.u32 $0x7FFFFFFF, v46;
	v46 =	vld [tilespmem:$0x1F50];
	v9 =	vand.u32 $0x7FFFFFFF, v60;
	v0 =	vadd.f32 v12, v0  }
0x23a: {  	v17 =	vsub.f32 v17, v34;
	v34 =	vld [tilespmem:$0x1F30];
	v63 =	vmul.f32 v9, v14;
	v1 =	vadd.f32 v61, v1  }
0x23b: {  	v51 =	vmul.f32 v48, v40;
	v48 =	vld [tilespmem:$0x1750];
	v11 =	vand.u32 $0x7FFFFFFF, v62;
	v0 =	vadd.f32 v14, v0  }
0x23c: {  	v4 =	vld [tilespmem:$0xEB0];
	v39 =	vmul.f32 v11, v10;
	v1 =	vadd.f32 v63, v1  }
0x23d: {  	v53 =	vld [tilespmem:$0xF00];
	v12 =	vand.u32 $0x7FFFFFFF, v36;
	v0 =	vadd.f32 v10, v0  }
0x23e: {  	v45 =	vand.u32 $0x7FFFFFFF, v41;
	v41 =	vld [tilespmem:$0x1740];
	v44 =	vmul.f32 v12, v13;
	v1 =	vadd.f32 v39, v1  }
0x23f: {  	v6 =	vld [tilespmem:$0x16B0];
	v0 =	vadd.f32 v13, v0  }
0x240: {  	v47 =	vmul.f32 v45, v18;
	v55 =	vld [tilespmem:$0x1F00];
	v1 =	vadd.f32 v44, v1  }
0x241: {  	v49 =	vsub.f32 v22, v35;
	v58 =	vld [tilespmem:$0x1F10];
	v0 =	vadd.f32 v18, v0  }
0x242: {  	v15 =	vld [tilespmem:$0x1E80];
	v1 =	vadd.f32 v47, v1  }
0x243: {  	v16 =	vld [tilespmem:$0x1670];
	v14 =	vand.u32 $0x7FFFFFFF, v49;
	v0 =	vadd.f32 v40, v0  }
0x244: {  	v8 =	vld [tilespmem:$0xE90];
	v54 =	vmul.f32 v14, v28;
	v1 =	vadd.f32 v51, v1  }
0x245: {  	v7 =	vld [tilespmem:$0x1EC0];
	v18 =	vand.u32 $0x7FFFFFFF, v52;
	v0 =	vadd.f32 v28, v0  }
0x246: {  	v3 =	vld [tilespmem:$0x1EA0];
	v56 =	vmul.f32 v18, v43;
	v1 =	vadd.f32 v54, v1  }
0x247: {  	v17 =	vand.u32 $0x7FFFFFFF, v17;
	v5 =	vld [tilespmem:$0x1690];
	v15 =	vsub.f32 v24, v15;
	v0 =	vadd.f32 v43, v0  }
0x248: {  	v60 =	vld [tilespmem:$0xF20];
	v59 =	vmul.f32 v17, v16;
	v1 =	vadd.f32 v56, v1  }
0x249: {  	v9 =	vld [tilespmem:$0xED0];
	v15 =	vand.u32 $0x7FFFFFFF, v15;
	v8 =	vsub.f32 v8, v26;
	v0 =	vadd.f32 v16, v0  }
0x24a: {  	v62 =	vld [tilespmem:$0x1F20];
	v61 =	vmul.f32 v15, v23;
	v1 =	vadd.f32 v59, v1  }
0x24b: {  	v11 =	vld [tilespmem:$0x16D0];
	v8 =	vand.u32 $0x7FFFFFFF, v8;
	v3 =	vsub.f32 v19, v3;
	v0 =	vadd.f32 v23, v0  }
0x24c: {  	v4 =	vsub.f32 v4, v29;
	v36 =	vld [tilespmem:$0x1730];
	v63 =	vmul.f32 v8, v5;
	v1 =	vadd.f32 v61, v1  }
0x24d: {  	v37 =	vsub.f32 v27, v7;
	v27 =	vld [tilespmem:$0x1790];
	v3 =	vand.u32 $0x7FFFFFFF, v3;
	v0 =	vadd.f32 v5, v0  }
0x24e: {  	v12 =	vld [tilespmem:$0x1EE0];
	v35 =	vmul.f32 v3, v21;
	v1 =	vadd.f32 v63, v1  }
0x24f: {  	v4 =	vand.u32 $0x7FFFFFFF, v4;
	v49 =	vld [tilespmem:$0xF60];
	v0 =	vadd.f32 v21, v0  }
0x250: {  	v10 =	vld [tilespmem:$0xEF0];
	v39 =	vmul.f32 v4, v6;
	v1 =	vadd.f32 v35, v1  }
0x251: {  	v9 =	vsub.f32 v9, v25;
	v25 =	vld [tilespmem:$0x1F90];
	v5 =	vand.u32 $0x7FFFFFFF, v37;
	v0 =	vadd.f32 v6, v0  }
0x252: {  	v24 =	vld [tilespmem:$0xF90];
	v42 =	vmul.f32 v5, v33;
	v1 =	vadd.f32 v39, v1  }
0x253: {  	v13 =	vld [tilespmem:$0x16F0];
	v45 =	vsub.f32 v31, v12;
	v44 =	vand.u32 $0x7FFFFFFF, v9;
	v0 =	vadd.f32 v33, v0  }
0x254: {  	v57 =	vld [tilespmem:$0xF10];
	v52 =	vsub.f32 v53, v55;
	v47 =	vmul.f32 v44, v11;
	v1 =	vadd.f32 v42, v1  }
0x255: {  	v53 =	vld [tilespmem:$0x1760];
	v10 =	vsub.f32 v10, v50;
	v9 =	vand.u32 $0x7FFFFFFF, v45;
	v0 =	vadd.f32 v11, v0  }
0x256: {  	v55 =	vld [tilespmem:$0xF70];
	v50 =	vmul.f32 v9, v20;
	v1 =	vadd.f32 v47, v1  }
0x257: {  	v17 =	vld [tilespmem:$0x1710];
	v10 =	vand.u32 $0x7FFFFFFF, v10;
	v0 =	vadd.f32 v20, v0  }
0x258: {  	v28 =	vld [tilespmem:$0xF30];
	v54 =	vmul.f32 v10, v13;
	v1 =	vadd.f32 v50, v1  }
0x259: {  	v18 =	vsub.f32 v57, v58;
	v16 =	vld [tilespmem:$0x1720];
	v11 =	vand.u32 $0x7FFFFFFF, v52;
	v0 =	vadd.f32 v13, v0  }
0x25a: {  	v40 =	vld [tilespmem:$0x1F40];
	v57 =	vmul.f32 v11, v32;
	v1 =	vadd.f32 v54, v1  }
0x25b: {  	v15 =	vsub.f32 v60, v62;
	v60 =	vld [tilespmem:$0xF80];
	v59 =	vand.u32 $0x7FFFFFFF, v18;
	v0 =	vadd.f32 v32, v0  }
0x25c: {  	v43 =	vld [tilespmem:$0xF50];
	v61 =	vmul.f32 v59, v17;
	v1 =	vadd.f32 v57, v1  }
0x25d: {  	v62 =	vld [tilespmem:$0x1F80];
	v15 =	vand.u32 $0x7FFFFFFF, v15;
	v8 =	vsub.f32 v28, v34;
	v0 =	vadd.f32 v17, v0  }
0x25e: {  	v23 =	vmul.f32 v15, v16;
	v51 =	vld [tilespmem:$0x1F60];
	v1 =	vadd.f32 v61, v1  }
0x25f: {  	v58 =	vld [tilespmem:$0x1770];
	v4 =	vsub.f32 v38, v40;
	v8 =	vand.u32 $0x7FFFFFFF, v8;
	v0 =	vadd.f32 v16, v0  }
0x260: {  	v26 =	vmul.f32 v8, v36;
	v56 =	vld [tilespmem:$0x1F70];
	v1 =	vadd.f32 v23, v1  }
0x261: {  	v38 =	vld [tilespmem:$0x17B0];
	v4 =	vand.u32 $0x7FFFFFFF, v4;
	v5 =	vsub.f32 v43, v46;
	v0 =	vadd.f32 v36, v0  }
0x262: {  	v28 =	vld [tilespmem:$0xFA0];
	v29 =	vmul.f32 v4, v41;
	v1 =	vadd.f32 v26, v1  }
0x263: {  	v44 =	vld [tilespmem:$0x17C0];
	v31 =	vand.u32 $0x7FFFFFFF, v5;
	v32 =	vsub.f32 v49, v51;
	v0 =	vadd.f32 v41, v0  }
0x264: {  	v43 =	vld [tilespmem:$0x1FC0];
	v34 =	vmul.f32 v31, v48;
	v1 =	vadd.f32 v29, v1  }
0x265: {  	v10 =	vsub.f32 v55, v56;
	v63 =	vld [tilespmem:$0x1780];
	v5 =	vand.u32 $0x7FFFFFFF, v32;
	v0 =	vadd.f32 v48, v0  }
0x266: {  	v46 =	vld [tilespmem:$0xFD0];
	v37 =	vmul.f32 v5, v53;
	v1 =	vadd.f32 v34, v1  }
0x267: {  	v40 =	vsub.f32 v60, v62;
	v35 =	vld [tilespmem:$0xFB0];
	v39 =	vand.u32 $0x7FFFFFFF, v10;
	v0 =	vadd.f32 v53, v0  }
0x268: {  	v42 =	vmul.f32 v39, v58;
	v36 =	vld [tilespmem:$0x1FB0];
	v1 =	vadd.f32 v37, v1  }
0x269: {  	v7 =	vsub.f32 v24, v25;
	v33 =	vld [tilespmem:$0x17A0];
	v10 =	vand.u32 $0x7FFFFFFF, v40;
	v0 =	vadd.f32 v58, v0  }
0x26a: {  	v45 =	vmul.f32 v10, v63;
	v41 =	vld [tilespmem:$0xFC0];
	v1 =	vadd.f32 v42, v1  }
0x26b: {  	v7 =	vand.u32 $0x7FFFFFFF, v7;
	v4 =	vsub.f32 v28, v30;
	v52 =	vld [tilespmem:$0x1FE0];
	v0 =	vadd.f32 v63, v0  }
0x26c: {  	v47 =	vld [tilespmem:$0x1FD0];
	v48 =	vmul.f32 v7, v27;
	v1 =	vadd.f32 v45, v1  }
0x26d: {  	v4 =	vand.u32 $0x7FFFFFFF, v4;
	v55 =	vld [tilespmem:$0x1FF0];
	v3 =	vsub.f32 v35, v36;
	v0 =	vadd.f32 v27, v0  }
0x26e: {  	v51 =	vmul.f32 v4, v33;
	v50 =	vld [tilespmem:$0xFE0];
	v1 =	vadd.f32 v48, v1  }
0x26f: {  	v49 =	vld [tilespmem:$0x17D0];
	v3 =	vand.u32 $0x7FFFFFFF, v3;
	v6 =	vsub.f32 v41, v43;
	v0 =	vadd.f32 v33, v0  }
0x270: {  	v53 =	vld [tilespmem:$0xFF0];
	v54 =	vmul.f32 v3, v38;
	v1 =	vadd.f32 v51, v1  }
0x271: {  	v56 =	vsub.f32 v46, v47;
	v57 =	vld [tilespmem:$0x17E0];
	v6 =	vand.u32 $0x7FFFFFFF, v6;
	v0 =	vadd.f32 v38, v0  }
0x272: {  	v58 =	vmul.f32 v6, v44;
	v1 =	vadd.f32 v54, v1  }
0x273: {  	v60 =	vld [tilespmem:$0x17F0];
	v59 =	vand.u32 $0x7FFFFFFF, v56;
	v4 =	vsub.f32 v50, v52;
	v0 =	vadd.f32 v44, v0  }
0x274: {  	v61 =	vmul.f32 v59, v49;
	v1 =	vadd.f32 v58, v1  }
0x275: {  	v4 =	vand.u32 $0x7FFFFFFF, v4;
	v3 =	vsub.f32 v53, v55;
	v0 =	vadd.f32 v49, v0  }
0x276: {  	v62 =	vmul.f32 v4, v57;
	v1 =	vadd.f32 v61, v1  }
0x277: {  	v3 =	vand.u32 $0x7FFFFFFF, v3;
	v0 =	vadd.f32 v57, v0  }
0x278: {  	v63 =	vmul.f32 v3, v60;
	v1 =	vadd.f32 v62, v1  }
0x279: {  	v0 =	vadd.f32 v60, v0  }
0x27a: {  	v1 =	vadd.f32 v63, v1  }
0x27b: {  	p0 =	sne.s32 s4, $0x1;
	[tilespmem:$0x2080] =	vst v0  }
.Ltmp0:
0x27c: {  	s9 =	rddreg [dreg:$0x9];
	[tilespmem:$0x2000] =	vst v1;
	(pc) =	sbr.rel @p0 .LBB2_1-.Ltmp0, $4  }
0x27d: {  	[hbm4b:s9+s3] =	stream.linear.scatter [tilespmem:s2], [sflag:$0x2], $0x100, $0x38;
	[tilespmem:$0x2100] =	vst v63  }
0x27e: {  	_ =	swait.ge [sflag:s5], $0x100  }
0x27f: {  	[sflag:s5] =	ssyncset.done $0x0  }
0x280: {  	s4 =	sadd.s32 $0xFFFFFFFF, s4;
	[sflag:s5] =	ssyncadd.s32 $0xFFFFFF00  }
0x281: {  	_ =	sfence.sel $0x180000  }
0x282: {  	[bflag:$0x0] =	sbarrier.arrive $0xFFFF  }
0x283: {  	_ =	strace $0x90000047  }
0x284: {  	s0 =	stileid.u32;
	[bflag:$0x2] =	sbarrier.arrive $0xFFFF  }
0x285: {  	p0 =	sne.s32 s0, $0x0;
	s0 =	rddreg [dreg:$0x5]  }
0x286: {  	s0 =	sadd.s32 @!p0 $0x100000, s0  }
0x287: {  	[sflag:s0] =	ssyncadd.tile.s32 @!p0 $0x1;
	_ =	shalt  }
.Lfunc_end2:
_tile_overlayer_lowered:
.L_overlay_start_2:
0x288: {  	(tag) =	ssettag $0x2  }
0x289: {  	s0 =	rddreg [dreg:$0x0];
	s2 =	stileid.u32  }
0x28a: {  	s1 =	rddreg [dreg:$0x1];
	p0 =	sne.s32 s2, $0x0  }
0x28b: {  	s3 =	rddreg [dreg:$0x2];
	[bflag:$0x3] =	sbarrier.arrive $0xFFFF;
	s2 =	simm.s32 @!p0 $0x1C02  }
0x28c: {  	[timem:s3], [sflag:s2] =	dma.local @!p0 [hbm:s0], s1  }
0x28d: {  	s0 =	simm.s32 @!p0 $0x2  }
0x28e: {  	_ =	swait.ge @!p0 [sflag:s0], s1  }
0x28f: {  	s1 =	ssub.s32 @!p0 $0x0, s1;
	[sflag:s0] =	ssyncset.done @!p0 $0x0  }
0x290: {  	[sflag:s0] =	ssyncadd.s32 @!p0 s1  }
0x291: {  	[bflag:$0x3] =	sbarrier.arrive $0xFFFF  }
0x292: {  	_ =	shalt  }

</sc_bundles>
